<compile_context>
chip_gen: v7x
topology: tpu7x:2x2x1
jax: 0.10.2.dev20260603
libtpu: 0.0.44.dev20260713+nightly
codegen_flags: <defaults>
</compile_context>

<pallas_src>
import functools

import jax
import jax.numpy as jnp
from jax import lax
from jax.experimental import pallas as pl
from jax.experimental.pallas import tpu as pltpu
from jax.experimental.pallas import tpu_sc as plsc

D = 128
S = 10
NS = 16
CHUNK = 32
CPW0 = 12
CPW1 = 88
NCH = NS * (CPW0 + CPW1)
BP = NCH * CHUNK
LANES = 16


def _sc_gather_sum(features, idx_all):
    mesh = plsc.VectorSubcoreMesh(core_axis_name="c", subcore_axis_name="s")

    @functools.partial(
        pl.kernel,
        out_type=(
            jax.ShapeDtypeStruct((BP, D), jnp.float32),
            jax.ShapeDtypeStruct((BP, D), jnp.float32),
        ),
        mesh=mesh,
        scratch_types=(
            [pltpu.VMEM((S + 1, CHUNK), jnp.int32) for _ in range(2)],
            [pltpu.VMEM((CHUNK, D), jnp.float32) for _ in range(2)],
            [[pltpu.VMEM((CHUNK, D), jnp.float32) for _ in range(S)]
             for _ in range(2)],
            [pltpu.SemaphoreType.DMA for _ in range(2)],
            [pltpu.SemaphoreType.DMA for _ in range(2)],
            [pltpu.SemaphoreType.DMA for _ in range(2)],
        ),
    )
    def sc_kernel(features_hbm, idx_hbm, self_out, nsum_out,
                  ibufs, sbufs, nbufs2, isems, gsems, wsems):
        cidx = lax.axis_index("c")
        sidx = lax.axis_index("s")
        is0 = cidx == 0
        my_cpw = lax.select(is0, jnp.int32(CPW0), jnp.int32(CPW1))
        base_ch = lax.select(is0, sidx * CPW0, NS * CPW0 + sidx * CPW1)
        base = base_ch * CHUNK

        def fire_idx(c, p):
            pltpu.async_copy(idx_hbm.at[base_ch + c], ibufs[p], isems[p])

        def wait_idx(c, p):
            pltpu.make_async_copy(idx_hbm.at[base_ch + c], ibufs[p],
                                  isems[p]).wait()

        def fire_gathers(p):
            pltpu.async_copy(features_hbm.at[ibufs[p].at[0]], sbufs[p],
                             gsems[p])
            for j in range(S):
                pltpu.async_copy(features_hbm.at[ibufs[p].at[j + 1]],
                                 nbufs2[p][j], gsems[p])

        def wait_gathers(p):
            pltpu.make_async_copy(features_hbm.at[ibufs[p].at[0]], sbufs[p],
                                  gsems[p]).wait()
            for j in range(S):
                pltpu.make_async_copy(features_hbm.at[ibufs[p].at[j + 1]],
                                      nbufs2[p][j], gsems[p]).wait()

        def compute(p):
            nbufs = nbufs2[p]

            def row_body(r, carry2):
                for k in range(D // LANES):
                    sl = pl.ds(k * LANES, LANES)
                    acc = nbufs[0][r, sl]
                    for j in range(1, S):
                        acc = acc + nbufs[j][r, sl]
                    nbufs[0][r, sl] = acc
                return carry2

            lax.fori_loop(0, CHUNK, row_body, 0, unroll=False)

        def fire_writes(c, p):
            off = base + c * CHUNK
            pltpu.async_copy(sbufs[p], self_out.at[pl.ds(off, CHUNK)],
                             wsems[p])
            pltpu.async_copy(nbufs2[p][0], nsum_out.at[pl.ds(off, CHUNK)],
                             wsems[p])

        def wait_writes(c, p):
            off = base + c * CHUNK
            pltpu.make_async_copy(sbufs[p], self_out.at[pl.ds(off, CHUNK)],
                                  wsems[p]).wait()
            pltpu.make_async_copy(nbufs2[p][0],
                                  nsum_out.at[pl.ds(off, CHUNK)],
                                  wsems[p]).wait()

        def step(c, p):
            q = 1 - p

            @pl.when(c > 0)
            def _():
                wait_writes(c - 1, q)

            @pl.when(c + 1 < my_cpw)
            def _():
                wait_idx(c + 1, q)
                fire_gathers(q)

            wait_gathers(p)

            @pl.when(c + 2 < my_cpw)
            def _():
                fire_idx(c + 2, p)

            compute(p)
            fire_writes(c, p)

        pltpu.sync_copy(idx_hbm.at[base_ch], ibufs[0])
        fire_idx(1, 1)
        fire_gathers(0)

        def pair_body(i, carry):
            step(2 * i, 0)
            step(2 * i + 1, 1)
            return carry

        lax.fori_loop(0, my_cpw // 2, pair_body, 0, unroll=False)
        wait_writes(my_cpw - 1, 1)

    return sc_kernel(features, idx_all)


def _tc_linear(W, self_rows, nsum, B):
    BN = 512
    grid = (pl.cdiv(B, BN),)

    def body(w_ref, s_ref, n_ref, o_ref):
        w1 = w_ref[:, :D]
        w2 = w_ref[:, D:]
        a = lax.dot_general(w1, s_ref[...], (((1,), (1,)), ((), ())),
                            preferred_element_type=jnp.float32)
        b = lax.dot_general(w2, n_ref[...], (((1,), (1,)), ((), ())),
                            preferred_element_type=jnp.float32)
        o_ref[...] = jnp.maximum(a + b * (1.0 / S), 0.0)

    return pl.pallas_call(
        body,
        grid=grid,
        in_specs=[
            pl.BlockSpec((D, 2 * D), lambda i: (0, 0)),
            pl.BlockSpec((BN, D), lambda i: (i, 0)),
            pl.BlockSpec((BN, D), lambda i: (i, 0)),
        ],
        out_specs=pl.BlockSpec((D, BN), lambda i: (0, i)),
        out_shape=jax.ShapeDtypeStruct((D, B), jnp.float32),
    )(W, self_rows, nsum)


def kernel(features, W, nodes, neigh_idx):
    B = nodes.shape[0]
    nodes32 = nodes.astype(jnp.int32)
    neigh32 = neigh_idx.astype(jnp.int32)
    pad = BP - B
    nodes_p = jnp.pad(nodes32, (0, pad))
    neigh_p = jnp.pad(neigh32, ((0, pad), (0, 0)))
    idx_all = jnp.concatenate([nodes_p[:, None], neigh_p], axis=1)
    idx_all = idx_all.reshape(NCH, CHUNK, S + 1).transpose(0, 2, 1)

    self_rows, nsum = _sc_gather_sum(features, idx_all)
    return _tc_linear(W, self_rows, nsum, B)

# --- scband reference (transcript-rebuilt; emitter-appended) ---
"""Pipeline reference for scband-encoder-79035988181014 (READ-ONLY COPY).

The authoritative reference and input builder live on the scoring server;
editing this copy changes nothing except your own understanding.
"""

import jax, jax.numpy as jnp
import numpy as np

N_NODES = 100000
D_FEAT = 128
EMBED_DIM = 128
B = 50000
NUM_SAMPLE = 10


def setup_inputs(seed: int = 0) -> dict:
    key = jax.random.key(seed)
    k1, k2, k3, k4 = jax.random.split(key, 4)
    features = jax.random.normal(k1, (N_NODES, D_FEAT), dtype=jnp.float32)
    # Xavier-uniform init for weight [embed_dim, 2*feat_dim]
    fan_in, fan_out = 2 * D_FEAT, EMBED_DIM
    limit = float(np.sqrt(6.0 / (fan_in + fan_out)))
    W = jax.random.uniform(k2, (EMBED_DIM, 2 * D_FEAT), dtype=jnp.float32, minval=-limit, maxval=limit)
    nodes = jax.random.randint(k3, (B,), 0, N_NODES, dtype=jnp.int64) if jax.config.jax_enable_x64 else jax.random.randint(k3, (B,), 0, N_NODES).astype(jnp.int32)
    neigh_idx = jax.random.randint(k4, (B, NUM_SAMPLE), 0, N_NODES).astype(nodes.dtype)
    return {"features": features, "W": W, "nodes": nodes, "neigh_idx": neigh_idx}


def reference(features, W, nodes, neigh_idx):
    # MeanAggregator over sampled neighbors: gather neighbor features and average
    neigh_feats = jnp.mean(jnp.take(features, neigh_idx, axis=0), axis=1)  # [B, d_feat]
    # self features lookup (non-gcn branch: concat self and neighbor feats)
    self_feats = jnp.take(features, nodes, axis=0)  # [B, d_feat]
    combined = jnp.concatenate([self_feats, neigh_feats], axis=1)  # [B, 2*d_feat]
    # combined = relu(W @ combined.T) -> [embed_dim, B]
    out = jax.nn.relu(W @ combined.T)
    return out

if __name__ == "__main__":
    import jax
    _d = setup_inputs()
    print(jax.jit(kernel)(*tuple(_d.values())))

</pallas_src>

<mosaic_0001>
#map = affine_map<(d0, d1) -> (0, 0)>
#map1 = affine_map<(d0, d1) -> (0, 0, 0)>
module attributes {stable_mosaic.version = 14 : i64} {
  func.func @sc_kernel(%arg0: i32, %arg1: i32, %arg2: memref<100000x128xf32, #tpu.memory_space<hbm>>, %arg3: memref<1600x11x32xi32, #tpu.memory_space<hbm>>, %arg4: memref<51200x128xf32, #tpu.memory_space<hbm>>, %arg5: memref<51200x128xf32, #tpu.memory_space<hbm>>, %arg6: memref<11x32xi32, #tpu.memory_space<vmem>>, %arg7: memref<11x32xi32, #tpu.memory_space<vmem>>, %arg8: memref<32x128xf32, #tpu.memory_space<vmem>>, %arg9: memref<32x128xf32, #tpu.memory_space<vmem>>, %arg10: memref<32x128xf32, #tpu.memory_space<vmem>>, %arg11: memref<32x128xf32, #tpu.memory_space<vmem>>, %arg12: memref<32x128xf32, #tpu.memory_space<vmem>>, %arg13: memref<32x128xf32, #tpu.memory_space<vmem>>, %arg14: memref<32x128xf32, #tpu.memory_space<vmem>>, %arg15: memref<32x128xf32, #tpu.memory_space<vmem>>, %arg16: memref<32x128xf32, #tpu.memory_space<vmem>>, %arg17: memref<32x128xf32, #tpu.memory_space<vmem>>, %arg18: memref<32x128xf32, #tpu.memory_space<vmem>>, %arg19: memref<32x128xf32, #tpu.memory_space<vmem>>, %arg20: memref<32x128xf32, #tpu.memory_space<vmem>>, %arg21: memref<32x128xf32, #tpu.memory_space<vmem>>, %arg22: memref<32x128xf32, #tpu.memory_space<vmem>>, %arg23: memref<32x128xf32, #tpu.memory_space<vmem>>, %arg24: memref<32x128xf32, #tpu.memory_space<vmem>>, %arg25: memref<32x128xf32, #tpu.memory_space<vmem>>, %arg26: memref<32x128xf32, #tpu.memory_space<vmem>>, %arg27: memref<32x128xf32, #tpu.memory_space<vmem>>, %arg28: memref<32x128xf32, #tpu.memory_space<vmem>>, %arg29: memref<32x128xf32, #tpu.memory_space<vmem>>, %arg30: memref<!tpu.dma_semaphore, #tpu.memory_space<semaphore_mem>>, %arg31: memref<!tpu.dma_semaphore, #tpu.memory_space<semaphore_mem>>, %arg32: memref<!tpu.dma_semaphore, #tpu.memory_space<semaphore_mem>>, %arg33: memref<!tpu.dma_semaphore, #tpu.memory_space<semaphore_mem>>, %arg34: memref<!tpu.dma_semaphore, #tpu.memory_space<semaphore_mem>>, %arg35: memref<!tpu.dma_semaphore, #tpu.memory_space<semaphore_mem>>) attributes {dimension_semantics = [#tpu.dimension_semantics<core_parallel>, #tpu.dimension_semantics<subcore_parallel>], iteration_bounds = array<i64: 2, 16>, scalar_prefetch = 0 : i64, scratch_operands = 30 : i64, tpu.core_type = #tpu.core_type<sc_vector_subcore>, window_params = [{transform_indices = #map}, {transform_indices = #map1}, {transform_indices = #map}, {transform_indices = #map}]} {
    %eq3A = arith.constant 0 : i32
    %eq3A_0 = arith.cmpi eq, %arg0, %eq3A : i32
    %select_n3A = arith.constant 88 : i32
    %select_n3A_1 = arith.constant 12 : i32
    %select_n3A_2 = arith.select %eq3A_0, %select_n3A_1, %select_n3A : i32
    %mul3A = arith.constant 12 : i32
    %mul3A_3 = arith.muli %arg1, %mul3A : i32
    %mul3A_4 = arith.constant 88 : i32
    %mul3A_5 = arith.muli %arg1, %mul3A_4 : i32
    %add3A = arith.constant 192 : i32
    %add3A_6 = arith.addi %add3A, %mul3A_5 : i32
    %select_n3A_7 = arith.select %eq3A_0, %mul3A_3, %add3A_6 : i32
    %mul3A_8 = arith.constant 32 : i32
    %mul3A_9 = arith.muli %select_n3A_7, %mul3A_8 : i32
    "tpu.region"() ({
      %run_scoped3A = tpu.sem_alloc : memref<!tpu.dma_semaphore, #tpu.memory_space<semaphore_mem>>
      %dma_start3A_134 = arith.constant 0 : i32
      %dma_start3A_135 = arith.constant 0 : i32
      %dma_start3A_136 = tpu.memref_slice %arg3[%select_n3A_7, %dma_start3A_134, %dma_start3A_135] : memref<1600x11x32xi32, #tpu.memory_space<hbm>> -> memref<1x11x32xi32, #tpu.memory_space<hbm>>
      %dma_start3A_137 = tpu.memref_squeeze %dma_start3A_136 : memref<1x11x32xi32, #tpu.memory_space<hbm>> -> memref<11x32xi32, #tpu.memory_space<hbm>>
      %dma_start3A_138 = arith.constant 0 : i32
      %dma_start3A_139 = arith.constant 0 : i32
      %dma_start3A_140 = tpu.memref_slice %arg3[%select_n3A_7, %dma_start3A_138, %dma_start3A_139] : memref<1600x11x32xi32, #tpu.memory_space<hbm>> -> memref<1x11x32xi32, #tpu.memory_space<hbm>>
      %dma_start3A_141 = tpu.memref_squeeze %dma_start3A_140 : memref<1x11x32xi32, #tpu.memory_space<hbm>> -> memref<11x32xi32, #tpu.memory_space<hbm>>
      tpu.enqueue_dma source(%dma_start3A_141 : memref<11x32xi32, #tpu.memory_space<hbm>>) target(%arg6 : memref<11x32xi32, #tpu.memory_space<vmem>>) target_semaphore(%run_scoped3A : memref<!tpu.dma_semaphore, #tpu.memory_space<semaphore_mem>>)
      %dma_wait3A_142 = arith.constant 0 : i32
      %dma_wait3A_143 = arith.constant 0 : i32
      %dma_wait3A_144 = tpu.memref_slice %arg3[%select_n3A_7, %dma_wait3A_142, %dma_wait3A_143] : memref<1600x11x32xi32, #tpu.memory_space<hbm>> -> memref<1x11x32xi32, #tpu.memory_space<hbm>>
      %dma_wait3A_145 = tpu.memref_squeeze %dma_wait3A_144 : memref<1x11x32xi32, #tpu.memory_space<hbm>> -> memref<11x32xi32, #tpu.memory_space<hbm>>
      %dma_wait3A_146 = arith.constant 0 : i32
      %dma_wait3A_147 = arith.constant 0 : i32
      %dma_wait3A_148 = tpu.memref_slice %arg3[%select_n3A_7, %dma_wait3A_146, %dma_wait3A_147] : memref<1600x11x32xi32, #tpu.memory_space<hbm>> -> memref<1x11x32xi32, #tpu.memory_space<hbm>>
      %dma_wait3A_149 = tpu.memref_squeeze %dma_wait3A_148 : memref<1x11x32xi32, #tpu.memory_space<hbm>> -> memref<11x32xi32, #tpu.memory_space<hbm>>
      tpu.wait_dma2 semaphore(%run_scoped3A : memref<!tpu.dma_semaphore, #tpu.memory_space<semaphore_mem>>) src(%dma_wait3A_149 : memref<11x32xi32, #tpu.memory_space<hbm>>) dst(%arg6 : memref<11x32xi32, #tpu.memory_space<vmem>>)
      tpu.yield
    }) : () -> ()
    %add3A_10 = arith.constant 1 : i32
    %add3A_11 = arith.addi %select_n3A_7, %add3A_10 : i32
    %dma_start3A = arith.constant 0 : i32
    %dma_start3A_12 = arith.constant 0 : i32
    %dma_start3A_13 = tpu.memref_slice %arg3[%add3A_11, %dma_start3A, %dma_start3A_12] : memref<1600x11x32xi32, #tpu.memory_space<hbm>> -> memref<1x11x32xi32, #tpu.memory_space<hbm>>
    %dma_start3A_14 = tpu.memref_squeeze %dma_start3A_13 : memref<1x11x32xi32, #tpu.memory_space<hbm>> -> memref<11x32xi32, #tpu.memory_space<hbm>>
    %dma_start3A_15 = arith.constant 0 : i32
    %dma_start3A_16 = arith.constant 0 : i32
    %dma_start3A_17 = tpu.memref_slice %arg3[%add3A_11, %dma_start3A_15, %dma_start3A_16] : memref<1600x11x32xi32, #tpu.memory_space<hbm>> -> memref<1x11x32xi32, #tpu.memory_space<hbm>>
    %dma_start3A_18 = tpu.memref_squeeze %dma_start3A_17 : memref<1x11x32xi32, #tpu.memory_space<hbm>> -> memref<11x32xi32, #tpu.memory_space<hbm>>
    tpu.enqueue_dma source(%dma_start3A_18 : memref<11x32xi32, #tpu.memory_space<hbm>>) target(%arg7 : memref<11x32xi32, #tpu.memory_space<vmem>>) target_semaphore(%arg31 : memref<!tpu.dma_semaphore, #tpu.memory_space<semaphore_mem>>)
    %dma_start3A_19 = arith.constant 0 : i32
    %dma_start3A_20 = arith.constant 0 : i32
    %dma_start3A_21 = tpu.memref_slice %arg6[%dma_start3A_19, %dma_start3A_20] : memref<11x32xi32, #tpu.memory_space<vmem>> -> memref<1x32xi32, #tpu.memory_space<vmem>>
    %dma_start3A_22 = tpu.memref_squeeze %dma_start3A_21 : memref<1x32xi32, #tpu.memory_space<vmem>> -> memref<32xi32, #tpu.memory_space<vmem>>
    %dma_start3A_23 = arith.constant 0 : i32
    %dma_start3A_24 = arith.constant 0 : i32
    %dma_start3A_25 = tpu.memref_slice %arg2[%dma_start3A_23, %dma_start3A_24] : memref<100000x128xf32, #tpu.memory_space<hbm>> -> memref<100000x128xf32, #tpu.memory_space<hbm>>
    tpu.enqueue_indirect_dma source(%dma_start3A_25 : memref<100000x128xf32, #tpu.memory_space<hbm>>) target(%arg8 : memref<32x128xf32, #tpu.memory_space<vmem>>) offsets(%dma_start3A_22 : memref<32xi32, #tpu.memory_space<vmem>>) semaphore(%arg32 : memref<!tpu.dma_semaphore, #tpu.memory_space<semaphore_mem>>)
    %dma_start3A_26 = arith.constant 1 : i32
    %dma_start3A_27 = arith.constant 0 : i32
    %dma_start3A_28 = tpu.memref_slice %arg6[%dma_start3A_26, %dma_start3A_27] : memref<11x32xi32, #tpu.memory_space<vmem>> -> memref<1x32xi32, #tpu.memory_space<vmem>>
    %dma_start3A_29 = tpu.memref_squeeze %dma_start3A_28 : memref<1x32xi32, #tpu.memory_space<vmem>> -> memref<32xi32, #tpu.memory_space<vmem>>
    %dma_start3A_30 = arith.constant 0 : i32
    %dma_start3A_31 = arith.constant 0 : i32
    %dma_start3A_32 = tpu.memref_slice %arg2[%dma_start3A_30, %dma_start3A_31] : memref<100000x128xf32, #tpu.memory_space<hbm>> -> memref<100000x128xf32, #tpu.memory_space<hbm>>
    tpu.enqueue_indirect_dma source(%dma_start3A_32 : memref<100000x128xf32, #tpu.memory_space<hbm>>) target(%arg10 : memref<32x128xf32, #tpu.memory_space<vmem>>) offsets(%dma_start3A_29 : memref<32xi32, #tpu.memory_space<vmem>>) semaphore(%arg32 : memref<!tpu.dma_semaphore, #tpu.memory_space<semaphore_mem>>)
    %dma_start3A_33 = arith.constant 2 : i32
    %dma_start3A_34 = arith.constant 0 : i32
    %dma_start3A_35 = tpu.memref_slice %arg6[%dma_start3A_33, %dma_start3A_34] : memref<11x32xi32, #tpu.memory_space<vmem>> -> memref<1x32xi32, #tpu.memory_space<vmem>>
    %dma_start3A_36 = tpu.memref_squeeze %dma_start3A_35 : memref<1x32xi32, #tpu.memory_space<vmem>> -> memref<32xi32, #tpu.memory_space<vmem>>
    %dma_start3A_37 = arith.constant 0 : i32
    %dma_start3A_38 = arith.constant 0 : i32
    %dma_start3A_39 = tpu.memref_slice %arg2[%dma_start3A_37, %dma_start3A_38] : memref<100000x128xf32, #tpu.memory_space<hbm>> -> memref<100000x128xf32, #tpu.memory_space<hbm>>
    tpu.enqueue_indirect_dma source(%dma_start3A_39 : memref<100000x128xf32, #tpu.memory_space<hbm>>) target(%arg11 : memref<32x128xf32, #tpu.memory_space<vmem>>) offsets(%dma_start3A_36 : memref<32xi32, #tpu.memory_space<vmem>>) semaphore(%arg32 : memref<!tpu.dma_semaphore, #tpu.memory_space<semaphore_mem>>)
    %dma_start3A_40 = arith.constant 3 : i32
    %dma_start3A_41 = arith.constant 0 : i32
    %dma_start3A_42 = tpu.memref_slice %arg6[%dma_start3A_40, %dma_start3A_41] : memref<11x32xi32, #tpu.memory_space<vmem>> -> memref<1x32xi32, #tpu.memory_space<vmem>>
    %dma_start3A_43 = tpu.memref_squeeze %dma_start3A_42 : memref<1x32xi32, #tpu.memory_space<vmem>> -> memref<32xi32, #tpu.memory_space<vmem>>
    %dma_start3A_44 = arith.constant 0 : i32
    %dma_start3A_45 = arith.constant 0 : i32
    %dma_start3A_46 = tpu.memref_slice %arg2[%dma_start3A_44, %dma_start3A_45] : memref<100000x128xf32, #tpu.memory_space<hbm>> -> memref<100000x128xf32, #tpu.memory_space<hbm>>
    tpu.enqueue_indirect_dma source(%dma_start3A_46 : memref<100000x128xf32, #tpu.memory_space<hbm>>) target(%arg12 : memref<32x128xf32, #tpu.memory_space<vmem>>) offsets(%dma_start3A_43 : memref<32xi32, #tpu.memory_space<vmem>>) semaphore(%arg32 : memref<!tpu.dma_semaphore, #tpu.memory_space<semaphore_mem>>)
    %dma_start3A_47 = arith.constant 4 : i32
    %dma_start3A_48 = arith.constant 0 : i32
    %dma_start3A_49 = tpu.memref_slice %arg6[%dma_start3A_47, %dma_start3A_48] : memref<11x32xi32, #tpu.memory_space<vmem>> -> memref<1x32xi32, #tpu.memory_space<vmem>>
    %dma_start3A_50 = tpu.memref_squeeze %dma_start3A_49 : memref<1x32xi32, #tpu.memory_space<vmem>> -> memref<32xi32, #tpu.memory_space<vmem>>
    %dma_start3A_51 = arith.constant 0 : i32
    %dma_start3A_52 = arith.constant 0 : i32
    %dma_start3A_53 = tpu.memref_slice %arg2[%dma_start3A_51, %dma_start3A_52] : memref<100000x128xf32, #tpu.memory_space<hbm>> -> memref<100000x128xf32, #tpu.memory_space<hbm>>
    tpu.enqueue_indirect_dma source(%dma_start3A_53 : memref<100000x128xf32, #tpu.memory_space<hbm>>) target(%arg13 : memref<32x128xf32, #tpu.memory_space<vmem>>) offsets(%dma_start3A_50 : memref<32xi32, #tpu.memory_space<vmem>>) semaphore(%arg32 : memref<!tpu.dma_semaphore, #tpu.memory_space<semaphore_mem>>)
    %dma_start3A_54 = arith.constant 5 : i32
    %dma_start3A_55 = arith.constant 0 : i32
    %dma_start3A_56 = tpu.memref_slice %arg6[%dma_start3A_54, %dma_start3A_55] : memref<11x32xi32, #tpu.memory_space<vmem>> -> memref<1x32xi32, #tpu.memory_space<vmem>>
    %dma_start3A_57 = tpu.memref_squeeze %dma_start3A_56 : memref<1x32xi32, #tpu.memory_space<vmem>> -> memref<32xi32, #tpu.memory_space<vmem>>
    %dma_start3A_58 = arith.constant 0 : i32
    %dma_start3A_59 = arith.constant 0 : i32
    %dma_start3A_60 = tpu.memref_slice %arg2[%dma_start3A_58, %dma_start3A_59] : memref<100000x128xf32, #tpu.memory_space<hbm>> -> memref<100000x128xf32, #tpu.memory_space<hbm>>
    tpu.enqueue_indirect_dma source(%dma_start3A_60 : memref<100000x128xf32, #tpu.memory_space<hbm>>) target(%arg14 : memref<32x128xf32, #tpu.memory_space<vmem>>) offsets(%dma_start3A_57 : memref<32xi32, #tpu.memory_space<vmem>>) semaphore(%arg32 : memref<!tpu.dma_semaphore, #tpu.memory_space<semaphore_mem>>)
    %dma_start3A_61 = arith.constant 6 : i32
    %dma_start3A_62 = arith.constant 0 : i32
    %dma_start3A_63 = tpu.memref_slice %arg6[%dma_start3A_61, %dma_start3A_62] : memref<11x32xi32, #tpu.memory_space<vmem>> -> memref<1x32xi32, #tpu.memory_space<vmem>>
    %dma_start3A_64 = tpu.memref_squeeze %dma_start3A_63 : memref<1x32xi32, #tpu.memory_space<vmem>> -> memref<32xi32, #tpu.memory_space<vmem>>
    %dma_start3A_65 = arith.constant 0 : i32
    %dma_start3A_66 = arith.constant 0 : i32
    %dma_start3A_67 = tpu.memref_slice %arg2[%dma_start3A_65, %dma_start3A_66] : memref<100000x128xf32, #tpu.memory_space<hbm>> -> memref<100000x128xf32, #tpu.memory_space<hbm>>
    tpu.enqueue_indirect_dma source(%dma_start3A_67 : memref<100000x128xf32, #tpu.memory_space<hbm>>) target(%arg15 : memref<32x128xf32, #tpu.memory_space<vmem>>) offsets(%dma_start3A_64 : memref<32xi32, #tpu.memory_space<vmem>>) semaphore(%arg32 : memref<!tpu.dma_semaphore, #tpu.memory_space<semaphore_mem>>)
    %dma_start3A_68 = arith.constant 7 : i32
    %dma_start3A_69 = arith.constant 0 : i32
    %dma_start3A_70 = tpu.memref_slice %arg6[%dma_start3A_68, %dma_start3A_69] : memref<11x32xi32, #tpu.memory_space<vmem>> -> memref<1x32xi32, #tpu.memory_space<vmem>>
    %dma_start3A_71 = tpu.memref_squeeze %dma_start3A_70 : memref<1x32xi32, #tpu.memory_space<vmem>> -> memref<32xi32, #tpu.memory_space<vmem>>
    %dma_start3A_72 = arith.constant 0 : i32
    %dma_start3A_73 = arith.constant 0 : i32
    %dma_start3A_74 = tpu.memref_slice %arg2[%dma_start3A_72, %dma_start3A_73] : memref<100000x128xf32, #tpu.memory_space<hbm>> -> memref<100000x128xf32, #tpu.memory_space<hbm>>
    tpu.enqueue_indirect_dma source(%dma_start3A_74 : memref<100000x128xf32, #tpu.memory_space<hbm>>) target(%arg16 : memref<32x128xf32, #tpu.memory_space<vmem>>) offsets(%dma_start3A_71 : memref<32xi32, #tpu.memory_space<vmem>>) semaphore(%arg32 : memref<!tpu.dma_semaphore, #tpu.memory_space<semaphore_mem>>)
    %dma_start3A_75 = arith.constant 8 : i32
    %dma_start3A_76 = arith.constant 0 : i32
    %dma_start3A_77 = tpu.memref_slice %arg6[%dma_start3A_75, %dma_start3A_76] : memref<11x32xi32, #tpu.memory_space<vmem>> -> memref<1x32xi32, #tpu.memory_space<vmem>>
    %dma_start3A_78 = tpu.memref_squeeze %dma_start3A_77 : memref<1x32xi32, #tpu.memory_space<vmem>> -> memref<32xi32, #tpu.memory_space<vmem>>
    %dma_start3A_79 = arith.constant 0 : i32
    %dma_start3A_80 = arith.constant 0 : i32
    %dma_start3A_81 = tpu.memref_slice %arg2[%dma_start3A_79, %dma_start3A_80] : memref<100000x128xf32, #tpu.memory_space<hbm>> -> memref<100000x128xf32, #tpu.memory_space<hbm>>
    tpu.enqueue_indirect_dma source(%dma_start3A_81 : memref<100000x128xf32, #tpu.memory_space<hbm>>) target(%arg17 : memref<32x128xf32, #tpu.memory_space<vmem>>) offsets(%dma_start3A_78 : memref<32xi32, #tpu.memory_space<vmem>>) semaphore(%arg32 : memref<!tpu.dma_semaphore, #tpu.memory_space<semaphore_mem>>)
    %dma_start3A_82 = arith.constant 9 : i32
    %dma_start3A_83 = arith.constant 0 : i32
    %dma_start3A_84 = tpu.memref_slice %arg6[%dma_start3A_82, %dma_start3A_83] : memref<11x32xi32, #tpu.memory_space<vmem>> -> memref<1x32xi32, #tpu.memory_space<vmem>>
    %dma_start3A_85 = tpu.memref_squeeze %dma_start3A_84 : memref<1x32xi32, #tpu.memory_space<vmem>> -> memref<32xi32, #tpu.memory_space<vmem>>
    %dma_start3A_86 = arith.constant 0 : i32
    %dma_start3A_87 = arith.constant 0 : i32
    %dma_start3A_88 = tpu.memref_slice %arg2[%dma_start3A_86, %dma_start3A_87] : memref<100000x128xf32, #tpu.memory_space<hbm>> -> memref<100000x128xf32, #tpu.memory_space<hbm>>
    tpu.enqueue_indirect_dma source(%dma_start3A_88 : memref<100000x128xf32, #tpu.memory_space<hbm>>) target(%arg18 : memref<32x128xf32, #tpu.memory_space<vmem>>) offsets(%dma_start3A_85 : memref<32xi32, #tpu.memory_space<vmem>>) semaphore(%arg32 : memref<!tpu.dma_semaphore, #tpu.memory_space<semaphore_mem>>)
    %dma_start3A_89 = arith.constant 10 : i32
    %dma_start3A_90 = arith.constant 0 : i32
    %dma_start3A_91 = tpu.memref_slice %arg6[%dma_start3A_89, %dma_start3A_90] : memref<11x32xi32, #tpu.memory_space<vmem>> -> memref<1x32xi32, #tpu.memory_space<vmem>>
    %dma_start3A_92 = tpu.memref_squeeze %dma_start3A_91 : memref<1x32xi32, #tpu.memory_space<vmem>> -> memref<32xi32, #tpu.memory_space<vmem>>
    %dma_start3A_93 = arith.constant 0 : i32
    %dma_start3A_94 = arith.constant 0 : i32
    %dma_start3A_95 = tpu.memref_slice %arg2[%dma_start3A_93, %dma_start3A_94] : memref<100000x128xf32, #tpu.memory_space<hbm>> -> memref<100000x128xf32, #tpu.memory_space<hbm>>
    tpu.enqueue_indirect_dma source(%dma_start3A_95 : memref<100000x128xf32, #tpu.memory_space<hbm>>) target(%arg19 : memref<32x128xf32, #tpu.memory_space<vmem>>) offsets(%dma_start3A_92 : memref<32xi32, #tpu.memory_space<vmem>>) semaphore(%arg32 : memref<!tpu.dma_semaphore, #tpu.memory_space<semaphore_mem>>)
    %jit3A = arith.constant 2 : i32
    %div3A = arith.divsi %select_n3A_2, %jit3A : i32
    %sign3A = arith.constant 0 : i32
    %sign3A_96 = arith.cmpi sgt, %select_n3A_2, %sign3A : i32
    %sign3A_97 = arith.extui %sign3A_96 : i1 to i32
    %sign3A_98 = arith.constant 0 : i32
    %sign3A_99 = arith.cmpi slt, %select_n3A_2, %sign3A_98 : i32
    %sign3A_100 = arith.extui %sign3A_99 : i1 to i32
    %sign3A_101 = arith.subi %sign3A_97, %sign3A_100 : i32
    %sign3A_102 = arith.constant 0 : i32
    %sign3A_103 = arith.cmpi sgt, %jit3A, %sign3A_102 : i32
    %sign3A_104 = arith.extui %sign3A_103 : i1 to i32
    %sign3A_105 = arith.constant 0 : i32
    %sign3A_106 = arith.cmpi slt, %jit3A, %sign3A_105 : i32
    %sign3A_107 = arith.extui %sign3A_106 : i1 to i32
    %sign3A_108 = arith.subi %sign3A_104, %sign3A_107 : i32
    %ne3A = arith.cmpi ne, %sign3A_101, %sign3A_108 : i32
    %rem3A = arith.remsi %select_n3A_2, %jit3A : i32
    %ne3A_109 = arith.constant 0 : i32
    %ne3A_110 = arith.cmpi ne, %rem3A, %ne3A_109 : i32
    %and3A = arith.andi %ne3A, %ne3A_110 : i1
    %sub3A = arith.constant 1 : i32
    %sub3A_111 = arith.subi %div3A, %sub3A : i32
    %select_n3A_112 = arith.select %and3A, %sub3A_111, %div3A : i32
    %while3A = arith.constant 0 : i32
    %while3A_113 = arith.constant 0 : i32
    %while3A_114 = arith.subi %select_n3A_112, %while3A_113 : i32
    %while3A_115 = arith.addi %while3A_113, %while3A_114 : i32
    %while3A_116 = arith.constant 1 : i32
    %while3A_117 = arith.divsi %while3A_114, %while3A_116 : i32
    %while3A_118 = arith.muli %while3A_117, %while3A_116 : i32
    %while3A_119 = arith.addi %while3A_113, %while3A_118 : i32
    %while3A_120 = arith.constant 1 : i32
    scf.for %while3A_134 = %while3A_113 to %while3A_119 step %while3A_120  : i32 {
      %mul3A_135 = arith.constant 2 : i32
      %mul3A_136 = arith.muli %mul3A_135, %while3A_134 : i32
      %gt3A = arith.constant 0 : i32
      %gt3A_137 = arith.cmpi sgt, %mul3A_136, %gt3A : i32
      %convert_element_type3A = arith.extui %gt3A_137 : i1 to i32
      %cond3A = arith.constant 0 : i32
      %cond3A_138 = arith.cmpi ne, %convert_element_type3A, %cond3A : i32
      scf.if %cond3A_138 {
        %sub3A_358 = arith.constant 1 : i32
        %sub3A_359 = arith.subi %mul3A_136, %sub3A_358 : i32
        %mul3A_360 = arith.constant 32 : i32
        %mul3A_361 = arith.muli %sub3A_359, %mul3A_360 : i32
        %add3A_362 = arith.addi %mul3A_9, %mul3A_361 : i32
        %dma_wait3A_363 = arith.constant 0 : i32
        %dma_wait3A_364 = tpu.memref_slice %arg4[%add3A_362, %dma_wait3A_363] : memref<51200x128xf32, #tpu.memory_space<hbm>> -> memref<32x128xf32, #tpu.memory_space<hbm>>
        %dma_wait3A_365 = arith.constant 0 : i32
        %dma_wait3A_366 = tpu.memref_slice %arg4[%add3A_362, %dma_wait3A_365] : memref<51200x128xf32, #tpu.memory_space<hbm>> -> memref<32x128xf32, #tpu.memory_space<hbm>>
        tpu.wait_dma2 semaphore(%arg35 : memref<!tpu.dma_semaphore, #tpu.memory_space<semaphore_mem>>) src(%arg9 : memref<32x128xf32, #tpu.memory_space<vmem>>) dst(%dma_wait3A_366 : memref<32x128xf32, #tpu.memory_space<hbm>>)
        %dma_wait3A_367 = arith.constant 0 : i32
        %dma_wait3A_368 = tpu.memref_slice %arg5[%add3A_362, %dma_wait3A_367] : memref<51200x128xf32, #tpu.memory_space<hbm>> -> memref<32x128xf32, #tpu.memory_space<hbm>>
        %dma_wait3A_369 = arith.constant 0 : i32
        %dma_wait3A_370 = tpu.memref_slice %arg5[%add3A_362, %dma_wait3A_369] : memref<51200x128xf32, #tpu.memory_space<hbm>> -> memref<32x128xf32, #tpu.memory_space<hbm>>
        tpu.wait_dma2 semaphore(%arg35 : memref<!tpu.dma_semaphore, #tpu.memory_space<semaphore_mem>>) src(%arg20 : memref<32x128xf32, #tpu.memory_space<vmem>>) dst(%dma_wait3A_370 : memref<32x128xf32, #tpu.memory_space<hbm>>)
      } else {
      }
      %add3A_139 = arith.constant 1 : i32
      %add3A_140 = arith.addi %mul3A_136, %add3A_139 : i32
      %lt3A = arith.cmpi slt, %add3A_140, %select_n3A_2 : i32
      %convert_element_type3A_141 = arith.extui %lt3A : i1 to i32
      %cond3A_142 = arith.constant 0 : i32
      %cond3A_143 = arith.cmpi ne, %convert_element_type3A_141, %cond3A_142 : i32
      scf.if %cond3A_143 {
        %add3A_358 = arith.constant 1 : i32
        %add3A_359 = arith.addi %mul3A_136, %add3A_358 : i32
        %add3A_360 = arith.addi %select_n3A_7, %add3A_359 : i32
        %dma_wait3A_361 = arith.constant 0 : i32
        %dma_wait3A_362 = arith.constant 0 : i32
        %dma_wait3A_363 = tpu.memref_slice %arg3[%add3A_360, %dma_wait3A_361, %dma_wait3A_362] : memref<1600x11x32xi32, #tpu.memory_space<hbm>> -> memref<1x11x32xi32, #tpu.memory_space<hbm>>
        %dma_wait3A_364 = tpu.memref_squeeze %dma_wait3A_363 : memref<1x11x32xi32, #tpu.memory_space<hbm>> -> memref<11x32xi32, #tpu.memory_space<hbm>>
        %dma_wait3A_365 = arith.constant 0 : i32
        %dma_wait3A_366 = arith.constant 0 : i32
        %dma_wait3A_367 = tpu.memref_slice %arg3[%add3A_360, %dma_wait3A_365, %dma_wait3A_366] : memref<1600x11x32xi32, #tpu.memory_space<hbm>> -> memref<1x11x32xi32, #tpu.memory_space<hbm>>
        %dma_wait3A_368 = tpu.memref_squeeze %dma_wait3A_367 : memref<1x11x32xi32, #tpu.memory_space<hbm>> -> memref<11x32xi32, #tpu.memory_space<hbm>>
        tpu.wait_dma2 semaphore(%arg31 : memref<!tpu.dma_semaphore, #tpu.memory_space<semaphore_mem>>) src(%dma_wait3A_368 : memref<11x32xi32, #tpu.memory_space<hbm>>) dst(%arg7 : memref<11x32xi32, #tpu.memory_space<vmem>>)
        %dma_start3A_369 = arith.constant 0 : i32
        %dma_start3A_370 = arith.constant 0 : i32
        %dma_start3A_371 = tpu.memref_slice %arg7[%dma_start3A_369, %dma_start3A_370] : memref<11x32xi32, #tpu.memory_space<vmem>> -> memref<1x32xi32, #tpu.memory_space<vmem>>
        %dma_start3A_372 = tpu.memref_squeeze %dma_start3A_371 : memref<1x32xi32, #tpu.memory_space<vmem>> -> memref<32xi32, #tpu.memory_space<vmem>>
        %dma_start3A_373 = arith.constant 0 : i32
        %dma_start3A_374 = arith.constant 0 : i32
        %dma_start3A_375 = tpu.memref_slice %arg2[%dma_start3A_373, %dma_start3A_374] : memref<100000x128xf32, #tpu.memory_space<hbm>> -> memref<100000x128xf32, #tpu.memory_space<hbm>>
        tpu.enqueue_indirect_dma source(%dma_start3A_375 : memref<100000x128xf32, #tpu.memory_space<hbm>>) target(%arg9 : memref<32x128xf32, #tpu.memory_space<vmem>>) offsets(%dma_start3A_372 : memref<32xi32, #tpu.memory_space<vmem>>) semaphore(%arg33 : memref<!tpu.dma_semaphore, #tpu.memory_space<semaphore_mem>>)
        %dma_start3A_376 = arith.constant 1 : i32
        %dma_start3A_377 = arith.constant 0 : i32
        %dma_start3A_378 = tpu.memref_slice %arg7[%dma_start3A_376, %dma_start3A_377] : memref<11x32xi32, #tpu.memory_space<vmem>> -> memref<1x32xi32, #tpu.memory_space<vmem>>
        %dma_start3A_379 = tpu.memref_squeeze %dma_start3A_378 : memref<1x32xi32, #tpu.memory_space<vmem>> -> memref<32xi32, #tpu.memory_space<vmem>>
        %dma_start3A_380 = arith.constant 0 : i32
        %dma_start3A_381 = arith.constant 0 : i32
        %dma_start3A_382 = tpu.memref_slice %arg2[%dma_start3A_380, %dma_start3A_381] : memref<100000x128xf32, #tpu.memory_space<hbm>> -> memref<100000x128xf32, #tpu.memory_space<hbm>>
        tpu.enqueue_indirect_dma source(%dma_start3A_382 : memref<100000x128xf32, #tpu.memory_space<hbm>>) target(%arg20 : memref<32x128xf32, #tpu.memory_space<vmem>>) offsets(%dma_start3A_379 : memref<32xi32, #tpu.memory_space<vmem>>) semaphore(%arg33 : memref<!tpu.dma_semaphore, #tpu.memory_space<semaphore_mem>>)
        %dma_start3A_383 = arith.constant 2 : i32
        %dma_start3A_384 = arith.constant 0 : i32
        %dma_start3A_385 = tpu.memref_slice %arg7[%dma_start3A_383, %dma_start3A_384] : memref<11x32xi32, #tpu.memory_space<vmem>> -> memref<1x32xi32, #tpu.memory_space<vmem>>
        %dma_start3A_386 = tpu.memref_squeeze %dma_start3A_385 : memref<1x32xi32, #tpu.memory_space<vmem>> -> memref<32xi32, #tpu.memory_space<vmem>>
        %dma_start3A_387 = arith.constant 0 : i32
        %dma_start3A_388 = arith.constant 0 : i32
        %dma_start3A_389 = tpu.memref_slice %arg2[%dma_start3A_387, %dma_start3A_388] : memref<100000x128xf32, #tpu.memory_space<hbm>> -> memref<100000x128xf32, #tpu.memory_space<hbm>>
        tpu.enqueue_indirect_dma source(%dma_start3A_389 : memref<100000x128xf32, #tpu.memory_space<hbm>>) target(%arg21 : memref<32x128xf32, #tpu.memory_space<vmem>>) offsets(%dma_start3A_386 : memref<32xi32, #tpu.memory_space<vmem>>) semaphore(%arg33 : memref<!tpu.dma_semaphore, #tpu.memory_space<semaphore_mem>>)
        %dma_start3A_390 = arith.constant 3 : i32
        %dma_start3A_391 = arith.constant 0 : i32
        %dma_start3A_392 = tpu.memref_slice %arg7[%dma_start3A_390, %dma_start3A_391] : memref<11x32xi32, #tpu.memory_space<vmem>> -> memref<1x32xi32, #tpu.memory_space<vmem>>
        %dma_start3A_393 = tpu.memref_squeeze %dma_start3A_392 : memref<1x32xi32, #tpu.memory_space<vmem>> -> memref<32xi32, #tpu.memory_space<vmem>>
        %dma_start3A_394 = arith.constant 0 : i32
        %dma_start3A_395 = arith.constant 0 : i32
        %dma_start3A_396 = tpu.memref_slice %arg2[%dma_start3A_394, %dma_start3A_395] : memref<100000x128xf32, #tpu.memory_space<hbm>> -> memref<100000x128xf32, #tpu.memory_space<hbm>>
        tpu.enqueue_indirect_dma source(%dma_start3A_396 : memref<100000x128xf32, #tpu.memory_space<hbm>>) target(%arg22 : memref<32x128xf32, #tpu.memory_space<vmem>>) offsets(%dma_start3A_393 : memref<32xi32, #tpu.memory_space<vmem>>) semaphore(%arg33 : memref<!tpu.dma_semaphore, #tpu.memory_space<semaphore_mem>>)
        %dma_start3A_397 = arith.constant 4 : i32
        %dma_start3A_398 = arith.constant 0 : i32
        %dma_start3A_399 = tpu.memref_slice %arg7[%dma_start3A_397, %dma_start3A_398] : memref<11x32xi32, #tpu.memory_space<vmem>> -> memref<1x32xi32, #tpu.memory_space<vmem>>
        %dma_start3A_400 = tpu.memref_squeeze %dma_start3A_399 : memref<1x32xi32, #tpu.memory_space<vmem>> -> memref<32xi32, #tpu.memory_space<vmem>>
        %dma_start3A_401 = arith.constant 0 : i32
        %dma_start3A_402 = arith.constant 0 : i32
        %dma_start3A_403 = tpu.memref_slice %arg2[%dma_start3A_401, %dma_start3A_402] : memref<100000x128xf32, #tpu.memory_space<hbm>> -> memref<100000x128xf32, #tpu.memory_space<hbm>>
        tpu.enqueue_indirect_dma source(%dma_start3A_403 : memref<100000x128xf32, #tpu.memory_space<hbm>>) target(%arg23 : memref<32x128xf32, #tpu.memory_space<vmem>>) offsets(%dma_start3A_400 : memref<32xi32, #tpu.memory_space<vmem>>) semaphore(%arg33 : memref<!tpu.dma_semaphore, #tpu.memory_space<semaphore_mem>>)
        %dma_start3A_404 = arith.constant 5 : i32
        %dma_start3A_405 = arith.constant 0 : i32
        %dma_start3A_406 = tpu.memref_slice %arg7[%dma_start3A_404, %dma_start3A_405] : memref<11x32xi32, #tpu.memory_space<vmem>> -> memref<1x32xi32, #tpu.memory_space<vmem>>
        %dma_start3A_407 = tpu.memref_squeeze %dma_start3A_406 : memref<1x32xi32, #tpu.memory_space<vmem>> -> memref<32xi32, #tpu.memory_space<vmem>>
        %dma_start3A_408 = arith.constant 0 : i32
        %dma_start3A_409 = arith.constant 0 : i32
        %dma_start3A_410 = tpu.memref_slice %arg2[%dma_start3A_408, %dma_start3A_409] : memref<100000x128xf32, #tpu.memory_space<hbm>> -> memref<100000x128xf32, #tpu.memory_space<hbm>>
        tpu.enqueue_indirect_dma source(%dma_start3A_410 : memref<100000x128xf32, #tpu.memory_space<hbm>>) target(%arg24 : memref<32x128xf32, #tpu.memory_space<vmem>>) offsets(%dma_start3A_407 : memref<32xi32, #tpu.memory_space<vmem>>) semaphore(%arg33 : memref<!tpu.dma_semaphore, #tpu.memory_space<semaphore_mem>>)
        %dma_start3A_411 = arith.constant 6 : i32
        %dma_start3A_412 = arith.constant 0 : i32
        %dma_start3A_413 = tpu.memref_slice %arg7[%dma_start3A_411, %dma_start3A_412] : memref<11x32xi32, #tpu.memory_space<vmem>> -> memref<1x32xi32, #tpu.memory_space<vmem>>
        %dma_start3A_414 = tpu.memref_squeeze %dma_start3A_413 : memref<1x32xi32, #tpu.memory_space<vmem>> -> memref<32xi32, #tpu.memory_space<vmem>>
        %dma_start3A_415 = arith.constant 0 : i32
        %dma_start3A_416 = arith.constant 0 : i32
        %dma_start3A_417 = tpu.memref_slice %arg2[%dma_start3A_415, %dma_start3A_416] : memref<100000x128xf32, #tpu.memory_space<hbm>> -> memref<100000x128xf32, #tpu.memory_space<hbm>>
        tpu.enqueue_indirect_dma source(%dma_start3A_417 : memref<100000x128xf32, #tpu.memory_space<hbm>>) target(%arg25 : memref<32x128xf32, #tpu.memory_space<vmem>>) offsets(%dma_start3A_414 : memref<32xi32, #tpu.memory_space<vmem>>) semaphore(%arg33 : memref<!tpu.dma_semaphore, #tpu.memory_space<semaphore_mem>>)
        %dma_start3A_418 = arith.constant 7 : i32
        %dma_start3A_419 = arith.constant 0 : i32
        %dma_start3A_420 = tpu.memref_slice %arg7[%dma_start3A_418, %dma_start3A_419] : memref<11x32xi32, #tpu.memory_space<vmem>> -> memref<1x32xi32, #tpu.memory_space<vmem>>
        %dma_start3A_421 = tpu.memref_squeeze %dma_start3A_420 : memref<1x32xi32, #tpu.memory_space<vmem>> -> memref<32xi32, #tpu.memory_space<vmem>>
        %dma_start3A_422 = arith.constant 0 : i32
        %dma_start3A_423 = arith.constant 0 : i32
        %dma_start3A_424 = tpu.memref_slice %arg2[%dma_start3A_422, %dma_start3A_423] : memref<100000x128xf32, #tpu.memory_space<hbm>> -> memref<100000x128xf32, #tpu.memory_space<hbm>>
        tpu.enqueue_indirect_dma source(%dma_start3A_424 : memref<100000x128xf32, #tpu.memory_space<hbm>>) target(%arg26 : memref<32x128xf32, #tpu.memory_space<vmem>>) offsets(%dma_start3A_421 : memref<32xi32, #tpu.memory_space<vmem>>) semaphore(%arg33 : memref<!tpu.dma_semaphore, #tpu.memory_space<semaphore_mem>>)
        %dma_start3A_425 = arith.constant 8 : i32
        %dma_start3A_426 = arith.constant 0 : i32
        %dma_start3A_427 = tpu.memref_slice %arg7[%dma_start3A_425, %dma_start3A_426] : memref<11x32xi32, #tpu.memory_space<vmem>> -> memref<1x32xi32, #tpu.memory_space<vmem>>
        %dma_start3A_428 = tpu.memref_squeeze %dma_start3A_427 : memref<1x32xi32, #tpu.memory_space<vmem>> -> memref<32xi32, #tpu.memory_space<vmem>>
        %dma_start3A_429 = arith.constant 0 : i32
        %dma_start3A_430 = arith.constant 0 : i32
        %dma_start3A_431 = tpu.memref_slice %arg2[%dma_start3A_429, %dma_start3A_430] : memref<100000x128xf32, #tpu.memory_space<hbm>> -> memref<100000x128xf32, #tpu.memory_space<hbm>>
        tpu.enqueue_indirect_dma source(%dma_start3A_431 : memref<100000x128xf32, #tpu.memory_space<hbm>>) target(%arg27 : memref<32x128xf32, #tpu.memory_space<vmem>>) offsets(%dma_start3A_428 : memref<32xi32, #tpu.memory_space<vmem>>) semaphore(%arg33 : memref<!tpu.dma_semaphore, #tpu.memory_space<semaphore_mem>>)
        %dma_start3A_432 = arith.constant 9 : i32
        %dma_start3A_433 = arith.constant 0 : i32
        %dma_start3A_434 = tpu.memref_slice %arg7[%dma_start3A_432, %dma_start3A_433] : memref<11x32xi32, #tpu.memory_space<vmem>> -> memref<1x32xi32, #tpu.memory_space<vmem>>
        %dma_start3A_435 = tpu.memref_squeeze %dma_start3A_434 : memref<1x32xi32, #tpu.memory_space<vmem>> -> memref<32xi32, #tpu.memory_space<vmem>>
        %dma_start3A_436 = arith.constant 0 : i32
        %dma_start3A_437 = arith.constant 0 : i32
        %dma_start3A_438 = tpu.memref_slice %arg2[%dma_start3A_436, %dma_start3A_437] : memref<100000x128xf32, #tpu.memory_space<hbm>> -> memref<100000x128xf32, #tpu.memory_space<hbm>>
        tpu.enqueue_indirect_dma source(%dma_start3A_438 : memref<100000x128xf32, #tpu.memory_space<hbm>>) target(%arg28 : memref<32x128xf32, #tpu.memory_space<vmem>>) offsets(%dma_start3A_435 : memref<32xi32, #tpu.memory_space<vmem>>) semaphore(%arg33 : memref<!tpu.dma_semaphore, #tpu.memory_space<semaphore_mem>>)
        %dma_start3A_439 = arith.constant 10 : i32
        %dma_start3A_440 = arith.constant 0 : i32
        %dma_start3A_441 = tpu.memref_slice %arg7[%dma_start3A_439, %dma_start3A_440] : memref<11x32xi32, #tpu.memory_space<vmem>> -> memref<1x32xi32, #tpu.memory_space<vmem>>
        %dma_start3A_442 = tpu.memref_squeeze %dma_start3A_441 : memref<1x32xi32, #tpu.memory_space<vmem>> -> memref<32xi32, #tpu.memory_space<vmem>>
        %dma_start3A_443 = arith.constant 0 : i32
        %dma_start3A_444 = arith.constant 0 : i32
        %dma_start3A_445 = tpu.memref_slice %arg2[%dma_start3A_443, %dma_start3A_444] : memref<100000x128xf32, #tpu.memory_space<hbm>> -> memref<100000x128xf32, #tpu.memory_space<hbm>>
        tpu.enqueue_indirect_dma source(%dma_start3A_445 : memref<100000x128xf32, #tpu.memory_space<hbm>>) target(%arg29 : memref<32x128xf32, #tpu.memory_space<vmem>>) offsets(%dma_start3A_442 : memref<32xi32, #tpu.memory_space<vmem>>) semaphore(%arg33 : memref<!tpu.dma_semaphore, #tpu.memory_space<semaphore_mem>>)
      } else {
      }
      %dma_wait3A_144 = arith.constant 0 : i32
      %dma_wait3A_145 = arith.constant 0 : i32
      %dma_wait3A_146 = tpu.memref_slice %arg6[%dma_wait3A_144, %dma_wait3A_145] : memref<11x32xi32, #tpu.memory_space<vmem>> -> memref<1x32xi32, #tpu.memory_space<vmem>>
      %dma_wait3A_147 = tpu.memref_squeeze %dma_wait3A_146 : memref<1x32xi32, #tpu.memory_space<vmem>> -> memref<32xi32, #tpu.memory_space<vmem>>
      %dma_wait3A_148 = arith.constant 0 : i32
      %dma_wait3A_149 = arith.constant 0 : i32
      %dma_wait3A_150 = tpu.memref_slice %arg2[%dma_wait3A_148, %dma_wait3A_149] : memref<100000x128xf32, #tpu.memory_space<hbm>> -> memref<100000x128xf32, #tpu.memory_space<hbm>>
      tpu.wait_indirect_dma semaphore(%arg32 : memref<!tpu.dma_semaphore, #tpu.memory_space<semaphore_mem>>) src(%dma_wait3A_150 : memref<100000x128xf32, #tpu.memory_space<hbm>>) dst(%arg8 : memref<32x128xf32, #tpu.memory_space<vmem>>)
      %dma_wait3A_151 = arith.constant 1 : i32
      %dma_wait3A_152 = arith.constant 0 : i32
      %dma_wait3A_153 = tpu.memref_slice %arg6[%dma_wait3A_151, %dma_wait3A_152] : memref<11x32xi32, #tpu.memory_space<vmem>> -> memref<1x32xi32, #tpu.memory_space<vmem>>
      %dma_wait3A_154 = tpu.memref_squeeze %dma_wait3A_153 : memref<1x32xi32, #tpu.memory_space<vmem>> -> memref<32xi32, #tpu.memory_space<vmem>>
      %dma_wait3A_155 = arith.constant 0 : i32
      %dma_wait3A_156 = arith.constant 0 : i32
      %dma_wait3A_157 = tpu.memref_slice %arg2[%dma_wait3A_155, %dma_wait3A_156] : memref<100000x128xf32, #tpu.memory_space<hbm>> -> memref<100000x128xf32, #tpu.memory_space<hbm>>
      tpu.wait_indirect_dma semaphore(%arg32 : memref<!tpu.dma_semaphore, #tpu.memory_space<semaphore_mem>>) src(%dma_wait3A_157 : memref<100000x128xf32, #tpu.memory_space<hbm>>) dst(%arg10 : memref<32x128xf32, #tpu.memory_space<vmem>>)
      %dma_wait3A_158 = arith.constant 2 : i32
      %dma_wait3A_159 = arith.constant 0 : i32
      %dma_wait3A_160 = tpu.memref_slice %arg6[%dma_wait3A_158, %dma_wait3A_159] : memref<11x32xi32, #tpu.memory_space<vmem>> -> memref<1x32xi32, #tpu.memory_space<vmem>>
      %dma_wait3A_161 = tpu.memref_squeeze %dma_wait3A_160 : memref<1x32xi32, #tpu.memory_space<vmem>> -> memref<32xi32, #tpu.memory_space<vmem>>
      %dma_wait3A_162 = arith.constant 0 : i32
      %dma_wait3A_163 = arith.constant 0 : i32
      %dma_wait3A_164 = tpu.memref_slice %arg2[%dma_wait3A_162, %dma_wait3A_163] : memref<100000x128xf32, #tpu.memory_space<hbm>> -> memref<100000x128xf32, #tpu.memory_space<hbm>>
      tpu.wait_indirect_dma semaphore(%arg32 : memref<!tpu.dma_semaphore, #tpu.memory_space<semaphore_mem>>) src(%dma_wait3A_164 : memref<100000x128xf32, #tpu.memory_space<hbm>>) dst(%arg11 : memref<32x128xf32, #tpu.memory_space<vmem>>)
      %dma_wait3A_165 = arith.constant 3 : i32
      %dma_wait3A_166 = arith.constant 0 : i32
      %dma_wait3A_167 = tpu.memref_slice %arg6[%dma_wait3A_165, %dma_wait3A_166] : memref<11x32xi32, #tpu.memory_space<vmem>> -> memref<1x32xi32, #tpu.memory_space<vmem>>
      %dma_wait3A_168 = tpu.memref_squeeze %dma_wait3A_167 : memref<1x32xi32, #tpu.memory_space<vmem>> -> memref<32xi32, #tpu.memory_space<vmem>>
      %dma_wait3A_169 = arith.constant 0 : i32
      %dma_wait3A_170 = arith.constant 0 : i32
      %dma_wait3A_171 = tpu.memref_slice %arg2[%dma_wait3A_169, %dma_wait3A_170] : memref<100000x128xf32, #tpu.memory_space<hbm>> -> memref<100000x128xf32, #tpu.memory_space<hbm>>
      tpu.wait_indirect_dma semaphore(%arg32 : memref<!tpu.dma_semaphore, #tpu.memory_space<semaphore_mem>>) src(%dma_wait3A_171 : memref<100000x128xf32, #tpu.memory_space<hbm>>) dst(%arg12 : memref<32x128xf32, #tpu.memory_space<vmem>>)
      %dma_wait3A_172 = arith.constant 4 : i32
      %dma_wait3A_173 = arith.constant 0 : i32
      %dma_wait3A_174 = tpu.memref_slice %arg6[%dma_wait3A_172, %dma_wait3A_173] : memref<11x32xi32, #tpu.memory_space<vmem>> -> memref<1x32xi32, #tpu.memory_space<vmem>>
      %dma_wait3A_175 = tpu.memref_squeeze %dma_wait3A_174 : memref<1x32xi32, #tpu.memory_space<vmem>> -> memref<32xi32, #tpu.memory_space<vmem>>
      %dma_wait3A_176 = arith.constant 0 : i32
      %dma_wait3A_177 = arith.constant 0 : i32
      %dma_wait3A_178 = tpu.memref_slice %arg2[%dma_wait3A_176, %dma_wait3A_177] : memref<100000x128xf32, #tpu.memory_space<hbm>> -> memref<100000x128xf32, #tpu.memory_space<hbm>>
      tpu.wait_indirect_dma semaphore(%arg32 : memref<!tpu.dma_semaphore, #tpu.memory_space<semaphore_mem>>) src(%dma_wait3A_178 : memref<100000x128xf32, #tpu.memory_space<hbm>>) dst(%arg13 : memref<32x128xf32, #tpu.memory_space<vmem>>)
      %dma_wait3A_179 = arith.constant 5 : i32
      %dma_wait3A_180 = arith.constant 0 : i32
      %dma_wait3A_181 = tpu.memref_slice %arg6[%dma_wait3A_179, %dma_wait3A_180] : memref<11x32xi32, #tpu.memory_space<vmem>> -> memref<1x32xi32, #tpu.memory_space<vmem>>
      %dma_wait3A_182 = tpu.memref_squeeze %dma_wait3A_181 : memref<1x32xi32, #tpu.memory_space<vmem>> -> memref<32xi32, #tpu.memory_space<vmem>>
      %dma_wait3A_183 = arith.constant 0 : i32
      %dma_wait3A_184 = arith.constant 0 : i32
      %dma_wait3A_185 = tpu.memref_slice %arg2[%dma_wait3A_183, %dma_wait3A_184] : memref<100000x128xf32, #tpu.memory_space<hbm>> -> memref<100000x128xf32, #tpu.memory_space<hbm>>
      tpu.wait_indirect_dma semaphore(%arg32 : memref<!tpu.dma_semaphore, #tpu.memory_space<semaphore_mem>>) src(%dma_wait3A_185 : memref<100000x128xf32, #tpu.memory_space<hbm>>) dst(%arg14 : memref<32x128xf32, #tpu.memory_space<vmem>>)
      %dma_wait3A_186 = arith.constant 6 : i32
      %dma_wait3A_187 = arith.constant 0 : i32
      %dma_wait3A_188 = tpu.memref_slice %arg6[%dma_wait3A_186, %dma_wait3A_187] : memref<11x32xi32, #tpu.memory_space<vmem>> -> memref<1x32xi32, #tpu.memory_space<vmem>>
      %dma_wait3A_189 = tpu.memref_squeeze %dma_wait3A_188 : memref<1x32xi32, #tpu.memory_space<vmem>> -> memref<32xi32, #tpu.memory_space<vmem>>
      %dma_wait3A_190 = arith.constant 0 : i32
      %dma_wait3A_191 = arith.constant 0 : i32
      %dma_wait3A_192 = tpu.memref_slice %arg2[%dma_wait3A_190, %dma_wait3A_191] : memref<100000x128xf32, #tpu.memory_space<hbm>> -> memref<100000x128xf32, #tpu.memory_space<hbm>>
      tpu.wait_indirect_dma semaphore(%arg32 : memref<!tpu.dma_semaphore, #tpu.memory_space<semaphore_mem>>) src(%dma_wait3A_192 : memref<100000x128xf32, #tpu.memory_space<hbm>>) dst(%arg15 : memref<32x128xf32, #tpu.memory_space<vmem>>)
      %dma_wait3A_193 = arith.constant 7 : i32
      %dma_wait3A_194 = arith.constant 0 : i32
      %dma_wait3A_195 = tpu.memref_slice %arg6[%dma_wait3A_193, %dma_wait3A_194] : memref<11x32xi32, #tpu.memory_space<vmem>> -> memref<1x32xi32, #tpu.memory_space<vmem>>
      %dma_wait3A_196 = tpu.memref_squeeze %dma_wait3A_195 : memref<1x32xi32, #tpu.memory_space<vmem>> -> memref<32xi32, #tpu.memory_space<vmem>>
      %dma_wait3A_197 = arith.constant 0 : i32
      %dma_wait3A_198 = arith.constant 0 : i32
      %dma_wait3A_199 = tpu.memref_slice %arg2[%dma_wait3A_197, %dma_wait3A_198] : memref<100000x128xf32, #tpu.memory_space<hbm>> -> memref<100000x128xf32, #tpu.memory_space<hbm>>
      tpu.wait_indirect_dma semaphore(%arg32 : memref<!tpu.dma_semaphore, #tpu.memory_space<semaphore_mem>>) src(%dma_wait3A_199 : memref<100000x128xf32, #tpu.memory_space<hbm>>) dst(%arg16 : memref<32x128xf32, #tpu.memory_space<vmem>>)
      %dma_wait3A_200 = arith.constant 8 : i32
      %dma_wait3A_201 = arith.constant 0 : i32
      %dma_wait3A_202 = tpu.memref_slice %arg6[%dma_wait3A_200, %dma_wait3A_201] : memref<11x32xi32, #tpu.memory_space<vmem>> -> memref<1x32xi32, #tpu.memory_space<vmem>>
      %dma_wait3A_203 = tpu.memref_squeeze %dma_wait3A_202 : memref<1x32xi32, #tpu.memory_space<vmem>> -> memref<32xi32, #tpu.memory_space<vmem>>
      %dma_wait3A_204 = arith.constant 0 : i32
      %dma_wait3A_205 = arith.constant 0 : i32
      %dma_wait3A_206 = tpu.memref_slice %arg2[%dma_wait3A_204, %dma_wait3A_205] : memref<100000x128xf32, #tpu.memory_space<hbm>> -> memref<100000x128xf32, #tpu.memory_space<hbm>>
      tpu.wait_indirect_dma semaphore(%arg32 : memref<!tpu.dma_semaphore, #tpu.memory_space<semaphore_mem>>) src(%dma_wait3A_206 : memref<100000x128xf32, #tpu.memory_space<hbm>>) dst(%arg17 : memref<32x128xf32, #tpu.memory_space<vmem>>)
      %dma_wait3A_207 = arith.constant 9 : i32
      %dma_wait3A_208 = arith.constant 0 : i32
      %dma_wait3A_209 = tpu.memref_slice %arg6[%dma_wait3A_207, %dma_wait3A_208] : memref<11x32xi32, #tpu.memory_space<vmem>> -> memref<1x32xi32, #tpu.memory_space<vmem>>
      %dma_wait3A_210 = tpu.memref_squeeze %dma_wait3A_209 : memref<1x32xi32, #tpu.memory_space<vmem>> -> memref<32xi32, #tpu.memory_space<vmem>>
      %dma_wait3A_211 = arith.constant 0 : i32
      %dma_wait3A_212 = arith.constant 0 : i32
      %dma_wait3A_213 = tpu.memref_slice %arg2[%dma_wait3A_211, %dma_wait3A_212] : memref<100000x128xf32, #tpu.memory_space<hbm>> -> memref<100000x128xf32, #tpu.memory_space<hbm>>
      tpu.wait_indirect_dma semaphore(%arg32 : memref<!tpu.dma_semaphore, #tpu.memory_space<semaphore_mem>>) src(%dma_wait3A_213 : memref<100000x128xf32, #tpu.memory_space<hbm>>) dst(%arg18 : memref<32x128xf32, #tpu.memory_space<vmem>>)
      %dma_wait3A_214 = arith.constant 10 : i32
      %dma_wait3A_215 = arith.constant 0 : i32
      %dma_wait3A_216 = tpu.memref_slice %arg6[%dma_wait3A_214, %dma_wait3A_215] : memref<11x32xi32, #tpu.memory_space<vmem>> -> memref<1x32xi32, #tpu.memory_space<vmem>>
      %dma_wait3A_217 = tpu.memref_squeeze %dma_wait3A_216 : memref<1x32xi32, #tpu.memory_space<vmem>> -> memref<32xi32, #tpu.memory_space<vmem>>
      %dma_wait3A_218 = arith.constant 0 : i32
      %dma_wait3A_219 = arith.constant 0 : i32
      %dma_wait3A_220 = tpu.memref_slice %arg2[%dma_wait3A_218, %dma_wait3A_219] : memref<100000x128xf32, #tpu.memory_space<hbm>> -> memref<100000x128xf32, #tpu.memory_space<hbm>>
      tpu.wait_indirect_dma semaphore(%arg32 : memref<!tpu.dma_semaphore, #tpu.memory_space<semaphore_mem>>) src(%dma_wait3A_220 : memref<100000x128xf32, #tpu.memory_space<hbm>>) dst(%arg19 : memref<32x128xf32, #tpu.memory_space<vmem>>)
      %add3A_221 = arith.constant 2 : i32
      %add3A_222 = arith.addi %mul3A_136, %add3A_221 : i32
      %lt3A_223 = arith.cmpi slt, %add3A_222, %select_n3A_2 : i32
      %convert_element_type3A_224 = arith.extui %lt3A_223 : i1 to i32
      %cond3A_225 = arith.constant 0 : i32
      %cond3A_226 = arith.cmpi ne, %convert_element_type3A_224, %cond3A_225 : i32
      scf.if %cond3A_226 {
        %add3A_358 = arith.constant 2 : i32
        %add3A_359 = arith.addi %mul3A_136, %add3A_358 : i32
        %add3A_360 = arith.addi %select_n3A_7, %add3A_359 : i32
        %dma_start3A_361 = arith.constant 0 : i32
        %dma_start3A_362 = arith.constant 0 : i32
        %dma_start3A_363 = tpu.memref_slice %arg3[%add3A_360, %dma_start3A_361, %dma_start3A_362] : memref<1600x11x32xi32, #tpu.memory_space<hbm>> -> memref<1x11x32xi32, #tpu.memory_space<hbm>>
        %dma_start3A_364 = tpu.memref_squeeze %dma_start3A_363 : memref<1x11x32xi32, #tpu.memory_space<hbm>> -> memref<11x32xi32, #tpu.memory_space<hbm>>
        %dma_start3A_365 = arith.constant 0 : i32
        %dma_start3A_366 = arith.constant 0 : i32
        %dma_start3A_367 = tpu.memref_slice %arg3[%add3A_360, %dma_start3A_365, %dma_start3A_366] : memref<1600x11x32xi32, #tpu.memory_space<hbm>> -> memref<1x11x32xi32, #tpu.memory_space<hbm>>
        %dma_start3A_368 = tpu.memref_squeeze %dma_start3A_367 : memref<1x11x32xi32, #tpu.memory_space<hbm>> -> memref<11x32xi32, #tpu.memory_space<hbm>>
        tpu.enqueue_dma source(%dma_start3A_368 : memref<11x32xi32, #tpu.memory_space<hbm>>) target(%arg6 : memref<11x32xi32, #tpu.memory_space<vmem>>) target_semaphore(%arg30 : memref<!tpu.dma_semaphore, #tpu.memory_space<semaphore_mem>>)
      } else {
      }
      %scan3A = arith.constant 0 : i32
      %scan3A_227 = arith.constant 0 : i32
      %scan3A_228 = arith.constant 32 : i32
      %scan3A_229 = arith.addi %scan3A_227, %scan3A_228 : i32
      %scan3A_230 = arith.constant 1 : i32
      scf.for %scan3A_358 = %scan3A_227 to %scan3A_229 step %scan3A_230  : i32 {
        %get3A = arith.index_cast %scan3A_358 : i32 to index
        %get3A_359 = arith.constant 0 : index
        %get3A_360 = tpu.vector_load %arg10[%get3A, %get3A_359] {strides = array<i32>} : memref<32x128xf32, #tpu.memory_space<vmem>>, vector<1x16xf32>,
        %get3A_361 = vector.shape_cast %get3A_360 : vector<1x16xf32> to vector<16xf32>
        %get3A_362 = arith.index_cast %scan3A_358 : i32 to index
        %get3A_363 = arith.constant 0 : index
        %get3A_364 = tpu.vector_load %arg11[%get3A_362, %get3A_363] {strides = array<i32>} : memref<32x128xf32, #tpu.memory_space<vmem>>, vector<1x16xf32>,
        %get3A_365 = vector.shape_cast %get3A_364 : vector<1x16xf32> to vector<16xf32>
        %add3A_366 = arith.addf %get3A_361, %get3A_365 : vector<16xf32>
        %get3A_367 = arith.index_cast %scan3A_358 : i32 to index
        %get3A_368 = arith.constant 0 : index
        %get3A_369 = tpu.vector_load %arg12[%get3A_367, %get3A_368] {strides = array<i32>} : memref<32x128xf32, #tpu.memory_space<vmem>>, vector<1x16xf32>,
        %get3A_370 = vector.shape_cast %get3A_369 : vector<1x16xf32> to vector<16xf32>
        %add3A_371 = arith.addf %add3A_366, %get3A_370 : vector<16xf32>
        %get3A_372 = arith.index_cast %scan3A_358 : i32 to index
        %get3A_373 = arith.constant 0 : index
        %get3A_374 = tpu.vector_load %arg13[%get3A_372, %get3A_373] {strides = array<i32>} : memref<32x128xf32, #tpu.memory_space<vmem>>, vector<1x16xf32>,
        %get3A_375 = vector.shape_cast %get3A_374 : vector<1x16xf32> to vector<16xf32>
        %add3A_376 = arith.addf %add3A_371, %get3A_375 : vector<16xf32>
        %get3A_377 = arith.index_cast %scan3A_358 : i32 to index
        %get3A_378 = arith.constant 0 : index
        %get3A_379 = tpu.vector_load %arg14[%get3A_377, %get3A_378] {strides = array<i32>} : memref<32x128xf32, #tpu.memory_space<vmem>>, vector<1x16xf32>,
        %get3A_380 = vector.shape_cast %get3A_379 : vector<1x16xf32> to vector<16xf32>
        %add3A_381 = arith.addf %add3A_376, %get3A_380 : vector<16xf32>
        %get3A_382 = arith.index_cast %scan3A_358 : i32 to index
        %get3A_383 = arith.constant 0 : index
        %get3A_384 = tpu.vector_load %arg15[%get3A_382, %get3A_383] {strides = array<i32>} : memref<32x128xf32, #tpu.memory_space<vmem>>, vector<1x16xf32>,
        %get3A_385 = vector.shape_cast %get3A_384 : vector<1x16xf32> to vector<16xf32>
        %add3A_386 = arith.addf %add3A_381, %get3A_385 : vector<16xf32>
        %get3A_387 = arith.index_cast %scan3A_358 : i32 to index
        %get3A_388 = arith.constant 0 : index
        %get3A_389 = tpu.vector_load %arg16[%get3A_387, %get3A_388] {strides = array<i32>} : memref<32x128xf32, #tpu.memory_space<vmem>>, vector<1x16xf32>,
        %get3A_390 = vector.shape_cast %get3A_389 : vector<1x16xf32> to vector<16xf32>
        %add3A_391 = arith.addf %add3A_386, %get3A_390 : vector<16xf32>
        %get3A_392 = arith.index_cast %scan3A_358 : i32 to index
        %get3A_393 = arith.constant 0 : index
        %get3A_394 = tpu.vector_load %arg17[%get3A_392, %get3A_393] {strides = array<i32>} : memref<32x128xf32, #tpu.memory_space<vmem>>, vector<1x16xf32>,
        %get3A_395 = vector.shape_cast %get3A_394 : vector<1x16xf32> to vector<16xf32>
        %add3A_396 = arith.addf %add3A_391, %get3A_395 : vector<16xf32>
        %get3A_397 = arith.index_cast %scan3A_358 : i32 to index
        %get3A_398 = arith.constant 0 : index
        %get3A_399 = tpu.vector_load %arg18[%get3A_397, %get3A_398] {strides = array<i32>} : memref<32x128xf32, #tpu.memory_space<vmem>>, vector<1x16xf32>,
        %get3A_400 = vector.shape_cast %get3A_399 : vector<1x16xf32> to vector<16xf32>
        %add3A_401 = arith.addf %add3A_396, %get3A_400 : vector<16xf32>
        %get3A_402 = arith.index_cast %scan3A_358 : i32 to index
        %get3A_403 = arith.constant 0 : index
        %get3A_404 = tpu.vector_load %arg19[%get3A_402, %get3A_403] {strides = array<i32>} : memref<32x128xf32, #tpu.memory_space<vmem>>, vector<1x16xf32>,
        %get3A_405 = vector.shape_cast %get3A_404 : vector<1x16xf32> to vector<16xf32>
        %add3A_406 = arith.addf %add3A_401, %get3A_405 : vector<16xf32>
        %swap3A = arith.index_cast %scan3A_358 : i32 to index
        %swap3A_407 = arith.constant 0 : index
        %swap3A_408 = tpu.vector_load %arg10[%swap3A, %swap3A_407] {strides = array<i32>} : memref<32x128xf32, #tpu.memory_space<vmem>>, vector<1x16xf32>,
        %swap3A_409 = vector.shape_cast %swap3A_408 : vector<1x16xf32> to vector<16xf32>
        %swap3A_410 = vector.shape_cast %add3A_406 : vector<16xf32> to vector<1x16xf32>
        tpu.vector_store %arg10[%swap3A, %swap3A_407], %swap3A_410 {strides = array<i32>} : memref<32x128xf32, #tpu.memory_space<vmem>>, vector<1x16xf32>,
        %get3A_411 = arith.index_cast %scan3A_358 : i32 to index
        %get3A_412 = arith.constant 16 : index
        %get3A_413 = tpu.vector_load %arg10[%get3A_411, %get3A_412] {strides = array<i32>} : memref<32x128xf32, #tpu.memory_space<vmem>>, vector<1x16xf32>,
        %get3A_414 = vector.shape_cast %get3A_413 : vector<1x16xf32> to vector<16xf32>
        %get3A_415 = arith.index_cast %scan3A_358 : i32 to index
        %get3A_416 = arith.constant 16 : index
        %get3A_417 = tpu.vector_load %arg11[%get3A_415, %get3A_416] {strides = array<i32>} : memref<32x128xf32, #tpu.memory_space<vmem>>, vector<1x16xf32>,
        %get3A_418 = vector.shape_cast %get3A_417 : vector<1x16xf32> to vector<16xf32>
        %add3A_419 = arith.addf %get3A_414, %get3A_418 : vector<16xf32>
        %get3A_420 = arith.index_cast %scan3A_358 : i32 to index
        %get3A_421 = arith.constant 16 : index
        %get3A_422 = tpu.vector_load %arg12[%get3A_420, %get3A_421] {strides = array<i32>} : memref<32x128xf32, #tpu.memory_space<vmem>>, vector<1x16xf32>,
        %get3A_423 = vector.shape_cast %get3A_422 : vector<1x16xf32> to vector<16xf32>
        %add3A_424 = arith.addf %add3A_419, %get3A_423 : vector<16xf32>
        %get3A_425 = arith.index_cast %scan3A_358 : i32 to index
        %get3A_426 = arith.constant 16 : index
        %get3A_427 = tpu.vector_load %arg13[%get3A_425, %get3A_426] {strides = array<i32>} : memref<32x128xf32, #tpu.memory_space<vmem>>, vector<1x16xf32>,
        %get3A_428 = vector.shape_cast %get3A_427 : vector<1x16xf32> to vector<16xf32>
        %add3A_429 = arith.addf %add3A_424, %get3A_428 : vector<16xf32>
        %get3A_430 = arith.index_cast %scan3A_358 : i32 to index
        %get3A_431 = arith.constant 16 : index
        %get3A_432 = tpu.vector_load %arg14[%get3A_430, %get3A_431] {strides = array<i32>} : memref<32x128xf32, #tpu.memory_space<vmem>>, vector<1x16xf32>,
        %get3A_433 = vector.shape_cast %get3A_432 : vector<1x16xf32> to vector<16xf32>
        %add3A_434 = arith.addf %add3A_429, %get3A_433 : vector<16xf32>
        %get3A_435 = arith.index_cast %scan3A_358 : i32 to index
        %get3A_436 = arith.constant 16 : index
        %get3A_437 = tpu.vector_load %arg15[%get3A_435, %get3A_436] {strides = array<i32>} : memref<32x128xf32, #tpu.memory_space<vmem>>, vector<1x16xf32>,
        %get3A_438 = vector.shape_cast %get3A_437 : vector<1x16xf32> to vector<16xf32>
        %add3A_439 = arith.addf %add3A_434, %get3A_438 : vector<16xf32>
        %get3A_440 = arith.index_cast %scan3A_358 : i32 to index
        %get3A_441 = arith.constant 16 : index
        %get3A_442 = tpu.vector_load %arg16[%get3A_440, %get3A_441] {strides = array<i32>} : memref<32x128xf32, #tpu.memory_space<vmem>>, vector<1x16xf32>,
        %get3A_443 = vector.shape_cast %get3A_442 : vector<1x16xf32> to vector<16xf32>
        %add3A_444 = arith.addf %add3A_439, %get3A_443 : vector<16xf32>
        %get3A_445 = arith.index_cast %scan3A_358 : i32 to index
        %get3A_446 = arith.constant 16 : index
        %get3A_447 = tpu.vector_load %arg17[%get3A_445, %get3A_446] {strides = array<i32>} : memref<32x128xf32, #tpu.memory_space<vmem>>, vector<1x16xf32>,
        %get3A_448 = vector.shape_cast %get3A_447 : vector<1x16xf32> to vector<16xf32>
        %add3A_449 = arith.addf %add3A_444, %get3A_448 : vector<16xf32>
        %get3A_450 = arith.index_cast %scan3A_358 : i32 to index
        %get3A_451 = arith.constant 16 : index
        %get3A_452 = tpu.vector_load %arg18[%get3A_450, %get3A_451] {strides = array<i32>} : memref<32x128xf32, #tpu.memory_space<vmem>>, vector<1x16xf32>,
        %get3A_453 = vector.shape_cast %get3A_452 : vector<1x16xf32> to vector<16xf32>
        %add3A_454 = arith.addf %add3A_449, %get3A_453 : vector<16xf32>
        %get3A_455 = arith.index_cast %scan3A_358 : i32 to index
        %get3A_456 = arith.constant 16 : index
        %get3A_457 = tpu.vector_load %arg19[%get3A_455, %get3A_456] {strides = array<i32>} : memref<32x128xf32, #tpu.memory_space<vmem>>, vector<1x16xf32>,
        %get3A_458 = vector.shape_cast %get3A_457 : vector<1x16xf32> to vector<16xf32>
        %add3A_459 = arith.addf %add3A_454, %get3A_458 : vector<16xf32>
        %swap3A_460 = arith.index_cast %scan3A_358 : i32 to index
        %swap3A_461 = arith.constant 16 : index
        %swap3A_462 = tpu.vector_load %arg10[%swap3A_460, %swap3A_461] {strides = array<i32>} : memref<32x128xf32, #tpu.memory_space<vmem>>, vector<1x16xf32>,
        %swap3A_463 = vector.shape_cast %swap3A_462 : vector<1x16xf32> to vector<16xf32>
        %swap3A_464 = vector.shape_cast %add3A_459 : vector<16xf32> to vector<1x16xf32>
        tpu.vector_store %arg10[%swap3A_460, %swap3A_461], %swap3A_464 {strides = array<i32>} : memref<32x128xf32, #tpu.memory_space<vmem>>, vector<1x16xf32>,
        %get3A_465 = arith.index_cast %scan3A_358 : i32 to index
        %get3A_466 = arith.constant 32 : index
        %get3A_467 = tpu.vector_load %arg10[%get3A_465, %get3A_466] {strides = array<i32>} : memref<32x128xf32, #tpu.memory_space<vmem>>, vector<1x16xf32>,
        %get3A_468 = vector.shape_cast %get3A_467 : vector<1x16xf32> to vector<16xf32>
        %get3A_469 = arith.index_cast %scan3A_358 : i32 to index
        %get3A_470 = arith.constant 32 : index
        %get3A_471 = tpu.vector_load %arg11[%get3A_469, %get3A_470] {strides = array<i32>} : memref<32x128xf32, #tpu.memory_space<vmem>>, vector<1x16xf32>,
        %get3A_472 = vector.shape_cast %get3A_471 : vector<1x16xf32> to vector<16xf32>
        %add3A_473 = arith.addf %get3A_468, %get3A_472 : vector<16xf32>
        %get3A_474 = arith.index_cast %scan3A_358 : i32 to index
        %get3A_475 = arith.constant 32 : index
        %get3A_476 = tpu.vector_load %arg12[%get3A_474, %get3A_475] {strides = array<i32>} : memref<32x128xf32, #tpu.memory_space<vmem>>, vector<1x16xf32>,
        %get3A_477 = vector.shape_cast %get3A_476 : vector<1x16xf32> to vector<16xf32>
        %add3A_478 = arith.addf %add3A_473, %get3A_477 : vector<16xf32>
        %get3A_479 = arith.index_cast %scan3A_358 : i32 to index
        %get3A_480 = arith.constant 32 : index
        %get3A_481 = tpu.vector_load %arg13[%get3A_479, %get3A_480] {strides = array<i32>} : memref<32x128xf32, #tpu.memory_space<vmem>>, vector<1x16xf32>,
        %get3A_482 = vector.shape_cast %get3A_481 : vector<1x16xf32> to vector<16xf32>
        %add3A_483 = arith.addf %add3A_478, %get3A_482 : vector<16xf32>
        %get3A_484 = arith.index_cast %scan3A_358 : i32 to index
        %get3A_485 = arith.constant 32 : index
        %get3A_486 = tpu.vector_load %arg14[%get3A_484, %get3A_485] {strides = array<i32>} : memref<32x128xf32, #tpu.memory_space<vmem>>, vector<1x16xf32>,
        %get3A_487 = vector.shape_cast %get3A_486 : vector<1x16xf32> to vector<16xf32>
        %add3A_488 = arith.addf %add3A_483, %get3A_487 : vector<16xf32>
        %get3A_489 = arith.index_cast %scan3A_358 : i32 to index
        %get3A_490 = arith.constant 32 : index
        %get3A_491 = tpu.vector_load %arg15[%get3A_489, %get3A_490] {strides = array<i32>} : memref<32x128xf32, #tpu.memory_space<vmem>>, vector<1x16xf32>,
        %get3A_492 = vector.shape_cast %get3A_491 : vector<1x16xf32> to vector<16xf32>
        %add3A_493 = arith.addf %add3A_488, %get3A_492 : vector<16xf32>
        %get3A_494 = arith.index_cast %scan3A_358 : i32 to index
        %get3A_495 = arith.constant 32 : index
        %get3A_496 = tpu.vector_load %arg16[%get3A_494, %get3A_495] {strides = array<i32>} : memref<32x128xf32, #tpu.memory_space<vmem>>, vector<1x16xf32>,
        %get3A_497 = vector.shape_cast %get3A_496 : vector<1x16xf32> to vector<16xf32>
        %add3A_498 = arith.addf %add3A_493, %get3A_497 : vector<16xf32>
        %get3A_499 = arith.index_cast %scan3A_358 : i32 to index
        %get3A_500 = arith.constant 32 : index
        %get3A_501 = tpu.vector_load %arg17[%get3A_499, %get3A_500] {strides = array<i32>} : memref<32x128xf32, #tpu.memory_space<vmem>>, vector<1x16xf32>,
        %get3A_502 = vector.shape_cast %get3A_501 : vector<1x16xf32> to vector<16xf32>
        %add3A_503 = arith.addf %add3A_498, %get3A_502 : vector<16xf32>
        %get3A_504 = arith.index_cast %scan3A_358 : i32 to index
        %get3A_505 = arith.constant 32 : index
        %get3A_506 = tpu.vector_load %arg18[%get3A_504, %get3A_505] {strides = array<i32>} : memref<32x128xf32, #tpu.memory_space<vmem>>, vector<1x16xf32>,
        %get3A_507 = vector.shape_cast %get3A_506 : vector<1x16xf32> to vector<16xf32>
        %add3A_508 = arith.addf %add3A_503, %get3A_507 : vector<16xf32>
        %get3A_509 = arith.index_cast %scan3A_358 : i32 to index
        %get3A_510 = arith.constant 32 : index
        %get3A_511 = tpu.vector_load %arg19[%get3A_509, %get3A_510] {strides = array<i32>} : memref<32x128xf32, #tpu.memory_space<vmem>>, vector<1x16xf32>,
        %get3A_512 = vector.shape_cast %get3A_511 : vector<1x16xf32> to vector<16xf32>
        %add3A_513 = arith.addf %add3A_508, %get3A_512 : vector<16xf32>
        %swap3A_514 = arith.index_cast %scan3A_358 : i32 to index
        %swap3A_515 = arith.constant 32 : index
        %swap3A_516 = tpu.vector_load %arg10[%swap3A_514, %swap3A_515] {strides = array<i32>} : memref<32x128xf32, #tpu.memory_space<vmem>>, vector<1x16xf32>,
        %swap3A_517 = vector.shape_cast %swap3A_516 : vector<1x16xf32> to vector<16xf32>
        %swap3A_518 = vector.shape_cast %add3A_513 : vector<16xf32> to vector<1x16xf32>
        tpu.vector_store %arg10[%swap3A_514, %swap3A_515], %swap3A_518 {strides = array<i32>} : memref<32x128xf32, #tpu.memory_space<vmem>>, vector<1x16xf32>,
        %get3A_519 = arith.index_cast %scan3A_358 : i32 to index
        %get3A_520 = arith.constant 48 : index
        %get3A_521 = tpu.vector_load %arg10[%get3A_519, %get3A_520] {strides = array<i32>} : memref<32x128xf32, #tpu.memory_space<vmem>>, vector<1x16xf32>,
        %get3A_522 = vector.shape_cast %get3A_521 : vector<1x16xf32> to vector<16xf32>
        %get3A_523 = arith.index_cast %scan3A_358 : i32 to index
        %get3A_524 = arith.constant 48 : index
        %get3A_525 = tpu.vector_load %arg11[%get3A_523, %get3A_524] {strides = array<i32>} : memref<32x128xf32, #tpu.memory_space<vmem>>, vector<1x16xf32>,
        %get3A_526 = vector.shape_cast %get3A_525 : vector<1x16xf32> to vector<16xf32>
        %add3A_527 = arith.addf %get3A_522, %get3A_526 : vector<16xf32>
        %get3A_528 = arith.index_cast %scan3A_358 : i32 to index
        %get3A_529 = arith.constant 48 : index
        %get3A_530 = tpu.vector_load %arg12[%get3A_528, %get3A_529] {strides = array<i32>} : memref<32x128xf32, #tpu.memory_space<vmem>>, vector<1x16xf32>,
        %get3A_531 = vector.shape_cast %get3A_530 : vector<1x16xf32> to vector<16xf32>
        %add3A_532 = arith.addf %add3A_527, %get3A_531 : vector<16xf32>
        %get3A_533 = arith.index_cast %scan3A_358 : i32 to index
        %get3A_534 = arith.constant 48 : index
        %get3A_535 = tpu.vector_load %arg13[%get3A_533, %get3A_534] {strides = array<i32>} : memref<32x128xf32, #tpu.memory_space<vmem>>, vector<1x16xf32>,
        %get3A_536 = vector.shape_cast %get3A_535 : vector<1x16xf32> to vector<16xf32>
        %add3A_537 = arith.addf %add3A_532, %get3A_536 : vector<16xf32>
        %get3A_538 = arith.index_cast %scan3A_358 : i32 to index
        %get3A_539 = arith.constant 48 : index
        %get3A_540 = tpu.vector_load %arg14[%get3A_538, %get3A_539] {strides = array<i32>} : memref<32x128xf32, #tpu.memory_space<vmem>>, vector<1x16xf32>,
        %get3A_541 = vector.shape_cast %get3A_540 : vector<1x16xf32> to vector<16xf32>
        %add3A_542 = arith.addf %add3A_537, %get3A_541 : vector<16xf32>
        %get3A_543 = arith.index_cast %scan3A_358 : i32 to index
        %get3A_544 = arith.constant 48 : index
        %get3A_545 = tpu.vector_load %arg15[%get3A_543, %get3A_544] {strides = array<i32>} : memref<32x128xf32, #tpu.memory_space<vmem>>, vector<1x16xf32>,
        %get3A_546 = vector.shape_cast %get3A_545 : vector<1x16xf32> to vector<16xf32>
        %add3A_547 = arith.addf %add3A_542, %get3A_546 : vector<16xf32>
        %get3A_548 = arith.index_cast %scan3A_358 : i32 to index
        %get3A_549 = arith.constant 48 : index
        %get3A_550 = tpu.vector_load %arg16[%get3A_548, %get3A_549] {strides = array<i32>} : memref<32x128xf32, #tpu.memory_space<vmem>>, vector<1x16xf32>,
        %get3A_551 = vector.shape_cast %get3A_550 : vector<1x16xf32> to vector<16xf32>
        %add3A_552 = arith.addf %add3A_547, %get3A_551 : vector<16xf32>
        %get3A_553 = arith.index_cast %scan3A_358 : i32 to index
        %get3A_554 = arith.constant 48 : index
        %get3A_555 = tpu.vector_load %arg17[%get3A_553, %get3A_554] {strides = array<i32>} : memref<32x128xf32, #tpu.memory_space<vmem>>, vector<1x16xf32>,
        %get3A_556 = vector.shape_cast %get3A_555 : vector<1x16xf32> to vector<16xf32>
        %add3A_557 = arith.addf %add3A_552, %get3A_556 : vector<16xf32>
        %get3A_558 = arith.index_cast %scan3A_358 : i32 to index
        %get3A_559 = arith.constant 48 : index
        %get3A_560 = tpu.vector_load %arg18[%get3A_558, %get3A_559] {strides = array<i32>} : memref<32x128xf32, #tpu.memory_space<vmem>>, vector<1x16xf32>,
        %get3A_561 = vector.shape_cast %get3A_560 : vector<1x16xf32> to vector<16xf32>
        %add3A_562 = arith.addf %add3A_557, %get3A_561 : vector<16xf32>
        %get3A_563 = arith.index_cast %scan3A_358 : i32 to index
        %get3A_564 = arith.constant 48 : index
        %get3A_565 = tpu.vector_load %arg19[%get3A_563, %get3A_564] {strides = array<i32>} : memref<32x128xf32, #tpu.memory_space<vmem>>, vector<1x16xf32>,
        %get3A_566 = vector.shape_cast %get3A_565 : vector<1x16xf32> to vector<16xf32>
        %add3A_567 = arith.addf %add3A_562, %get3A_566 : vector<16xf32>
        %swap3A_568 = arith.index_cast %scan3A_358 : i32 to index
        %swap3A_569 = arith.constant 48 : index
        %swap3A_570 = tpu.vector_load %arg10[%swap3A_568, %swap3A_569] {strides = array<i32>} : memref<32x128xf32, #tpu.memory_space<vmem>>, vector<1x16xf32>,
        %swap3A_571 = vector.shape_cast %swap3A_570 : vector<1x16xf32> to vector<16xf32>
        %swap3A_572 = vector.shape_cast %add3A_567 : vector<16xf32> to vector<1x16xf32>
        tpu.vector_store %arg10[%swap3A_568, %swap3A_569], %swap3A_572 {strides = array<i32>} : memref<32x128xf32, #tpu.memory_space<vmem>>, vector<1x16xf32>,
        %get3A_573 = arith.index_cast %scan3A_358 : i32 to index
        %get3A_574 = arith.constant 64 : index
        %get3A_575 = tpu.vector_load %arg10[%get3A_573, %get3A_574] {strides = array<i32>} : memref<32x128xf32, #tpu.memory_space<vmem>>, vector<1x16xf32>,
        %get3A_576 = vector.shape_cast %get3A_575 : vector<1x16xf32> to vector<16xf32>
        %get3A_577 = arith.index_cast %scan3A_358 : i32 to index
        %get3A_578 = arith.constant 64 : index
        %get3A_579 = tpu.vector_load %arg11[%get3A_577, %get3A_578] {strides = array<i32>} : memref<32x128xf32, #tpu.memory_space<vmem>>, vector<1x16xf32>,
        %get3A_580 = vector.shape_cast %get3A_579 : vector<1x16xf32> to vector<16xf32>
        %add3A_581 = arith.addf %get3A_576, %get3A_580 : vector<16xf32>
        %get3A_582 = arith.index_cast %scan3A_358 : i32 to index
        %get3A_583 = arith.constant 64 : index
        %get3A_584 = tpu.vector_load %arg12[%get3A_582, %get3A_583] {strides = array<i32>} : memref<32x128xf32, #tpu.memory_space<vmem>>, vector<1x16xf32>,
        %get3A_585 = vector.shape_cast %get3A_584 : vector<1x16xf32> to vector<16xf32>
        %add3A_586 = arith.addf %add3A_581, %get3A_585 : vector<16xf32>
        %get3A_587 = arith.index_cast %scan3A_358 : i32 to index
        %get3A_588 = arith.constant 64 : index
        %get3A_589 = tpu.vector_load %arg13[%get3A_587, %get3A_588] {strides = array<i32>} : memref<32x128xf32, #tpu.memory_space<vmem>>, vector<1x16xf32>,
        %get3A_590 = vector.shape_cast %get3A_589 : vector<1x16xf32> to vector<16xf32>
        %add3A_591 = arith.addf %add3A_586, %get3A_590 : vector<16xf32>
        %get3A_592 = arith.index_cast %scan3A_358 : i32 to index
        %get3A_593 = arith.constant 64 : index
        %get3A_594 = tpu.vector_load %arg14[%get3A_592, %get3A_593] {strides = array<i32>} : memref<32x128xf32, #tpu.memory_space<vmem>>, vector<1x16xf32>,
        %get3A_595 = vector.shape_cast %get3A_594 : vector<1x16xf32> to vector<16xf32>
        %add3A_596 = arith.addf %add3A_591, %get3A_595 : vector<16xf32>
        %get3A_597 = arith.index_cast %scan3A_358 : i32 to index
        %get3A_598 = arith.constant 64 : index
        %get3A_599 = tpu.vector_load %arg15[%get3A_597, %get3A_598] {strides = array<i32>} : memref<32x128xf32, #tpu.memory_space<vmem>>, vector<1x16xf32>,
        %get3A_600 = vector.shape_cast %get3A_599 : vector<1x16xf32> to vector<16xf32>
        %add3A_601 = arith.addf %add3A_596, %get3A_600 : vector<16xf32>
        %get3A_602 = arith.index_cast %scan3A_358 : i32 to index
        %get3A_603 = arith.constant 64 : index
        %get3A_604 = tpu.vector_load %arg16[%get3A_602, %get3A_603] {strides = array<i32>} : memref<32x128xf32, #tpu.memory_space<vmem>>, vector<1x16xf32>,
        %get3A_605 = vector.shape_cast %get3A_604 : vector<1x16xf32> to vector<16xf32>
        %add3A_606 = arith.addf %add3A_601, %get3A_605 : vector<16xf32>
        %get3A_607 = arith.index_cast %scan3A_358 : i32 to index
        %get3A_608 = arith.constant 64 : index
        %get3A_609 = tpu.vector_load %arg17[%get3A_607, %get3A_608] {strides = array<i32>} : memref<32x128xf32, #tpu.memory_space<vmem>>, vector<1x16xf32>,
        %get3A_610 = vector.shape_cast %get3A_609 : vector<1x16xf32> to vector<16xf32>
        %add3A_611 = arith.addf %add3A_606, %get3A_610 : vector<16xf32>
        %get3A_612 = arith.index_cast %scan3A_358 : i32 to index
        %get3A_613 = arith.constant 64 : index
        %get3A_614 = tpu.vector_load %arg18[%get3A_612, %get3A_613] {strides = array<i32>} : memref<32x128xf32, #tpu.memory_space<vmem>>, vector<1x16xf32>,
        %get3A_615 = vector.shape_cast %get3A_614 : vector<1x16xf32> to vector<16xf32>
        %add3A_616 = arith.addf %add3A_611, %get3A_615 : vector<16xf32>
        %get3A_617 = arith.index_cast %scan3A_358 : i32 to index
        %get3A_618 = arith.constant 64 : index
        %get3A_619 = tpu.vector_load %arg19[%get3A_617, %get3A_618] {strides = array<i32>} : memref<32x128xf32, #tpu.memory_space<vmem>>, vector<1x16xf32>,
        %get3A_620 = vector.shape_cast %get3A_619 : vector<1x16xf32> to vector<16xf32>
        %add3A_621 = arith.addf %add3A_616, %get3A_620 : vector<16xf32>
        %swap3A_622 = arith.index_cast %scan3A_358 : i32 to index
        %swap3A_623 = arith.constant 64 : index
        %swap3A_624 = tpu.vector_load %arg10[%swap3A_622, %swap3A_623] {strides = array<i32>} : memref<32x128xf32, #tpu.memory_space<vmem>>, vector<1x16xf32>,
        %swap3A_625 = vector.shape_cast %swap3A_624 : vector<1x16xf32> to vector<16xf32>
        %swap3A_626 = vector.shape_cast %add3A_621 : vector<16xf32> to vector<1x16xf32>
        tpu.vector_store %arg10[%swap3A_622, %swap3A_623], %swap3A_626 {strides = array<i32>} : memref<32x128xf32, #tpu.memory_space<vmem>>, vector<1x16xf32>,
        %get3A_627 = arith.index_cast %scan3A_358 : i32 to index
        %get3A_628 = arith.constant 80 : index
        %get3A_629 = tpu.vector_load %arg10[%get3A_627, %get3A_628] {strides = array<i32>} : memref<32x128xf32, #tpu.memory_space<vmem>>, vector<1x16xf32>,
        %get3A_630 = vector.shape_cast %get3A_629 : vector<1x16xf32> to vector<16xf32>
        %get3A_631 = arith.index_cast %scan3A_358 : i32 to index
        %get3A_632 = arith.constant 80 : index
        %get3A_633 = tpu.vector_load %arg11[%get3A_631, %get3A_632] {strides = array<i32>} : memref<32x128xf32, #tpu.memory_space<vmem>>, vector<1x16xf32>,
        %get3A_634 = vector.shape_cast %get3A_633 : vector<1x16xf32> to vector<16xf32>
        %add3A_635 = arith.addf %get3A_630, %get3A_634 : vector<16xf32>
        %get3A_636 = arith.index_cast %scan3A_358 : i32 to index
        %get3A_637 = arith.constant 80 : index
        %get3A_638 = tpu.vector_load %arg12[%get3A_636, %get3A_637] {strides = array<i32>} : memref<32x128xf32, #tpu.memory_space<vmem>>, vector<1x16xf32>,
        %get3A_639 = vector.shape_cast %get3A_638 : vector<1x16xf32> to vector<16xf32>
        %add3A_640 = arith.addf %add3A_635, %get3A_639 : vector<16xf32>
        %get3A_641 = arith.index_cast %scan3A_358 : i32 to index
        %get3A_642 = arith.constant 80 : index
        %get3A_643 = tpu.vector_load %arg13[%get3A_641, %get3A_642] {strides = array<i32>} : memref<32x128xf32, #tpu.memory_space<vmem>>, vector<1x16xf32>,
        %get3A_644 = vector.shape_cast %get3A_643 : vector<1x16xf32> to vector<16xf32>
        %add3A_645 = arith.addf %add3A_640, %get3A_644 : vector<16xf32>
        %get3A_646 = arith.index_cast %scan3A_358 : i32 to index
        %get3A_647 = arith.constant 80 : index
        %get3A_648 = tpu.vector_load %arg14[%get3A_646, %get3A_647] {strides = array<i32>} : memref<32x128xf32, #tpu.memory_space<vmem>>, vector<1x16xf32>,
        %get3A_649 = vector.shape_cast %get3A_648 : vector<1x16xf32> to vector<16xf32>
        %add3A_650 = arith.addf %add3A_645, %get3A_649 : vector<16xf32>
        %get3A_651 = arith.index_cast %scan3A_358 : i32 to index
        %get3A_652 = arith.constant 80 : index
        %get3A_653 = tpu.vector_load %arg15[%get3A_651, %get3A_652] {strides = array<i32>} : memref<32x128xf32, #tpu.memory_space<vmem>>, vector<1x16xf32>,
        %get3A_654 = vector.shape_cast %get3A_653 : vector<1x16xf32> to vector<16xf32>
        %add3A_655 = arith.addf %add3A_650, %get3A_654 : vector<16xf32>
        %get3A_656 = arith.index_cast %scan3A_358 : i32 to index
        %get3A_657 = arith.constant 80 : index
        %get3A_658 = tpu.vector_load %arg16[%get3A_656, %get3A_657] {strides = array<i32>} : memref<32x128xf32, #tpu.memory_space<vmem>>, vector<1x16xf32>,
        %get3A_659 = vector.shape_cast %get3A_658 : vector<1x16xf32> to vector<16xf32>
        %add3A_660 = arith.addf %add3A_655, %get3A_659 : vector<16xf32>
        %get3A_661 = arith.index_cast %scan3A_358 : i32 to index
        %get3A_662 = arith.constant 80 : index
        %get3A_663 = tpu.vector_load %arg17[%get3A_661, %get3A_662] {strides = array<i32>} : memref<32x128xf32, #tpu.memory_space<vmem>>, vector<1x16xf32>,
        %get3A_664 = vector.shape_cast %get3A_663 : vector<1x16xf32> to vector<16xf32>
        %add3A_665 = arith.addf %add3A_660, %get3A_664 : vector<16xf32>
        %get3A_666 = arith.index_cast %scan3A_358 : i32 to index
        %get3A_667 = arith.constant 80 : index
        %get3A_668 = tpu.vector_load %arg18[%get3A_666, %get3A_667] {strides = array<i32>} : memref<32x128xf32, #tpu.memory_space<vmem>>, vector<1x16xf32>,
        %get3A_669 = vector.shape_cast %get3A_668 : vector<1x16xf32> to vector<16xf32>
        %add3A_670 = arith.addf %add3A_665, %get3A_669 : vector<16xf32>
        %get3A_671 = arith.index_cast %scan3A_358 : i32 to index
        %get3A_672 = arith.constant 80 : index
        %get3A_673 = tpu.vector_load %arg19[%get3A_671, %get3A_672] {strides = array<i32>} : memref<32x128xf32, #tpu.memory_space<vmem>>, vector<1x16xf32>,
        %get3A_674 = vector.shape_cast %get3A_673 : vector<1x16xf32> to vector<16xf32>
        %add3A_675 = arith.addf %add3A_670, %get3A_674 : vector<16xf32>
        %swap3A_676 = arith.index_cast %scan3A_358 : i32 to index
        %swap3A_677 = arith.constant 80 : index
        %swap3A_678 = tpu.vector_load %arg10[%swap3A_676, %swap3A_677] {strides = array<i32>} : memref<32x128xf32, #tpu.memory_space<vmem>>, vector<1x16xf32>,
        %swap3A_679 = vector.shape_cast %swap3A_678 : vector<1x16xf32> to vector<16xf32>
        %swap3A_680 = vector.shape_cast %add3A_675 : vector<16xf32> to vector<1x16xf32>
        tpu.vector_store %arg10[%swap3A_676, %swap3A_677], %swap3A_680 {strides = array<i32>} : memref<32x128xf32, #tpu.memory_space<vmem>>, vector<1x16xf32>,
        %get3A_681 = arith.index_cast %scan3A_358 : i32 to index
        %get3A_682 = arith.constant 96 : index
        %get3A_683 = tpu.vector_load %arg10[%get3A_681, %get3A_682] {strides = array<i32>} : memref<32x128xf32, #tpu.memory_space<vmem>>, vector<1x16xf32>,
        %get3A_684 = vector.shape_cast %get3A_683 : vector<1x16xf32> to vector<16xf32>
        %get3A_685 = arith.index_cast %scan3A_358 : i32 to index
        %get3A_686 = arith.constant 96 : index
        %get3A_687 = tpu.vector_load %arg11[%get3A_685, %get3A_686] {strides = array<i32>} : memref<32x128xf32, #tpu.memory_space<vmem>>, vector<1x16xf32>,
        %get3A_688 = vector.shape_cast %get3A_687 : vector<1x16xf32> to vector<16xf32>
        %add3A_689 = arith.addf %get3A_684, %get3A_688 : vector<16xf32>
        %get3A_690 = arith.index_cast %scan3A_358 : i32 to index
        %get3A_691 = arith.constant 96 : index
        %get3A_692 = tpu.vector_load %arg12[%get3A_690, %get3A_691] {strides = array<i32>} : memref<32x128xf32, #tpu.memory_space<vmem>>, vector<1x16xf32>,
        %get3A_693 = vector.shape_cast %get3A_692 : vector<1x16xf32> to vector<16xf32>
        %add3A_694 = arith.addf %add3A_689, %get3A_693 : vector<16xf32>
        %get3A_695 = arith.index_cast %scan3A_358 : i32 to index
        %get3A_696 = arith.constant 96 : index
        %get3A_697 = tpu.vector_load %arg13[%get3A_695, %get3A_696] {strides = array<i32>} : memref<32x128xf32, #tpu.memory_space<vmem>>, vector<1x16xf32>,
        %get3A_698 = vector.shape_cast %get3A_697 : vector<1x16xf32> to vector<16xf32>
        %add3A_699 = arith.addf %add3A_694, %get3A_698 : vector<16xf32>
        %get3A_700 = arith.index_cast %scan3A_358 : i32 to index
        %get3A_701 = arith.constant 96 : index
        %get3A_702 = tpu.vector_load %arg14[%get3A_700, %get3A_701] {strides = array<i32>} : memref<32x128xf32, #tpu.memory_space<vmem>>, vector<1x16xf32>,
        %get3A_703 = vector.shape_cast %get3A_702 : vector<1x16xf32> to vector<16xf32>
        %add3A_704 = arith.addf %add3A_699, %get3A_703 : vector<16xf32>
        %get3A_705 = arith.index_cast %scan3A_358 : i32 to index
        %get3A_706 = arith.constant 96 : index
        %get3A_707 = tpu.vector_load %arg15[%get3A_705, %get3A_706] {strides = array<i32>} : memref<32x128xf32, #tpu.memory_space<vmem>>, vector<1x16xf32>,
        %get3A_708 = vector.shape_cast %get3A_707 : vector<1x16xf32> to vector<16xf32>
        %add3A_709 = arith.addf %add3A_704, %get3A_708 : vector<16xf32>
        %get3A_710 = arith.index_cast %scan3A_358 : i32 to index
        %get3A_711 = arith.constant 96 : index
        %get3A_712 = tpu.vector_load %arg16[%get3A_710, %get3A_711] {strides = array<i32>} : memref<32x128xf32, #tpu.memory_space<vmem>>, vector<1x16xf32>,
        %get3A_713 = vector.shape_cast %get3A_712 : vector<1x16xf32> to vector<16xf32>
        %add3A_714 = arith.addf %add3A_709, %get3A_713 : vector<16xf32>
        %get3A_715 = arith.index_cast %scan3A_358 : i32 to index
        %get3A_716 = arith.constant 96 : index
        %get3A_717 = tpu.vector_load %arg17[%get3A_715, %get3A_716] {strides = array<i32>} : memref<32x128xf32, #tpu.memory_space<vmem>>, vector<1x16xf32>,
        %get3A_718 = vector.shape_cast %get3A_717 : vector<1x16xf32> to vector<16xf32>
        %add3A_719 = arith.addf %add3A_714, %get3A_718 : vector<16xf32>
        %get3A_720 = arith.index_cast %scan3A_358 : i32 to index
        %get3A_721 = arith.constant 96 : index
        %get3A_722 = tpu.vector_load %arg18[%get3A_720, %get3A_721] {strides = array<i32>} : memref<32x128xf32, #tpu.memory_space<vmem>>, vector<1x16xf32>,
        %get3A_723 = vector.shape_cast %get3A_722 : vector<1x16xf32> to vector<16xf32>
        %add3A_724 = arith.addf %add3A_719, %get3A_723 : vector<16xf32>
        %get3A_725 = arith.index_cast %scan3A_358 : i32 to index
        %get3A_726 = arith.constant 96 : index
        %get3A_727 = tpu.vector_load %arg19[%get3A_725, %get3A_726] {strides = array<i32>} : memref<32x128xf32, #tpu.memory_space<vmem>>, vector<1x16xf32>,
        %get3A_728 = vector.shape_cast %get3A_727 : vector<1x16xf32> to vector<16xf32>
        %add3A_729 = arith.addf %add3A_724, %get3A_728 : vector<16xf32>
        %swap3A_730 = arith.index_cast %scan3A_358 : i32 to index
        %swap3A_731 = arith.constant 96 : index
        %swap3A_732 = tpu.vector_load %arg10[%swap3A_730, %swap3A_731] {strides = array<i32>} : memref<32x128xf32, #tpu.memory_space<vmem>>, vector<1x16xf32>,
        %swap3A_733 = vector.shape_cast %swap3A_732 : vector<1x16xf32> to vector<16xf32>
        %swap3A_734 = vector.shape_cast %add3A_729 : vector<16xf32> to vector<1x16xf32>
        tpu.vector_store %arg10[%swap3A_730, %swap3A_731], %swap3A_734 {strides = array<i32>} : memref<32x128xf32, #tpu.memory_space<vmem>>, vector<1x16xf32>,
        %get3A_735 = arith.index_cast %scan3A_358 : i32 to index
        %get3A_736 = arith.constant 112 : index
        %get3A_737 = tpu.vector_load %arg10[%get3A_735, %get3A_736] {strides = array<i32>} : memref<32x128xf32, #tpu.memory_space<vmem>>, vector<1x16xf32>,
        %get3A_738 = vector.shape_cast %get3A_737 : vector<1x16xf32> to vector<16xf32>
        %get3A_739 = arith.index_cast %scan3A_358 : i32 to index
        %get3A_740 = arith.constant 112 : index
        %get3A_741 = tpu.vector_load %arg11[%get3A_739, %get3A_740] {strides = array<i32>} : memref<32x128xf32, #tpu.memory_space<vmem>>, vector<1x16xf32>,
        %get3A_742 = vector.shape_cast %get3A_741 : vector<1x16xf32> to vector<16xf32>
        %add3A_743 = arith.addf %get3A_738, %get3A_742 : vector<16xf32>
        %get3A_744 = arith.index_cast %scan3A_358 : i32 to index
        %get3A_745 = arith.constant 112 : index
        %get3A_746 = tpu.vector_load %arg12[%get3A_744, %get3A_745] {strides = array<i32>} : memref<32x128xf32, #tpu.memory_space<vmem>>, vector<1x16xf32>,
        %get3A_747 = vector.shape_cast %get3A_746 : vector<1x16xf32> to vector<16xf32>
        %add3A_748 = arith.addf %add3A_743, %get3A_747 : vector<16xf32>
        %get3A_749 = arith.index_cast %scan3A_358 : i32 to index
        %get3A_750 = arith.constant 112 : index
        %get3A_751 = tpu.vector_load %arg13[%get3A_749, %get3A_750] {strides = array<i32>} : memref<32x128xf32, #tpu.memory_space<vmem>>, vector<1x16xf32>,
        %get3A_752 = vector.shape_cast %get3A_751 : vector<1x16xf32> to vector<16xf32>
        %add3A_753 = arith.addf %add3A_748, %get3A_752 : vector<16xf32>
        %get3A_754 = arith.index_cast %scan3A_358 : i32 to index
        %get3A_755 = arith.constant 112 : index
        %get3A_756 = tpu.vector_load %arg14[%get3A_754, %get3A_755] {strides = array<i32>} : memref<32x128xf32, #tpu.memory_space<vmem>>, vector<1x16xf32>,
        %get3A_757 = vector.shape_cast %get3A_756 : vector<1x16xf32> to vector<16xf32>
        %add3A_758 = arith.addf %add3A_753, %get3A_757 : vector<16xf32>
        %get3A_759 = arith.index_cast %scan3A_358 : i32 to index
        %get3A_760 = arith.constant 112 : index
        %get3A_761 = tpu.vector_load %arg15[%get3A_759, %get3A_760] {strides = array<i32>} : memref<32x128xf32, #tpu.memory_space<vmem>>, vector<1x16xf32>,
        %get3A_762 = vector.shape_cast %get3A_761 : vector<1x16xf32> to vector<16xf32>
        %add3A_763 = arith.addf %add3A_758, %get3A_762 : vector<16xf32>
        %get3A_764 = arith.index_cast %scan3A_358 : i32 to index
        %get3A_765 = arith.constant 112 : index
        %get3A_766 = tpu.vector_load %arg16[%get3A_764, %get3A_765] {strides = array<i32>} : memref<32x128xf32, #tpu.memory_space<vmem>>, vector<1x16xf32>,
        %get3A_767 = vector.shape_cast %get3A_766 : vector<1x16xf32> to vector<16xf32>
        %add3A_768 = arith.addf %add3A_763, %get3A_767 : vector<16xf32>
        %get3A_769 = arith.index_cast %scan3A_358 : i32 to index
        %get3A_770 = arith.constant 112 : index
        %get3A_771 = tpu.vector_load %arg17[%get3A_769, %get3A_770] {strides = array<i32>} : memref<32x128xf32, #tpu.memory_space<vmem>>, vector<1x16xf32>,
        %get3A_772 = vector.shape_cast %get3A_771 : vector<1x16xf32> to vector<16xf32>
        %add3A_773 = arith.addf %add3A_768, %get3A_772 : vector<16xf32>
        %get3A_774 = arith.index_cast %scan3A_358 : i32 to index
        %get3A_775 = arith.constant 112 : index
        %get3A_776 = tpu.vector_load %arg18[%get3A_774, %get3A_775] {strides = array<i32>} : memref<32x128xf32, #tpu.memory_space<vmem>>, vector<1x16xf32>,
        %get3A_777 = vector.shape_cast %get3A_776 : vector<1x16xf32> to vector<16xf32>
        %add3A_778 = arith.addf %add3A_773, %get3A_777 : vector<16xf32>
        %get3A_779 = arith.index_cast %scan3A_358 : i32 to index
        %get3A_780 = arith.constant 112 : index
        %get3A_781 = tpu.vector_load %arg19[%get3A_779, %get3A_780] {strides = array<i32>} : memref<32x128xf32, #tpu.memory_space<vmem>>, vector<1x16xf32>,
        %get3A_782 = vector.shape_cast %get3A_781 : vector<1x16xf32> to vector<16xf32>
        %add3A_783 = arith.addf %add3A_778, %get3A_782 : vector<16xf32>
        %swap3A_784 = arith.index_cast %scan3A_358 : i32 to index
        %swap3A_785 = arith.constant 112 : index
        %swap3A_786 = tpu.vector_load %arg10[%swap3A_784, %swap3A_785] {strides = array<i32>} : memref<32x128xf32, #tpu.memory_space<vmem>>, vector<1x16xf32>,
        %swap3A_787 = vector.shape_cast %swap3A_786 : vector<1x16xf32> to vector<16xf32>
        %swap3A_788 = vector.shape_cast %add3A_783 : vector<16xf32> to vector<1x16xf32>
        tpu.vector_store %arg10[%swap3A_784, %swap3A_785], %swap3A_788 {strides = array<i32>} : memref<32x128xf32, #tpu.memory_space<vmem>>, vector<1x16xf32>,
      }
      %scan3A_231 = arith.constant 32 : i32
      %mul3A_232 = arith.constant 32 : i32
      %mul3A_233 = arith.muli %mul3A_136, %mul3A_232 : i32
      %add3A_234 = arith.addi %mul3A_9, %mul3A_233 : i32
      %dma_start3A_235 = arith.constant 0 : i32
      %dma_start3A_236 = tpu.memref_slice %arg4[%add3A_234, %dma_start3A_235] : memref<51200x128xf32, #tpu.memory_space<hbm>> -> memref<32x128xf32, #tpu.memory_space<hbm>>
      %dma_start3A_237 = arith.constant 0 : i32
      %dma_start3A_238 = tpu.memref_slice %arg4[%add3A_234, %dma_start3A_237] : memref<51200x128xf32, #tpu.memory_space<hbm>> -> memref<32x128xf32, #tpu.memory_space<hbm>>
      tpu.enqueue_dma source(%arg8 : memref<32x128xf32, #tpu.memory_space<vmem>>) target(%dma_start3A_238 : memref<32x128xf32, #tpu.memory_space<hbm>>) target_semaphore(%arg34 : memref<!tpu.dma_semaphore, #tpu.memory_space<semaphore_mem>>)
      %dma_start3A_239 = arith.constant 0 : i32
      %dma_start3A_240 = tpu.memref_slice %arg5[%add3A_234, %dma_start3A_239] : memref<51200x128xf32, #tpu.memory_space<hbm>> -> memref<32x128xf32, #tpu.memory_space<hbm>>
      %dma_start3A_241 = arith.constant 0 : i32
      %dma_start3A_242 = tpu.memref_slice %arg5[%add3A_234, %dma_start3A_241] : memref<51200x128xf32, #tpu.memory_space<hbm>> -> memref<32x128xf32, #tpu.memory_space<hbm>>
      tpu.enqueue_dma source(%arg10 : memref<32x128xf32, #tpu.memory_space<vmem>>) target(%dma_start3A_242 : memref<32x128xf32, #tpu.memory_space<hbm>>) target_semaphore(%arg34 : memref<!tpu.dma_semaphore, #tpu.memory_space<semaphore_mem>>)
      %mul3A_243 = arith.constant 2 : i32
      %mul3A_244 = arith.muli %mul3A_243, %while3A_134 : i32
      %add3A_245 = arith.constant 1 : i32
      %add3A_246 = arith.addi %mul3A_244, %add3A_245 : i32
      %gt3A_247 = arith.constant 0 : i32
      %gt3A_248 = arith.cmpi sgt, %add3A_246, %gt3A_247 : i32
      %convert_element_type3A_249 = arith.extui %gt3A_248 : i1 to i32
      %cond3A_250 = arith.constant 0 : i32
      %cond3A_251 = arith.cmpi ne, %convert_element_type3A_249, %cond3A_250 : i32
      scf.if %cond3A_251 {
        %sub3A_358 = arith.constant 1 : i32
        %sub3A_359 = arith.subi %add3A_246, %sub3A_358 : i32
        %mul3A_360 = arith.constant 32 : i32
        %mul3A_361 = arith.muli %sub3A_359, %mul3A_360 : i32
        %add3A_362 = arith.addi %mul3A_9, %mul3A_361 : i32
        %dma_wait3A_363 = arith.constant 0 : i32
        %dma_wait3A_364 = tpu.memref_slice %arg4[%add3A_362, %dma_wait3A_363] : memref<51200x128xf32, #tpu.memory_space<hbm>> -> memref<32x128xf32, #tpu.memory_space<hbm>>
        %dma_wait3A_365 = arith.constant 0 : i32
        %dma_wait3A_366 = tpu.memref_slice %arg4[%add3A_362, %dma_wait3A_365] : memref<51200x128xf32, #tpu.memory_space<hbm>> -> memref<32x128xf32, #tpu.memory_space<hbm>>
        tpu.wait_dma2 semaphore(%arg34 : memref<!tpu.dma_semaphore, #tpu.memory_space<semaphore_mem>>) src(%arg8 : memref<32x128xf32, #tpu.memory_space<vmem>>) dst(%dma_wait3A_366 : memref<32x128xf32, #tpu.memory_space<hbm>>)
        %dma_wait3A_367 = arith.constant 0 : i32
        %dma_wait3A_368 = tpu.memref_slice %arg5[%add3A_362, %dma_wait3A_367] : memref<51200x128xf32, #tpu.memory_space<hbm>> -> memref<32x128xf32, #tpu.memory_space<hbm>>
        %dma_wait3A_369 = arith.constant 0 : i32
        %dma_wait3A_370 = tpu.memref_slice %arg5[%add3A_362, %dma_wait3A_369] : memref<51200x128xf32, #tpu.memory_space<hbm>> -> memref<32x128xf32, #tpu.memory_space<hbm>>
        tpu.wait_dma2 semaphore(%arg34 : memref<!tpu.dma_semaphore, #tpu.memory_space<semaphore_mem>>) src(%arg10 : memref<32x128xf32, #tpu.memory_space<vmem>>) dst(%dma_wait3A_370 : memref<32x128xf32, #tpu.memory_space<hbm>>)
      } else {
      }
      %add3A_252 = arith.constant 1 : i32
      %add3A_253 = arith.addi %add3A_246, %add3A_252 : i32
      %lt3A_254 = arith.cmpi slt, %add3A_253, %select_n3A_2 : i32
      %convert_element_type3A_255 = arith.extui %lt3A_254 : i1 to i32
      %cond3A_256 = arith.constant 0 : i32
      %cond3A_257 = arith.cmpi ne, %convert_element_type3A_255, %cond3A_256 : i32
      scf.if %cond3A_257 {
        %add3A_358 = arith.constant 1 : i32
        %add3A_359 = arith.addi %add3A_246, %add3A_358 : i32
        %add3A_360 = arith.addi %select_n3A_7, %add3A_359 : i32
        %dma_wait3A_361 = arith.constant 0 : i32
        %dma_wait3A_362 = arith.constant 0 : i32
        %dma_wait3A_363 = tpu.memref_slice %arg3[%add3A_360, %dma_wait3A_361, %dma_wait3A_362] : memref<1600x11x32xi32, #tpu.memory_space<hbm>> -> memref<1x11x32xi32, #tpu.memory_space<hbm>>
        %dma_wait3A_364 = tpu.memref_squeeze %dma_wait3A_363 : memref<1x11x32xi32, #tpu.memory_space<hbm>> -> memref<11x32xi32, #tpu.memory_space<hbm>>
        %dma_wait3A_365 = arith.constant 0 : i32
        %dma_wait3A_366 = arith.constant 0 : i32
        %dma_wait3A_367 = tpu.memref_slice %arg3[%add3A_360, %dma_wait3A_365, %dma_wait3A_366] : memref<1600x11x32xi32, #tpu.memory_space<hbm>> -> memref<1x11x32xi32, #tpu.memory_space<hbm>>
        %dma_wait3A_368 = tpu.memref_squeeze %dma_wait3A_367 : memref<1x11x32xi32, #tpu.memory_space<hbm>> -> memref<11x32xi32, #tpu.memory_space<hbm>>
        tpu.wait_dma2 semaphore(%arg30 : memref<!tpu.dma_semaphore, #tpu.memory_space<semaphore_mem>>) src(%dma_wait3A_368 : memref<11x32xi32, #tpu.memory_space<hbm>>) dst(%arg6 : memref<11x32xi32, #tpu.memory_space<vmem>>)
        %dma_start3A_369 = arith.constant 0 : i32
        %dma_start3A_370 = arith.constant 0 : i32
        %dma_start3A_371 = tpu.memref_slice %arg6[%dma_start3A_369, %dma_start3A_370] : memref<11x32xi32, #tpu.memory_space<vmem>> -> memref<1x32xi32, #tpu.memory_space<vmem>>
        %dma_start3A_372 = tpu.memref_squeeze %dma_start3A_371 : memref<1x32xi32, #tpu.memory_space<vmem>> -> memref<32xi32, #tpu.memory_space<vmem>>
        %dma_start3A_373 = arith.constant 0 : i32
        %dma_start3A_374 = arith.constant 0 : i32
        %dma_start3A_375 = tpu.memref_slice %arg2[%dma_start3A_373, %dma_start3A_374] : memref<100000x128xf32, #tpu.memory_space<hbm>> -> memref<100000x128xf32, #tpu.memory_space<hbm>>
        tpu.enqueue_indirect_dma source(%dma_start3A_375 : memref<100000x128xf32, #tpu.memory_space<hbm>>) target(%arg8 : memref<32x128xf32, #tpu.memory_space<vmem>>) offsets(%dma_start3A_372 : memref<32xi32, #tpu.memory_space<vmem>>) semaphore(%arg32 : memref<!tpu.dma_semaphore, #tpu.memory_space<semaphore_mem>>)
        %dma_start3A_376 = arith.constant 1 : i32
        %dma_start3A_377 = arith.constant 0 : i32
        %dma_start3A_378 = tpu.memref_slice %arg6[%dma_start3A_376, %dma_start3A_377] : memref<11x32xi32, #tpu.memory_space<vmem>> -> memref<1x32xi32, #tpu.memory_space<vmem>>
        %dma_start3A_379 = tpu.memref_squeeze %dma_start3A_378 : memref<1x32xi32, #tpu.memory_space<vmem>> -> memref<32xi32, #tpu.memory_space<vmem>>
        %dma_start3A_380 = arith.constant 0 : i32
        %dma_start3A_381 = arith.constant 0 : i32
        %dma_start3A_382 = tpu.memref_slice %arg2[%dma_start3A_380, %dma_start3A_381] : memref<100000x128xf32, #tpu.memory_space<hbm>> -> memref<100000x128xf32, #tpu.memory_space<hbm>>
        tpu.enqueue_indirect_dma source(%dma_start3A_382 : memref<100000x128xf32, #tpu.memory_space<hbm>>) target(%arg10 : memref<32x128xf32, #tpu.memory_space<vmem>>) offsets(%dma_start3A_379 : memref<32xi32, #tpu.memory_space<vmem>>) semaphore(%arg32 : memref<!tpu.dma_semaphore, #tpu.memory_space<semaphore_mem>>)
        %dma_start3A_383 = arith.constant 2 : i32
        %dma_start3A_384 = arith.constant 0 : i32
        %dma_start3A_385 = tpu.memref_slice %arg6[%dma_start3A_383, %dma_start3A_384] : memref<11x32xi32, #tpu.memory_space<vmem>> -> memref<1x32xi32, #tpu.memory_space<vmem>>
        %dma_start3A_386 = tpu.memref_squeeze %dma_start3A_385 : memref<1x32xi32, #tpu.memory_space<vmem>> -> memref<32xi32, #tpu.memory_space<vmem>>
        %dma_start3A_387 = arith.constant 0 : i32
        %dma_start3A_388 = arith.constant 0 : i32
        %dma_start3A_389 = tpu.memref_slice %arg2[%dma_start3A_387, %dma_start3A_388] : memref<100000x128xf32, #tpu.memory_space<hbm>> -> memref<100000x128xf32, #tpu.memory_space<hbm>>
        tpu.enqueue_indirect_dma source(%dma_start3A_389 : memref<100000x128xf32, #tpu.memory_space<hbm>>) target(%arg11 : memref<32x128xf32, #tpu.memory_space<vmem>>) offsets(%dma_start3A_386 : memref<32xi32, #tpu.memory_space<vmem>>) semaphore(%arg32 : memref<!tpu.dma_semaphore, #tpu.memory_space<semaphore_mem>>)
        %dma_start3A_390 = arith.constant 3 : i32
        %dma_start3A_391 = arith.constant 0 : i32
        %dma_start3A_392 = tpu.memref_slice %arg6[%dma_start3A_390, %dma_start3A_391] : memref<11x32xi32, #tpu.memory_space<vmem>> -> memref<1x32xi32, #tpu.memory_space<vmem>>
        %dma_start3A_393 = tpu.memref_squeeze %dma_start3A_392 : memref<1x32xi32, #tpu.memory_space<vmem>> -> memref<32xi32, #tpu.memory_space<vmem>>
        %dma_start3A_394 = arith.constant 0 : i32
        %dma_start3A_395 = arith.constant 0 : i32
        %dma_start3A_396 = tpu.memref_slice %arg2[%dma_start3A_394, %dma_start3A_395] : memref<100000x128xf32, #tpu.memory_space<hbm>> -> memref<100000x128xf32, #tpu.memory_space<hbm>>
        tpu.enqueue_indirect_dma source(%dma_start3A_396 : memref<100000x128xf32, #tpu.memory_space<hbm>>) target(%arg12 : memref<32x128xf32, #tpu.memory_space<vmem>>) offsets(%dma_start3A_393 : memref<32xi32, #tpu.memory_space<vmem>>) semaphore(%arg32 : memref<!tpu.dma_semaphore, #tpu.memory_space<semaphore_mem>>)
        %dma_start3A_397 = arith.constant 4 : i32
        %dma_start3A_398 = arith.constant 0 : i32
        %dma_start3A_399 = tpu.memref_slice %arg6[%dma_start3A_397, %dma_start3A_398] : memref<11x32xi32, #tpu.memory_space<vmem>> -> memref<1x32xi32, #tpu.memory_space<vmem>>
        %dma_start3A_400 = tpu.memref_squeeze %dma_start3A_399 : memref<1x32xi32, #tpu.memory_space<vmem>> -> memref<32xi32, #tpu.memory_space<vmem>>
        %dma_start3A_401 = arith.constant 0 : i32
        %dma_start3A_402 = arith.constant 0 : i32
        %dma_start3A_403 = tpu.memref_slice %arg2[%dma_start3A_401, %dma_start3A_402] : memref<100000x128xf32, #tpu.memory_space<hbm>> -> memref<100000x128xf32, #tpu.memory_space<hbm>>
        tpu.enqueue_indirect_dma source(%dma_start3A_403 : memref<100000x128xf32, #tpu.memory_space<hbm>>) target(%arg13 : memref<32x128xf32, #tpu.memory_space<vmem>>) offsets(%dma_start3A_400 : memref<32xi32, #tpu.memory_space<vmem>>) semaphore(%arg32 : memref<!tpu.dma_semaphore, #tpu.memory_space<semaphore_mem>>)
        %dma_start3A_404 = arith.constant 5 : i32
        %dma_start3A_405 = arith.constant 0 : i32
        %dma_start3A_406 = tpu.memref_slice %arg6[%dma_start3A_404, %dma_start3A_405] : memref<11x32xi32, #tpu.memory_space<vmem>> -> memref<1x32xi32, #tpu.memory_space<vmem>>
        %dma_start3A_407 = tpu.memref_squeeze %dma_start3A_406 : memref<1x32xi32, #tpu.memory_space<vmem>> -> memref<32xi32, #tpu.memory_space<vmem>>
        %dma_start3A_408 = arith.constant 0 : i32
        %dma_start3A_409 = arith.constant 0 : i32
        %dma_start3A_410 = tpu.memref_slice %arg2[%dma_start3A_408, %dma_start3A_409] : memref<100000x128xf32, #tpu.memory_space<hbm>> -> memref<100000x128xf32, #tpu.memory_space<hbm>>
        tpu.enqueue_indirect_dma source(%dma_start3A_410 : memref<100000x128xf32, #tpu.memory_space<hbm>>) target(%arg14 : memref<32x128xf32, #tpu.memory_space<vmem>>) offsets(%dma_start3A_407 : memref<32xi32, #tpu.memory_space<vmem>>) semaphore(%arg32 : memref<!tpu.dma_semaphore, #tpu.memory_space<semaphore_mem>>)
        %dma_start3A_411 = arith.constant 6 : i32
        %dma_start3A_412 = arith.constant 0 : i32
        %dma_start3A_413 = tpu.memref_slice %arg6[%dma_start3A_411, %dma_start3A_412] : memref<11x32xi32, #tpu.memory_space<vmem>> -> memref<1x32xi32, #tpu.memory_space<vmem>>
        %dma_start3A_414 = tpu.memref_squeeze %dma_start3A_413 : memref<1x32xi32, #tpu.memory_space<vmem>> -> memref<32xi32, #tpu.memory_space<vmem>>
        %dma_start3A_415 = arith.constant 0 : i32
        %dma_start3A_416 = arith.constant 0 : i32
        %dma_start3A_417 = tpu.memref_slice %arg2[%dma_start3A_415, %dma_start3A_416] : memref<100000x128xf32, #tpu.memory_space<hbm>> -> memref<100000x128xf32, #tpu.memory_space<hbm>>
        tpu.enqueue_indirect_dma source(%dma_start3A_417 : memref<100000x128xf32, #tpu.memory_space<hbm>>) target(%arg15 : memref<32x128xf32, #tpu.memory_space<vmem>>) offsets(%dma_start3A_414 : memref<32xi32, #tpu.memory_space<vmem>>) semaphore(%arg32 : memref<!tpu.dma_semaphore, #tpu.memory_space<semaphore_mem>>)
        %dma_start3A_418 = arith.constant 7 : i32
        %dma_start3A_419 = arith.constant 0 : i32
        %dma_start3A_420 = tpu.memref_slice %arg6[%dma_start3A_418, %dma_start3A_419] : memref<11x32xi32, #tpu.memory_space<vmem>> -> memref<1x32xi32, #tpu.memory_space<vmem>>
        %dma_start3A_421 = tpu.memref_squeeze %dma_start3A_420 : memref<1x32xi32, #tpu.memory_space<vmem>> -> memref<32xi32, #tpu.memory_space<vmem>>
        %dma_start3A_422 = arith.constant 0 : i32
        %dma_start3A_423 = arith.constant 0 : i32
        %dma_start3A_424 = tpu.memref_slice %arg2[%dma_start3A_422, %dma_start3A_423] : memref<100000x128xf32, #tpu.memory_space<hbm>> -> memref<100000x128xf32, #tpu.memory_space<hbm>>
        tpu.enqueue_indirect_dma source(%dma_start3A_424 : memref<100000x128xf32, #tpu.memory_space<hbm>>) target(%arg16 : memref<32x128xf32, #tpu.memory_space<vmem>>) offsets(%dma_start3A_421 : memref<32xi32, #tpu.memory_space<vmem>>) semaphore(%arg32 : memref<!tpu.dma_semaphore, #tpu.memory_space<semaphore_mem>>)
        %dma_start3A_425 = arith.constant 8 : i32
        %dma_start3A_426 = arith.constant 0 : i32
        %dma_start3A_427 = tpu.memref_slice %arg6[%dma_start3A_425, %dma_start3A_426] : memref<11x32xi32, #tpu.memory_space<vmem>> -> memref<1x32xi32, #tpu.memory_space<vmem>>
        %dma_start3A_428 = tpu.memref_squeeze %dma_start3A_427 : memref<1x32xi32, #tpu.memory_space<vmem>> -> memref<32xi32, #tpu.memory_space<vmem>>
        %dma_start3A_429 = arith.constant 0 : i32
        %dma_start3A_430 = arith.constant 0 : i32
        %dma_start3A_431 = tpu.memref_slice %arg2[%dma_start3A_429, %dma_start3A_430] : memref<100000x128xf32, #tpu.memory_space<hbm>> -> memref<100000x128xf32, #tpu.memory_space<hbm>>
        tpu.enqueue_indirect_dma source(%dma_start3A_431 : memref<100000x128xf32, #tpu.memory_space<hbm>>) target(%arg17 : memref<32x128xf32, #tpu.memory_space<vmem>>) offsets(%dma_start3A_428 : memref<32xi32, #tpu.memory_space<vmem>>) semaphore(%arg32 : memref<!tpu.dma_semaphore, #tpu.memory_space<semaphore_mem>>)
        %dma_start3A_432 = arith.constant 9 : i32
        %dma_start3A_433 = arith.constant 0 : i32
        %dma_start3A_434 = tpu.memref_slice %arg6[%dma_start3A_432, %dma_start3A_433] : memref<11x32xi32, #tpu.memory_space<vmem>> -> memref<1x32xi32, #tpu.memory_space<vmem>>
        %dma_start3A_435 = tpu.memref_squeeze %dma_start3A_434 : memref<1x32xi32, #tpu.memory_space<vmem>> -> memref<32xi32, #tpu.memory_space<vmem>>
        %dma_start3A_436 = arith.constant 0 : i32
        %dma_start3A_437 = arith.constant 0 : i32
        %dma_start3A_438 = tpu.memref_slice %arg2[%dma_start3A_436, %dma_start3A_437] : memref<100000x128xf32, #tpu.memory_space<hbm>> -> memref<100000x128xf32, #tpu.memory_space<hbm>>
        tpu.enqueue_indirect_dma source(%dma_start3A_438 : memref<100000x128xf32, #tpu.memory_space<hbm>>) target(%arg18 : memref<32x128xf32, #tpu.memory_space<vmem>>) offsets(%dma_start3A_435 : memref<32xi32, #tpu.memory_space<vmem>>) semaphore(%arg32 : memref<!tpu.dma_semaphore, #tpu.memory_space<semaphore_mem>>)
        %dma_start3A_439 = arith.constant 10 : i32
        %dma_start3A_440 = arith.constant 0 : i32
        %dma_start3A_441 = tpu.memref_slice %arg6[%dma_start3A_439, %dma_start3A_440] : memref<11x32xi32, #tpu.memory_space<vmem>> -> memref<1x32xi32, #tpu.memory_space<vmem>>
        %dma_start3A_442 = tpu.memref_squeeze %dma_start3A_441 : memref<1x32xi32, #tpu.memory_space<vmem>> -> memref<32xi32, #tpu.memory_space<vmem>>
        %dma_start3A_443 = arith.constant 0 : i32
        %dma_start3A_444 = arith.constant 0 : i32
        %dma_start3A_445 = tpu.memref_slice %arg2[%dma_start3A_443, %dma_start3A_444] : memref<100000x128xf32, #tpu.memory_space<hbm>> -> memref<100000x128xf32, #tpu.memory_space<hbm>>
        tpu.enqueue_indirect_dma source(%dma_start3A_445 : memref<100000x128xf32, #tpu.memory_space<hbm>>) target(%arg19 : memref<32x128xf32, #tpu.memory_space<vmem>>) offsets(%dma_start3A_442 : memref<32xi32, #tpu.memory_space<vmem>>) semaphore(%arg32 : memref<!tpu.dma_semaphore, #tpu.memory_space<semaphore_mem>>)
      } else {
      }
      %dma_wait3A_258 = arith.constant 0 : i32
      %dma_wait3A_259 = arith.constant 0 : i32
      %dma_wait3A_260 = tpu.memref_slice %arg7[%dma_wait3A_258, %dma_wait3A_259] : memref<11x32xi32, #tpu.memory_space<vmem>> -> memref<1x32xi32, #tpu.memory_space<vmem>>
      %dma_wait3A_261 = tpu.memref_squeeze %dma_wait3A_260 : memref<1x32xi32, #tpu.memory_space<vmem>> -> memref<32xi32, #tpu.memory_space<vmem>>
      %dma_wait3A_262 = arith.constant 0 : i32
      %dma_wait3A_263 = arith.constant 0 : i32
      %dma_wait3A_264 = tpu.memref_slice %arg2[%dma_wait3A_262, %dma_wait3A_263] : memref<100000x128xf32, #tpu.memory_space<hbm>> -> memref<100000x128xf32, #tpu.memory_space<hbm>>
      tpu.wait_indirect_dma semaphore(%arg33 : memref<!tpu.dma_semaphore, #tpu.memory_space<semaphore_mem>>) src(%dma_wait3A_264 : memref<100000x128xf32, #tpu.memory_space<hbm>>) dst(%arg9 : memref<32x128xf32, #tpu.memory_space<vmem>>)
      %dma_wait3A_265 = arith.constant 1 : i32
      %dma_wait3A_266 = arith.constant 0 : i32
      %dma_wait3A_267 = tpu.memref_slice %arg7[%dma_wait3A_265, %dma_wait3A_266] : memref<11x32xi32, #tpu.memory_space<vmem>> -> memref<1x32xi32, #tpu.memory_space<vmem>>
      %dma_wait3A_268 = tpu.memref_squeeze %dma_wait3A_267 : memref<1x32xi32, #tpu.memory_space<vmem>> -> memref<32xi32, #tpu.memory_space<vmem>>
      %dma_wait3A_269 = arith.constant 0 : i32
      %dma_wait3A_270 = arith.constant 0 : i32
      %dma_wait3A_271 = tpu.memref_slice %arg2[%dma_wait3A_269, %dma_wait3A_270] : memref<100000x128xf32, #tpu.memory_space<hbm>> -> memref<100000x128xf32, #tpu.memory_space<hbm>>
      tpu.wait_indirect_dma semaphore(%arg33 : memref<!tpu.dma_semaphore, #tpu.memory_space<semaphore_mem>>) src(%dma_wait3A_271 : memref<100000x128xf32, #tpu.memory_space<hbm>>) dst(%arg20 : memref<32x128xf32, #tpu.memory_space<vmem>>)
      %dma_wait3A_272 = arith.constant 2 : i32
      %dma_wait3A_273 = arith.constant 0 : i32
      %dma_wait3A_274 = tpu.memref_slice %arg7[%dma_wait3A_272, %dma_wait3A_273] : memref<11x32xi32, #tpu.memory_space<vmem>> -> memref<1x32xi32, #tpu.memory_space<vmem>>
      %dma_wait3A_275 = tpu.memref_squeeze %dma_wait3A_274 : memref<1x32xi32, #tpu.memory_space<vmem>> -> memref<32xi32, #tpu.memory_space<vmem>>
      %dma_wait3A_276 = arith.constant 0 : i32
      %dma_wait3A_277 = arith.constant 0 : i32
      %dma_wait3A_278 = tpu.memref_slice %arg2[%dma_wait3A_276, %dma_wait3A_277] : memref<100000x128xf32, #tpu.memory_space<hbm>> -> memref<100000x128xf32, #tpu.memory_space<hbm>>
      tpu.wait_indirect_dma semaphore(%arg33 : memref<!tpu.dma_semaphore, #tpu.memory_space<semaphore_mem>>) src(%dma_wait3A_278 : memref<100000x128xf32, #tpu.memory_space<hbm>>) dst(%arg21 : memref<32x128xf32, #tpu.memory_space<vmem>>)
      %dma_wait3A_279 = arith.constant 3 : i32
      %dma_wait3A_280 = arith.constant 0 : i32
      %dma_wait3A_281 = tpu.memref_slice %arg7[%dma_wait3A_279, %dma_wait3A_280] : memref<11x32xi32, #tpu.memory_space<vmem>> -> memref<1x32xi32, #tpu.memory_space<vmem>>
      %dma_wait3A_282 = tpu.memref_squeeze %dma_wait3A_281 : memref<1x32xi32, #tpu.memory_space<vmem>> -> memref<32xi32, #tpu.memory_space<vmem>>
      %dma_wait3A_283 = arith.constant 0 : i32
      %dma_wait3A_284 = arith.constant 0 : i32
      %dma_wait3A_285 = tpu.memref_slice %arg2[%dma_wait3A_283, %dma_wait3A_284] : memref<100000x128xf32, #tpu.memory_space<hbm>> -> memref<100000x128xf32, #tpu.memory_space<hbm>>
      tpu.wait_indirect_dma semaphore(%arg33 : memref<!tpu.dma_semaphore, #tpu.memory_space<semaphore_mem>>) src(%dma_wait3A_285 : memref<100000x128xf32, #tpu.memory_space<hbm>>) dst(%arg22 : memref<32x128xf32, #tpu.memory_space<vmem>>)
      %dma_wait3A_286 = arith.constant 4 : i32
      %dma_wait3A_287 = arith.constant 0 : i32
      %dma_wait3A_288 = tpu.memref_slice %arg7[%dma_wait3A_286, %dma_wait3A_287] : memref<11x32xi32, #tpu.memory_space<vmem>> -> memref<1x32xi32, #tpu.memory_space<vmem>>
      %dma_wait3A_289 = tpu.memref_squeeze %dma_wait3A_288 : memref<1x32xi32, #tpu.memory_space<vmem>> -> memref<32xi32, #tpu.memory_space<vmem>>
      %dma_wait3A_290 = arith.constant 0 : i32
      %dma_wait3A_291 = arith.constant 0 : i32
      %dma_wait3A_292 = tpu.memref_slice %arg2[%dma_wait3A_290, %dma_wait3A_291] : memref<100000x128xf32, #tpu.memory_space<hbm>> -> memref<100000x128xf32, #tpu.memory_space<hbm>>
      tpu.wait_indirect_dma semaphore(%arg33 : memref<!tpu.dma_semaphore, #tpu.memory_space<semaphore_mem>>) src(%dma_wait3A_292 : memref<100000x128xf32, #tpu.memory_space<hbm>>) dst(%arg23 : memref<32x128xf32, #tpu.memory_space<vmem>>)
      %dma_wait3A_293 = arith.constant 5 : i32
      %dma_wait3A_294 = arith.constant 0 : i32
      %dma_wait3A_295 = tpu.memref_slice %arg7[%dma_wait3A_293, %dma_wait3A_294] : memref<11x32xi32, #tpu.memory_space<vmem>> -> memref<1x32xi32, #tpu.memory_space<vmem>>
      %dma_wait3A_296 = tpu.memref_squeeze %dma_wait3A_295 : memref<1x32xi32, #tpu.memory_space<vmem>> -> memref<32xi32, #tpu.memory_space<vmem>>
      %dma_wait3A_297 = arith.constant 0 : i32
      %dma_wait3A_298 = arith.constant 0 : i32
      %dma_wait3A_299 = tpu.memref_slice %arg2[%dma_wait3A_297, %dma_wait3A_298] : memref<100000x128xf32, #tpu.memory_space<hbm>> -> memref<100000x128xf32, #tpu.memory_space<hbm>>
      tpu.wait_indirect_dma semaphore(%arg33 : memref<!tpu.dma_semaphore, #tpu.memory_space<semaphore_mem>>) src(%dma_wait3A_299 : memref<100000x128xf32, #tpu.memory_space<hbm>>) dst(%arg24 : memref<32x128xf32, #tpu.memory_space<vmem>>)
      %dma_wait3A_300 = arith.constant 6 : i32
      %dma_wait3A_301 = arith.constant 0 : i32
      %dma_wait3A_302 = tpu.memref_slice %arg7[%dma_wait3A_300, %dma_wait3A_301] : memref<11x32xi32, #tpu.memory_space<vmem>> -> memref<1x32xi32, #tpu.memory_space<vmem>>
      %dma_wait3A_303 = tpu.memref_squeeze %dma_wait3A_302 : memref<1x32xi32, #tpu.memory_space<vmem>> -> memref<32xi32, #tpu.memory_space<vmem>>
      %dma_wait3A_304 = arith.constant 0 : i32
      %dma_wait3A_305 = arith.constant 0 : i32
      %dma_wait3A_306 = tpu.memref_slice %arg2[%dma_wait3A_304, %dma_wait3A_305] : memref<100000x128xf32, #tpu.memory_space<hbm>> -> memref<100000x128xf32, #tpu.memory_space<hbm>>
      tpu.wait_indirect_dma semaphore(%arg33 : memref<!tpu.dma_semaphore, #tpu.memory_space<semaphore_mem>>) src(%dma_wait3A_306 : memref<100000x128xf32, #tpu.memory_space<hbm>>) dst(%arg25 : memref<32x128xf32, #tpu.memory_space<vmem>>)
      %dma_wait3A_307 = arith.constant 7 : i32
      %dma_wait3A_308 = arith.constant 0 : i32
      %dma_wait3A_309 = tpu.memref_slice %arg7[%dma_wait3A_307, %dma_wait3A_308] : memref<11x32xi32, #tpu.memory_space<vmem>> -> memref<1x32xi32, #tpu.memory_space<vmem>>
      %dma_wait3A_310 = tpu.memref_squeeze %dma_wait3A_309 : memref<1x32xi32, #tpu.memory_space<vmem>> -> memref<32xi32, #tpu.memory_space<vmem>>
      %dma_wait3A_311 = arith.constant 0 : i32
      %dma_wait3A_312 = arith.constant 0 : i32
      %dma_wait3A_313 = tpu.memref_slice %arg2[%dma_wait3A_311, %dma_wait3A_312] : memref<100000x128xf32, #tpu.memory_space<hbm>> -> memref<100000x128xf32, #tpu.memory_space<hbm>>
      tpu.wait_indirect_dma semaphore(%arg33 : memref<!tpu.dma_semaphore, #tpu.memory_space<semaphore_mem>>) src(%dma_wait3A_313 : memref<100000x128xf32, #tpu.memory_space<hbm>>) dst(%arg26 : memref<32x128xf32, #tpu.memory_space<vmem>>)
      %dma_wait3A_314 = arith.constant 8 : i32
      %dma_wait3A_315 = arith.constant 0 : i32
      %dma_wait3A_316 = tpu.memref_slice %arg7[%dma_wait3A_314, %dma_wait3A_315] : memref<11x32xi32, #tpu.memory_space<vmem>> -> memref<1x32xi32, #tpu.memory_space<vmem>>
      %dma_wait3A_317 = tpu.memref_squeeze %dma_wait3A_316 : memref<1x32xi32, #tpu.memory_space<vmem>> -> memref<32xi32, #tpu.memory_space<vmem>>
      %dma_wait3A_318 = arith.constant 0 : i32
      %dma_wait3A_319 = arith.constant 0 : i32
      %dma_wait3A_320 = tpu.memref_slice %arg2[%dma_wait3A_318, %dma_wait3A_319] : memref<100000x128xf32, #tpu.memory_space<hbm>> -> memref<100000x128xf32, #tpu.memory_space<hbm>>
      tpu.wait_indirect_dma semaphore(%arg33 : memref<!tpu.dma_semaphore, #tpu.memory_space<semaphore_mem>>) src(%dma_wait3A_320 : memref<100000x128xf32, #tpu.memory_space<hbm>>) dst(%arg27 : memref<32x128xf32, #tpu.memory_space<vmem>>)
      %dma_wait3A_321 = arith.constant 9 : i32
      %dma_wait3A_322 = arith.constant 0 : i32
      %dma_wait3A_323 = tpu.memref_slice %arg7[%dma_wait3A_321, %dma_wait3A_322] : memref<11x32xi32, #tpu.memory_space<vmem>> -> memref<1x32xi32, #tpu.memory_space<vmem>>
      %dma_wait3A_324 = tpu.memref_squeeze %dma_wait3A_323 : memref<1x32xi32, #tpu.memory_space<vmem>> -> memref<32xi32, #tpu.memory_space<vmem>>
      %dma_wait3A_325 = arith.constant 0 : i32
      %dma_wait3A_326 = arith.constant 0 : i32
      %dma_wait3A_327 = tpu.memref_slice %arg2[%dma_wait3A_325, %dma_wait3A_326] : memref<100000x128xf32, #tpu.memory_space<hbm>> -> memref<100000x128xf32, #tpu.memory_space<hbm>>
      tpu.wait_indirect_dma semaphore(%arg33 : memref<!tpu.dma_semaphore, #tpu.memory_space<semaphore_mem>>) src(%dma_wait3A_327 : memref<100000x128xf32, #tpu.memory_space<hbm>>) dst(%arg28 : memref<32x128xf32, #tpu.memory_space<vmem>>)
      %dma_wait3A_328 = arith.constant 10 : i32
      %dma_wait3A_329 = arith.constant 0 : i32
      %dma_wait3A_330 = tpu.memref_slice %arg7[%dma_wait3A_328, %dma_wait3A_329] : memref<11x32xi32, #tpu.memory_space<vmem>> -> memref<1x32xi32, #tpu.memory_space<vmem>>
      %dma_wait3A_331 = tpu.memref_squeeze %dma_wait3A_330 : memref<1x32xi32, #tpu.memory_space<vmem>> -> memref<32xi32, #tpu.memory_space<vmem>>
      %dma_wait3A_332 = arith.constant 0 : i32
      %dma_wait3A_333 = arith.constant 0 : i32
      %dma_wait3A_334 = tpu.memref_slice %arg2[%dma_wait3A_332, %dma_wait3A_333] : memref<100000x128xf32, #tpu.memory_space<hbm>> -> memref<100000x128xf32, #tpu.memory_space<hbm>>
      tpu.wait_indirect_dma semaphore(%arg33 : memref<!tpu.dma_semaphore, #tpu.memory_space<semaphore_mem>>) src(%dma_wait3A_334 : memref<100000x128xf32, #tpu.memory_space<hbm>>) dst(%arg29 : memref<32x128xf32, #tpu.memory_space<vmem>>)
      %add3A_335 = arith.constant 2 : i32
      %add3A_336 = arith.addi %add3A_246, %add3A_335 : i32
      %lt3A_337 = arith.cmpi slt, %add3A_336, %select_n3A_2 : i32
      %convert_element_type3A_338 = arith.extui %lt3A_337 : i1 to i32
      %cond3A_339 = arith.constant 0 : i32
      %cond3A_340 = arith.cmpi ne, %convert_element_type3A_338, %cond3A_339 : i32
      scf.if %cond3A_340 {
        %add3A_358 = arith.constant 2 : i32
        %add3A_359 = arith.addi %add3A_246, %add3A_358 : i32
        %add3A_360 = arith.addi %select_n3A_7, %add3A_359 : i32
        %dma_start3A_361 = arith.constant 0 : i32
        %dma_start3A_362 = arith.constant 0 : i32
        %dma_start3A_363 = tpu.memref_slice %arg3[%add3A_360, %dma_start3A_361, %dma_start3A_362] : memref<1600x11x32xi32, #tpu.memory_space<hbm>> -> memref<1x11x32xi32, #tpu.memory_space<hbm>>
        %dma_start3A_364 = tpu.memref_squeeze %dma_start3A_363 : memref<1x11x32xi32, #tpu.memory_space<hbm>> -> memref<11x32xi32, #tpu.memory_space<hbm>>
        %dma_start3A_365 = arith.constant 0 : i32
        %dma_start3A_366 = arith.constant 0 : i32
        %dma_start3A_367 = tpu.memref_slice %arg3[%add3A_360, %dma_start3A_365, %dma_start3A_366] : memref<1600x11x32xi32, #tpu.memory_space<hbm>> -> memref<1x11x32xi32, #tpu.memory_space<hbm>>
        %dma_start3A_368 = tpu.memref_squeeze %dma_start3A_367 : memref<1x11x32xi32, #tpu.memory_space<hbm>> -> memref<11x32xi32, #tpu.memory_space<hbm>>
        tpu.enqueue_dma source(%dma_start3A_368 : memref<11x32xi32, #tpu.memory_space<hbm>>) target(%arg7 : memref<11x32xi32, #tpu.memory_space<vmem>>) target_semaphore(%arg31 : memref<!tpu.dma_semaphore, #tpu.memory_space<semaphore_mem>>)
      } else {
      }
      %scan3A_341 = arith.constant 0 : i32
      %scan3A_342 = arith.constant 0 : i32
      %scan3A_343 = arith.constant 32 : i32
      %scan3A_344 = arith.addi %scan3A_342, %scan3A_343 : i32
      %scan3A_345 = arith.constant 1 : i32
      scf.for %scan3A_358 = %scan3A_342 to %scan3A_344 step %scan3A_345  : i32 {
        %get3A = arith.index_cast %scan3A_358 : i32 to index
        %get3A_359 = arith.constant 0 : index
        %get3A_360 = tpu.vector_load %arg20[%get3A, %get3A_359] {strides = array<i32>} : memref<32x128xf32, #tpu.memory_space<vmem>>, vector<1x16xf32>,
        %get3A_361 = vector.shape_cast %get3A_360 : vector<1x16xf32> to vector<16xf32>
        %get3A_362 = arith.index_cast %scan3A_358 : i32 to index
        %get3A_363 = arith.constant 0 : index
        %get3A_364 = tpu.vector_load %arg21[%get3A_362, %get3A_363] {strides = array<i32>} : memref<32x128xf32, #tpu.memory_space<vmem>>, vector<1x16xf32>,
        %get3A_365 = vector.shape_cast %get3A_364 : vector<1x16xf32> to vector<16xf32>
        %add3A_366 = arith.addf %get3A_361, %get3A_365 : vector<16xf32>
        %get3A_367 = arith.index_cast %scan3A_358 : i32 to index
        %get3A_368 = arith.constant 0 : index
        %get3A_369 = tpu.vector_load %arg22[%get3A_367, %get3A_368] {strides = array<i32>} : memref<32x128xf32, #tpu.memory_space<vmem>>, vector<1x16xf32>,
        %get3A_370 = vector.shape_cast %get3A_369 : vector<1x16xf32> to vector<16xf32>
        %add3A_371 = arith.addf %add3A_366, %get3A_370 : vector<16xf32>
        %get3A_372 = arith.index_cast %scan3A_358 : i32 to index
        %get3A_373 = arith.constant 0 : index
        %get3A_374 = tpu.vector_load %arg23[%get3A_372, %get3A_373] {strides = array<i32>} : memref<32x128xf32, #tpu.memory_space<vmem>>, vector<1x16xf32>,
        %get3A_375 = vector.shape_cast %get3A_374 : vector<1x16xf32> to vector<16xf32>
        %add3A_376 = arith.addf %add3A_371, %get3A_375 : vector<16xf32>
        %get3A_377 = arith.index_cast %scan3A_358 : i32 to index
        %get3A_378 = arith.constant 0 : index
        %get3A_379 = tpu.vector_load %arg24[%get3A_377, %get3A_378] {strides = array<i32>} : memref<32x128xf32, #tpu.memory_space<vmem>>, vector<1x16xf32>,
        %get3A_380 = vector.shape_cast %get3A_379 : vector<1x16xf32> to vector<16xf32>
        %add3A_381 = arith.addf %add3A_376, %get3A_380 : vector<16xf32>
        %get3A_382 = arith.index_cast %scan3A_358 : i32 to index
        %get3A_383 = arith.constant 0 : index
        %get3A_384 = tpu.vector_load %arg25[%get3A_382, %get3A_383] {strides = array<i32>} : memref<32x128xf32, #tpu.memory_space<vmem>>, vector<1x16xf32>,
        %get3A_385 = vector.shape_cast %get3A_384 : vector<1x16xf32> to vector<16xf32>
        %add3A_386 = arith.addf %add3A_381, %get3A_385 : vector<16xf32>
        %get3A_387 = arith.index_cast %scan3A_358 : i32 to index
        %get3A_388 = arith.constant 0 : index
        %get3A_389 = tpu.vector_load %arg26[%get3A_387, %get3A_388] {strides = array<i32>} : memref<32x128xf32, #tpu.memory_space<vmem>>, vector<1x16xf32>,
        %get3A_390 = vector.shape_cast %get3A_389 : vector<1x16xf32> to vector<16xf32>
        %add3A_391 = arith.addf %add3A_386, %get3A_390 : vector<16xf32>
        %get3A_392 = arith.index_cast %scan3A_358 : i32 to index
        %get3A_393 = arith.constant 0 : index
        %get3A_394 = tpu.vector_load %arg27[%get3A_392, %get3A_393] {strides = array<i32>} : memref<32x128xf32, #tpu.memory_space<vmem>>, vector<1x16xf32>,
        %get3A_395 = vector.shape_cast %get3A_394 : vector<1x16xf32> to vector<16xf32>
        %add3A_396 = arith.addf %add3A_391, %get3A_395 : vector<16xf32>
        %get3A_397 = arith.index_cast %scan3A_358 : i32 to index
        %get3A_398 = arith.constant 0 : index
        %get3A_399 = tpu.vector_load %arg28[%get3A_397, %get3A_398] {strides = array<i32>} : memref<32x128xf32, #tpu.memory_space<vmem>>, vector<1x16xf32>,
        %get3A_400 = vector.shape_cast %get3A_399 : vector<1x16xf32> to vector<16xf32>
        %add3A_401 = arith.addf %add3A_396, %get3A_400 : vector<16xf32>
        %get3A_402 = arith.index_cast %scan3A_358 : i32 to index
        %get3A_403 = arith.constant 0 : index
        %get3A_404 = tpu.vector_load %arg29[%get3A_402, %get3A_403] {strides = array<i32>} : memref<32x128xf32, #tpu.memory_space<vmem>>, vector<1x16xf32>,
        %get3A_405 = vector.shape_cast %get3A_404 : vector<1x16xf32> to vector<16xf32>
        %add3A_406 = arith.addf %add3A_401, %get3A_405 : vector<16xf32>
        %swap3A = arith.index_cast %scan3A_358 : i32 to index
        %swap3A_407 = arith.constant 0 : index
        %swap3A_408 = tpu.vector_load %arg20[%swap3A, %swap3A_407] {strides = array<i32>} : memref<32x128xf32, #tpu.memory_space<vmem>>, vector<1x16xf32>,
        %swap3A_409 = vector.shape_cast %swap3A_408 : vector<1x16xf32> to vector<16xf32>
        %swap3A_410 = vector.shape_cast %add3A_406 : vector<16xf32> to vector<1x16xf32>
        tpu.vector_store %arg20[%swap3A, %swap3A_407], %swap3A_410 {strides = array<i32>} : memref<32x128xf32, #tpu.memory_space<vmem>>, vector<1x16xf32>,
        %get3A_411 = arith.index_cast %scan3A_358 : i32 to index
        %get3A_412 = arith.constant 16 : index
        %get3A_413 = tpu.vector_load %arg20[%get3A_411, %get3A_412] {strides = array<i32>} : memref<32x128xf32, #tpu.memory_space<vmem>>, vector<1x16xf32>,
        %get3A_414 = vector.shape_cast %get3A_413 : vector<1x16xf32> to vector<16xf32>
        %get3A_415 = arith.index_cast %scan3A_358 : i32 to index
        %get3A_416 = arith.constant 16 : index
        %get3A_417 = tpu.vector_load %arg21[%get3A_415, %get3A_416] {strides = array<i32>} : memref<32x128xf32, #tpu.memory_space<vmem>>, vector<1x16xf32>,
        %get3A_418 = vector.shape_cast %get3A_417 : vector<1x16xf32> to vector<16xf32>
        %add3A_419 = arith.addf %get3A_414, %get3A_418 : vector<16xf32>
        %get3A_420 = arith.index_cast %scan3A_358 : i32 to index
        %get3A_421 = arith.constant 16 : index
        %get3A_422 = tpu.vector_load %arg22[%get3A_420, %get3A_421] {strides = array<i32>} : memref<32x128xf32, #tpu.memory_space<vmem>>, vector<1x16xf32>,
        %get3A_423 = vector.shape_cast %get3A_422 : vector<1x16xf32> to vector<16xf32>
        %add3A_424 = arith.addf %add3A_419, %get3A_423 : vector<16xf32>
        %get3A_425 = arith.index_cast %scan3A_358 : i32 to index
        %get3A_426 = arith.constant 16 : index
        %get3A_427 = tpu.vector_load %arg23[%get3A_425, %get3A_426] {strides = array<i32>} : memref<32x128xf32, #tpu.memory_space<vmem>>, vector<1x16xf32>,
        %get3A_428 = vector.shape_cast %get3A_427 : vector<1x16xf32> to vector<16xf32>
        %add3A_429 = arith.addf %add3A_424, %get3A_428 : vector<16xf32>
        %get3A_430 = arith.index_cast %scan3A_358 : i32 to index
        %get3A_431 = arith.constant 16 : index
        %get3A_432 = tpu.vector_load %arg24[%get3A_430, %get3A_431] {strides = array<i32>} : memref<32x128xf32, #tpu.memory_space<vmem>>, vector<1x16xf32>,
        %get3A_433 = vector.shape_cast %get3A_432 : vector<1x16xf32> to vector<16xf32>
        %add3A_434 = arith.addf %add3A_429, %get3A_433 : vector<16xf32>
        %get3A_435 = arith.index_cast %scan3A_358 : i32 to index
        %get3A_436 = arith.constant 16 : index
        %get3A_437 = tpu.vector_load %arg25[%get3A_435, %get3A_436] {strides = array<i32>} : memref<32x128xf32, #tpu.memory_space<vmem>>, vector<1x16xf32>,
        %get3A_438 = vector.shape_cast %get3A_437 : vector<1x16xf32> to vector<16xf32>
        %add3A_439 = arith.addf %add3A_434, %get3A_438 : vector<16xf32>
        %get3A_440 = arith.index_cast %scan3A_358 : i32 to index
        %get3A_441 = arith.constant 16 : index
        %get3A_442 = tpu.vector_load %arg26[%get3A_440, %get3A_441] {strides = array<i32>} : memref<32x128xf32, #tpu.memory_space<vmem>>, vector<1x16xf32>,
        %get3A_443 = vector.shape_cast %get3A_442 : vector<1x16xf32> to vector<16xf32>
        %add3A_444 = arith.addf %add3A_439, %get3A_443 : vector<16xf32>
        %get3A_445 = arith.index_cast %scan3A_358 : i32 to index
        %get3A_446 = arith.constant 16 : index
        %get3A_447 = tpu.vector_load %arg27[%get3A_445, %get3A_446] {strides = array<i32>} : memref<32x128xf32, #tpu.memory_space<vmem>>, vector<1x16xf32>,
        %get3A_448 = vector.shape_cast %get3A_447 : vector<1x16xf32> to vector<16xf32>
        %add3A_449 = arith.addf %add3A_444, %get3A_448 : vector<16xf32>
        %get3A_450 = arith.index_cast %scan3A_358 : i32 to index
        %get3A_451 = arith.constant 16 : index
        %get3A_452 = tpu.vector_load %arg28[%get3A_450, %get3A_451] {strides = array<i32>} : memref<32x128xf32, #tpu.memory_space<vmem>>, vector<1x16xf32>,
        %get3A_453 = vector.shape_cast %get3A_452 : vector<1x16xf32> to vector<16xf32>
        %add3A_454 = arith.addf %add3A_449, %get3A_453 : vector<16xf32>
        %get3A_455 = arith.index_cast %scan3A_358 : i32 to index
        %get3A_456 = arith.constant 16 : index
        %get3A_457 = tpu.vector_load %arg29[%get3A_455, %get3A_456] {strides = array<i32>} : memref<32x128xf32, #tpu.memory_space<vmem>>, vector<1x16xf32>,
        %get3A_458 = vector.shape_cast %get3A_457 : vector<1x16xf32> to vector<16xf32>
        %add3A_459 = arith.addf %add3A_454, %get3A_458 : vector<16xf32>
        %swap3A_460 = arith.index_cast %scan3A_358 : i32 to index
        %swap3A_461 = arith.constant 16 : index
        %swap3A_462 = tpu.vector_load %arg20[%swap3A_460, %swap3A_461] {strides = array<i32>} : memref<32x128xf32, #tpu.memory_space<vmem>>, vector<1x16xf32>,
        %swap3A_463 = vector.shape_cast %swap3A_462 : vector<1x16xf32> to vector<16xf32>
        %swap3A_464 = vector.shape_cast %add3A_459 : vector<16xf32> to vector<1x16xf32>
        tpu.vector_store %arg20[%swap3A_460, %swap3A_461], %swap3A_464 {strides = array<i32>} : memref<32x128xf32, #tpu.memory_space<vmem>>, vector<1x16xf32>,
        %get3A_465 = arith.index_cast %scan3A_358 : i32 to index
        %get3A_466 = arith.constant 32 : index
        %get3A_467 = tpu.vector_load %arg20[%get3A_465, %get3A_466] {strides = array<i32>} : memref<32x128xf32, #tpu.memory_space<vmem>>, vector<1x16xf32>,
        %get3A_468 = vector.shape_cast %get3A_467 : vector<1x16xf32> to vector<16xf32>
        %get3A_469 = arith.index_cast %scan3A_358 : i32 to index
        %get3A_470 = arith.constant 32 : index
        %get3A_471 = tpu.vector_load %arg21[%get3A_469, %get3A_470] {strides = array<i32>} : memref<32x128xf32, #tpu.memory_space<vmem>>, vector<1x16xf32>,
        %get3A_472 = vector.shape_cast %get3A_471 : vector<1x16xf32> to vector<16xf32>
        %add3A_473 = arith.addf %get3A_468, %get3A_472 : vector<16xf32>
        %get3A_474 = arith.index_cast %scan3A_358 : i32 to index
        %get3A_475 = arith.constant 32 : index
        %get3A_476 = tpu.vector_load %arg22[%get3A_474, %get3A_475] {strides = array<i32>} : memref<32x128xf32, #tpu.memory_space<vmem>>, vector<1x16xf32>,
        %get3A_477 = vector.shape_cast %get3A_476 : vector<1x16xf32> to vector<16xf32>
        %add3A_478 = arith.addf %add3A_473, %get3A_477 : vector<16xf32>
        %get3A_479 = arith.index_cast %scan3A_358 : i32 to index
        %get3A_480 = arith.constant 32 : index
        %get3A_481 = tpu.vector_load %arg23[%get3A_479, %get3A_480] {strides = array<i32>} : memref<32x128xf32, #tpu.memory_space<vmem>>, vector<1x16xf32>,
        %get3A_482 = vector.shape_cast %get3A_481 : vector<1x16xf32> to vector<16xf32>
        %add3A_483 = arith.addf %add3A_478, %get3A_482 : vector<16xf32>
        %get3A_484 = arith.index_cast %scan3A_358 : i32 to index
        %get3A_485 = arith.constant 32 : index
        %get3A_486 = tpu.vector_load %arg24[%get3A_484, %get3A_485] {strides = array<i32>} : memref<32x128xf32, #tpu.memory_space<vmem>>, vector<1x16xf32>,
        %get3A_487 = vector.shape_cast %get3A_486 : vector<1x16xf32> to vector<16xf32>
        %add3A_488 = arith.addf %add3A_483, %get3A_487 : vector<16xf32>
        %get3A_489 = arith.index_cast %scan3A_358 : i32 to index
        %get3A_490 = arith.constant 32 : index
        %get3A_491 = tpu.vector_load %arg25[%get3A_489, %get3A_490] {strides = array<i32>} : memref<32x128xf32, #tpu.memory_space<vmem>>, vector<1x16xf32>,
        %get3A_492 = vector.shape_cast %get3A_491 : vector<1x16xf32> to vector<16xf32>
        %add3A_493 = arith.addf %add3A_488, %get3A_492 : vector<16xf32>
        %get3A_494 = arith.index_cast %scan3A_358 : i32 to index
        %get3A_495 = arith.constant 32 : index
        %get3A_496 = tpu.vector_load %arg26[%get3A_494, %get3A_495] {strides = array<i32>} : memref<32x128xf32, #tpu.memory_space<vmem>>, vector<1x16xf32>,
        %get3A_497 = vector.shape_cast %get3A_496 : vector<1x16xf32> to vector<16xf32>
        %add3A_498 = arith.addf %add3A_493, %get3A_497 : vector<16xf32>
        %get3A_499 = arith.index_cast %scan3A_358 : i32 to index
        %get3A_500 = arith.constant 32 : index
        %get3A_501 = tpu.vector_load %arg27[%get3A_499, %get3A_500] {strides = array<i32>} : memref<32x128xf32, #tpu.memory_space<vmem>>, vector<1x16xf32>,
        %get3A_502 = vector.shape_cast %get3A_501 : vector<1x16xf32> to vector<16xf32>
        %add3A_503 = arith.addf %add3A_498, %get3A_502 : vector<16xf32>
        %get3A_504 = arith.index_cast %scan3A_358 : i32 to index
        %get3A_505 = arith.constant 32 : index
        %get3A_506 = tpu.vector_load %arg28[%get3A_504, %get3A_505] {strides = array<i32>} : memref<32x128xf32, #tpu.memory_space<vmem>>, vector<1x16xf32>,
        %get3A_507 = vector.shape_cast %get3A_506 : vector<1x16xf32> to vector<16xf32>
        %add3A_508 = arith.addf %add3A_503, %get3A_507 : vector<16xf32>
        %get3A_509 = arith.index_cast %scan3A_358 : i32 to index
        %get3A_510 = arith.constant 32 : index
        %get3A_511 = tpu.vector_load %arg29[%get3A_509, %get3A_510] {strides = array<i32>} : memref<32x128xf32, #tpu.memory_space<vmem>>, vector<1x16xf32>,
        %get3A_512 = vector.shape_cast %get3A_511 : vector<1x16xf32> to vector<16xf32>
        %add3A_513 = arith.addf %add3A_508, %get3A_512 : vector<16xf32>
        %swap3A_514 = arith.index_cast %scan3A_358 : i32 to index
        %swap3A_515 = arith.constant 32 : index
        %swap3A_516 = tpu.vector_load %arg20[%swap3A_514, %swap3A_515] {strides = array<i32>} : memref<32x128xf32, #tpu.memory_space<vmem>>, vector<1x16xf32>,
        %swap3A_517 = vector.shape_cast %swap3A_516 : vector<1x16xf32> to vector<16xf32>
        %swap3A_518 = vector.shape_cast %add3A_513 : vector<16xf32> to vector<1x16xf32>
        tpu.vector_store %arg20[%swap3A_514, %swap3A_515], %swap3A_518 {strides = array<i32>} : memref<32x128xf32, #tpu.memory_space<vmem>>, vector<1x16xf32>,
        %get3A_519 = arith.index_cast %scan3A_358 : i32 to index
        %get3A_520 = arith.constant 48 : index
        %get3A_521 = tpu.vector_load %arg20[%get3A_519, %get3A_520] {strides = array<i32>} : memref<32x128xf32, #tpu.memory_space<vmem>>, vector<1x16xf32>,
        %get3A_522 = vector.shape_cast %get3A_521 : vector<1x16xf32> to vector<16xf32>
        %get3A_523 = arith.index_cast %scan3A_358 : i32 to index
        %get3A_524 = arith.constant 48 : index
        %get3A_525 = tpu.vector_load %arg21[%get3A_523, %get3A_524] {strides = array<i32>} : memref<32x128xf32, #tpu.memory_space<vmem>>, vector<1x16xf32>,
        %get3A_526 = vector.shape_cast %get3A_525 : vector<1x16xf32> to vector<16xf32>
        %add3A_527 = arith.addf %get3A_522, %get3A_526 : vector<16xf32>
        %get3A_528 = arith.index_cast %scan3A_358 : i32 to index
        %get3A_529 = arith.constant 48 : index
        %get3A_530 = tpu.vector_load %arg22[%get3A_528, %get3A_529] {strides = array<i32>} : memref<32x128xf32, #tpu.memory_space<vmem>>, vector<1x16xf32>,
        %get3A_531 = vector.shape_cast %get3A_530 : vector<1x16xf32> to vector<16xf32>
        %add3A_532 = arith.addf %add3A_527, %get3A_531 : vector<16xf32>
        %get3A_533 = arith.index_cast %scan3A_358 : i32 to index
        %get3A_534 = arith.constant 48 : index
        %get3A_535 = tpu.vector_load %arg23[%get3A_533, %get3A_534] {strides = array<i32>} : memref<32x128xf32, #tpu.memory_space<vmem>>, vector<1x16xf32>,
        %get3A_536 = vector.shape_cast %get3A_535 : vector<1x16xf32> to vector<16xf32>
        %add3A_537 = arith.addf %add3A_532, %get3A_536 : vector<16xf32>
        %get3A_538 = arith.index_cast %scan3A_358 : i32 to index
        %get3A_539 = arith.constant 48 : index
        %get3A_540 = tpu.vector_load %arg24[%get3A_538, %get3A_539] {strides = array<i32>} : memref<32x128xf32, #tpu.memory_space<vmem>>, vector<1x16xf32>,
        %get3A_541 = vector.shape_cast %get3A_540 : vector<1x16xf32> to vector<16xf32>
        %add3A_542 = arith.addf %add3A_537, %get3A_541 : vector<16xf32>
        %get3A_543 = arith.index_cast %scan3A_358 : i32 to index
        %get3A_544 = arith.constant 48 : index
        %get3A_545 = tpu.vector_load %arg25[%get3A_543, %get3A_544] {strides = array<i32>} : memref<32x128xf32, #tpu.memory_space<vmem>>, vector<1x16xf32>,
        %get3A_546 = vector.shape_cast %get3A_545 : vector<1x16xf32> to vector<16xf32>
        %add3A_547 = arith.addf %add3A_542, %get3A_546 : vector<16xf32>
        %get3A_548 = arith.index_cast %scan3A_358 : i32 to index
        %get3A_549 = arith.constant 48 : index
        %get3A_550 = tpu.vector_load %arg26[%get3A_548, %get3A_549] {strides = array<i32>} : memref<32x128xf32, #tpu.memory_space<vmem>>, vector<1x16xf32>,
        %get3A_551 = vector.shape_cast %get3A_550 : vector<1x16xf32> to vector<16xf32>
        %add3A_552 = arith.addf %add3A_547, %get3A_551 : vector<16xf32>
        %get3A_553 = arith.index_cast %scan3A_358 : i32 to index
        %get3A_554 = arith.constant 48 : index
        %get3A_555 = tpu.vector_load %arg27[%get3A_553, %get3A_554] {strides = array<i32>} : memref<32x128xf32, #tpu.memory_space<vmem>>, vector<1x16xf32>,
        %get3A_556 = vector.shape_cast %get3A_555 : vector<1x16xf32> to vector<16xf32>
        %add3A_557 = arith.addf %add3A_552, %get3A_556 : vector<16xf32>
        %get3A_558 = arith.index_cast %scan3A_358 : i32 to index
        %get3A_559 = arith.constant 48 : index
        %get3A_560 = tpu.vector_load %arg28[%get3A_558, %get3A_559] {strides = array<i32>} : memref<32x128xf32, #tpu.memory_space<vmem>>, vector<1x16xf32>,
        %get3A_561 = vector.shape_cast %get3A_560 : vector<1x16xf32> to vector<16xf32>
        %add3A_562 = arith.addf %add3A_557, %get3A_561 : vector<16xf32>
        %get3A_563 = arith.index_cast %scan3A_358 : i32 to index
        %get3A_564 = arith.constant 48 : index
        %get3A_565 = tpu.vector_load %arg29[%get3A_563, %get3A_564] {strides = array<i32>} : memref<32x128xf32, #tpu.memory_space<vmem>>, vector<1x16xf32>,
        %get3A_566 = vector.shape_cast %get3A_565 : vector<1x16xf32> to vector<16xf32>
        %add3A_567 = arith.addf %add3A_562, %get3A_566 : vector<16xf32>
        %swap3A_568 = arith.index_cast %scan3A_358 : i32 to index
        %swap3A_569 = arith.constant 48 : index
        %swap3A_570 = tpu.vector_load %arg20[%swap3A_568, %swap3A_569] {strides = array<i32>} : memref<32x128xf32, #tpu.memory_space<vmem>>, vector<1x16xf32>,
        %swap3A_571 = vector.shape_cast %swap3A_570 : vector<1x16xf32> to vector<16xf32>
        %swap3A_572 = vector.shape_cast %add3A_567 : vector<16xf32> to vector<1x16xf32>
        tpu.vector_store %arg20[%swap3A_568, %swap3A_569], %swap3A_572 {strides = array<i32>} : memref<32x128xf32, #tpu.memory_space<vmem>>, vector<1x16xf32>,
        %get3A_573 = arith.index_cast %scan3A_358 : i32 to index
        %get3A_574 = arith.constant 64 : index
        %get3A_575 = tpu.vector_load %arg20[%get3A_573, %get3A_574] {strides = array<i32>} : memref<32x128xf32, #tpu.memory_space<vmem>>, vector<1x16xf32>,
        %get3A_576 = vector.shape_cast %get3A_575 : vector<1x16xf32> to vector<16xf32>
        %get3A_577 = arith.index_cast %scan3A_358 : i32 to index
        %get3A_578 = arith.constant 64 : index
        %get3A_579 = tpu.vector_load %arg21[%get3A_577, %get3A_578] {strides = array<i32>} : memref<32x128xf32, #tpu.memory_space<vmem>>, vector<1x16xf32>,
        %get3A_580 = vector.shape_cast %get3A_579 : vector<1x16xf32> to vector<16xf32>
        %add3A_581 = arith.addf %get3A_576, %get3A_580 : vector<16xf32>
        %get3A_582 = arith.index_cast %scan3A_358 : i32 to index
        %get3A_583 = arith.constant 64 : index
        %get3A_584 = tpu.vector_load %arg22[%get3A_582, %get3A_583] {strides = array<i32>} : memref<32x128xf32, #tpu.memory_space<vmem>>, vector<1x16xf32>,
        %get3A_585 = vector.shape_cast %get3A_584 : vector<1x16xf32> to vector<16xf32>
        %add3A_586 = arith.addf %add3A_581, %get3A_585 : vector<16xf32>
        %get3A_587 = arith.index_cast %scan3A_358 : i32 to index
        %get3A_588 = arith.constant 64 : index
        %get3A_589 = tpu.vector_load %arg23[%get3A_587, %get3A_588] {strides = array<i32>} : memref<32x128xf32, #tpu.memory_space<vmem>>, vector<1x16xf32>,
        %get3A_590 = vector.shape_cast %get3A_589 : vector<1x16xf32> to vector<16xf32>
        %add3A_591 = arith.addf %add3A_586, %get3A_590 : vector<16xf32>
        %get3A_592 = arith.index_cast %scan3A_358 : i32 to index
        %get3A_593 = arith.constant 64 : index
        %get3A_594 = tpu.vector_load %arg24[%get3A_592, %get3A_593] {strides = array<i32>} : memref<32x128xf32, #tpu.memory_space<vmem>>, vector<1x16xf32>,
        %get3A_595 = vector.shape_cast %get3A_594 : vector<1x16xf32> to vector<16xf32>
        %add3A_596 = arith.addf %add3A_591, %get3A_595 : vector<16xf32>
        %get3A_597 = arith.index_cast %scan3A_358 : i32 to index
        %get3A_598 = arith.constant 64 : index
        %get3A_599 = tpu.vector_load %arg25[%get3A_597, %get3A_598] {strides = array<i32>} : memref<32x128xf32, #tpu.memory_space<vmem>>, vector<1x16xf32>,
        %get3A_600 = vector.shape_cast %get3A_599 : vector<1x16xf32> to vector<16xf32>
        %add3A_601 = arith.addf %add3A_596, %get3A_600 : vector<16xf32>
        %get3A_602 = arith.index_cast %scan3A_358 : i32 to index
        %get3A_603 = arith.constant 64 : index
        %get3A_604 = tpu.vector_load %arg26[%get3A_602, %get3A_603] {strides = array<i32>} : memref<32x128xf32, #tpu.memory_space<vmem>>, vector<1x16xf32>,
        %get3A_605 = vector.shape_cast %get3A_604 : vector<1x16xf32> to vector<16xf32>
        %add3A_606 = arith.addf %add3A_601, %get3A_605 : vector<16xf32>
        %get3A_607 = arith.index_cast %scan3A_358 : i32 to index
        %get3A_608 = arith.constant 64 : index
        %get3A_609 = tpu.vector_load %arg27[%get3A_607, %get3A_608] {strides = array<i32>} : memref<32x128xf32, #tpu.memory_space<vmem>>, vector<1x16xf32>,
        %get3A_610 = vector.shape_cast %get3A_609 : vector<1x16xf32> to vector<16xf32>
        %add3A_611 = arith.addf %add3A_606, %get3A_610 : vector<16xf32>
        %get3A_612 = arith.index_cast %scan3A_358 : i32 to index
        %get3A_613 = arith.constant 64 : index
        %get3A_614 = tpu.vector_load %arg28[%get3A_612, %get3A_613] {strides = array<i32>} : memref<32x128xf32, #tpu.memory_space<vmem>>, vector<1x16xf32>,
        %get3A_615 = vector.shape_cast %get3A_614 : vector<1x16xf32> to vector<16xf32>
        %add3A_616 = arith.addf %add3A_611, %get3A_615 : vector<16xf32>
        %get3A_617 = arith.index_cast %scan3A_358 : i32 to index
        %get3A_618 = arith.constant 64 : index
        %get3A_619 = tpu.vector_load %arg29[%get3A_617, %get3A_618] {strides = array<i32>} : memref<32x128xf32, #tpu.memory_space<vmem>>, vector<1x16xf32>,
        %get3A_620 = vector.shape_cast %get3A_619 : vector<1x16xf32> to vector<16xf32>
        %add3A_621 = arith.addf %add3A_616, %get3A_620 : vector<16xf32>
        %swap3A_622 = arith.index_cast %scan3A_358 : i32 to index
        %swap3A_623 = arith.constant 64 : index
        %swap3A_624 = tpu.vector_load %arg20[%swap3A_622, %swap3A_623] {strides = array<i32>} : memref<32x128xf32, #tpu.memory_space<vmem>>, vector<1x16xf32>,
        %swap3A_625 = vector.shape_cast %swap3A_624 : vector<1x16xf32> to vector<16xf32>
        %swap3A_626 = vector.shape_cast %add3A_621 : vector<16xf32> to vector<1x16xf32>
        tpu.vector_store %arg20[%swap3A_622, %swap3A_623], %swap3A_626 {strides = array<i32>} : memref<32x128xf32, #tpu.memory_space<vmem>>, vector<1x16xf32>,
        %get3A_627 = arith.index_cast %scan3A_358 : i32 to index
        %get3A_628 = arith.constant 80 : index
        %get3A_629 = tpu.vector_load %arg20[%get3A_627, %get3A_628] {strides = array<i32>} : memref<32x128xf32, #tpu.memory_space<vmem>>, vector<1x16xf32>,
        %get3A_630 = vector.shape_cast %get3A_629 : vector<1x16xf32> to vector<16xf32>
        %get3A_631 = arith.index_cast %scan3A_358 : i32 to index
        %get3A_632 = arith.constant 80 : index
        %get3A_633 = tpu.vector_load %arg21[%get3A_631, %get3A_632] {strides = array<i32>} : memref<32x128xf32, #tpu.memory_space<vmem>>, vector<1x16xf32>,
        %get3A_634 = vector.shape_cast %get3A_633 : vector<1x16xf32> to vector<16xf32>
        %add3A_635 = arith.addf %get3A_630, %get3A_634 : vector<16xf32>
        %get3A_636 = arith.index_cast %scan3A_358 : i32 to index
        %get3A_637 = arith.constant 80 : index
        %get3A_638 = tpu.vector_load %arg22[%get3A_636, %get3A_637] {strides = array<i32>} : memref<32x128xf32, #tpu.memory_space<vmem>>, vector<1x16xf32>,
        %get3A_639 = vector.shape_cast %get3A_638 : vector<1x16xf32> to vector<16xf32>
        %add3A_640 = arith.addf %add3A_635, %get3A_639 : vector<16xf32>
        %get3A_641 = arith.index_cast %scan3A_358 : i32 to index
        %get3A_642 = arith.constant 80 : index
        %get3A_643 = tpu.vector_load %arg23[%get3A_641, %get3A_642] {strides = array<i32>} : memref<32x128xf32, #tpu.memory_space<vmem>>, vector<1x16xf32>,
        %get3A_644 = vector.shape_cast %get3A_643 : vector<1x16xf32> to vector<16xf32>
        %add3A_645 = arith.addf %add3A_640, %get3A_644 : vector<16xf32>
        %get3A_646 = arith.index_cast %scan3A_358 : i32 to index
        %get3A_647 = arith.constant 80 : index
        %get3A_648 = tpu.vector_load %arg24[%get3A_646, %get3A_647] {strides = array<i32>} : memref<32x128xf32, #tpu.memory_space<vmem>>, vector<1x16xf32>,
        %get3A_649 = vector.shape_cast %get3A_648 : vector<1x16xf32> to vector<16xf32>
        %add3A_650 = arith.addf %add3A_645, %get3A_649 : vector<16xf32>
        %get3A_651 = arith.index_cast %scan3A_358 : i32 to index
        %get3A_652 = arith.constant 80 : index
        %get3A_653 = tpu.vector_load %arg25[%get3A_651, %get3A_652] {strides = array<i32>} : memref<32x128xf32, #tpu.memory_space<vmem>>, vector<1x16xf32>,
        %get3A_654 = vector.shape_cast %get3A_653 : vector<1x16xf32> to vector<16xf32>
        %add3A_655 = arith.addf %add3A_650, %get3A_654 : vector<16xf32>
        %get3A_656 = arith.index_cast %scan3A_358 : i32 to index
        %get3A_657 = arith.constant 80 : index
        %get3A_658 = tpu.vector_load %arg26[%get3A_656, %get3A_657] {strides = array<i32>} : memref<32x128xf32, #tpu.memory_space<vmem>>, vector<1x16xf32>,
        %get3A_659 = vector.shape_cast %get3A_658 : vector<1x16xf32> to vector<16xf32>
        %add3A_660 = arith.addf %add3A_655, %get3A_659 : vector<16xf32>
        %get3A_661 = arith.index_cast %scan3A_358 : i32 to index
        %get3A_662 = arith.constant 80 : index
        %get3A_663 = tpu.vector_load %arg27[%get3A_661, %get3A_662] {strides = array<i32>} : memref<32x128xf32, #tpu.memory_space<vmem>>, vector<1x16xf32>,
        %get3A_664 = vector.shape_cast %get3A_663 : vector<1x16xf32> to vector<16xf32>
        %add3A_665 = arith.addf %add3A_660, %get3A_664 : vector<16xf32>
        %get3A_666 = arith.index_cast %scan3A_358 : i32 to index
        %get3A_667 = arith.constant 80 : index
        %get3A_668 = tpu.vector_load %arg28[%get3A_666, %get3A_667] {strides = array<i32>} : memref<32x128xf32, #tpu.memory_space<vmem>>, vector<1x16xf32>,
        %get3A_669 = vector.shape_cast %get3A_668 : vector<1x16xf32> to vector<16xf32>
        %add3A_670 = arith.addf %add3A_665, %get3A_669 : vector<16xf32>
        %get3A_671 = arith.index_cast %scan3A_358 : i32 to index
        %get3A_672 = arith.constant 80 : index
        %get3A_673 = tpu.vector_load %arg29[%get3A_671, %get3A_672] {strides = array<i32>} : memref<32x128xf32, #tpu.memory_space<vmem>>, vector<1x16xf32>,
        %get3A_674 = vector.shape_cast %get3A_673 : vector<1x16xf32> to vector<16xf32>
        %add3A_675 = arith.addf %add3A_670, %get3A_674 : vector<16xf32>
        %swap3A_676 = arith.index_cast %scan3A_358 : i32 to index
        %swap3A_677 = arith.constant 80 : index
        %swap3A_678 = tpu.vector_load %arg20[%swap3A_676, %swap3A_677] {strides = array<i32>} : memref<32x128xf32, #tpu.memory_space<vmem>>, vector<1x16xf32>,
        %swap3A_679 = vector.shape_cast %swap3A_678 : vector<1x16xf32> to vector<16xf32>
        %swap3A_680 = vector.shape_cast %add3A_675 : vector<16xf32> to vector<1x16xf32>
        tpu.vector_store %arg20[%swap3A_676, %swap3A_677], %swap3A_680 {strides = array<i32>} : memref<32x128xf32, #tpu.memory_space<vmem>>, vector<1x16xf32>,
        %get3A_681 = arith.index_cast %scan3A_358 : i32 to index
        %get3A_682 = arith.constant 96 : index
        %get3A_683 = tpu.vector_load %arg20[%get3A_681, %get3A_682] {strides = array<i32>} : memref<32x128xf32, #tpu.memory_space<vmem>>, vector<1x16xf32>,
        %get3A_684 = vector.shape_cast %get3A_683 : vector<1x16xf32> to vector<16xf32>
        %get3A_685 = arith.index_cast %scan3A_358 : i32 to index
        %get3A_686 = arith.constant 96 : index
        %get3A_687 = tpu.vector_load %arg21[%get3A_685, %get3A_686] {strides = array<i32>} : memref<32x128xf32, #tpu.memory_space<vmem>>, vector<1x16xf32>,
        %get3A_688 = vector.shape_cast %get3A_687 : vector<1x16xf32> to vector<16xf32>
        %add3A_689 = arith.addf %get3A_684, %get3A_688 : vector<16xf32>
        %get3A_690 = arith.index_cast %scan3A_358 : i32 to index
        %get3A_691 = arith.constant 96 : index
        %get3A_692 = tpu.vector_load %arg22[%get3A_690, %get3A_691] {strides = array<i32>} : memref<32x128xf32, #tpu.memory_space<vmem>>, vector<1x16xf32>,
        %get3A_693 = vector.shape_cast %get3A_692 : vector<1x16xf32> to vector<16xf32>
        %add3A_694 = arith.addf %add3A_689, %get3A_693 : vector<16xf32>
        %get3A_695 = arith.index_cast %scan3A_358 : i32 to index
        %get3A_696 = arith.constant 96 : index
        %get3A_697 = tpu.vector_load %arg23[%get3A_695, %get3A_696] {strides = array<i32>} : memref<32x128xf32, #tpu.memory_space<vmem>>, vector<1x16xf32>,
        %get3A_698 = vector.shape_cast %get3A_697 : vector<1x16xf32> to vector<16xf32>
        %add3A_699 = arith.addf %add3A_694, %get3A_698 : vector<16xf32>
        %get3A_700 = arith.index_cast %scan3A_358 : i32 to index
        %get3A_701 = arith.constant 96 : index
        %get3A_702 = tpu.vector_load %arg24[%get3A_700, %get3A_701] {strides = array<i32>} : memref<32x128xf32, #tpu.memory_space<vmem>>, vector<1x16xf32>,
        %get3A_703 = vector.shape_cast %get3A_702 : vector<1x16xf32> to vector<16xf32>
        %add3A_704 = arith.addf %add3A_699, %get3A_703 : vector<16xf32>
        %get3A_705 = arith.index_cast %scan3A_358 : i32 to index
        %get3A_706 = arith.constant 96 : index
        %get3A_707 = tpu.vector_load %arg25[%get3A_705, %get3A_706] {strides = array<i32>} : memref<32x128xf32, #tpu.memory_space<vmem>>, vector<1x16xf32>,
        %get3A_708 = vector.shape_cast %get3A_707 : vector<1x16xf32> to vector<16xf32>
        %add3A_709 = arith.addf %add3A_704, %get3A_708 : vector<16xf32>
        %get3A_710 = arith.index_cast %scan3A_358 : i32 to index
        %get3A_711 = arith.constant 96 : index
        %get3A_712 = tpu.vector_load %arg26[%get3A_710, %get3A_711] {strides = array<i32>} : memref<32x128xf32, #tpu.memory_space<vmem>>, vector<1x16xf32>,
        %get3A_713 = vector.shape_cast %get3A_712 : vector<1x16xf32> to vector<16xf32>
        %add3A_714 = arith.addf %add3A_709, %get3A_713 : vector<16xf32>
        %get3A_715 = arith.index_cast %scan3A_358 : i32 to index
        %get3A_716 = arith.constant 96 : index
        %get3A_717 = tpu.vector_load %arg27[%get3A_715, %get3A_716] {strides = array<i32>} : memref<32x128xf32, #tpu.memory_space<vmem>>, vector<1x16xf32>,
        %get3A_718 = vector.shape_cast %get3A_717 : vector<1x16xf32> to vector<16xf32>
        %add3A_719 = arith.addf %add3A_714, %get3A_718 : vector<16xf32>
        %get3A_720 = arith.index_cast %scan3A_358 : i32 to index
        %get3A_721 = arith.constant 96 : index
        %get3A_722 = tpu.vector_load %arg28[%get3A_720, %get3A_721] {strides = array<i32>} : memref<32x128xf32, #tpu.memory_space<vmem>>, vector<1x16xf32>,
        %get3A_723 = vector.shape_cast %get3A_722 : vector<1x16xf32> to vector<16xf32>
        %add3A_724 = arith.addf %add3A_719, %get3A_723 : vector<16xf32>
        %get3A_725 = arith.index_cast %scan3A_358 : i32 to index
        %get3A_726 = arith.constant 96 : index
        %get3A_727 = tpu.vector_load %arg29[%get3A_725, %get3A_726] {strides = array<i32>} : memref<32x128xf32, #tpu.memory_space<vmem>>, vector<1x16xf32>,
        %get3A_728 = vector.shape_cast %get3A_727 : vector<1x16xf32> to vector<16xf32>
        %add3A_729 = arith.addf %add3A_724, %get3A_728 : vector<16xf32>
        %swap3A_730 = arith.index_cast %scan3A_358 : i32 to index
        %swap3A_731 = arith.constant 96 : index
        %swap3A_732 = tpu.vector_load %arg20[%swap3A_730, %swap3A_731] {strides = array<i32>} : memref<32x128xf32, #tpu.memory_space<vmem>>, vector<1x16xf32>,
        %swap3A_733 = vector.shape_cast %swap3A_732 : vector<1x16xf32> to vector<16xf32>
        %swap3A_734 = vector.shape_cast %add3A_729 : vector<16xf32> to vector<1x16xf32>
        tpu.vector_store %arg20[%swap3A_730, %swap3A_731], %swap3A_734 {strides = array<i32>} : memref<32x128xf32, #tpu.memory_space<vmem>>, vector<1x16xf32>,
        %get3A_735 = arith.index_cast %scan3A_358 : i32 to index
        %get3A_736 = arith.constant 112 : index
        %get3A_737 = tpu.vector_load %arg20[%get3A_735, %get3A_736] {strides = array<i32>} : memref<32x128xf32, #tpu.memory_space<vmem>>, vector<1x16xf32>,
        %get3A_738 = vector.shape_cast %get3A_737 : vector<1x16xf32> to vector<16xf32>
        %get3A_739 = arith.index_cast %scan3A_358 : i32 to index
        %get3A_740 = arith.constant 112 : index
        %get3A_741 = tpu.vector_load %arg21[%get3A_739, %get3A_740] {strides = array<i32>} : memref<32x128xf32, #tpu.memory_space<vmem>>, vector<1x16xf32>,
        %get3A_742 = vector.shape_cast %get3A_741 : vector<1x16xf32> to vector<16xf32>
        %add3A_743 = arith.addf %get3A_738, %get3A_742 : vector<16xf32>
        %get3A_744 = arith.index_cast %scan3A_358 : i32 to index
        %get3A_745 = arith.constant 112 : index
        %get3A_746 = tpu.vector_load %arg22[%get3A_744, %get3A_745] {strides = array<i32>} : memref<32x128xf32, #tpu.memory_space<vmem>>, vector<1x16xf32>,
        %get3A_747 = vector.shape_cast %get3A_746 : vector<1x16xf32> to vector<16xf32>
        %add3A_748 = arith.addf %add3A_743, %get3A_747 : vector<16xf32>
        %get3A_749 = arith.index_cast %scan3A_358 : i32 to index
        %get3A_750 = arith.constant 112 : index
        %get3A_751 = tpu.vector_load %arg23[%get3A_749, %get3A_750] {strides = array<i32>} : memref<32x128xf32, #tpu.memory_space<vmem>>, vector<1x16xf32>,
        %get3A_752 = vector.shape_cast %get3A_751 : vector<1x16xf32> to vector<16xf32>
        %add3A_753 = arith.addf %add3A_748, %get3A_752 : vector<16xf32>
        %get3A_754 = arith.index_cast %scan3A_358 : i32 to index
        %get3A_755 = arith.constant 112 : index
        %get3A_756 = tpu.vector_load %arg24[%get3A_754, %get3A_755] {strides = array<i32>} : memref<32x128xf32, #tpu.memory_space<vmem>>, vector<1x16xf32>,
        %get3A_757 = vector.shape_cast %get3A_756 : vector<1x16xf32> to vector<16xf32>
        %add3A_758 = arith.addf %add3A_753, %get3A_757 : vector<16xf32>
        %get3A_759 = arith.index_cast %scan3A_358 : i32 to index
        %get3A_760 = arith.constant 112 : index
        %get3A_761 = tpu.vector_load %arg25[%get3A_759, %get3A_760] {strides = array<i32>} : memref<32x128xf32, #tpu.memory_space<vmem>>, vector<1x16xf32>,
        %get3A_762 = vector.shape_cast %get3A_761 : vector<1x16xf32> to vector<16xf32>
        %add3A_763 = arith.addf %add3A_758, %get3A_762 : vector<16xf32>
        %get3A_764 = arith.index_cast %scan3A_358 : i32 to index
        %get3A_765 = arith.constant 112 : index
        %get3A_766 = tpu.vector_load %arg26[%get3A_764, %get3A_765] {strides = array<i32>} : memref<32x128xf32, #tpu.memory_space<vmem>>, vector<1x16xf32>,
        %get3A_767 = vector.shape_cast %get3A_766 : vector<1x16xf32> to vector<16xf32>
        %add3A_768 = arith.addf %add3A_763, %get3A_767 : vector<16xf32>
        %get3A_769 = arith.index_cast %scan3A_358 : i32 to index
        %get3A_770 = arith.constant 112 : index
        %get3A_771 = tpu.vector_load %arg27[%get3A_769, %get3A_770] {strides = array<i32>} : memref<32x128xf32, #tpu.memory_space<vmem>>, vector<1x16xf32>,
        %get3A_772 = vector.shape_cast %get3A_771 : vector<1x16xf32> to vector<16xf32>
        %add3A_773 = arith.addf %add3A_768, %get3A_772 : vector<16xf32>
        %get3A_774 = arith.index_cast %scan3A_358 : i32 to index
        %get3A_775 = arith.constant 112 : index
        %get3A_776 = tpu.vector_load %arg28[%get3A_774, %get3A_775] {strides = array<i32>} : memref<32x128xf32, #tpu.memory_space<vmem>>, vector<1x16xf32>,
        %get3A_777 = vector.shape_cast %get3A_776 : vector<1x16xf32> to vector<16xf32>
        %add3A_778 = arith.addf %add3A_773, %get3A_777 : vector<16xf32>
        %get3A_779 = arith.index_cast %scan3A_358 : i32 to index
        %get3A_780 = arith.constant 112 : index
        %get3A_781 = tpu.vector_load %arg29[%get3A_779, %get3A_780] {strides = array<i32>} : memref<32x128xf32, #tpu.memory_space<vmem>>, vector<1x16xf32>,
        %get3A_782 = vector.shape_cast %get3A_781 : vector<1x16xf32> to vector<16xf32>
        %add3A_783 = arith.addf %add3A_778, %get3A_782 : vector<16xf32>
        %swap3A_784 = arith.index_cast %scan3A_358 : i32 to index
        %swap3A_785 = arith.constant 112 : index
        %swap3A_786 = tpu.vector_load %arg20[%swap3A_784, %swap3A_785] {strides = array<i32>} : memref<32x128xf32, #tpu.memory_space<vmem>>, vector<1x16xf32>,
        %swap3A_787 = vector.shape_cast %swap3A_786 : vector<1x16xf32> to vector<16xf32>
        %swap3A_788 = vector.shape_cast %add3A_783 : vector<16xf32> to vector<1x16xf32>
        tpu.vector_store %arg20[%swap3A_784, %swap3A_785], %swap3A_788 {strides = array<i32>} : memref<32x128xf32, #tpu.memory_space<vmem>>, vector<1x16xf32>,
      }
      %scan3A_346 = arith.constant 32 : i32
      %mul3A_347 = arith.constant 32 : i32
      %mul3A_348 = arith.muli %add3A_246, %mul3A_347 : i32
      %add3A_349 = arith.addi %mul3A_9, %mul3A_348 : i32
      %dma_start3A_350 = arith.constant 0 : i32
      %dma_start3A_351 = tpu.memref_slice %arg4[%add3A_349, %dma_start3A_350] : memref<51200x128xf32, #tpu.memory_space<hbm>> -> memref<32x128xf32, #tpu.memory_space<hbm>>
      %dma_start3A_352 = arith.constant 0 : i32
      %dma_start3A_353 = tpu.memref_slice %arg4[%add3A_349, %dma_start3A_352] : memref<51200x128xf32, #tpu.memory_space<hbm>> -> memref<32x128xf32, #tpu.memory_space<hbm>>
      tpu.enqueue_dma source(%arg9 : memref<32x128xf32, #tpu.memory_space<vmem>>) target(%dma_start3A_353 : memref<32x128xf32, #tpu.memory_space<hbm>>) target_semaphore(%arg35 : memref<!tpu.dma_semaphore, #tpu.memory_space<semaphore_mem>>)
      %dma_start3A_354 = arith.constant 0 : i32
      %dma_start3A_355 = tpu.memref_slice %arg5[%add3A_349, %dma_start3A_354] : memref<51200x128xf32, #tpu.memory_space<hbm>> -> memref<32x128xf32, #tpu.memory_space<hbm>>
      %dma_start3A_356 = arith.constant 0 : i32
      %dma_start3A_357 = tpu.memref_slice %arg5[%add3A_349, %dma_start3A_356] : memref<51200x128xf32, #tpu.memory_space<hbm>> -> memref<32x128xf32, #tpu.memory_space<hbm>>
      tpu.enqueue_dma source(%arg20 : memref<32x128xf32, #tpu.memory_space<vmem>>) target(%dma_start3A_357 : memref<32x128xf32, #tpu.memory_space<hbm>>) target_semaphore(%arg35 : memref<!tpu.dma_semaphore, #tpu.memory_space<semaphore_mem>>)
    }
    %while3A_121 = arith.constant 1 : i32
    scf.for %while3A_134 = %while3A_119 to %while3A_115 step %while3A_121  : i32 {
      %mul3A_135 = arith.constant 2 : i32
      %mul3A_136 = arith.muli %mul3A_135, %while3A_134 : i32
      %gt3A = arith.constant 0 : i32
      %gt3A_137 = arith.cmpi sgt, %mul3A_136, %gt3A : i32
      %convert_element_type3A = arith.extui %gt3A_137 : i1 to i32
      %cond3A = arith.constant 0 : i32
      %cond3A_138 = arith.cmpi ne, %convert_element_type3A, %cond3A : i32
      scf.if %cond3A_138 {
        %sub3A_358 = arith.constant 1 : i32
        %sub3A_359 = arith.subi %mul3A_136, %sub3A_358 : i32
        %mul3A_360 = arith.constant 32 : i32
        %mul3A_361 = arith.muli %sub3A_359, %mul3A_360 : i32
        %add3A_362 = arith.addi %mul3A_9, %mul3A_361 : i32
        %dma_wait3A_363 = arith.constant 0 : i32
        %dma_wait3A_364 = tpu.memref_slice %arg4[%add3A_362, %dma_wait3A_363] : memref<51200x128xf32, #tpu.memory_space<hbm>> -> memref<32x128xf32, #tpu.memory_space<hbm>>
        %dma_wait3A_365 = arith.constant 0 : i32
        %dma_wait3A_366 = tpu.memref_slice %arg4[%add3A_362, %dma_wait3A_365] : memref<51200x128xf32, #tpu.memory_space<hbm>> -> memref<32x128xf32, #tpu.memory_space<hbm>>
        tpu.wait_dma2 semaphore(%arg35 : memref<!tpu.dma_semaphore, #tpu.memory_space<semaphore_mem>>) src(%arg9 : memref<32x128xf32, #tpu.memory_space<vmem>>) dst(%dma_wait3A_366 : memref<32x128xf32, #tpu.memory_space<hbm>>)
        %dma_wait3A_367 = arith.constant 0 : i32
        %dma_wait3A_368 = tpu.memref_slice %arg5[%add3A_362, %dma_wait3A_367] : memref<51200x128xf32, #tpu.memory_space<hbm>> -> memref<32x128xf32, #tpu.memory_space<hbm>>
        %dma_wait3A_369 = arith.constant 0 : i32
        %dma_wait3A_370 = tpu.memref_slice %arg5[%add3A_362, %dma_wait3A_369] : memref<51200x128xf32, #tpu.memory_space<hbm>> -> memref<32x128xf32, #tpu.memory_space<hbm>>
        tpu.wait_dma2 semaphore(%arg35 : memref<!tpu.dma_semaphore, #tpu.memory_space<semaphore_mem>>) src(%arg20 : memref<32x128xf32, #tpu.memory_space<vmem>>) dst(%dma_wait3A_370 : memref<32x128xf32, #tpu.memory_space<hbm>>)
      } else {
      }
      %add3A_139 = arith.constant 1 : i32
      %add3A_140 = arith.addi %mul3A_136, %add3A_139 : i32
      %lt3A = arith.cmpi slt, %add3A_140, %select_n3A_2 : i32
      %convert_element_type3A_141 = arith.extui %lt3A : i1 to i32
      %cond3A_142 = arith.constant 0 : i32
      %cond3A_143 = arith.cmpi ne, %convert_element_type3A_141, %cond3A_142 : i32
      scf.if %cond3A_143 {
        %add3A_358 = arith.constant 1 : i32
        %add3A_359 = arith.addi %mul3A_136, %add3A_358 : i32
        %add3A_360 = arith.addi %select_n3A_7, %add3A_359 : i32
        %dma_wait3A_361 = arith.constant 0 : i32
        %dma_wait3A_362 = arith.constant 0 : i32
        %dma_wait3A_363 = tpu.memref_slice %arg3[%add3A_360, %dma_wait3A_361, %dma_wait3A_362] : memref<1600x11x32xi32, #tpu.memory_space<hbm>> -> memref<1x11x32xi32, #tpu.memory_space<hbm>>
        %dma_wait3A_364 = tpu.memref_squeeze %dma_wait3A_363 : memref<1x11x32xi32, #tpu.memory_space<hbm>> -> memref<11x32xi32, #tpu.memory_space<hbm>>
        %dma_wait3A_365 = arith.constant 0 : i32
        %dma_wait3A_366 = arith.constant 0 : i32
        %dma_wait3A_367 = tpu.memref_slice %arg3[%add3A_360, %dma_wait3A_365, %dma_wait3A_366] : memref<1600x11x32xi32, #tpu.memory_space<hbm>> -> memref<1x11x32xi32, #tpu.memory_space<hbm>>
        %dma_wait3A_368 = tpu.memref_squeeze %dma_wait3A_367 : memref<1x11x32xi32, #tpu.memory_space<hbm>> -> memref<11x32xi32, #tpu.memory_space<hbm>>
        tpu.wait_dma2 semaphore(%arg31 : memref<!tpu.dma_semaphore, #tpu.memory_space<semaphore_mem>>) src(%dma_wait3A_368 : memref<11x32xi32, #tpu.memory_space<hbm>>) dst(%arg7 : memref<11x32xi32, #tpu.memory_space<vmem>>)
        %dma_start3A_369 = arith.constant 0 : i32
        %dma_start3A_370 = arith.constant 0 : i32
        %dma_start3A_371 = tpu.memref_slice %arg7[%dma_start3A_369, %dma_start3A_370] : memref<11x32xi32, #tpu.memory_space<vmem>> -> memref<1x32xi32, #tpu.memory_space<vmem>>
        %dma_start3A_372 = tpu.memref_squeeze %dma_start3A_371 : memref<1x32xi32, #tpu.memory_space<vmem>> -> memref<32xi32, #tpu.memory_space<vmem>>
        %dma_start3A_373 = arith.constant 0 : i32
        %dma_start3A_374 = arith.constant 0 : i32
        %dma_start3A_375 = tpu.memref_slice %arg2[%dma_start3A_373, %dma_start3A_374] : memref<100000x128xf32, #tpu.memory_space<hbm>> -> memref<100000x128xf32, #tpu.memory_space<hbm>>
        tpu.enqueue_indirect_dma source(%dma_start3A_375 : memref<100000x128xf32, #tpu.memory_space<hbm>>) target(%arg9 : memref<32x128xf32, #tpu.memory_space<vmem>>) offsets(%dma_start3A_372 : memref<32xi32, #tpu.memory_space<vmem>>) semaphore(%arg33 : memref<!tpu.dma_semaphore, #tpu.memory_space<semaphore_mem>>)
        %dma_start3A_376 = arith.constant 1 : i32
        %dma_start3A_377 = arith.constant 0 : i32
        %dma_start3A_378 = tpu.memref_slice %arg7[%dma_start3A_376, %dma_start3A_377] : memref<11x32xi32, #tpu.memory_space<vmem>> -> memref<1x32xi32, #tpu.memory_space<vmem>>
        %dma_start3A_379 = tpu.memref_squeeze %dma_start3A_378 : memref<1x32xi32, #tpu.memory_space<vmem>> -> memref<32xi32, #tpu.memory_space<vmem>>
        %dma_start3A_380 = arith.constant 0 : i32
        %dma_start3A_381 = arith.constant 0 : i32
        %dma_start3A_382 = tpu.memref_slice %arg2[%dma_start3A_380, %dma_start3A_381] : memref<100000x128xf32, #tpu.memory_space<hbm>> -> memref<100000x128xf32, #tpu.memory_space<hbm>>
        tpu.enqueue_indirect_dma source(%dma_start3A_382 : memref<100000x128xf32, #tpu.memory_space<hbm>>) target(%arg20 : memref<32x128xf32, #tpu.memory_space<vmem>>) offsets(%dma_start3A_379 : memref<32xi32, #tpu.memory_space<vmem>>) semaphore(%arg33 : memref<!tpu.dma_semaphore, #tpu.memory_space<semaphore_mem>>)
        %dma_start3A_383 = arith.constant 2 : i32
        %dma_start3A_384 = arith.constant 0 : i32
        %dma_start3A_385 = tpu.memref_slice %arg7[%dma_start3A_383, %dma_start3A_384] : memref<11x32xi32, #tpu.memory_space<vmem>> -> memref<1x32xi32, #tpu.memory_space<vmem>>
        %dma_start3A_386 = tpu.memref_squeeze %dma_start3A_385 : memref<1x32xi32, #tpu.memory_space<vmem>> -> memref<32xi32, #tpu.memory_space<vmem>>
        %dma_start3A_387 = arith.constant 0 : i32
        %dma_start3A_388 = arith.constant 0 : i32
        %dma_start3A_389 = tpu.memref_slice %arg2[%dma_start3A_387, %dma_start3A_388] : memref<100000x128xf32, #tpu.memory_space<hbm>> -> memref<100000x128xf32, #tpu.memory_space<hbm>>
        tpu.enqueue_indirect_dma source(%dma_start3A_389 : memref<100000x128xf32, #tpu.memory_space<hbm>>) target(%arg21 : memref<32x128xf32, #tpu.memory_space<vmem>>) offsets(%dma_start3A_386 : memref<32xi32, #tpu.memory_space<vmem>>) semaphore(%arg33 : memref<!tpu.dma_semaphore, #tpu.memory_space<semaphore_mem>>)
        %dma_start3A_390 = arith.constant 3 : i32
        %dma_start3A_391 = arith.constant 0 : i32
        %dma_start3A_392 = tpu.memref_slice %arg7[%dma_start3A_390, %dma_start3A_391] : memref<11x32xi32, #tpu.memory_space<vmem>> -> memref<1x32xi32, #tpu.memory_space<vmem>>
        %dma_start3A_393 = tpu.memref_squeeze %dma_start3A_392 : memref<1x32xi32, #tpu.memory_space<vmem>> -> memref<32xi32, #tpu.memory_space<vmem>>
        %dma_start3A_394 = arith.constant 0 : i32
        %dma_start3A_395 = arith.constant 0 : i32
        %dma_start3A_396 = tpu.memref_slice %arg2[%dma_start3A_394, %dma_start3A_395] : memref<100000x128xf32, #tpu.memory_space<hbm>> -> memref<100000x128xf32, #tpu.memory_space<hbm>>
        tpu.enqueue_indirect_dma source(%dma_start3A_396 : memref<100000x128xf32, #tpu.memory_space<hbm>>) target(%arg22 : memref<32x128xf32, #tpu.memory_space<vmem>>) offsets(%dma_start3A_393 : memref<32xi32, #tpu.memory_space<vmem>>) semaphore(%arg33 : memref<!tpu.dma_semaphore, #tpu.memory_space<semaphore_mem>>)
        %dma_start3A_397 = arith.constant 4 : i32
        %dma_start3A_398 = arith.constant 0 : i32
        %dma_start3A_399 = tpu.memref_slice %arg7[%dma_start3A_397, %dma_start3A_398] : memref<11x32xi32, #tpu.memory_space<vmem>> -> memref<1x32xi32, #tpu.memory_space<vmem>>
        %dma_start3A_400 = tpu.memref_squeeze %dma_start3A_399 : memref<1x32xi32, #tpu.memory_space<vmem>> -> memref<32xi32, #tpu.memory_space<vmem>>
        %dma_start3A_401 = arith.constant 0 : i32
        %dma_start3A_402 = arith.constant 0 : i32
        %dma_start3A_403 = tpu.memref_slice %arg2[%dma_start3A_401, %dma_start3A_402] : memref<100000x128xf32, #tpu.memory_space<hbm>> -> memref<100000x128xf32, #tpu.memory_space<hbm>>
        tpu.enqueue_indirect_dma source(%dma_start3A_403 : memref<100000x128xf32, #tpu.memory_space<hbm>>) target(%arg23 : memref<32x128xf32, #tpu.memory_space<vmem>>) offsets(%dma_start3A_400 : memref<32xi32, #tpu.memory_space<vmem>>) semaphore(%arg33 : memref<!tpu.dma_semaphore, #tpu.memory_space<semaphore_mem>>)
        %dma_start3A_404 = arith.constant 5 : i32
        %dma_start3A_405 = arith.constant 0 : i32
        %dma_start3A_406 = tpu.memref_slice %arg7[%dma_start3A_404, %dma_start3A_405] : memref<11x32xi32, #tpu.memory_space<vmem>> -> memref<1x32xi32, #tpu.memory_space<vmem>>
        %dma_start3A_407 = tpu.memref_squeeze %dma_start3A_406 : memref<1x32xi32, #tpu.memory_space<vmem>> -> memref<32xi32, #tpu.memory_space<vmem>>
        %dma_start3A_408 = arith.constant 0 : i32
        %dma_start3A_409 = arith.constant 0 : i32
        %dma_start3A_410 = tpu.memref_slice %arg2[%dma_start3A_408, %dma_start3A_409] : memref<100000x128xf32, #tpu.memory_space<hbm>> -> memref<100000x128xf32, #tpu.memory_space<hbm>>
        tpu.enqueue_indirect_dma source(%dma_start3A_410 : memref<100000x128xf32, #tpu.memory_space<hbm>>) target(%arg24 : memref<32x128xf32, #tpu.memory_space<vmem>>) offsets(%dma_start3A_407 : memref<32xi32, #tpu.memory_space<vmem>>) semaphore(%arg33 : memref<!tpu.dma_semaphore, #tpu.memory_space<semaphore_mem>>)
        %dma_start3A_411 = arith.constant 6 : i32
        %dma_start3A_412 = arith.constant 0 : i32
        %dma_start3A_413 = tpu.memref_slice %arg7[%dma_start3A_411, %dma_start3A_412] : memref<11x32xi32, #tpu.memory_space<vmem>> -> memref<1x32xi32, #tpu.memory_space<vmem>>
        %dma_start3A_414 = tpu.memref_squeeze %dma_start3A_413 : memref<1x32xi32, #tpu.memory_space<vmem>> -> memref<32xi32, #tpu.memory_space<vmem>>
        %dma_start3A_415 = arith.constant 0 : i32
        %dma_start3A_416 = arith.constant 0 : i32
        %dma_start3A_417 = tpu.memref_slice %arg2[%dma_start3A_415, %dma_start3A_416] : memref<100000x128xf32, #tpu.memory_space<hbm>> -> memref<100000x128xf32, #tpu.memory_space<hbm>>
        tpu.enqueue_indirect_dma source(%dma_start3A_417 : memref<100000x128xf32, #tpu.memory_space<hbm>>) target(%arg25 : memref<32x128xf32, #tpu.memory_space<vmem>>) offsets(%dma_start3A_414 : memref<32xi32, #tpu.memory_space<vmem>>) semaphore(%arg33 : memref<!tpu.dma_semaphore, #tpu.memory_space<semaphore_mem>>)
        %dma_start3A_418 = arith.constant 7 : i32
        %dma_start3A_419 = arith.constant 0 : i32
        %dma_start3A_420 = tpu.memref_slice %arg7[%dma_start3A_418, %dma_start3A_419] : memref<11x32xi32, #tpu.memory_space<vmem>> -> memref<1x32xi32, #tpu.memory_space<vmem>>
        %dma_start3A_421 = tpu.memref_squeeze %dma_start3A_420 : memref<1x32xi32, #tpu.memory_space<vmem>> -> memref<32xi32, #tpu.memory_space<vmem>>
        %dma_start3A_422 = arith.constant 0 : i32
        %dma_start3A_423 = arith.constant 0 : i32
        %dma_start3A_424 = tpu.memref_slice %arg2[%dma_start3A_422, %dma_start3A_423] : memref<100000x128xf32, #tpu.memory_space<hbm>> -> memref<100000x128xf32, #tpu.memory_space<hbm>>
        tpu.enqueue_indirect_dma source(%dma_start3A_424 : memref<100000x128xf32, #tpu.memory_space<hbm>>) target(%arg26 : memref<32x128xf32, #tpu.memory_space<vmem>>) offsets(%dma_start3A_421 : memref<32xi32, #tpu.memory_space<vmem>>) semaphore(%arg33 : memref<!tpu.dma_semaphore, #tpu.memory_space<semaphore_mem>>)
        %dma_start3A_425 = arith.constant 8 : i32
        %dma_start3A_426 = arith.constant 0 : i32
        %dma_start3A_427 = tpu.memref_slice %arg7[%dma_start3A_425, %dma_start3A_426] : memref<11x32xi32, #tpu.memory_space<vmem>> -> memref<1x32xi32, #tpu.memory_space<vmem>>
        %dma_start3A_428 = tpu.memref_squeeze %dma_start3A_427 : memref<1x32xi32, #tpu.memory_space<vmem>> -> memref<32xi32, #tpu.memory_space<vmem>>
        %dma_start3A_429 = arith.constant 0 : i32
        %dma_start3A_430 = arith.constant 0 : i32
        %dma_start3A_431 = tpu.memref_slice %arg2[%dma_start3A_429, %dma_start3A_430] : memref<100000x128xf32, #tpu.memory_space<hbm>> -> memref<100000x128xf32, #tpu.memory_space<hbm>>
        tpu.enqueue_indirect_dma source(%dma_start3A_431 : memref<100000x128xf32, #tpu.memory_space<hbm>>) target(%arg27 : memref<32x128xf32, #tpu.memory_space<vmem>>) offsets(%dma_start3A_428 : memref<32xi32, #tpu.memory_space<vmem>>) semaphore(%arg33 : memref<!tpu.dma_semaphore, #tpu.memory_space<semaphore_mem>>)
        %dma_start3A_432 = arith.constant 9 : i32
        %dma_start3A_433 = arith.constant 0 : i32
        %dma_start3A_434 = tpu.memref_slice %arg7[%dma_start3A_432, %dma_start3A_433] : memref<11x32xi32, #tpu.memory_space<vmem>> -> memref<1x32xi32, #tpu.memory_space<vmem>>
        %dma_start3A_435 = tpu.memref_squeeze %dma_start3A_434 : memref<1x32xi32, #tpu.memory_space<vmem>> -> memref<32xi32, #tpu.memory_space<vmem>>
        %dma_start3A_436 = arith.constant 0 : i32
        %dma_start3A_437 = arith.constant 0 : i32
        %dma_start3A_438 = tpu.memref_slice %arg2[%dma_start3A_436, %dma_start3A_437] : memref<100000x128xf32, #tpu.memory_space<hbm>> -> memref<100000x128xf32, #tpu.memory_space<hbm>>
        tpu.enqueue_indirect_dma source(%dma_start3A_438 : memref<100000x128xf32, #tpu.memory_space<hbm>>) target(%arg28 : memref<32x128xf32, #tpu.memory_space<vmem>>) offsets(%dma_start3A_435 : memref<32xi32, #tpu.memory_space<vmem>>) semaphore(%arg33 : memref<!tpu.dma_semaphore, #tpu.memory_space<semaphore_mem>>)
        %dma_start3A_439 = arith.constant 10 : i32
        %dma_start3A_440 = arith.constant 0 : i32
        %dma_start3A_441 = tpu.memref_slice %arg7[%dma_start3A_439, %dma_start3A_440] : memref<11x32xi32, #tpu.memory_space<vmem>> -> memref<1x32xi32, #tpu.memory_space<vmem>>
        %dma_start3A_442 = tpu.memref_squeeze %dma_start3A_441 : memref<1x32xi32, #tpu.memory_space<vmem>> -> memref<32xi32, #tpu.memory_space<vmem>>
        %dma_start3A_443 = arith.constant 0 : i32
        %dma_start3A_444 = arith.constant 0 : i32
        %dma_start3A_445 = tpu.memref_slice %arg2[%dma_start3A_443, %dma_start3A_444] : memref<100000x128xf32, #tpu.memory_space<hbm>> -> memref<100000x128xf32, #tpu.memory_space<hbm>>
        tpu.enqueue_indirect_dma source(%dma_start3A_445 : memref<100000x128xf32, #tpu.memory_space<hbm>>) target(%arg29 : memref<32x128xf32, #tpu.memory_space<vmem>>) offsets(%dma_start3A_442 : memref<32xi32, #tpu.memory_space<vmem>>) semaphore(%arg33 : memref<!tpu.dma_semaphore, #tpu.memory_space<semaphore_mem>>)
      } else {
      }
      %dma_wait3A_144 = arith.constant 0 : i32
      %dma_wait3A_145 = arith.constant 0 : i32
      %dma_wait3A_146 = tpu.memref_slice %arg6[%dma_wait3A_144, %dma_wait3A_145] : memref<11x32xi32, #tpu.memory_space<vmem>> -> memref<1x32xi32, #tpu.memory_space<vmem>>
      %dma_wait3A_147 = tpu.memref_squeeze %dma_wait3A_146 : memref<1x32xi32, #tpu.memory_space<vmem>> -> memref<32xi32, #tpu.memory_space<vmem>>
      %dma_wait3A_148 = arith.constant 0 : i32
      %dma_wait3A_149 = arith.constant 0 : i32
      %dma_wait3A_150 = tpu.memref_slice %arg2[%dma_wait3A_148, %dma_wait3A_149] : memref<100000x128xf32, #tpu.memory_space<hbm>> -> memref<100000x128xf32, #tpu.memory_space<hbm>>
      tpu.wait_indirect_dma semaphore(%arg32 : memref<!tpu.dma_semaphore, #tpu.memory_space<semaphore_mem>>) src(%dma_wait3A_150 : memref<100000x128xf32, #tpu.memory_space<hbm>>) dst(%arg8 : memref<32x128xf32, #tpu.memory_space<vmem>>)
      %dma_wait3A_151 = arith.constant 1 : i32
      %dma_wait3A_152 = arith.constant 0 : i32
      %dma_wait3A_153 = tpu.memref_slice %arg6[%dma_wait3A_151, %dma_wait3A_152] : memref<11x32xi32, #tpu.memory_space<vmem>> -> memref<1x32xi32, #tpu.memory_space<vmem>>
      %dma_wait3A_154 = tpu.memref_squeeze %dma_wait3A_153 : memref<1x32xi32, #tpu.memory_space<vmem>> -> memref<32xi32, #tpu.memory_space<vmem>>
      %dma_wait3A_155 = arith.constant 0 : i32
      %dma_wait3A_156 = arith.constant 0 : i32
      %dma_wait3A_157 = tpu.memref_slice %arg2[%dma_wait3A_155, %dma_wait3A_156] : memref<100000x128xf32, #tpu.memory_space<hbm>> -> memref<100000x128xf32, #tpu.memory_space<hbm>>
      tpu.wait_indirect_dma semaphore(%arg32 : memref<!tpu.dma_semaphore, #tpu.memory_space<semaphore_mem>>) src(%dma_wait3A_157 : memref<100000x128xf32, #tpu.memory_space<hbm>>) dst(%arg10 : memref<32x128xf32, #tpu.memory_space<vmem>>)
      %dma_wait3A_158 = arith.constant 2 : i32
      %dma_wait3A_159 = arith.constant 0 : i32
      %dma_wait3A_160 = tpu.memref_slice %arg6[%dma_wait3A_158, %dma_wait3A_159] : memref<11x32xi32, #tpu.memory_space<vmem>> -> memref<1x32xi32, #tpu.memory_space<vmem>>
      %dma_wait3A_161 = tpu.memref_squeeze %dma_wait3A_160 : memref<1x32xi32, #tpu.memory_space<vmem>> -> memref<32xi32, #tpu.memory_space<vmem>>
      %dma_wait3A_162 = arith.constant 0 : i32
      %dma_wait3A_163 = arith.constant 0 : i32
      %dma_wait3A_164 = tpu.memref_slice %arg2[%dma_wait3A_162, %dma_wait3A_163] : memref<100000x128xf32, #tpu.memory_space<hbm>> -> memref<100000x128xf32, #tpu.memory_space<hbm>>
      tpu.wait_indirect_dma semaphore(%arg32 : memref<!tpu.dma_semaphore, #tpu.memory_space<semaphore_mem>>) src(%dma_wait3A_164 : memref<100000x128xf32, #tpu.memory_space<hbm>>) dst(%arg11 : memref<32x128xf32, #tpu.memory_space<vmem>>)
      %dma_wait3A_165 = arith.constant 3 : i32
      %dma_wait3A_166 = arith.constant 0 : i32
      %dma_wait3A_167 = tpu.memref_slice %arg6[%dma_wait3A_165, %dma_wait3A_166] : memref<11x32xi32, #tpu.memory_space<vmem>> -> memref<1x32xi32, #tpu.memory_space<vmem>>
      %dma_wait3A_168 = tpu.memref_squeeze %dma_wait3A_167 : memref<1x32xi32, #tpu.memory_space<vmem>> -> memref<32xi32, #tpu.memory_space<vmem>>
      %dma_wait3A_169 = arith.constant 0 : i32
      %dma_wait3A_170 = arith.constant 0 : i32
      %dma_wait3A_171 = tpu.memref_slice %arg2[%dma_wait3A_169, %dma_wait3A_170] : memref<100000x128xf32, #tpu.memory_space<hbm>> -> memref<100000x128xf32, #tpu.memory_space<hbm>>
      tpu.wait_indirect_dma semaphore(%arg32 : memref<!tpu.dma_semaphore, #tpu.memory_space<semaphore_mem>>) src(%dma_wait3A_171 : memref<100000x128xf32, #tpu.memory_space<hbm>>) dst(%arg12 : memref<32x128xf32, #tpu.memory_space<vmem>>)
      %dma_wait3A_172 = arith.constant 4 : i32
      %dma_wait3A_173 = arith.constant 0 : i32
      %dma_wait3A_174 = tpu.memref_slice %arg6[%dma_wait3A_172, %dma_wait3A_173] : memref<11x32xi32, #tpu.memory_space<vmem>> -> memref<1x32xi32, #tpu.memory_space<vmem>>
      %dma_wait3A_175 = tpu.memref_squeeze %dma_wait3A_174 : memref<1x32xi32, #tpu.memory_space<vmem>> -> memref<32xi32, #tpu.memory_space<vmem>>
      %dma_wait3A_176 = arith.constant 0 : i32
      %dma_wait3A_177 = arith.constant 0 : i32
      %dma_wait3A_178 = tpu.memref_slice %arg2[%dma_wait3A_176, %dma_wait3A_177] : memref<100000x128xf32, #tpu.memory_space<hbm>> -> memref<100000x128xf32, #tpu.memory_space<hbm>>
      tpu.wait_indirect_dma semaphore(%arg32 : memref<!tpu.dma_semaphore, #tpu.memory_space<semaphore_mem>>) src(%dma_wait3A_178 : memref<100000x128xf32, #tpu.memory_space<hbm>>) dst(%arg13 : memref<32x128xf32, #tpu.memory_space<vmem>>)
      %dma_wait3A_179 = arith.constant 5 : i32
      %dma_wait3A_180 = arith.constant 0 : i32
      %dma_wait3A_181 = tpu.memref_slice %arg6[%dma_wait3A_179, %dma_wait3A_180] : memref<11x32xi32, #tpu.memory_space<vmem>> -> memref<1x32xi32, #tpu.memory_space<vmem>>
      %dma_wait3A_182 = tpu.memref_squeeze %dma_wait3A_181 : memref<1x32xi32, #tpu.memory_space<vmem>> -> memref<32xi32, #tpu.memory_space<vmem>>
      %dma_wait3A_183 = arith.constant 0 : i32
      %dma_wait3A_184 = arith.constant 0 : i32
      %dma_wait3A_185 = tpu.memref_slice %arg2[%dma_wait3A_183, %dma_wait3A_184] : memref<100000x128xf32, #tpu.memory_space<hbm>> -> memref<100000x128xf32, #tpu.memory_space<hbm>>
      tpu.wait_indirect_dma semaphore(%arg32 : memref<!tpu.dma_semaphore, #tpu.memory_space<semaphore_mem>>) src(%dma_wait3A_185 : memref<100000x128xf32, #tpu.memory_space<hbm>>) dst(%arg14 : memref<32x128xf32, #tpu.memory_space<vmem>>)
      %dma_wait3A_186 = arith.constant 6 : i32
      %dma_wait3A_187 = arith.constant 0 : i32
      %dma_wait3A_188 = tpu.memref_slice %arg6[%dma_wait3A_186, %dma_wait3A_187] : memref<11x32xi32, #tpu.memory_space<vmem>> -> memref<1x32xi32, #tpu.memory_space<vmem>>
      %dma_wait3A_189 = tpu.memref_squeeze %dma_wait3A_188 : memref<1x32xi32, #tpu.memory_space<vmem>> -> memref<32xi32, #tpu.memory_space<vmem>>
      %dma_wait3A_190 = arith.constant 0 : i32
      %dma_wait3A_191 = arith.constant 0 : i32
      %dma_wait3A_192 = tpu.memref_slice %arg2[%dma_wait3A_190, %dma_wait3A_191] : memref<100000x128xf32, #tpu.memory_space<hbm>> -> memref<100000x128xf32, #tpu.memory_space<hbm>>
      tpu.wait_indirect_dma semaphore(%arg32 : memref<!tpu.dma_semaphore, #tpu.memory_space<semaphore_mem>>) src(%dma_wait3A_192 : memref<100000x128xf32, #tpu.memory_space<hbm>>) dst(%arg15 : memref<32x128xf32, #tpu.memory_space<vmem>>)
      %dma_wait3A_193 = arith.constant 7 : i32
      %dma_wait3A_194 = arith.constant 0 : i32
      %dma_wait3A_195 = tpu.memref_slice %arg6[%dma_wait3A_193, %dma_wait3A_194] : memref<11x32xi32, #tpu.memory_space<vmem>> -> memref<1x32xi32, #tpu.memory_space<vmem>>
      %dma_wait3A_196 = tpu.memref_squeeze %dma_wait3A_195 : memref<1x32xi32, #tpu.memory_space<vmem>> -> memref<32xi32, #tpu.memory_space<vmem>>
      %dma_wait3A_197 = arith.constant 0 : i32
      %dma_wait3A_198 = arith.constant 0 : i32
      %dma_wait3A_199 = tpu.memref_slice %arg2[%dma_wait3A_197, %dma_wait3A_198] : memref<100000x128xf32, #tpu.memory_space<hbm>> -> memref<100000x128xf32, #tpu.memory_space<hbm>>
      tpu.wait_indirect_dma semaphore(%arg32 : memref<!tpu.dma_semaphore, #tpu.memory_space<semaphore_mem>>) src(%dma_wait3A_199 : memref<100000x128xf32, #tpu.memory_space<hbm>>) dst(%arg16 : memref<32x128xf32, #tpu.memory_space<vmem>>)
      %dma_wait3A_200 = arith.constant 8 : i32
      %dma_wait3A_201 = arith.constant 0 : i32
      %dma_wait3A_202 = tpu.memref_slice %arg6[%dma_wait3A_200, %dma_wait3A_201] : memref<11x32xi32, #tpu.memory_space<vmem>> -> memref<1x32xi32, #tpu.memory_space<vmem>>
      %dma_wait3A_203 = tpu.memref_squeeze %dma_wait3A_202 : memref<1x32xi32, #tpu.memory_space<vmem>> -> memref<32xi32, #tpu.memory_space<vmem>>
      %dma_wait3A_204 = arith.constant 0 : i32
      %dma_wait3A_205 = arith.constant 0 : i32
      %dma_wait3A_206 = tpu.memref_slice %arg2[%dma_wait3A_204, %dma_wait3A_205] : memref<100000x128xf32, #tpu.memory_space<hbm>> -> memref<100000x128xf32, #tpu.memory_space<hbm>>
      tpu.wait_indirect_dma semaphore(%arg32 : memref<!tpu.dma_semaphore, #tpu.memory_space<semaphore_mem>>) src(%dma_wait3A_206 : memref<100000x128xf32, #tpu.memory_space<hbm>>) dst(%arg17 : memref<32x128xf32, #tpu.memory_space<vmem>>)
      %dma_wait3A_207 = arith.constant 9 : i32
      %dma_wait3A_208 = arith.constant 0 : i32
      %dma_wait3A_209 = tpu.memref_slice %arg6[%dma_wait3A_207, %dma_wait3A_208] : memref<11x32xi32, #tpu.memory_space<vmem>> -> memref<1x32xi32, #tpu.memory_space<vmem>>
      %dma_wait3A_210 = tpu.memref_squeeze %dma_wait3A_209 : memref<1x32xi32, #tpu.memory_space<vmem>> -> memref<32xi32, #tpu.memory_space<vmem>>
      %dma_wait3A_211 = arith.constant 0 : i32
      %dma_wait3A_212 = arith.constant 0 : i32
      %dma_wait3A_213 = tpu.memref_slice %arg2[%dma_wait3A_211, %dma_wait3A_212] : memref<100000x128xf32, #tpu.memory_space<hbm>> -> memref<100000x128xf32, #tpu.memory_space<hbm>>
      tpu.wait_indirect_dma semaphore(%arg32 : memref<!tpu.dma_semaphore, #tpu.memory_space<semaphore_mem>>) src(%dma_wait3A_213 : memref<100000x128xf32, #tpu.memory_space<hbm>>) dst(%arg18 : memref<32x128xf32, #tpu.memory_space<vmem>>)
      %dma_wait3A_214 = arith.constant 10 : i32
      %dma_wait3A_215 = arith.constant 0 : i32
      %dma_wait3A_216 = tpu.memref_slice %arg6[%dma_wait3A_214, %dma_wait3A_215] : memref<11x32xi32, #tpu.memory_space<vmem>> -> memref<1x32xi32, #tpu.memory_space<vmem>>
      %dma_wait3A_217 = tpu.memref_squeeze %dma_wait3A_216 : memref<1x32xi32, #tpu.memory_space<vmem>> -> memref<32xi32, #tpu.memory_space<vmem>>
      %dma_wait3A_218 = arith.constant 0 : i32
      %dma_wait3A_219 = arith.constant 0 : i32
      %dma_wait3A_220 = tpu.memref_slice %arg2[%dma_wait3A_218, %dma_wait3A_219] : memref<100000x128xf32, #tpu.memory_space<hbm>> -> memref<100000x128xf32, #tpu.memory_space<hbm>>
      tpu.wait_indirect_dma semaphore(%arg32 : memref<!tpu.dma_semaphore, #tpu.memory_space<semaphore_mem>>) src(%dma_wait3A_220 : memref<100000x128xf32, #tpu.memory_space<hbm>>) dst(%arg19 : memref<32x128xf32, #tpu.memory_space<vmem>>)
      %add3A_221 = arith.constant 2 : i32
      %add3A_222 = arith.addi %mul3A_136, %add3A_221 : i32
      %lt3A_223 = arith.cmpi slt, %add3A_222, %select_n3A_2 : i32
      %convert_element_type3A_224 = arith.extui %lt3A_223 : i1 to i32
      %cond3A_225 = arith.constant 0 : i32
      %cond3A_226 = arith.cmpi ne, %convert_element_type3A_224, %cond3A_225 : i32
      scf.if %cond3A_226 {
        %add3A_358 = arith.constant 2 : i32
        %add3A_359 = arith.addi %mul3A_136, %add3A_358 : i32
        %add3A_360 = arith.addi %select_n3A_7, %add3A_359 : i32
        %dma_start3A_361 = arith.constant 0 : i32
        %dma_start3A_362 = arith.constant 0 : i32
        %dma_start3A_363 = tpu.memref_slice %arg3[%add3A_360, %dma_start3A_361, %dma_start3A_362] : memref<1600x11x32xi32, #tpu.memory_space<hbm>> -> memref<1x11x32xi32, #tpu.memory_space<hbm>>
        %dma_start3A_364 = tpu.memref_squeeze %dma_start3A_363 : memref<1x11x32xi32, #tpu.memory_space<hbm>> -> memref<11x32xi32, #tpu.memory_space<hbm>>
        %dma_start3A_365 = arith.constant 0 : i32
        %dma_start3A_366 = arith.constant 0 : i32
        %dma_start3A_367 = tpu.memref_slice %arg3[%add3A_360, %dma_start3A_365, %dma_start3A_366] : memref<1600x11x32xi32, #tpu.memory_space<hbm>> -> memref<1x11x32xi32, #tpu.memory_space<hbm>>
        %dma_start3A_368 = tpu.memref_squeeze %dma_start3A_367 : memref<1x11x32xi32, #tpu.memory_space<hbm>> -> memref<11x32xi32, #tpu.memory_space<hbm>>
        tpu.enqueue_dma source(%dma_start3A_368 : memref<11x32xi32, #tpu.memory_space<hbm>>) target(%arg6 : memref<11x32xi32, #tpu.memory_space<vmem>>) target_semaphore(%arg30 : memref<!tpu.dma_semaphore, #tpu.memory_space<semaphore_mem>>)
      } else {
      }
      %scan3A = arith.constant 0 : i32
      %scan3A_227 = arith.constant 0 : i32
      %scan3A_228 = arith.constant 32 : i32
      %scan3A_229 = arith.addi %scan3A_227, %scan3A_228 : i32
      %scan3A_230 = arith.constant 1 : i32
      scf.for %scan3A_358 = %scan3A_227 to %scan3A_229 step %scan3A_230  : i32 {
        %get3A = arith.index_cast %scan3A_358 : i32 to index
        %get3A_359 = arith.constant 0 : index
        %get3A_360 = tpu.vector_load %arg10[%get3A, %get3A_359] {strides = array<i32>} : memref<32x128xf32, #tpu.memory_space<vmem>>, vector<1x16xf32>,
        %get3A_361 = vector.shape_cast %get3A_360 : vector<1x16xf32> to vector<16xf32>
        %get3A_362 = arith.index_cast %scan3A_358 : i32 to index
        %get3A_363 = arith.constant 0 : index
        %get3A_364 = tpu.vector_load %arg11[%get3A_362, %get3A_363] {strides = array<i32>} : memref<32x128xf32, #tpu.memory_space<vmem>>, vector<1x16xf32>,
        %get3A_365 = vector.shape_cast %get3A_364 : vector<1x16xf32> to vector<16xf32>
        %add3A_366 = arith.addf %get3A_361, %get3A_365 : vector<16xf32>
        %get3A_367 = arith.index_cast %scan3A_358 : i32 to index
        %get3A_368 = arith.constant 0 : index
        %get3A_369 = tpu.vector_load %arg12[%get3A_367, %get3A_368] {strides = array<i32>} : memref<32x128xf32, #tpu.memory_space<vmem>>, vector<1x16xf32>,
        %get3A_370 = vector.shape_cast %get3A_369 : vector<1x16xf32> to vector<16xf32>
        %add3A_371 = arith.addf %add3A_366, %get3A_370 : vector<16xf32>
        %get3A_372 = arith.index_cast %scan3A_358 : i32 to index
        %get3A_373 = arith.constant 0 : index
        %get3A_374 = tpu.vector_load %arg13[%get3A_372, %get3A_373] {strides = array<i32>} : memref<32x128xf32, #tpu.memory_space<vmem>>, vector<1x16xf32>,
        %get3A_375 = vector.shape_cast %get3A_374 : vector<1x16xf32> to vector<16xf32>
        %add3A_376 = arith.addf %add3A_371, %get3A_375 : vector<16xf32>
        %get3A_377 = arith.index_cast %scan3A_358 : i32 to index
        %get3A_378 = arith.constant 0 : index
        %get3A_379 = tpu.vector_load %arg14[%get3A_377, %get3A_378] {strides = array<i32>} : memref<32x128xf32, #tpu.memory_space<vmem>>, vector<1x16xf32>,
        %get3A_380 = vector.shape_cast %get3A_379 : vector<1x16xf32> to vector<16xf32>
        %add3A_381 = arith.addf %add3A_376, %get3A_380 : vector<16xf32>
        %get3A_382 = arith.index_cast %scan3A_358 : i32 to index
        %get3A_383 = arith.constant 0 : index
        %get3A_384 = tpu.vector_load %arg15[%get3A_382, %get3A_383] {strides = array<i32>} : memref<32x128xf32, #tpu.memory_space<vmem>>, vector<1x16xf32>,
        %get3A_385 = vector.shape_cast %get3A_384 : vector<1x16xf32> to vector<16xf32>
        %add3A_386 = arith.addf %add3A_381, %get3A_385 : vector<16xf32>
        %get3A_387 = arith.index_cast %scan3A_358 : i32 to index
        %get3A_388 = arith.constant 0 : index
        %get3A_389 = tpu.vector_load %arg16[%get3A_387, %get3A_388] {strides = array<i32>} : memref<32x128xf32, #tpu.memory_space<vmem>>, vector<1x16xf32>,
        %get3A_390 = vector.shape_cast %get3A_389 : vector<1x16xf32> to vector<16xf32>
        %add3A_391 = arith.addf %add3A_386, %get3A_390 : vector<16xf32>
        %get3A_392 = arith.index_cast %scan3A_358 : i32 to index
        %get3A_393 = arith.constant 0 : index
        %get3A_394 = tpu.vector_load %arg17[%get3A_392, %get3A_393] {strides = array<i32>} : memref<32x128xf32, #tpu.memory_space<vmem>>, vector<1x16xf32>,
        %get3A_395 = vector.shape_cast %get3A_394 : vector<1x16xf32> to vector<16xf32>
        %add3A_396 = arith.addf %add3A_391, %get3A_395 : vector<16xf32>
        %get3A_397 = arith.index_cast %scan3A_358 : i32 to index
        %get3A_398 = arith.constant 0 : index
        %get3A_399 = tpu.vector_load %arg18[%get3A_397, %get3A_398] {strides = array<i32>} : memref<32x128xf32, #tpu.memory_space<vmem>>, vector<1x16xf32>,
        %get3A_400 = vector.shape_cast %get3A_399 : vector<1x16xf32> to vector<16xf32>
        %add3A_401 = arith.addf %add3A_396, %get3A_400 : vector<16xf32>
        %get3A_402 = arith.index_cast %scan3A_358 : i32 to index
        %get3A_403 = arith.constant 0 : index
        %get3A_404 = tpu.vector_load %arg19[%get3A_402, %get3A_403] {strides = array<i32>} : memref<32x128xf32, #tpu.memory_space<vmem>>, vector<1x16xf32>,
        %get3A_405 = vector.shape_cast %get3A_404 : vector<1x16xf32> to vector<16xf32>
        %add3A_406 = arith.addf %add3A_401, %get3A_405 : vector<16xf32>
        %swap3A = arith.index_cast %scan3A_358 : i32 to index
        %swap3A_407 = arith.constant 0 : index
        %swap3A_408 = tpu.vector_load %arg10[%swap3A, %swap3A_407] {strides = array<i32>} : memref<32x128xf32, #tpu.memory_space<vmem>>, vector<1x16xf32>,
        %swap3A_409 = vector.shape_cast %swap3A_408 : vector<1x16xf32> to vector<16xf32>
        %swap3A_410 = vector.shape_cast %add3A_406 : vector<16xf32> to vector<1x16xf32>
        tpu.vector_store %arg10[%swap3A, %swap3A_407], %swap3A_410 {strides = array<i32>} : memref<32x128xf32, #tpu.memory_space<vmem>>, vector<1x16xf32>,
        %get3A_411 = arith.index_cast %scan3A_358 : i32 to index
        %get3A_412 = arith.constant 16 : index
        %get3A_413 = tpu.vector_load %arg10[%get3A_411, %get3A_412] {strides = array<i32>} : memref<32x128xf32, #tpu.memory_space<vmem>>, vector<1x16xf32>,
        %get3A_414 = vector.shape_cast %get3A_413 : vector<1x16xf32> to vector<16xf32>
        %get3A_415 = arith.index_cast %scan3A_358 : i32 to index
        %get3A_416 = arith.constant 16 : index
        %get3A_417 = tpu.vector_load %arg11[%get3A_415, %get3A_416] {strides = array<i32>} : memref<32x128xf32, #tpu.memory_space<vmem>>, vector<1x16xf32>,
        %get3A_418 = vector.shape_cast %get3A_417 : vector<1x16xf32> to vector<16xf32>
        %add3A_419 = arith.addf %get3A_414, %get3A_418 : vector<16xf32>
        %get3A_420 = arith.index_cast %scan3A_358 : i32 to index
        %get3A_421 = arith.constant 16 : index
        %get3A_422 = tpu.vector_load %arg12[%get3A_420, %get3A_421] {strides = array<i32>} : memref<32x128xf32, #tpu.memory_space<vmem>>, vector<1x16xf32>,
        %get3A_423 = vector.shape_cast %get3A_422 : vector<1x16xf32> to vector<16xf32>
        %add3A_424 = arith.addf %add3A_419, %get3A_423 : vector<16xf32>
        %get3A_425 = arith.index_cast %scan3A_358 : i32 to index
        %get3A_426 = arith.constant 16 : index
        %get3A_427 = tpu.vector_load %arg13[%get3A_425, %get3A_426] {strides = array<i32>} : memref<32x128xf32, #tpu.memory_space<vmem>>, vector<1x16xf32>,
        %get3A_428 = vector.shape_cast %get3A_427 : vector<1x16xf32> to vector<16xf32>
        %add3A_429 = arith.addf %add3A_424, %get3A_428 : vector<16xf32>
        %get3A_430 = arith.index_cast %scan3A_358 : i32 to index
        %get3A_431 = arith.constant 16 : index
        %get3A_432 = tpu.vector_load %arg14[%get3A_430, %get3A_431] {strides = array<i32>} : memref<32x128xf32, #tpu.memory_space<vmem>>, vector<1x16xf32>,
        %get3A_433 = vector.shape_cast %get3A_432 : vector<1x16xf32> to vector<16xf32>
        %add3A_434 = arith.addf %add3A_429, %get3A_433 : vector<16xf32>
        %get3A_435 = arith.index_cast %scan3A_358 : i32 to index
        %get3A_436 = arith.constant 16 : index
        %get3A_437 = tpu.vector_load %arg15[%get3A_435, %get3A_436] {strides = array<i32>} : memref<32x128xf32, #tpu.memory_space<vmem>>, vector<1x16xf32>,
        %get3A_438 = vector.shape_cast %get3A_437 : vector<1x16xf32> to vector<16xf32>
        %add3A_439 = arith.addf %add3A_434, %get3A_438 : vector<16xf32>
        %get3A_440 = arith.index_cast %scan3A_358 : i32 to index
        %get3A_441 = arith.constant 16 : index
        %get3A_442 = tpu.vector_load %arg16[%get3A_440, %get3A_441] {strides = array<i32>} : memref<32x128xf32, #tpu.memory_space<vmem>>, vector<1x16xf32>,
        %get3A_443 = vector.shape_cast %get3A_442 : vector<1x16xf32> to vector<16xf32>
        %add3A_444 = arith.addf %add3A_439, %get3A_443 : vector<16xf32>
        %get3A_445 = arith.index_cast %scan3A_358 : i32 to index
        %get3A_446 = arith.constant 16 : index
        %get3A_447 = tpu.vector_load %arg17[%get3A_445, %get3A_446] {strides = array<i32>} : memref<32x128xf32, #tpu.memory_space<vmem>>, vector<1x16xf32>,
        %get3A_448 = vector.shape_cast %get3A_447 : vector<1x16xf32> to vector<16xf32>
        %add3A_449 = arith.addf %add3A_444, %get3A_448 : vector<16xf32>
        %get3A_450 = arith.index_cast %scan3A_358 : i32 to index
        %get3A_451 = arith.constant 16 : index
        %get3A_452 = tpu.vector_load %arg18[%get3A_450, %get3A_451] {strides = array<i32>} : memref<32x128xf32, #tpu.memory_space<vmem>>, vector<1x16xf32>,
        %get3A_453 = vector.shape_cast %get3A_452 : vector<1x16xf32> to vector<16xf32>
        %add3A_454 = arith.addf %add3A_449, %get3A_453 : vector<16xf32>
        %get3A_455 = arith.index_cast %scan3A_358 : i32 to index
        %get3A_456 = arith.constant 16 : index
        %get3A_457 = tpu.vector_load %arg19[%get3A_455, %get3A_456] {strides = array<i32>} : memref<32x128xf32, #tpu.memory_space<vmem>>, vector<1x16xf32>,
        %get3A_458 = vector.shape_cast %get3A_457 : vector<1x16xf32> to vector<16xf32>
        %add3A_459 = arith.addf %add3A_454, %get3A_458 : vector<16xf32>
        %swap3A_460 = arith.index_cast %scan3A_358 : i32 to index
        %swap3A_461 = arith.constant 16 : index
        %swap3A_462 = tpu.vector_load %arg10[%swap3A_460, %swap3A_461] {strides = array<i32>} : memref<32x128xf32, #tpu.memory_space<vmem>>, vector<1x16xf32>,
        %swap3A_463 = vector.shape_cast %swap3A_462 : vector<1x16xf32> to vector<16xf32>
        %swap3A_464 = vector.shape_cast %add3A_459 : vector<16xf32> to vector<1x16xf32>
        tpu.vector_store %arg10[%swap3A_460, %swap3A_461], %swap3A_464 {strides = array<i32>} : memref<32x128xf32, #tpu.memory_space<vmem>>, vector<1x16xf32>,
        %get3A_465 = arith.index_cast %scan3A_358 : i32 to index
        %get3A_466 = arith.constant 32 : index
        %get3A_467 = tpu.vector_load %arg10[%get3A_465, %get3A_466] {strides = array<i32>} : memref<32x128xf32, #tpu.memory_space<vmem>>, vector<1x16xf32>,
        %get3A_468 = vector.shape_cast %get3A_467 : vector<1x16xf32> to vector<16xf32>
        %get3A_469 = arith.index_cast %scan3A_358 : i32 to index
        %get3A_470 = arith.constant 32 : index
        %get3A_471 = tpu.vector_load %arg11[%get3A_469, %get3A_470] {strides = array<i32>} : memref<32x128xf32, #tpu.memory_space<vmem>>, vector<1x16xf32>,
        %get3A_472 = vector.shape_cast %get3A_471 : vector<1x16xf32> to vector<16xf32>
        %add3A_473 = arith.addf %get3A_468, %get3A_472 : vector<16xf32>
        %get3A_474 = arith.index_cast %scan3A_358 : i32 to index
        %get3A_475 = arith.constant 32 : index
        %get3A_476 = tpu.vector_load %arg12[%get3A_474, %get3A_475] {strides = array<i32>} : memref<32x128xf32, #tpu.memory_space<vmem>>, vector<1x16xf32>,
        %get3A_477 = vector.shape_cast %get3A_476 : vector<1x16xf32> to vector<16xf32>
        %add3A_478 = arith.addf %add3A_473, %get3A_477 : vector<16xf32>
        %get3A_479 = arith.index_cast %scan3A_358 : i32 to index
        %get3A_480 = arith.constant 32 : index
        %get3A_481 = tpu.vector_load %arg13[%get3A_479, %get3A_480] {strides = array<i32>} : memref<32x128xf32, #tpu.memory_space<vmem>>, vector<1x16xf32>,
        %get3A_482 = vector.shape_cast %get3A_481 : vector<1x16xf32> to vector<16xf32>
        %add3A_483 = arith.addf %add3A_478, %get3A_482 : vector<16xf32>
        %get3A_484 = arith.index_cast %scan3A_358 : i32 to index
        %get3A_485 = arith.constant 32 : index
        %get3A_486 = tpu.vector_load %arg14[%get3A_484, %get3A_485] {strides = array<i32>} : memref<32x128xf32, #tpu.memory_space<vmem>>, vector<1x16xf32>,
        %get3A_487 = vector.shape_cast %get3A_486 : vector<1x16xf32> to vector<16xf32>
        %add3A_488 = arith.addf %add3A_483, %get3A_487 : vector<16xf32>
        %get3A_489 = arith.index_cast %scan3A_358 : i32 to index
        %get3A_490 = arith.constant 32 : index
        %get3A_491 = tpu.vector_load %arg15[%get3A_489, %get3A_490] {strides = array<i32>} : memref<32x128xf32, #tpu.memory_space<vmem>>, vector<1x16xf32>,
        %get3A_492 = vector.shape_cast %get3A_491 : vector<1x16xf32> to vector<16xf32>
        %add3A_493 = arith.addf %add3A_488, %get3A_492 : vector<16xf32>
        %get3A_494 = arith.index_cast %scan3A_358 : i32 to index
        %get3A_495 = arith.constant 32 : index
        %get3A_496 = tpu.vector_load %arg16[%get3A_494, %get3A_495] {strides = array<i32>} : memref<32x128xf32, #tpu.memory_space<vmem>>, vector<1x16xf32>,
        %get3A_497 = vector.shape_cast %get3A_496 : vector<1x16xf32> to vector<16xf32>
        %add3A_498 = arith.addf %add3A_493, %get3A_497 : vector<16xf32>
        %get3A_499 = arith.index_cast %scan3A_358 : i32 to index
        %get3A_500 = arith.constant 32 : index
        %get3A_501 = tpu.vector_load %arg17[%get3A_499, %get3A_500] {strides = array<i32>} : memref<32x128xf32, #tpu.memory_space<vmem>>, vector<1x16xf32>,
        %get3A_502 = vector.shape_cast %get3A_501 : vector<1x16xf32> to vector<16xf32>
        %add3A_503 = arith.addf %add3A_498, %get3A_502 : vector<16xf32>
        %get3A_504 = arith.index_cast %scan3A_358 : i32 to index
        %get3A_505 = arith.constant 32 : index
        %get3A_506 = tpu.vector_load %arg18[%get3A_504, %get3A_505] {strides = array<i32>} : memref<32x128xf32, #tpu.memory_space<vmem>>, vector<1x16xf32>,
        %get3A_507 = vector.shape_cast %get3A_506 : vector<1x16xf32> to vector<16xf32>
        %add3A_508 = arith.addf %add3A_503, %get3A_507 : vector<16xf32>
        %get3A_509 = arith.index_cast %scan3A_358 : i32 to index
        %get3A_510 = arith.constant 32 : index
        %get3A_511 = tpu.vector_load %arg19[%get3A_509, %get3A_510] {strides = array<i32>} : memref<32x128xf32, #tpu.memory_space<vmem>>, vector<1x16xf32>,
        %get3A_512 = vector.shape_cast %get3A_511 : vector<1x16xf32> to vector<16xf32>
        %add3A_513 = arith.addf %add3A_508, %get3A_512 : vector<16xf32>
        %swap3A_514 = arith.index_cast %scan3A_358 : i32 to index
        %swap3A_515 = arith.constant 32 : index
        %swap3A_516 = tpu.vector_load %arg10[%swap3A_514, %swap3A_515] {strides = array<i32>} : memref<32x128xf32, #tpu.memory_space<vmem>>, vector<1x16xf32>,
        %swap3A_517 = vector.shape_cast %swap3A_516 : vector<1x16xf32> to vector<16xf32>
        %swap3A_518 = vector.shape_cast %add3A_513 : vector<16xf32> to vector<1x16xf32>
        tpu.vector_store %arg10[%swap3A_514, %swap3A_515], %swap3A_518 {strides = array<i32>} : memref<32x128xf32, #tpu.memory_space<vmem>>, vector<1x16xf32>,
        %get3A_519 = arith.index_cast %scan3A_358 : i32 to index
        %get3A_520 = arith.constant 48 : index
        %get3A_521 = tpu.vector_load %arg10[%get3A_519, %get3A_520] {strides = array<i32>} : memref<32x128xf32, #tpu.memory_space<vmem>>, vector<1x16xf32>,
        %get3A_522 = vector.shape_cast %get3A_521 : vector<1x16xf32> to vector<16xf32>
        %get3A_523 = arith.index_cast %scan3A_358 : i32 to index
        %get3A_524 = arith.constant 48 : index
        %get3A_525 = tpu.vector_load %arg11[%get3A_523, %get3A_524] {strides = array<i32>} : memref<32x128xf32, #tpu.memory_space<vmem>>, vector<1x16xf32>,
        %get3A_526 = vector.shape_cast %get3A_525 : vector<1x16xf32> to vector<16xf32>
        %add3A_527 = arith.addf %get3A_522, %get3A_526 : vector<16xf32>
        %get3A_528 = arith.index_cast %scan3A_358 : i32 to index
        %get3A_529 = arith.constant 48 : index
        %get3A_530 = tpu.vector_load %arg12[%get3A_528, %get3A_529] {strides = array<i32>} : memref<32x128xf32, #tpu.memory_space<vmem>>, vector<1x16xf32>,
        %get3A_531 = vector.shape_cast %get3A_530 : vector<1x16xf32> to vector<16xf32>
        %add3A_532 = arith.addf %add3A_527, %get3A_531 : vector<16xf32>
        %get3A_533 = arith.index_cast %scan3A_358 : i32 to index
        %get3A_534 = arith.constant 48 : index
        %get3A_535 = tpu.vector_load %arg13[%get3A_533, %get3A_534] {strides = array<i32>} : memref<32x128xf32, #tpu.memory_space<vmem>>, vector<1x16xf32>,
        %get3A_536 = vector.shape_cast %get3A_535 : vector<1x16xf32> to vector<16xf32>
        %add3A_537 = arith.addf %add3A_532, %get3A_536 : vector<16xf32>
        %get3A_538 = arith.index_cast %scan3A_358 : i32 to index
        %get3A_539 = arith.constant 48 : index
        %get3A_540 = tpu.vector_load %arg14[%get3A_538, %get3A_539] {strides = array<i32>} : memref<32x128xf32, #tpu.memory_space<vmem>>, vector<1x16xf32>,
        %get3A_541 = vector.shape_cast %get3A_540 : vector<1x16xf32> to vector<16xf32>
        %add3A_542 = arith.addf %add3A_537, %get3A_541 : vector<16xf32>
        %get3A_543 = arith.index_cast %scan3A_358 : i32 to index
        %get3A_544 = arith.constant 48 : index
        %get3A_545 = tpu.vector_load %arg15[%get3A_543, %get3A_544] {strides = array<i32>} : memref<32x128xf32, #tpu.memory_space<vmem>>, vector<1x16xf32>,
        %get3A_546 = vector.shape_cast %get3A_545 : vector<1x16xf32> to vector<16xf32>
        %add3A_547 = arith.addf %add3A_542, %get3A_546 : vector<16xf32>
        %get3A_548 = arith.index_cast %scan3A_358 : i32 to index
        %get3A_549 = arith.constant 48 : index
        %get3A_550 = tpu.vector_load %arg16[%get3A_548, %get3A_549] {strides = array<i32>} : memref<32x128xf32, #tpu.memory_space<vmem>>, vector<1x16xf32>,
        %get3A_551 = vector.shape_cast %get3A_550 : vector<1x16xf32> to vector<16xf32>
        %add3A_552 = arith.addf %add3A_547, %get3A_551 : vector<16xf32>
        %get3A_553 = arith.index_cast %scan3A_358 : i32 to index
        %get3A_554 = arith.constant 48 : index
        %get3A_555 = tpu.vector_load %arg17[%get3A_553, %get3A_554] {strides = array<i32>} : memref<32x128xf32, #tpu.memory_space<vmem>>, vector<1x16xf32>,
        %get3A_556 = vector.shape_cast %get3A_555 : vector<1x16xf32> to vector<16xf32>
        %add3A_557 = arith.addf %add3A_552, %get3A_556 : vector<16xf32>
        %get3A_558 = arith.index_cast %scan3A_358 : i32 to index
        %get3A_559 = arith.constant 48 : index
        %get3A_560 = tpu.vector_load %arg18[%get3A_558, %get3A_559] {strides = array<i32>} : memref<32x128xf32, #tpu.memory_space<vmem>>, vector<1x16xf32>,
        %get3A_561 = vector.shape_cast %get3A_560 : vector<1x16xf32> to vector<16xf32>
        %add3A_562 = arith.addf %add3A_557, %get3A_561 : vector<16xf32>
        %get3A_563 = arith.index_cast %scan3A_358 : i32 to index
        %get3A_564 = arith.constant 48 : index
        %get3A_565 = tpu.vector_load %arg19[%get3A_563, %get3A_564] {strides = array<i32>} : memref<32x128xf32, #tpu.memory_space<vmem>>, vector<1x16xf32>,
        %get3A_566 = vector.shape_cast %get3A_565 : vector<1x16xf32> to vector<16xf32>
        %add3A_567 = arith.addf %add3A_562, %get3A_566 : vector<16xf32>
        %swap3A_568 = arith.index_cast %scan3A_358 : i32 to index
        %swap3A_569 = arith.constant 48 : index
        %swap3A_570 = tpu.vector_load %arg10[%swap3A_568, %swap3A_569] {strides = array<i32>} : memref<32x128xf32, #tpu.memory_space<vmem>>, vector<1x16xf32>,
        %swap3A_571 = vector.shape_cast %swap3A_570 : vector<1x16xf32> to vector<16xf32>
        %swap3A_572 = vector.shape_cast %add3A_567 : vector<16xf32> to vector<1x16xf32>
        tpu.vector_store %arg10[%swap3A_568, %swap3A_569], %swap3A_572 {strides = array<i32>} : memref<32x128xf32, #tpu.memory_space<vmem>>, vector<1x16xf32>,
        %get3A_573 = arith.index_cast %scan3A_358 : i32 to index
        %get3A_574 = arith.constant 64 : index
        %get3A_575 = tpu.vector_load %arg10[%get3A_573, %get3A_574] {strides = array<i32>} : memref<32x128xf32, #tpu.memory_space<vmem>>, vector<1x16xf32>,
        %get3A_576 = vector.shape_cast %get3A_575 : vector<1x16xf32> to vector<16xf32>
        %get3A_577 = arith.index_cast %scan3A_358 : i32 to index
        %get3A_578 = arith.constant 64 : index
        %get3A_579 = tpu.vector_load %arg11[%get3A_577, %get3A_578] {strides = array<i32>} : memref<32x128xf32, #tpu.memory_space<vmem>>, vector<1x16xf32>,
        %get3A_580 = vector.shape_cast %get3A_579 : vector<1x16xf32> to vector<16xf32>
        %add3A_581 = arith.addf %get3A_576, %get3A_580 : vector<16xf32>
        %get3A_582 = arith.index_cast %scan3A_358 : i32 to index
        %get3A_583 = arith.constant 64 : index
        %get3A_584 = tpu.vector_load %arg12[%get3A_582, %get3A_583] {strides = array<i32>} : memref<32x128xf32, #tpu.memory_space<vmem>>, vector<1x16xf32>,
        %get3A_585 = vector.shape_cast %get3A_584 : vector<1x16xf32> to vector<16xf32>
        %add3A_586 = arith.addf %add3A_581, %get3A_585 : vector<16xf32>
        %get3A_587 = arith.index_cast %scan3A_358 : i32 to index
        %get3A_588 = arith.constant 64 : index
        %get3A_589 = tpu.vector_load %arg13[%get3A_587, %get3A_588] {strides = array<i32>} : memref<32x128xf32, #tpu.memory_space<vmem>>, vector<1x16xf32>,
        %get3A_590 = vector.shape_cast %get3A_589 : vector<1x16xf32> to vector<16xf32>
        %add3A_591 = arith.addf %add3A_586, %get3A_590 : vector<16xf32>
        %get3A_592 = arith.index_cast %scan3A_358 : i32 to index
        %get3A_593 = arith.constant 64 : index
        %get3A_594 = tpu.vector_load %arg14[%get3A_592, %get3A_593] {strides = array<i32>} : memref<32x128xf32, #tpu.memory_space<vmem>>, vector<1x16xf32>,
        %get3A_595 = vector.shape_cast %get3A_594 : vector<1x16xf32> to vector<16xf32>
        %add3A_596 = arith.addf %add3A_591, %get3A_595 : vector<16xf32>
        %get3A_597 = arith.index_cast %scan3A_358 : i32 to index
        %get3A_598 = arith.constant 64 : index
        %get3A_599 = tpu.vector_load %arg15[%get3A_597, %get3A_598] {strides = array<i32>} : memref<32x128xf32, #tpu.memory_space<vmem>>, vector<1x16xf32>,
        %get3A_600 = vector.shape_cast %get3A_599 : vector<1x16xf32> to vector<16xf32>
        %add3A_601 = arith.addf %add3A_596, %get3A_600 : vector<16xf32>
        %get3A_602 = arith.index_cast %scan3A_358 : i32 to index
        %get3A_603 = arith.constant 64 : index
        %get3A_604 = tpu.vector_load %arg16[%get3A_602, %get3A_603] {strides = array<i32>} : memref<32x128xf32, #tpu.memory_space<vmem>>, vector<1x16xf32>,
        %get3A_605 = vector.shape_cast %get3A_604 : vector<1x16xf32> to vector<16xf32>
        %add3A_606 = arith.addf %add3A_601, %get3A_605 : vector<16xf32>
        %get3A_607 = arith.index_cast %scan3A_358 : i32 to index
        %get3A_608 = arith.constant 64 : index
        %get3A_609 = tpu.vector_load %arg17[%get3A_607, %get3A_608] {strides = array<i32>} : memref<32x128xf32, #tpu.memory_space<vmem>>, vector<1x16xf32>,
        %get3A_610 = vector.shape_cast %get3A_609 : vector<1x16xf32> to vector<16xf32>
        %add3A_611 = arith.addf %add3A_606, %get3A_610 : vector<16xf32>
        %get3A_612 = arith.index_cast %scan3A_358 : i32 to index
        %get3A_613 = arith.constant 64 : index
        %get3A_614 = tpu.vector_load %arg18[%get3A_612, %get3A_613] {strides = array<i32>} : memref<32x128xf32, #tpu.memory_space<vmem>>, vector<1x16xf32>,
        %get3A_615 = vector.shape_cast %get3A_614 : vector<1x16xf32> to vector<16xf32>
        %add3A_616 = arith.addf %add3A_611, %get3A_615 : vector<16xf32>
        %get3A_617 = arith.index_cast %scan3A_358 : i32 to index
        %get3A_618 = arith.constant 64 : index
        %get3A_619 = tpu.vector_load %arg19[%get3A_617, %get3A_618] {strides = array<i32>} : memref<32x128xf32, #tpu.memory_space<vmem>>, vector<1x16xf32>,
        %get3A_620 = vector.shape_cast %get3A_619 : vector<1x16xf32> to vector<16xf32>
        %add3A_621 = arith.addf %add3A_616, %get3A_620 : vector<16xf32>
        %swap3A_622 = arith.index_cast %scan3A_358 : i32 to index
        %swap3A_623 = arith.constant 64 : index
        %swap3A_624 = tpu.vector_load %arg10[%swap3A_622, %swap3A_623] {strides = array<i32>} : memref<32x128xf32, #tpu.memory_space<vmem>>, vector<1x16xf32>,
        %swap3A_625 = vector.shape_cast %swap3A_624 : vector<1x16xf32> to vector<16xf32>
        %swap3A_626 = vector.shape_cast %add3A_621 : vector<16xf32> to vector<1x16xf32>
        tpu.vector_store %arg10[%swap3A_622, %swap3A_623], %swap3A_626 {strides = array<i32>} : memref<32x128xf32, #tpu.memory_space<vmem>>, vector<1x16xf32>,
        %get3A_627 = arith.index_cast %scan3A_358 : i32 to index
        %get3A_628 = arith.constant 80 : index
        %get3A_629 = tpu.vector_load %arg10[%get3A_627, %get3A_628] {strides = array<i32>} : memref<32x128xf32, #tpu.memory_space<vmem>>, vector<1x16xf32>,
        %get3A_630 = vector.shape_cast %get3A_629 : vector<1x16xf32> to vector<16xf32>
        %get3A_631 = arith.index_cast %scan3A_358 : i32 to index
        %get3A_632 = arith.constant 80 : index
        %get3A_633 = tpu.vector_load %arg11[%get3A_631, %get3A_632] {strides = array<i32>} : memref<32x128xf32, #tpu.memory_space<vmem>>, vector<1x16xf32>,
        %get3A_634 = vector.shape_cast %get3A_633 : vector<1x16xf32> to vector<16xf32>
        %add3A_635 = arith.addf %get3A_630, %get3A_634 : vector<16xf32>
        %get3A_636 = arith.index_cast %scan3A_358 : i32 to index
        %get3A_637 = arith.constant 80 : index
        %get3A_638 = tpu.vector_load %arg12[%get3A_636, %get3A_637] {strides = array<i32>} : memref<32x128xf32, #tpu.memory_space<vmem>>, vector<1x16xf32>,
        %get3A_639 = vector.shape_cast %get3A_638 : vector<1x16xf32> to vector<16xf32>
        %add3A_640 = arith.addf %add3A_635, %get3A_639 : vector<16xf32>
        %get3A_641 = arith.index_cast %scan3A_358 : i32 to index
        %get3A_642 = arith.constant 80 : index
        %get3A_643 = tpu.vector_load %arg13[%get3A_641, %get3A_642] {strides = array<i32>} : memref<32x128xf32, #tpu.memory_space<vmem>>, vector<1x16xf32>,
        %get3A_644 = vector.shape_cast %get3A_643 : vector<1x16xf32> to vector<16xf32>
        %add3A_645 = arith.addf %add3A_640, %get3A_644 : vector<16xf32>
        %get3A_646 = arith.index_cast %scan3A_358 : i32 to index
        %get3A_647 = arith.constant 80 : index
        %get3A_648 = tpu.vector_load %arg14[%get3A_646, %get3A_647] {strides = array<i32>} : memref<32x128xf32, #tpu.memory_space<vmem>>, vector<1x16xf32>,
        %get3A_649 = vector.shape_cast %get3A_648 : vector<1x16xf32> to vector<16xf32>
        %add3A_650 = arith.addf %add3A_645, %get3A_649 : vector<16xf32>
        %get3A_651 = arith.index_cast %scan3A_358 : i32 to index
        %get3A_652 = arith.constant 80 : index
        %get3A_653 = tpu.vector_load %arg15[%get3A_651, %get3A_652] {strides = array<i32>} : memref<32x128xf32, #tpu.memory_space<vmem>>, vector<1x16xf32>,
        %get3A_654 = vector.shape_cast %get3A_653 : vector<1x16xf32> to vector<16xf32>
        %add3A_655 = arith.addf %add3A_650, %get3A_654 : vector<16xf32>
        %get3A_656 = arith.index_cast %scan3A_358 : i32 to index
        %get3A_657 = arith.constant 80 : index
        %get3A_658 = tpu.vector_load %arg16[%get3A_656, %get3A_657] {strides = array<i32>} : memref<32x128xf32, #tpu.memory_space<vmem>>, vector<1x16xf32>,
        %get3A_659 = vector.shape_cast %get3A_658 : vector<1x16xf32> to vector<16xf32>
        %add3A_660 = arith.addf %add3A_655, %get3A_659 : vector<16xf32>
        %get3A_661 = arith.index_cast %scan3A_358 : i32 to index
        %get3A_662 = arith.constant 80 : index
        %get3A_663 = tpu.vector_load %arg17[%get3A_661, %get3A_662] {strides = array<i32>} : memref<32x128xf32, #tpu.memory_space<vmem>>, vector<1x16xf32>,
        %get3A_664 = vector.shape_cast %get3A_663 : vector<1x16xf32> to vector<16xf32>
        %add3A_665 = arith.addf %add3A_660, %get3A_664 : vector<16xf32>
        %get3A_666 = arith.index_cast %scan3A_358 : i32 to index
        %get3A_667 = arith.constant 80 : index
        %get3A_668 = tpu.vector_load %arg18[%get3A_666, %get3A_667] {strides = array<i32>} : memref<32x128xf32, #tpu.memory_space<vmem>>, vector<1x16xf32>,
        %get3A_669 = vector.shape_cast %get3A_668 : vector<1x16xf32> to vector<16xf32>
        %add3A_670 = arith.addf %add3A_665, %get3A_669 : vector<16xf32>
        %get3A_671 = arith.index_cast %scan3A_358 : i32 to index
        %get3A_672 = arith.constant 80 : index
        %get3A_673 = tpu.vector_load %arg19[%get3A_671, %get3A_672] {strides = array<i32>} : memref<32x128xf32, #tpu.memory_space<vmem>>, vector<1x16xf32>,
        %get3A_674 = vector.shape_cast %get3A_673 : vector<1x16xf32> to vector<16xf32>
        %add3A_675 = arith.addf %add3A_670, %get3A_674 : vector<16xf32>
        %swap3A_676 = arith.index_cast %scan3A_358 : i32 to index
        %swap3A_677 = arith.constant 80 : index
        %swap3A_678 = tpu.vector_load %arg10[%swap3A_676, %swap3A_677] {strides = array<i32>} : memref<32x128xf32, #tpu.memory_space<vmem>>, vector<1x16xf32>,
        %swap3A_679 = vector.shape_cast %swap3A_678 : vector<1x16xf32> to vector<16xf32>
        %swap3A_680 = vector.shape_cast %add3A_675 : vector<16xf32> to vector<1x16xf32>
        tpu.vector_store %arg10[%swap3A_676, %swap3A_677], %swap3A_680 {strides = array<i32>} : memref<32x128xf32, #tpu.memory_space<vmem>>, vector<1x16xf32>,
        %get3A_681 = arith.index_cast %scan3A_358 : i32 to index
        %get3A_682 = arith.constant 96 : index
        %get3A_683 = tpu.vector_load %arg10[%get3A_681, %get3A_682] {strides = array<i32>} : memref<32x128xf32, #tpu.memory_space<vmem>>, vector<1x16xf32>,
        %get3A_684 = vector.shape_cast %get3A_683 : vector<1x16xf32> to vector<16xf32>
        %get3A_685 = arith.index_cast %scan3A_358 : i32 to index
        %get3A_686 = arith.constant 96 : index
        %get3A_687 = tpu.vector_load %arg11[%get3A_685, %get3A_686] {strides = array<i32>} : memref<32x128xf32, #tpu.memory_space<vmem>>, vector<1x16xf32>,
        %get3A_688 = vector.shape_cast %get3A_687 : vector<1x16xf32> to vector<16xf32>
        %add3A_689 = arith.addf %get3A_684, %get3A_688 : vector<16xf32>
        %get3A_690 = arith.index_cast %scan3A_358 : i32 to index
        %get3A_691 = arith.constant 96 : index
        %get3A_692 = tpu.vector_load %arg12[%get3A_690, %get3A_691] {strides = array<i32>} : memref<32x128xf32, #tpu.memory_space<vmem>>, vector<1x16xf32>,
        %get3A_693 = vector.shape_cast %get3A_692 : vector<1x16xf32> to vector<16xf32>
        %add3A_694 = arith.addf %add3A_689, %get3A_693 : vector<16xf32>
        %get3A_695 = arith.index_cast %scan3A_358 : i32 to index
        %get3A_696 = arith.constant 96 : index
        %get3A_697 = tpu.vector_load %arg13[%get3A_695, %get3A_696] {strides = array<i32>} : memref<32x128xf32, #tpu.memory_space<vmem>>, vector<1x16xf32>,
        %get3A_698 = vector.shape_cast %get3A_697 : vector<1x16xf32> to vector<16xf32>
        %add3A_699 = arith.addf %add3A_694, %get3A_698 : vector<16xf32>
        %get3A_700 = arith.index_cast %scan3A_358 : i32 to index
        %get3A_701 = arith.constant 96 : index
        %get3A_702 = tpu.vector_load %arg14[%get3A_700, %get3A_701] {strides = array<i32>} : memref<32x128xf32, #tpu.memory_space<vmem>>, vector<1x16xf32>,
        %get3A_703 = vector.shape_cast %get3A_702 : vector<1x16xf32> to vector<16xf32>
        %add3A_704 = arith.addf %add3A_699, %get3A_703 : vector<16xf32>
        %get3A_705 = arith.index_cast %scan3A_358 : i32 to index
        %get3A_706 = arith.constant 96 : index
        %get3A_707 = tpu.vector_load %arg15[%get3A_705, %get3A_706] {strides = array<i32>} : memref<32x128xf32, #tpu.memory_space<vmem>>, vector<1x16xf32>,
        %get3A_708 = vector.shape_cast %get3A_707 : vector<1x16xf32> to vector<16xf32>
        %add3A_709 = arith.addf %add3A_704, %get3A_708 : vector<16xf32>
        %get3A_710 = arith.index_cast %scan3A_358 : i32 to index
        %get3A_711 = arith.constant 96 : index
        %get3A_712 = tpu.vector_load %arg16[%get3A_710, %get3A_711] {strides = array<i32>} : memref<32x128xf32, #tpu.memory_space<vmem>>, vector<1x16xf32>,
        %get3A_713 = vector.shape_cast %get3A_712 : vector<1x16xf32> to vector<16xf32>
        %add3A_714 = arith.addf %add3A_709, %get3A_713 : vector<16xf32>
        %get3A_715 = arith.index_cast %scan3A_358 : i32 to index
        %get3A_716 = arith.constant 96 : index
        %get3A_717 = tpu.vector_load %arg17[%get3A_715, %get3A_716] {strides = array<i32>} : memref<32x128xf32, #tpu.memory_space<vmem>>, vector<1x16xf32>,
        %get3A_718 = vector.shape_cast %get3A_717 : vector<1x16xf32> to vector<16xf32>
        %add3A_719 = arith.addf %add3A_714, %get3A_718 : vector<16xf32>
        %get3A_720 = arith.index_cast %scan3A_358 : i32 to index
        %get3A_721 = arith.constant 96 : index
        %get3A_722 = tpu.vector_load %arg18[%get3A_720, %get3A_721] {strides = array<i32>} : memref<32x128xf32, #tpu.memory_space<vmem>>, vector<1x16xf32>,
        %get3A_723 = vector.shape_cast %get3A_722 : vector<1x16xf32> to vector<16xf32>
        %add3A_724 = arith.addf %add3A_719, %get3A_723 : vector<16xf32>
        %get3A_725 = arith.index_cast %scan3A_358 : i32 to index
        %get3A_726 = arith.constant 96 : index
        %get3A_727 = tpu.vector_load %arg19[%get3A_725, %get3A_726] {strides = array<i32>} : memref<32x128xf32, #tpu.memory_space<vmem>>, vector<1x16xf32>,
        %get3A_728 = vector.shape_cast %get3A_727 : vector<1x16xf32> to vector<16xf32>
        %add3A_729 = arith.addf %add3A_724, %get3A_728 : vector<16xf32>
        %swap3A_730 = arith.index_cast %scan3A_358 : i32 to index
        %swap3A_731 = arith.constant 96 : index
        %swap3A_732 = tpu.vector_load %arg10[%swap3A_730, %swap3A_731] {strides = array<i32>} : memref<32x128xf32, #tpu.memory_space<vmem>>, vector<1x16xf32>,
        %swap3A_733 = vector.shape_cast %swap3A_732 : vector<1x16xf32> to vector<16xf32>
        %swap3A_734 = vector.shape_cast %add3A_729 : vector<16xf32> to vector<1x16xf32>
        tpu.vector_store %arg10[%swap3A_730, %swap3A_731], %swap3A_734 {strides = array<i32>} : memref<32x128xf32, #tpu.memory_space<vmem>>, vector<1x16xf32>,
        %get3A_735 = arith.index_cast %scan3A_358 : i32 to index
        %get3A_736 = arith.constant 112 : index
        %get3A_737 = tpu.vector_load %arg10[%get3A_735, %get3A_736] {strides = array<i32>} : memref<32x128xf32, #tpu.memory_space<vmem>>, vector<1x16xf32>,
        %get3A_738 = vector.shape_cast %get3A_737 : vector<1x16xf32> to vector<16xf32>
        %get3A_739 = arith.index_cast %scan3A_358 : i32 to index
        %get3A_740 = arith.constant 112 : index
        %get3A_741 = tpu.vector_load %arg11[%get3A_739, %get3A_740] {strides = array<i32>} : memref<32x128xf32, #tpu.memory_space<vmem>>, vector<1x16xf32>,
        %get3A_742 = vector.shape_cast %get3A_741 : vector<1x16xf32> to vector<16xf32>
        %add3A_743 = arith.addf %get3A_738, %get3A_742 : vector<16xf32>
        %get3A_744 = arith.index_cast %scan3A_358 : i32 to index
        %get3A_745 = arith.constant 112 : index
        %get3A_746 = tpu.vector_load %arg12[%get3A_744, %get3A_745] {strides = array<i32>} : memref<32x128xf32, #tpu.memory_space<vmem>>, vector<1x16xf32>,
        %get3A_747 = vector.shape_cast %get3A_746 : vector<1x16xf32> to vector<16xf32>
        %add3A_748 = arith.addf %add3A_743, %get3A_747 : vector<16xf32>
        %get3A_749 = arith.index_cast %scan3A_358 : i32 to index
        %get3A_750 = arith.constant 112 : index
        %get3A_751 = tpu.vector_load %arg13[%get3A_749, %get3A_750] {strides = array<i32>} : memref<32x128xf32, #tpu.memory_space<vmem>>, vector<1x16xf32>,
        %get3A_752 = vector.shape_cast %get3A_751 : vector<1x16xf32> to vector<16xf32>
        %add3A_753 = arith.addf %add3A_748, %get3A_752 : vector<16xf32>
        %get3A_754 = arith.index_cast %scan3A_358 : i32 to index
        %get3A_755 = arith.constant 112 : index
        %get3A_756 = tpu.vector_load %arg14[%get3A_754, %get3A_755] {strides = array<i32>} : memref<32x128xf32, #tpu.memory_space<vmem>>, vector<1x16xf32>,
        %get3A_757 = vector.shape_cast %get3A_756 : vector<1x16xf32> to vector<16xf32>
        %add3A_758 = arith.addf %add3A_753, %get3A_757 : vector<16xf32>
        %get3A_759 = arith.index_cast %scan3A_358 : i32 to index
        %get3A_760 = arith.constant 112 : index
        %get3A_761 = tpu.vector_load %arg15[%get3A_759, %get3A_760] {strides = array<i32>} : memref<32x128xf32, #tpu.memory_space<vmem>>, vector<1x16xf32>,
        %get3A_762 = vector.shape_cast %get3A_761 : vector<1x16xf32> to vector<16xf32>
        %add3A_763 = arith.addf %add3A_758, %get3A_762 : vector<16xf32>
        %get3A_764 = arith.index_cast %scan3A_358 : i32 to index
        %get3A_765 = arith.constant 112 : index
        %get3A_766 = tpu.vector_load %arg16[%get3A_764, %get3A_765] {strides = array<i32>} : memref<32x128xf32, #tpu.memory_space<vmem>>, vector<1x16xf32>,
        %get3A_767 = vector.shape_cast %get3A_766 : vector<1x16xf32> to vector<16xf32>
        %add3A_768 = arith.addf %add3A_763, %get3A_767 : vector<16xf32>
        %get3A_769 = arith.index_cast %scan3A_358 : i32 to index
        %get3A_770 = arith.constant 112 : index
        %get3A_771 = tpu.vector_load %arg17[%get3A_769, %get3A_770] {strides = array<i32>} : memref<32x128xf32, #tpu.memory_space<vmem>>, vector<1x16xf32>,
        %get3A_772 = vector.shape_cast %get3A_771 : vector<1x16xf32> to vector<16xf32>
        %add3A_773 = arith.addf %add3A_768, %get3A_772 : vector<16xf32>
        %get3A_774 = arith.index_cast %scan3A_358 : i32 to index
        %get3A_775 = arith.constant 112 : index
        %get3A_776 = tpu.vector_load %arg18[%get3A_774, %get3A_775] {strides = array<i32>} : memref<32x128xf32, #tpu.memory_space<vmem>>, vector<1x16xf32>,
        %get3A_777 = vector.shape_cast %get3A_776 : vector<1x16xf32> to vector<16xf32>
        %add3A_778 = arith.addf %add3A_773, %get3A_777 : vector<16xf32>
        %get3A_779 = arith.index_cast %scan3A_358 : i32 to index
        %get3A_780 = arith.constant 112 : index
        %get3A_781 = tpu.vector_load %arg19[%get3A_779, %get3A_780] {strides = array<i32>} : memref<32x128xf32, #tpu.memory_space<vmem>>, vector<1x16xf32>,
        %get3A_782 = vector.shape_cast %get3A_781 : vector<1x16xf32> to vector<16xf32>
        %add3A_783 = arith.addf %add3A_778, %get3A_782 : vector<16xf32>
        %swap3A_784 = arith.index_cast %scan3A_358 : i32 to index
        %swap3A_785 = arith.constant 112 : index
        %swap3A_786 = tpu.vector_load %arg10[%swap3A_784, %swap3A_785] {strides = array<i32>} : memref<32x128xf32, #tpu.memory_space<vmem>>, vector<1x16xf32>,
        %swap3A_787 = vector.shape_cast %swap3A_786 : vector<1x16xf32> to vector<16xf32>
        %swap3A_788 = vector.shape_cast %add3A_783 : vector<16xf32> to vector<1x16xf32>
        tpu.vector_store %arg10[%swap3A_784, %swap3A_785], %swap3A_788 {strides = array<i32>} : memref<32x128xf32, #tpu.memory_space<vmem>>, vector<1x16xf32>,
      }
      %scan3A_231 = arith.constant 32 : i32
      %mul3A_232 = arith.constant 32 : i32
      %mul3A_233 = arith.muli %mul3A_136, %mul3A_232 : i32
      %add3A_234 = arith.addi %mul3A_9, %mul3A_233 : i32
      %dma_start3A_235 = arith.constant 0 : i32
      %dma_start3A_236 = tpu.memref_slice %arg4[%add3A_234, %dma_start3A_235] : memref<51200x128xf32, #tpu.memory_space<hbm>> -> memref<32x128xf32, #tpu.memory_space<hbm>>
      %dma_start3A_237 = arith.constant 0 : i32
      %dma_start3A_238 = tpu.memref_slice %arg4[%add3A_234, %dma_start3A_237] : memref<51200x128xf32, #tpu.memory_space<hbm>> -> memref<32x128xf32, #tpu.memory_space<hbm>>
      tpu.enqueue_dma source(%arg8 : memref<32x128xf32, #tpu.memory_space<vmem>>) target(%dma_start3A_238 : memref<32x128xf32, #tpu.memory_space<hbm>>) target_semaphore(%arg34 : memref<!tpu.dma_semaphore, #tpu.memory_space<semaphore_mem>>)
      %dma_start3A_239 = arith.constant 0 : i32
      %dma_start3A_240 = tpu.memref_slice %arg5[%add3A_234, %dma_start3A_239] : memref<51200x128xf32, #tpu.memory_space<hbm>> -> memref<32x128xf32, #tpu.memory_space<hbm>>
      %dma_start3A_241 = arith.constant 0 : i32
      %dma_start3A_242 = tpu.memref_slice %arg5[%add3A_234, %dma_start3A_241] : memref<51200x128xf32, #tpu.memory_space<hbm>> -> memref<32x128xf32, #tpu.memory_space<hbm>>
      tpu.enqueue_dma source(%arg10 : memref<32x128xf32, #tpu.memory_space<vmem>>) target(%dma_start3A_242 : memref<32x128xf32, #tpu.memory_space<hbm>>) target_semaphore(%arg34 : memref<!tpu.dma_semaphore, #tpu.memory_space<semaphore_mem>>)
      %mul3A_243 = arith.constant 2 : i32
      %mul3A_244 = arith.muli %mul3A_243, %while3A_134 : i32
      %add3A_245 = arith.constant 1 : i32
      %add3A_246 = arith.addi %mul3A_244, %add3A_245 : i32
      %gt3A_247 = arith.constant 0 : i32
      %gt3A_248 = arith.cmpi sgt, %add3A_246, %gt3A_247 : i32
      %convert_element_type3A_249 = arith.extui %gt3A_248 : i1 to i32
      %cond3A_250 = arith.constant 0 : i32
      %cond3A_251 = arith.cmpi ne, %convert_element_type3A_249, %cond3A_250 : i32
      scf.if %cond3A_251 {
        %sub3A_358 = arith.constant 1 : i32
        %sub3A_359 = arith.subi %add3A_246, %sub3A_358 : i32
        %mul3A_360 = arith.constant 32 : i32
        %mul3A_361 = arith.muli %sub3A_359, %mul3A_360 : i32
        %add3A_362 = arith.addi %mul3A_9, %mul3A_361 : i32
        %dma_wait3A_363 = arith.constant 0 : i32
        %dma_wait3A_364 = tpu.memref_slice %arg4[%add3A_362, %dma_wait3A_363] : memref<51200x128xf32, #tpu.memory_space<hbm>> -> memref<32x128xf32, #tpu.memory_space<hbm>>
        %dma_wait3A_365 = arith.constant 0 : i32
        %dma_wait3A_366 = tpu.memref_slice %arg4[%add3A_362, %dma_wait3A_365] : memref<51200x128xf32, #tpu.memory_space<hbm>> -> memref<32x128xf32, #tpu.memory_space<hbm>>
        tpu.wait_dma2 semaphore(%arg34 : memref<!tpu.dma_semaphore, #tpu.memory_space<semaphore_mem>>) src(%arg8 : memref<32x128xf32, #tpu.memory_space<vmem>>) dst(%dma_wait3A_366 : memref<32x128xf32, #tpu.memory_space<hbm>>)
        %dma_wait3A_367 = arith.constant 0 : i32
        %dma_wait3A_368 = tpu.memref_slice %arg5[%add3A_362, %dma_wait3A_367] : memref<51200x128xf32, #tpu.memory_space<hbm>> -> memref<32x128xf32, #tpu.memory_space<hbm>>
        %dma_wait3A_369 = arith.constant 0 : i32
        %dma_wait3A_370 = tpu.memref_slice %arg5[%add3A_362, %dma_wait3A_369] : memref<51200x128xf32, #tpu.memory_space<hbm>> -> memref<32x128xf32, #tpu.memory_space<hbm>>
        tpu.wait_dma2 semaphore(%arg34 : memref<!tpu.dma_semaphore, #tpu.memory_space<semaphore_mem>>) src(%arg10 : memref<32x128xf32, #tpu.memory_space<vmem>>) dst(%dma_wait3A_370 : memref<32x128xf32, #tpu.memory_space<hbm>>)
      } else {
      }
      %add3A_252 = arith.constant 1 : i32
      %add3A_253 = arith.addi %add3A_246, %add3A_252 : i32
      %lt3A_254 = arith.cmpi slt, %add3A_253, %select_n3A_2 : i32
      %convert_element_type3A_255 = arith.extui %lt3A_254 : i1 to i32
      %cond3A_256 = arith.constant 0 : i32
      %cond3A_257 = arith.cmpi ne, %convert_element_type3A_255, %cond3A_256 : i32
      scf.if %cond3A_257 {
        %add3A_358 = arith.constant 1 : i32
        %add3A_359 = arith.addi %add3A_246, %add3A_358 : i32
        %add3A_360 = arith.addi %select_n3A_7, %add3A_359 : i32
        %dma_wait3A_361 = arith.constant 0 : i32
        %dma_wait3A_362 = arith.constant 0 : i32
        %dma_wait3A_363 = tpu.memref_slice %arg3[%add3A_360, %dma_wait3A_361, %dma_wait3A_362] : memref<1600x11x32xi32, #tpu.memory_space<hbm>> -> memref<1x11x32xi32, #tpu.memory_space<hbm>>
        %dma_wait3A_364 = tpu.memref_squeeze %dma_wait3A_363 : memref<1x11x32xi32, #tpu.memory_space<hbm>> -> memref<11x32xi32, #tpu.memory_space<hbm>>
        %dma_wait3A_365 = arith.constant 0 : i32
        %dma_wait3A_366 = arith.constant 0 : i32
        %dma_wait3A_367 = tpu.memref_slice %arg3[%add3A_360, %dma_wait3A_365, %dma_wait3A_366] : memref<1600x11x32xi32, #tpu.memory_space<hbm>> -> memref<1x11x32xi32, #tpu.memory_space<hbm>>
        %dma_wait3A_368 = tpu.memref_squeeze %dma_wait3A_367 : memref<1x11x32xi32, #tpu.memory_space<hbm>> -> memref<11x32xi32, #tpu.memory_space<hbm>>
        tpu.wait_dma2 semaphore(%arg30 : memref<!tpu.dma_semaphore, #tpu.memory_space<semaphore_mem>>) src(%dma_wait3A_368 : memref<11x32xi32, #tpu.memory_space<hbm>>) dst(%arg6 : memref<11x32xi32, #tpu.memory_space<vmem>>)
        %dma_start3A_369 = arith.constant 0 : i32
        %dma_start3A_370 = arith.constant 0 : i32
        %dma_start3A_371 = tpu.memref_slice %arg6[%dma_start3A_369, %dma_start3A_370] : memref<11x32xi32, #tpu.memory_space<vmem>> -> memref<1x32xi32, #tpu.memory_space<vmem>>
        %dma_start3A_372 = tpu.memref_squeeze %dma_start3A_371 : memref<1x32xi32, #tpu.memory_space<vmem>> -> memref<32xi32, #tpu.memory_space<vmem>>
        %dma_start3A_373 = arith.constant 0 : i32
        %dma_start3A_374 = arith.constant 0 : i32
        %dma_start3A_375 = tpu.memref_slice %arg2[%dma_start3A_373, %dma_start3A_374] : memref<100000x128xf32, #tpu.memory_space<hbm>> -> memref<100000x128xf32, #tpu.memory_space<hbm>>
        tpu.enqueue_indirect_dma source(%dma_start3A_375 : memref<100000x128xf32, #tpu.memory_space<hbm>>) target(%arg8 : memref<32x128xf32, #tpu.memory_space<vmem>>) offsets(%dma_start3A_372 : memref<32xi32, #tpu.memory_space<vmem>>) semaphore(%arg32 : memref<!tpu.dma_semaphore, #tpu.memory_space<semaphore_mem>>)
        %dma_start3A_376 = arith.constant 1 : i32
        %dma_start3A_377 = arith.constant 0 : i32
        %dma_start3A_378 = tpu.memref_slice %arg6[%dma_start3A_376, %dma_start3A_377] : memref<11x32xi32, #tpu.memory_space<vmem>> -> memref<1x32xi32, #tpu.memory_space<vmem>>
        %dma_start3A_379 = tpu.memref_squeeze %dma_start3A_378 : memref<1x32xi32, #tpu.memory_space<vmem>> -> memref<32xi32, #tpu.memory_space<vmem>>
        %dma_start3A_380 = arith.constant 0 : i32
        %dma_start3A_381 = arith.constant 0 : i32
        %dma_start3A_382 = tpu.memref_slice %arg2[%dma_start3A_380, %dma_start3A_381] : memref<100000x128xf32, #tpu.memory_space<hbm>> -> memref<100000x128xf32, #tpu.memory_space<hbm>>
        tpu.enqueue_indirect_dma source(%dma_start3A_382 : memref<100000x128xf32, #tpu.memory_space<hbm>>) target(%arg10 : memref<32x128xf32, #tpu.memory_space<vmem>>) offsets(%dma_start3A_379 : memref<32xi32, #tpu.memory_space<vmem>>) semaphore(%arg32 : memref<!tpu.dma_semaphore, #tpu.memory_space<semaphore_mem>>)
        %dma_start3A_383 = arith.constant 2 : i32
        %dma_start3A_384 = arith.constant 0 : i32
        %dma_start3A_385 = tpu.memref_slice %arg6[%dma_start3A_383, %dma_start3A_384] : memref<11x32xi32, #tpu.memory_space<vmem>> -> memref<1x32xi32, #tpu.memory_space<vmem>>
        %dma_start3A_386 = tpu.memref_squeeze %dma_start3A_385 : memref<1x32xi32, #tpu.memory_space<vmem>> -> memref<32xi32, #tpu.memory_space<vmem>>
        %dma_start3A_387 = arith.constant 0 : i32
        %dma_start3A_388 = arith.constant 0 : i32
        %dma_start3A_389 = tpu.memref_slice %arg2[%dma_start3A_387, %dma_start3A_388] : memref<100000x128xf32, #tpu.memory_space<hbm>> -> memref<100000x128xf32, #tpu.memory_space<hbm>>
        tpu.enqueue_indirect_dma source(%dma_start3A_389 : memref<100000x128xf32, #tpu.memory_space<hbm>>) target(%arg11 : memref<32x128xf32, #tpu.memory_space<vmem>>) offsets(%dma_start3A_386 : memref<32xi32, #tpu.memory_space<vmem>>) semaphore(%arg32 : memref<!tpu.dma_semaphore, #tpu.memory_space<semaphore_mem>>)
        %dma_start3A_390 = arith.constant 3 : i32
        %dma_start3A_391 = arith.constant 0 : i32
        %dma_start3A_392 = tpu.memref_slice %arg6[%dma_start3A_390, %dma_start3A_391] : memref<11x32xi32, #tpu.memory_space<vmem>> -> memref<1x32xi32, #tpu.memory_space<vmem>>
        %dma_start3A_393 = tpu.memref_squeeze %dma_start3A_392 : memref<1x32xi32, #tpu.memory_space<vmem>> -> memref<32xi32, #tpu.memory_space<vmem>>
        %dma_start3A_394 = arith.constant 0 : i32
        %dma_start3A_395 = arith.constant 0 : i32
        %dma_start3A_396 = tpu.memref_slice %arg2[%dma_start3A_394, %dma_start3A_395] : memref<100000x128xf32, #tpu.memory_space<hbm>> -> memref<100000x128xf32, #tpu.memory_space<hbm>>
        tpu.enqueue_indirect_dma source(%dma_start3A_396 : memref<100000x128xf32, #tpu.memory_space<hbm>>) target(%arg12 : memref<32x128xf32, #tpu.memory_space<vmem>>) offsets(%dma_start3A_393 : memref<32xi32, #tpu.memory_space<vmem>>) semaphore(%arg32 : memref<!tpu.dma_semaphore, #tpu.memory_space<semaphore_mem>>)
        %dma_start3A_397 = arith.constant 4 : i32
        %dma_start3A_398 = arith.constant 0 : i32
        %dma_start3A_399 = tpu.memref_slice %arg6[%dma_start3A_397, %dma_start3A_398] : memref<11x32xi32, #tpu.memory_space<vmem>> -> memref<1x32xi32, #tpu.memory_space<vmem>>
        %dma_start3A_400 = tpu.memref_squeeze %dma_start3A_399 : memref<1x32xi32, #tpu.memory_space<vmem>> -> memref<32xi32, #tpu.memory_space<vmem>>
        %dma_start3A_401 = arith.constant 0 : i32
        %dma_start3A_402 = arith.constant 0 : i32
        %dma_start3A_403 = tpu.memref_slice %arg2[%dma_start3A_401, %dma_start3A_402] : memref<100000x128xf32, #tpu.memory_space<hbm>> -> memref<100000x128xf32, #tpu.memory_space<hbm>>
        tpu.enqueue_indirect_dma source(%dma_start3A_403 : memref<100000x128xf32, #tpu.memory_space<hbm>>) target(%arg13 : memref<32x128xf32, #tpu.memory_space<vmem>>) offsets(%dma_start3A_400 : memref<32xi32, #tpu.memory_space<vmem>>) semaphore(%arg32 : memref<!tpu.dma_semaphore, #tpu.memory_space<semaphore_mem>>)
        %dma_start3A_404 = arith.constant 5 : i32
        %dma_start3A_405 = arith.constant 0 : i32
        %dma_start3A_406 = tpu.memref_slice %arg6[%dma_start3A_404, %dma_start3A_405] : memref<11x32xi32, #tpu.memory_space<vmem>> -> memref<1x32xi32, #tpu.memory_space<vmem>>
        %dma_start3A_407 = tpu.memref_squeeze %dma_start3A_406 : memref<1x32xi32, #tpu.memory_space<vmem>> -> memref<32xi32, #tpu.memory_space<vmem>>
        %dma_start3A_408 = arith.constant 0 : i32
        %dma_start3A_409 = arith.constant 0 : i32
        %dma_start3A_410 = tpu.memref_slice %arg2[%dma_start3A_408, %dma_start3A_409] : memref<100000x128xf32, #tpu.memory_space<hbm>> -> memref<100000x128xf32, #tpu.memory_space<hbm>>
        tpu.enqueue_indirect_dma source(%dma_start3A_410 : memref<100000x128xf32, #tpu.memory_space<hbm>>) target(%arg14 : memref<32x128xf32, #tpu.memory_space<vmem>>) offsets(%dma_start3A_407 : memref<32xi32, #tpu.memory_space<vmem>>) semaphore(%arg32 : memref<!tpu.dma_semaphore, #tpu.memory_space<semaphore_mem>>)
        %dma_start3A_411 = arith.constant 6 : i32
        %dma_start3A_412 = arith.constant 0 : i32
        %dma_start3A_413 = tpu.memref_slice %arg6[%dma_start3A_411, %dma_start3A_412] : memref<11x32xi32, #tpu.memory_space<vmem>> -> memref<1x32xi32, #tpu.memory_space<vmem>>
        %dma_start3A_414 = tpu.memref_squeeze %dma_start3A_413 : memref<1x32xi32, #tpu.memory_space<vmem>> -> memref<32xi32, #tpu.memory_space<vmem>>
        %dma_start3A_415 = arith.constant 0 : i32
        %dma_start3A_416 = arith.constant 0 : i32
        %dma_start3A_417 = tpu.memref_slice %arg2[%dma_start3A_415, %dma_start3A_416] : memref<100000x128xf32, #tpu.memory_space<hbm>> -> memref<100000x128xf32, #tpu.memory_space<hbm>>
        tpu.enqueue_indirect_dma source(%dma_start3A_417 : memref<100000x128xf32, #tpu.memory_space<hbm>>) target(%arg15 : memref<32x128xf32, #tpu.memory_space<vmem>>) offsets(%dma_start3A_414 : memref<32xi32, #tpu.memory_space<vmem>>) semaphore(%arg32 : memref<!tpu.dma_semaphore, #tpu.memory_space<semaphore_mem>>)
        %dma_start3A_418 = arith.constant 7 : i32
        %dma_start3A_419 = arith.constant 0 : i32
        %dma_start3A_420 = tpu.memref_slice %arg6[%dma_start3A_418, %dma_start3A_419] : memref<11x32xi32, #tpu.memory_space<vmem>> -> memref<1x32xi32, #tpu.memory_space<vmem>>
        %dma_start3A_421 = tpu.memref_squeeze %dma_start3A_420 : memref<1x32xi32, #tpu.memory_space<vmem>> -> memref<32xi32, #tpu.memory_space<vmem>>
        %dma_start3A_422 = arith.constant 0 : i32
        %dma_start3A_423 = arith.constant 0 : i32
        %dma_start3A_424 = tpu.memref_slice %arg2[%dma_start3A_422, %dma_start3A_423] : memref<100000x128xf32, #tpu.memory_space<hbm>> -> memref<100000x128xf32, #tpu.memory_space<hbm>>
        tpu.enqueue_indirect_dma source(%dma_start3A_424 : memref<100000x128xf32, #tpu.memory_space<hbm>>) target(%arg16 : memref<32x128xf32, #tpu.memory_space<vmem>>) offsets(%dma_start3A_421 : memref<32xi32, #tpu.memory_space<vmem>>) semaphore(%arg32 : memref<!tpu.dma_semaphore, #tpu.memory_space<semaphore_mem>>)
        %dma_start3A_425 = arith.constant 8 : i32
        %dma_start3A_426 = arith.constant 0 : i32
        %dma_start3A_427 = tpu.memref_slice %arg6[%dma_start3A_425, %dma_start3A_426] : memref<11x32xi32, #tpu.memory_space<vmem>> -> memref<1x32xi32, #tpu.memory_space<vmem>>
        %dma_start3A_428 = tpu.memref_squeeze %dma_start3A_427 : memref<1x32xi32, #tpu.memory_space<vmem>> -> memref<32xi32, #tpu.memory_space<vmem>>
        %dma_start3A_429 = arith.constant 0 : i32
        %dma_start3A_430 = arith.constant 0 : i32
        %dma_start3A_431 = tpu.memref_slice %arg2[%dma_start3A_429, %dma_start3A_430] : memref<100000x128xf32, #tpu.memory_space<hbm>> -> memref<100000x128xf32, #tpu.memory_space<hbm>>
        tpu.enqueue_indirect_dma source(%dma_start3A_431 : memref<100000x128xf32, #tpu.memory_space<hbm>>) target(%arg17 : memref<32x128xf32, #tpu.memory_space<vmem>>) offsets(%dma_start3A_428 : memref<32xi32, #tpu.memory_space<vmem>>) semaphore(%arg32 : memref<!tpu.dma_semaphore, #tpu.memory_space<semaphore_mem>>)
        %dma_start3A_432 = arith.constant 9 : i32
        %dma_start3A_433 = arith.constant 0 : i32
        %dma_start3A_434 = tpu.memref_slice %arg6[%dma_start3A_432, %dma_start3A_433] : memref<11x32xi32, #tpu.memory_space<vmem>> -> memref<1x32xi32, #tpu.memory_space<vmem>>
        %dma_start3A_435 = tpu.memref_squeeze %dma_start3A_434 : memref<1x32xi32, #tpu.memory_space<vmem>> -> memref<32xi32, #tpu.memory_space<vmem>>
        %dma_start3A_436 = arith.constant 0 : i32
        %dma_start3A_437 = arith.constant 0 : i32
        %dma_start3A_438 = tpu.memref_slice %arg2[%dma_start3A_436, %dma_start3A_437] : memref<100000x128xf32, #tpu.memory_space<hbm>> -> memref<100000x128xf32, #tpu.memory_space<hbm>>
        tpu.enqueue_indirect_dma source(%dma_start3A_438 : memref<100000x128xf32, #tpu.memory_space<hbm>>) target(%arg18 : memref<32x128xf32, #tpu.memory_space<vmem>>) offsets(%dma_start3A_435 : memref<32xi32, #tpu.memory_space<vmem>>) semaphore(%arg32 : memref<!tpu.dma_semaphore, #tpu.memory_space<semaphore_mem>>)
        %dma_start3A_439 = arith.constant 10 : i32
        %dma_start3A_440 = arith.constant 0 : i32
        %dma_start3A_441 = tpu.memref_slice %arg6[%dma_start3A_439, %dma_start3A_440] : memref<11x32xi32, #tpu.memory_space<vmem>> -> memref<1x32xi32, #tpu.memory_space<vmem>>
        %dma_start3A_442 = tpu.memref_squeeze %dma_start3A_441 : memref<1x32xi32, #tpu.memory_space<vmem>> -> memref<32xi32, #tpu.memory_space<vmem>>
        %dma_start3A_443 = arith.constant 0 : i32
        %dma_start3A_444 = arith.constant 0 : i32
        %dma_start3A_445 = tpu.memref_slice %arg2[%dma_start3A_443, %dma_start3A_444] : memref<100000x128xf32, #tpu.memory_space<hbm>> -> memref<100000x128xf32, #tpu.memory_space<hbm>>
        tpu.enqueue_indirect_dma source(%dma_start3A_445 : memref<100000x128xf32, #tpu.memory_space<hbm>>) target(%arg19 : memref<32x128xf32, #tpu.memory_space<vmem>>) offsets(%dma_start3A_442 : memref<32xi32, #tpu.memory_space<vmem>>) semaphore(%arg32 : memref<!tpu.dma_semaphore, #tpu.memory_space<semaphore_mem>>)
      } else {
      }
      %dma_wait3A_258 = arith.constant 0 : i32
      %dma_wait3A_259 = arith.constant 0 : i32
      %dma_wait3A_260 = tpu.memref_slice %arg7[%dma_wait3A_258, %dma_wait3A_259] : memref<11x32xi32, #tpu.memory_space<vmem>> -> memref<1x32xi32, #tpu.memory_space<vmem>>
      %dma_wait3A_261 = tpu.memref_squeeze %dma_wait3A_260 : memref<1x32xi32, #tpu.memory_space<vmem>> -> memref<32xi32, #tpu.memory_space<vmem>>
      %dma_wait3A_262 = arith.constant 0 : i32
      %dma_wait3A_263 = arith.constant 0 : i32
      %dma_wait3A_264 = tpu.memref_slice %arg2[%dma_wait3A_262, %dma_wait3A_263] : memref<100000x128xf32, #tpu.memory_space<hbm>> -> memref<100000x128xf32, #tpu.memory_space<hbm>>
      tpu.wait_indirect_dma semaphore(%arg33 : memref<!tpu.dma_semaphore, #tpu.memory_space<semaphore_mem>>) src(%dma_wait3A_264 : memref<100000x128xf32, #tpu.memory_space<hbm>>) dst(%arg9 : memref<32x128xf32, #tpu.memory_space<vmem>>)
      %dma_wait3A_265 = arith.constant 1 : i32
      %dma_wait3A_266 = arith.constant 0 : i32
      %dma_wait3A_267 = tpu.memref_slice %arg7[%dma_wait3A_265, %dma_wait3A_266] : memref<11x32xi32, #tpu.memory_space<vmem>> -> memref<1x32xi32, #tpu.memory_space<vmem>>
      %dma_wait3A_268 = tpu.memref_squeeze %dma_wait3A_267 : memref<1x32xi32, #tpu.memory_space<vmem>> -> memref<32xi32, #tpu.memory_space<vmem>>
      %dma_wait3A_269 = arith.constant 0 : i32
      %dma_wait3A_270 = arith.constant 0 : i32
      %dma_wait3A_271 = tpu.memref_slice %arg2[%dma_wait3A_269, %dma_wait3A_270] : memref<100000x128xf32, #tpu.memory_space<hbm>> -> memref<100000x128xf32, #tpu.memory_space<hbm>>
      tpu.wait_indirect_dma semaphore(%arg33 : memref<!tpu.dma_semaphore, #tpu.memory_space<semaphore_mem>>) src(%dma_wait3A_271 : memref<100000x128xf32, #tpu.memory_space<hbm>>) dst(%arg20 : memref<32x128xf32, #tpu.memory_space<vmem>>)
      %dma_wait3A_272 = arith.constant 2 : i32
      %dma_wait3A_273 = arith.constant 0 : i32
      %dma_wait3A_274 = tpu.memref_slice %arg7[%dma_wait3A_272, %dma_wait3A_273] : memref<11x32xi32, #tpu.memory_space<vmem>> -> memref<1x32xi32, #tpu.memory_space<vmem>>
      %dma_wait3A_275 = tpu.memref_squeeze %dma_wait3A_274 : memref<1x32xi32, #tpu.memory_space<vmem>> -> memref<32xi32, #tpu.memory_space<vmem>>
      %dma_wait3A_276 = arith.constant 0 : i32
      %dma_wait3A_277 = arith.constant 0 : i32
      %dma_wait3A_278 = tpu.memref_slice %arg2[%dma_wait3A_276, %dma_wait3A_277] : memref<100000x128xf32, #tpu.memory_space<hbm>> -> memref<100000x128xf32, #tpu.memory_space<hbm>>
      tpu.wait_indirect_dma semaphore(%arg33 : memref<!tpu.dma_semaphore, #tpu.memory_space<semaphore_mem>>) src(%dma_wait3A_278 : memref<100000x128xf32, #tpu.memory_space<hbm>>) dst(%arg21 : memref<32x128xf32, #tpu.memory_space<vmem>>)
      %dma_wait3A_279 = arith.constant 3 : i32
      %dma_wait3A_280 = arith.constant 0 : i32
      %dma_wait3A_281 = tpu.memref_slice %arg7[%dma_wait3A_279, %dma_wait3A_280] : memref<11x32xi32, #tpu.memory_space<vmem>> -> memref<1x32xi32, #tpu.memory_space<vmem>>
      %dma_wait3A_282 = tpu.memref_squeeze %dma_wait3A_281 : memref<1x32xi32, #tpu.memory_space<vmem>> -> memref<32xi32, #tpu.memory_space<vmem>>
      %dma_wait3A_283 = arith.constant 0 : i32
      %dma_wait3A_284 = arith.constant 0 : i32
      %dma_wait3A_285 = tpu.memref_slice %arg2[%dma_wait3A_283, %dma_wait3A_284] : memref<100000x128xf32, #tpu.memory_space<hbm>> -> memref<100000x128xf32, #tpu.memory_space<hbm>>
      tpu.wait_indirect_dma semaphore(%arg33 : memref<!tpu.dma_semaphore, #tpu.memory_space<semaphore_mem>>) src(%dma_wait3A_285 : memref<100000x128xf32, #tpu.memory_space<hbm>>) dst(%arg22 : memref<32x128xf32, #tpu.memory_space<vmem>>)
      %dma_wait3A_286 = arith.constant 4 : i32
      %dma_wait3A_287 = arith.constant 0 : i32
      %dma_wait3A_288 = tpu.memref_slice %arg7[%dma_wait3A_286, %dma_wait3A_287] : memref<11x32xi32, #tpu.memory_space<vmem>> -> memref<1x32xi32, #tpu.memory_space<vmem>>
      %dma_wait3A_289 = tpu.memref_squeeze %dma_wait3A_288 : memref<1x32xi32, #tpu.memory_space<vmem>> -> memref<32xi32, #tpu.memory_space<vmem>>
      %dma_wait3A_290 = arith.constant 0 : i32
      %dma_wait3A_291 = arith.constant 0 : i32
      %dma_wait3A_292 = tpu.memref_slice %arg2[%dma_wait3A_290, %dma_wait3A_291] : memref<100000x128xf32, #tpu.memory_space<hbm>> -> memref<100000x128xf32, #tpu.memory_space<hbm>>
      tpu.wait_indirect_dma semaphore(%arg33 : memref<!tpu.dma_semaphore, #tpu.memory_space<semaphore_mem>>) src(%dma_wait3A_292 : memref<100000x128xf32, #tpu.memory_space<hbm>>) dst(%arg23 : memref<32x128xf32, #tpu.memory_space<vmem>>)
      %dma_wait3A_293 = arith.constant 5 : i32
      %dma_wait3A_294 = arith.constant 0 : i32
      %dma_wait3A_295 = tpu.memref_slice %arg7[%dma_wait3A_293, %dma_wait3A_294] : memref<11x32xi32, #tpu.memory_space<vmem>> -> memref<1x32xi32, #tpu.memory_space<vmem>>
      %dma_wait3A_296 = tpu.memref_squeeze %dma_wait3A_295 : memref<1x32xi32, #tpu.memory_space<vmem>> -> memref<32xi32, #tpu.memory_space<vmem>>
      %dma_wait3A_297 = arith.constant 0 : i32
      %dma_wait3A_298 = arith.constant 0 : i32
      %dma_wait3A_299 = tpu.memref_slice %arg2[%dma_wait3A_297, %dma_wait3A_298] : memref<100000x128xf32, #tpu.memory_space<hbm>> -> memref<100000x128xf32, #tpu.memory_space<hbm>>
      tpu.wait_indirect_dma semaphore(%arg33 : memref<!tpu.dma_semaphore, #tpu.memory_space<semaphore_mem>>) src(%dma_wait3A_299 : memref<100000x128xf32, #tpu.memory_space<hbm>>) dst(%arg24 : memref<32x128xf32, #tpu.memory_space<vmem>>)
      %dma_wait3A_300 = arith.constant 6 : i32
      %dma_wait3A_301 = arith.constant 0 : i32
      %dma_wait3A_302 = tpu.memref_slice %arg7[%dma_wait3A_300, %dma_wait3A_301] : memref<11x32xi32, #tpu.memory_space<vmem>> -> memref<1x32xi32, #tpu.memory_space<vmem>>
      %dma_wait3A_303 = tpu.memref_squeeze %dma_wait3A_302 : memref<1x32xi32, #tpu.memory_space<vmem>> -> memref<32xi32, #tpu.memory_space<vmem>>
      %dma_wait3A_304 = arith.constant 0 : i32
      %dma_wait3A_305 = arith.constant 0 : i32
      %dma_wait3A_306 = tpu.memref_slice %arg2[%dma_wait3A_304, %dma_wait3A_305] : memref<100000x128xf32, #tpu.memory_space<hbm>> -> memref<100000x128xf32, #tpu.memory_space<hbm>>
      tpu.wait_indirect_dma semaphore(%arg33 : memref<!tpu.dma_semaphore, #tpu.memory_space<semaphore_mem>>) src(%dma_wait3A_306 : memref<100000x128xf32, #tpu.memory_space<hbm>>) dst(%arg25 : memref<32x128xf32, #tpu.memory_space<vmem>>)
      %dma_wait3A_307 = arith.constant 7 : i32
      %dma_wait3A_308 = arith.constant 0 : i32
      %dma_wait3A_309 = tpu.memref_slice %arg7[%dma_wait3A_307, %dma_wait3A_308] : memref<11x32xi32, #tpu.memory_space<vmem>> -> memref<1x32xi32, #tpu.memory_space<vmem>>
      %dma_wait3A_310 = tpu.memref_squeeze %dma_wait3A_309 : memref<1x32xi32, #tpu.memory_space<vmem>> -> memref<32xi32, #tpu.memory_space<vmem>>
      %dma_wait3A_311 = arith.constant 0 : i32
      %dma_wait3A_312 = arith.constant 0 : i32
      %dma_wait3A_313 = tpu.memref_slice %arg2[%dma_wait3A_311, %dma_wait3A_312] : memref<100000x128xf32, #tpu.memory_space<hbm>> -> memref<100000x128xf32, #tpu.memory_space<hbm>>
      tpu.wait_indirect_dma semaphore(%arg33 : memref<!tpu.dma_semaphore, #tpu.memory_space<semaphore_mem>>) src(%dma_wait3A_313 : memref<100000x128xf32, #tpu.memory_space<hbm>>) dst(%arg26 : memref<32x128xf32, #tpu.memory_space<vmem>>)
      %dma_wait3A_314 = arith.constant 8 : i32
      %dma_wait3A_315 = arith.constant 0 : i32
      %dma_wait3A_316 = tpu.memref_slice %arg7[%dma_wait3A_314, %dma_wait3A_315] : memref<11x32xi32, #tpu.memory_space<vmem>> -> memref<1x32xi32, #tpu.memory_space<vmem>>
      %dma_wait3A_317 = tpu.memref_squeeze %dma_wait3A_316 : memref<1x32xi32, #tpu.memory_space<vmem>> -> memref<32xi32, #tpu.memory_space<vmem>>
      %dma_wait3A_318 = arith.constant 0 : i32
      %dma_wait3A_319 = arith.constant 0 : i32
      %dma_wait3A_320 = tpu.memref_slice %arg2[%dma_wait3A_318, %dma_wait3A_319] : memref<100000x128xf32, #tpu.memory_space<hbm>> -> memref<100000x128xf32, #tpu.memory_space<hbm>>
      tpu.wait_indirect_dma semaphore(%arg33 : memref<!tpu.dma_semaphore, #tpu.memory_space<semaphore_mem>>) src(%dma_wait3A_320 : memref<100000x128xf32, #tpu.memory_space<hbm>>) dst(%arg27 : memref<32x128xf32, #tpu.memory_space<vmem>>)
      %dma_wait3A_321 = arith.constant 9 : i32
      %dma_wait3A_322 = arith.constant 0 : i32
      %dma_wait3A_323 = tpu.memref_slice %arg7[%dma_wait3A_321, %dma_wait3A_322] : memref<11x32xi32, #tpu.memory_space<vmem>> -> memref<1x32xi32, #tpu.memory_space<vmem>>
      %dma_wait3A_324 = tpu.memref_squeeze %dma_wait3A_323 : memref<1x32xi32, #tpu.memory_space<vmem>> -> memref<32xi32, #tpu.memory_space<vmem>>
      %dma_wait3A_325 = arith.constant 0 : i32
      %dma_wait3A_326 = arith.constant 0 : i32
      %dma_wait3A_327 = tpu.memref_slice %arg2[%dma_wait3A_325, %dma_wait3A_326] : memref<100000x128xf32, #tpu.memory_space<hbm>> -> memref<100000x128xf32, #tpu.memory_space<hbm>>
      tpu.wait_indirect_dma semaphore(%arg33 : memref<!tpu.dma_semaphore, #tpu.memory_space<semaphore_mem>>) src(%dma_wait3A_327 : memref<100000x128xf32, #tpu.memory_space<hbm>>) dst(%arg28 : memref<32x128xf32, #tpu.memory_space<vmem>>)
      %dma_wait3A_328 = arith.constant 10 : i32
      %dma_wait3A_329 = arith.constant 0 : i32
      %dma_wait3A_330 = tpu.memref_slice %arg7[%dma_wait3A_328, %dma_wait3A_329] : memref<11x32xi32, #tpu.memory_space<vmem>> -> memref<1x32xi32, #tpu.memory_space<vmem>>
      %dma_wait3A_331 = tpu.memref_squeeze %dma_wait3A_330 : memref<1x32xi32, #tpu.memory_space<vmem>> -> memref<32xi32, #tpu.memory_space<vmem>>
      %dma_wait3A_332 = arith.constant 0 : i32
      %dma_wait3A_333 = arith.constant 0 : i32
      %dma_wait3A_334 = tpu.memref_slice %arg2[%dma_wait3A_332, %dma_wait3A_333] : memref<100000x128xf32, #tpu.memory_space<hbm>> -> memref<100000x128xf32, #tpu.memory_space<hbm>>
      tpu.wait_indirect_dma semaphore(%arg33 : memref<!tpu.dma_semaphore, #tpu.memory_space<semaphore_mem>>) src(%dma_wait3A_334 : memref<100000x128xf32, #tpu.memory_space<hbm>>) dst(%arg29 : memref<32x128xf32, #tpu.memory_space<vmem>>)
      %add3A_335 = arith.constant 2 : i32
      %add3A_336 = arith.addi %add3A_246, %add3A_335 : i32
      %lt3A_337 = arith.cmpi slt, %add3A_336, %select_n3A_2 : i32
      %convert_element_type3A_338 = arith.extui %lt3A_337 : i1 to i32
      %cond3A_339 = arith.constant 0 : i32
      %cond3A_340 = arith.cmpi ne, %convert_element_type3A_338, %cond3A_339 : i32
      scf.if %cond3A_340 {
        %add3A_358 = arith.constant 2 : i32
        %add3A_359 = arith.addi %add3A_246, %add3A_358 : i32
        %add3A_360 = arith.addi %select_n3A_7, %add3A_359 : i32
        %dma_start3A_361 = arith.constant 0 : i32
        %dma_start3A_362 = arith.constant 0 : i32
        %dma_start3A_363 = tpu.memref_slice %arg3[%add3A_360, %dma_start3A_361, %dma_start3A_362] : memref<1600x11x32xi32, #tpu.memory_space<hbm>> -> memref<1x11x32xi32, #tpu.memory_space<hbm>>
        %dma_start3A_364 = tpu.memref_squeeze %dma_start3A_363 : memref<1x11x32xi32, #tpu.memory_space<hbm>> -> memref<11x32xi32, #tpu.memory_space<hbm>>
        %dma_start3A_365 = arith.constant 0 : i32
        %dma_start3A_366 = arith.constant 0 : i32
        %dma_start3A_367 = tpu.memref_slice %arg3[%add3A_360, %dma_start3A_365, %dma_start3A_366] : memref<1600x11x32xi32, #tpu.memory_space<hbm>> -> memref<1x11x32xi32, #tpu.memory_space<hbm>>
        %dma_start3A_368 = tpu.memref_squeeze %dma_start3A_367 : memref<1x11x32xi32, #tpu.memory_space<hbm>> -> memref<11x32xi32, #tpu.memory_space<hbm>>
        tpu.enqueue_dma source(%dma_start3A_368 : memref<11x32xi32, #tpu.memory_space<hbm>>) target(%arg7 : memref<11x32xi32, #tpu.memory_space<vmem>>) target_semaphore(%arg31 : memref<!tpu.dma_semaphore, #tpu.memory_space<semaphore_mem>>)
      } else {
      }
      %scan3A_341 = arith.constant 0 : i32
      %scan3A_342 = arith.constant 0 : i32
      %scan3A_343 = arith.constant 32 : i32
      %scan3A_344 = arith.addi %scan3A_342, %scan3A_343 : i32
      %scan3A_345 = arith.constant 1 : i32
      scf.for %scan3A_358 = %scan3A_342 to %scan3A_344 step %scan3A_345  : i32 {
        %get3A = arith.index_cast %scan3A_358 : i32 to index
        %get3A_359 = arith.constant 0 : index
        %get3A_360 = tpu.vector_load %arg20[%get3A, %get3A_359] {strides = array<i32>} : memref<32x128xf32, #tpu.memory_space<vmem>>, vector<1x16xf32>,
        %get3A_361 = vector.shape_cast %get3A_360 : vector<1x16xf32> to vector<16xf32>
        %get3A_362 = arith.index_cast %scan3A_358 : i32 to index
        %get3A_363 = arith.constant 0 : index
        %get3A_364 = tpu.vector_load %arg21[%get3A_362, %get3A_363] {strides = array<i32>} : memref<32x128xf32, #tpu.memory_space<vmem>>, vector<1x16xf32>,
        %get3A_365 = vector.shape_cast %get3A_364 : vector<1x16xf32> to vector<16xf32>
        %add3A_366 = arith.addf %get3A_361, %get3A_365 : vector<16xf32>
        %get3A_367 = arith.index_cast %scan3A_358 : i32 to index
        %get3A_368 = arith.constant 0 : index
        %get3A_369 = tpu.vector_load %arg22[%get3A_367, %get3A_368] {strides = array<i32>} : memref<32x128xf32, #tpu.memory_space<vmem>>, vector<1x16xf32>,
        %get3A_370 = vector.shape_cast %get3A_369 : vector<1x16xf32> to vector<16xf32>
        %add3A_371 = arith.addf %add3A_366, %get3A_370 : vector<16xf32>
        %get3A_372 = arith.index_cast %scan3A_358 : i32 to index
        %get3A_373 = arith.constant 0 : index
        %get3A_374 = tpu.vector_load %arg23[%get3A_372, %get3A_373] {strides = array<i32>} : memref<32x128xf32, #tpu.memory_space<vmem>>, vector<1x16xf32>,
        %get3A_375 = vector.shape_cast %get3A_374 : vector<1x16xf32> to vector<16xf32>
        %add3A_376 = arith.addf %add3A_371, %get3A_375 : vector<16xf32>
        %get3A_377 = arith.index_cast %scan3A_358 : i32 to index
        %get3A_378 = arith.constant 0 : index
        %get3A_379 = tpu.vector_load %arg24[%get3A_377, %get3A_378] {strides = array<i32>} : memref<32x128xf32, #tpu.memory_space<vmem>>, vector<1x16xf32>,
        %get3A_380 = vector.shape_cast %get3A_379 : vector<1x16xf32> to vector<16xf32>
        %add3A_381 = arith.addf %add3A_376, %get3A_380 : vector<16xf32>
        %get3A_382 = arith.index_cast %scan3A_358 : i32 to index
        %get3A_383 = arith.constant 0 : index
        %get3A_384 = tpu.vector_load %arg25[%get3A_382, %get3A_383] {strides = array<i32>} : memref<32x128xf32, #tpu.memory_space<vmem>>, vector<1x16xf32>,
        %get3A_385 = vector.shape_cast %get3A_384 : vector<1x16xf32> to vector<16xf32>
        %add3A_386 = arith.addf %add3A_381, %get3A_385 : vector<16xf32>
        %get3A_387 = arith.index_cast %scan3A_358 : i32 to index
        %get3A_388 = arith.constant 0 : index
        %get3A_389 = tpu.vector_load %arg26[%get3A_387, %get3A_388] {strides = array<i32>} : memref<32x128xf32, #tpu.memory_space<vmem>>, vector<1x16xf32>,
        %get3A_390 = vector.shape_cast %get3A_389 : vector<1x16xf32> to vector<16xf32>
        %add3A_391 = arith.addf %add3A_386, %get3A_390 : vector<16xf32>
        %get3A_392 = arith.index_cast %scan3A_358 : i32 to index
        %get3A_393 = arith.constant 0 : index
        %get3A_394 = tpu.vector_load %arg27[%get3A_392, %get3A_393] {strides = array<i32>} : memref<32x128xf32, #tpu.memory_space<vmem>>, vector<1x16xf32>,
        %get3A_395 = vector.shape_cast %get3A_394 : vector<1x16xf32> to vector<16xf32>
        %add3A_396 = arith.addf %add3A_391, %get3A_395 : vector<16xf32>
        %get3A_397 = arith.index_cast %scan3A_358 : i32 to index
        %get3A_398 = arith.constant 0 : index
        %get3A_399 = tpu.vector_load %arg28[%get3A_397, %get3A_398] {strides = array<i32>} : memref<32x128xf32, #tpu.memory_space<vmem>>, vector<1x16xf32>,
        %get3A_400 = vector.shape_cast %get3A_399 : vector<1x16xf32> to vector<16xf32>
        %add3A_401 = arith.addf %add3A_396, %get3A_400 : vector<16xf32>
        %get3A_402 = arith.index_cast %scan3A_358 : i32 to index
        %get3A_403 = arith.constant 0 : index
        %get3A_404 = tpu.vector_load %arg29[%get3A_402, %get3A_403] {strides = array<i32>} : memref<32x128xf32, #tpu.memory_space<vmem>>, vector<1x16xf32>,
        %get3A_405 = vector.shape_cast %get3A_404 : vector<1x16xf32> to vector<16xf32>
        %add3A_406 = arith.addf %add3A_401, %get3A_405 : vector<16xf32>
        %swap3A = arith.index_cast %scan3A_358 : i32 to index
        %swap3A_407 = arith.constant 0 : index
        %swap3A_408 = tpu.vector_load %arg20[%swap3A, %swap3A_407] {strides = array<i32>} : memref<32x128xf32, #tpu.memory_space<vmem>>, vector<1x16xf32>,
        %swap3A_409 = vector.shape_cast %swap3A_408 : vector<1x16xf32> to vector<16xf32>
        %swap3A_410 = vector.shape_cast %add3A_406 : vector<16xf32> to vector<1x16xf32>
        tpu.vector_store %arg20[%swap3A, %swap3A_407], %swap3A_410 {strides = array<i32>} : memref<32x128xf32, #tpu.memory_space<vmem>>, vector<1x16xf32>,
        %get3A_411 = arith.index_cast %scan3A_358 : i32 to index
        %get3A_412 = arith.constant 16 : index
        %get3A_413 = tpu.vector_load %arg20[%get3A_411, %get3A_412] {strides = array<i32>} : memref<32x128xf32, #tpu.memory_space<vmem>>, vector<1x16xf32>,
        %get3A_414 = vector.shape_cast %get3A_413 : vector<1x16xf32> to vector<16xf32>
        %get3A_415 = arith.index_cast %scan3A_358 : i32 to index
        %get3A_416 = arith.constant 16 : index
        %get3A_417 = tpu.vector_load %arg21[%get3A_415, %get3A_416] {strides = array<i32>} : memref<32x128xf32, #tpu.memory_space<vmem>>, vector<1x16xf32>,
        %get3A_418 = vector.shape_cast %get3A_417 : vector<1x16xf32> to vector<16xf32>
        %add3A_419 = arith.addf %get3A_414, %get3A_418 : vector<16xf32>
        %get3A_420 = arith.index_cast %scan3A_358 : i32 to index
        %get3A_421 = arith.constant 16 : index
        %get3A_422 = tpu.vector_load %arg22[%get3A_420, %get3A_421] {strides = array<i32>} : memref<32x128xf32, #tpu.memory_space<vmem>>, vector<1x16xf32>,
        %get3A_423 = vector.shape_cast %get3A_422 : vector<1x16xf32> to vector<16xf32>
        %add3A_424 = arith.addf %add3A_419, %get3A_423 : vector<16xf32>
        %get3A_425 = arith.index_cast %scan3A_358 : i32 to index
        %get3A_426 = arith.constant 16 : index
        %get3A_427 = tpu.vector_load %arg23[%get3A_425, %get3A_426] {strides = array<i32>} : memref<32x128xf32, #tpu.memory_space<vmem>>, vector<1x16xf32>,
        %get3A_428 = vector.shape_cast %get3A_427 : vector<1x16xf32> to vector<16xf32>
        %add3A_429 = arith.addf %add3A_424, %get3A_428 : vector<16xf32>
        %get3A_430 = arith.index_cast %scan3A_358 : i32 to index
        %get3A_431 = arith.constant 16 : index
        %get3A_432 = tpu.vector_load %arg24[%get3A_430, %get3A_431] {strides = array<i32>} : memref<32x128xf32, #tpu.memory_space<vmem>>, vector<1x16xf32>,
        %get3A_433 = vector.shape_cast %get3A_432 : vector<1x16xf32> to vector<16xf32>
        %add3A_434 = arith.addf %add3A_429, %get3A_433 : vector<16xf32>
        %get3A_435 = arith.index_cast %scan3A_358 : i32 to index
        %get3A_436 = arith.constant 16 : index
        %get3A_437 = tpu.vector_load %arg25[%get3A_435, %get3A_436] {strides = array<i32>} : memref<32x128xf32, #tpu.memory_space<vmem>>, vector<1x16xf32>,
        %get3A_438 = vector.shape_cast %get3A_437 : vector<1x16xf32> to vector<16xf32>
        %add3A_439 = arith.addf %add3A_434, %get3A_438 : vector<16xf32>
        %get3A_440 = arith.index_cast %scan3A_358 : i32 to index
        %get3A_441 = arith.constant 16 : index
        %get3A_442 = tpu.vector_load %arg26[%get3A_440, %get3A_441] {strides = array<i32>} : memref<32x128xf32, #tpu.memory_space<vmem>>, vector<1x16xf32>,
        %get3A_443 = vector.shape_cast %get3A_442 : vector<1x16xf32> to vector<16xf32>
        %add3A_444 = arith.addf %add3A_439, %get3A_443 : vector<16xf32>
        %get3A_445 = arith.index_cast %scan3A_358 : i32 to index
        %get3A_446 = arith.constant 16 : index
        %get3A_447 = tpu.vector_load %arg27[%get3A_445, %get3A_446] {strides = array<i32>} : memref<32x128xf32, #tpu.memory_space<vmem>>, vector<1x16xf32>,
        %get3A_448 = vector.shape_cast %get3A_447 : vector<1x16xf32> to vector<16xf32>
        %add3A_449 = arith.addf %add3A_444, %get3A_448 : vector<16xf32>
        %get3A_450 = arith.index_cast %scan3A_358 : i32 to index
        %get3A_451 = arith.constant 16 : index
        %get3A_452 = tpu.vector_load %arg28[%get3A_450, %get3A_451] {strides = array<i32>} : memref<32x128xf32, #tpu.memory_space<vmem>>, vector<1x16xf32>,
        %get3A_453 = vector.shape_cast %get3A_452 : vector<1x16xf32> to vector<16xf32>
        %add3A_454 = arith.addf %add3A_449, %get3A_453 : vector<16xf32>
        %get3A_455 = arith.index_cast %scan3A_358 : i32 to index
        %get3A_456 = arith.constant 16 : index
        %get3A_457 = tpu.vector_load %arg29[%get3A_455, %get3A_456] {strides = array<i32>} : memref<32x128xf32, #tpu.memory_space<vmem>>, vector<1x16xf32>,
        %get3A_458 = vector.shape_cast %get3A_457 : vector<1x16xf32> to vector<16xf32>
        %add3A_459 = arith.addf %add3A_454, %get3A_458 : vector<16xf32>
        %swap3A_460 = arith.index_cast %scan3A_358 : i32 to index
        %swap3A_461 = arith.constant 16 : index
        %swap3A_462 = tpu.vector_load %arg20[%swap3A_460, %swap3A_461] {strides = array<i32>} : memref<32x128xf32, #tpu.memory_space<vmem>>, vector<1x16xf32>,
        %swap3A_463 = vector.shape_cast %swap3A_462 : vector<1x16xf32> to vector<16xf32>
        %swap3A_464 = vector.shape_cast %add3A_459 : vector<16xf32> to vector<1x16xf32>
        tpu.vector_store %arg20[%swap3A_460, %swap3A_461], %swap3A_464 {strides = array<i32>} : memref<32x128xf32, #tpu.memory_space<vmem>>, vector<1x16xf32>,
        %get3A_465 = arith.index_cast %scan3A_358 : i32 to index
        %get3A_466 = arith.constant 32 : index
        %get3A_467 = tpu.vector_load %arg20[%get3A_465, %get3A_466] {strides = array<i32>} : memref<32x128xf32, #tpu.memory_space<vmem>>, vector<1x16xf32>,
        %get3A_468 = vector.shape_cast %get3A_467 : vector<1x16xf32> to vector<16xf32>
        %get3A_469 = arith.index_cast %scan3A_358 : i32 to index
        %get3A_470 = arith.constant 32 : index
        %get3A_471 = tpu.vector_load %arg21[%get3A_469, %get3A_470] {strides = array<i32>} : memref<32x128xf32, #tpu.memory_space<vmem>>, vector<1x16xf32>,
        %get3A_472 = vector.shape_cast %get3A_471 : vector<1x16xf32> to vector<16xf32>
        %add3A_473 = arith.addf %get3A_468, %get3A_472 : vector<16xf32>
        %get3A_474 = arith.index_cast %scan3A_358 : i32 to index
        %get3A_475 = arith.constant 32 : index
        %get3A_476 = tpu.vector_load %arg22[%get3A_474, %get3A_475] {strides = array<i32>} : memref<32x128xf32, #tpu.memory_space<vmem>>, vector<1x16xf32>,
        %get3A_477 = vector.shape_cast %get3A_476 : vector<1x16xf32> to vector<16xf32>
        %add3A_478 = arith.addf %add3A_473, %get3A_477 : vector<16xf32>
        %get3A_479 = arith.index_cast %scan3A_358 : i32 to index
        %get3A_480 = arith.constant 32 : index
        %get3A_481 = tpu.vector_load %arg23[%get3A_479, %get3A_480] {strides = array<i32>} : memref<32x128xf32, #tpu.memory_space<vmem>>, vector<1x16xf32>,
        %get3A_482 = vector.shape_cast %get3A_481 : vector<1x16xf32> to vector<16xf32>
        %add3A_483 = arith.addf %add3A_478, %get3A_482 : vector<16xf32>
        %get3A_484 = arith.index_cast %scan3A_358 : i32 to index
        %get3A_485 = arith.constant 32 : index
        %get3A_486 = tpu.vector_load %arg24[%get3A_484, %get3A_485] {strides = array<i32>} : memref<32x128xf32, #tpu.memory_space<vmem>>, vector<1x16xf32>,
        %get3A_487 = vector.shape_cast %get3A_486 : vector<1x16xf32> to vector<16xf32>
        %add3A_488 = arith.addf %add3A_483, %get3A_487 : vector<16xf32>
        %get3A_489 = arith.index_cast %scan3A_358 : i32 to index
        %get3A_490 = arith.constant 32 : index
        %get3A_491 = tpu.vector_load %arg25[%get3A_489, %get3A_490] {strides = array<i32>} : memref<32x128xf32, #tpu.memory_space<vmem>>, vector<1x16xf32>,
        %get3A_492 = vector.shape_cast %get3A_491 : vector<1x16xf32> to vector<16xf32>
        %add3A_493 = arith.addf %add3A_488, %get3A_492 : vector<16xf32>
        %get3A_494 = arith.index_cast %scan3A_358 : i32 to index
        %get3A_495 = arith.constant 32 : index
        %get3A_496 = tpu.vector_load %arg26[%get3A_494, %get3A_495] {strides = array<i32>} : memref<32x128xf32, #tpu.memory_space<vmem>>, vector<1x16xf32>,
        %get3A_497 = vector.shape_cast %get3A_496 : vector<1x16xf32> to vector<16xf32>
        %add3A_498 = arith.addf %add3A_493, %get3A_497 : vector<16xf32>
        %get3A_499 = arith.index_cast %scan3A_358 : i32 to index
        %get3A_500 = arith.constant 32 : index
        %get3A_501 = tpu.vector_load %arg27[%get3A_499, %get3A_500] {strides = array<i32>} : memref<32x128xf32, #tpu.memory_space<vmem>>, vector<1x16xf32>,
        %get3A_502 = vector.shape_cast %get3A_501 : vector<1x16xf32> to vector<16xf32>
        %add3A_503 = arith.addf %add3A_498, %get3A_502 : vector<16xf32>
        %get3A_504 = arith.index_cast %scan3A_358 : i32 to index
        %get3A_505 = arith.constant 32 : index
        %get3A_506 = tpu.vector_load %arg28[%get3A_504, %get3A_505] {strides = array<i32>} : memref<32x128xf32, #tpu.memory_space<vmem>>, vector<1x16xf32>,
        %get3A_507 = vector.shape_cast %get3A_506 : vector<1x16xf32> to vector<16xf32>
        %add3A_508 = arith.addf %add3A_503, %get3A_507 : vector<16xf32>
        %get3A_509 = arith.index_cast %scan3A_358 : i32 to index
        %get3A_510 = arith.constant 32 : index
        %get3A_511 = tpu.vector_load %arg29[%get3A_509, %get3A_510] {strides = array<i32>} : memref<32x128xf32, #tpu.memory_space<vmem>>, vector<1x16xf32>,
        %get3A_512 = vector.shape_cast %get3A_511 : vector<1x16xf32> to vector<16xf32>
        %add3A_513 = arith.addf %add3A_508, %get3A_512 : vector<16xf32>
        %swap3A_514 = arith.index_cast %scan3A_358 : i32 to index
        %swap3A_515 = arith.constant 32 : index
        %swap3A_516 = tpu.vector_load %arg20[%swap3A_514, %swap3A_515] {strides = array<i32>} : memref<32x128xf32, #tpu.memory_space<vmem>>, vector<1x16xf32>,
        %swap3A_517 = vector.shape_cast %swap3A_516 : vector<1x16xf32> to vector<16xf32>
        %swap3A_518 = vector.shape_cast %add3A_513 : vector<16xf32> to vector<1x16xf32>
        tpu.vector_store %arg20[%swap3A_514, %swap3A_515], %swap3A_518 {strides = array<i32>} : memref<32x128xf32, #tpu.memory_space<vmem>>, vector<1x16xf32>,
        %get3A_519 = arith.index_cast %scan3A_358 : i32 to index
        %get3A_520 = arith.constant 48 : index
        %get3A_521 = tpu.vector_load %arg20[%get3A_519, %get3A_520] {strides = array<i32>} : memref<32x128xf32, #tpu.memory_space<vmem>>, vector<1x16xf32>,
        %get3A_522 = vector.shape_cast %get3A_521 : vector<1x16xf32> to vector<16xf32>
        %get3A_523 = arith.index_cast %scan3A_358 : i32 to index
        %get3A_524 = arith.constant 48 : index
        %get3A_525 = tpu.vector_load %arg21[%get3A_523, %get3A_524] {strides = array<i32>} : memref<32x128xf32, #tpu.memory_space<vmem>>, vector<1x16xf32>,
        %get3A_526 = vector.shape_cast %get3A_525 : vector<1x16xf32> to vector<16xf32>
        %add3A_527 = arith.addf %get3A_522, %get3A_526 : vector<16xf32>
        %get3A_528 = arith.index_cast %scan3A_358 : i32 to index
        %get3A_529 = arith.constant 48 : index
        %get3A_530 = tpu.vector_load %arg22[%get3A_528, %get3A_529] {strides = array<i32>} : memref<32x128xf32, #tpu.memory_space<vmem>>, vector<1x16xf32>,
        %get3A_531 = vector.shape_cast %get3A_530 : vector<1x16xf32> to vector<16xf32>
        %add3A_532 = arith.addf %add3A_527, %get3A_531 : vector<16xf32>
        %get3A_533 = arith.index_cast %scan3A_358 : i32 to index
        %get3A_534 = arith.constant 48 : index
        %get3A_535 = tpu.vector_load %arg23[%get3A_533, %get3A_534] {strides = array<i32>} : memref<32x128xf32, #tpu.memory_space<vmem>>, vector<1x16xf32>,
        %get3A_536 = vector.shape_cast %get3A_535 : vector<1x16xf32> to vector<16xf32>
        %add3A_537 = arith.addf %add3A_532, %get3A_536 : vector<16xf32>
        %get3A_538 = arith.index_cast %scan3A_358 : i32 to index
        %get3A_539 = arith.constant 48 : index
        %get3A_540 = tpu.vector_load %arg24[%get3A_538, %get3A_539] {strides = array<i32>} : memref<32x128xf32, #tpu.memory_space<vmem>>, vector<1x16xf32>,
        %get3A_541 = vector.shape_cast %get3A_540 : vector<1x16xf32> to vector<16xf32>
        %add3A_542 = arith.addf %add3A_537, %get3A_541 : vector<16xf32>
        %get3A_543 = arith.index_cast %scan3A_358 : i32 to index
        %get3A_544 = arith.constant 48 : index
        %get3A_545 = tpu.vector_load %arg25[%get3A_543, %get3A_544] {strides = array<i32>} : memref<32x128xf32, #tpu.memory_space<vmem>>, vector<1x16xf32>,
        %get3A_546 = vector.shape_cast %get3A_545 : vector<1x16xf32> to vector<16xf32>
        %add3A_547 = arith.addf %add3A_542, %get3A_546 : vector<16xf32>
        %get3A_548 = arith.index_cast %scan3A_358 : i32 to index
        %get3A_549 = arith.constant 48 : index
        %get3A_550 = tpu.vector_load %arg26[%get3A_548, %get3A_549] {strides = array<i32>} : memref<32x128xf32, #tpu.memory_space<vmem>>, vector<1x16xf32>,
        %get3A_551 = vector.shape_cast %get3A_550 : vector<1x16xf32> to vector<16xf32>
        %add3A_552 = arith.addf %add3A_547, %get3A_551 : vector<16xf32>
        %get3A_553 = arith.index_cast %scan3A_358 : i32 to index
        %get3A_554 = arith.constant 48 : index
        %get3A_555 = tpu.vector_load %arg27[%get3A_553, %get3A_554] {strides = array<i32>} : memref<32x128xf32, #tpu.memory_space<vmem>>, vector<1x16xf32>,
        %get3A_556 = vector.shape_cast %get3A_555 : vector<1x16xf32> to vector<16xf32>
        %add3A_557 = arith.addf %add3A_552, %get3A_556 : vector<16xf32>
        %get3A_558 = arith.index_cast %scan3A_358 : i32 to index
        %get3A_559 = arith.constant 48 : index
        %get3A_560 = tpu.vector_load %arg28[%get3A_558, %get3A_559] {strides = array<i32>} : memref<32x128xf32, #tpu.memory_space<vmem>>, vector<1x16xf32>,
        %get3A_561 = vector.shape_cast %get3A_560 : vector<1x16xf32> to vector<16xf32>
        %add3A_562 = arith.addf %add3A_557, %get3A_561 : vector<16xf32>
        %get3A_563 = arith.index_cast %scan3A_358 : i32 to index
        %get3A_564 = arith.constant 48 : index
        %get3A_565 = tpu.vector_load %arg29[%get3A_563, %get3A_564] {strides = array<i32>} : memref<32x128xf32, #tpu.memory_space<vmem>>, vector<1x16xf32>,
        %get3A_566 = vector.shape_cast %get3A_565 : vector<1x16xf32> to vector<16xf32>
        %add3A_567 = arith.addf %add3A_562, %get3A_566 : vector<16xf32>
        %swap3A_568 = arith.index_cast %scan3A_358 : i32 to index
        %swap3A_569 = arith.constant 48 : index
        %swap3A_570 = tpu.vector_load %arg20[%swap3A_568, %swap3A_569] {strides = array<i32>} : memref<32x128xf32, #tpu.memory_space<vmem>>, vector<1x16xf32>,
        %swap3A_571 = vector.shape_cast %swap3A_570 : vector<1x16xf32> to vector<16xf32>
        %swap3A_572 = vector.shape_cast %add3A_567 : vector<16xf32> to vector<1x16xf32>
        tpu.vector_store %arg20[%swap3A_568, %swap3A_569], %swap3A_572 {strides = array<i32>} : memref<32x128xf32, #tpu.memory_space<vmem>>, vector<1x16xf32>,
        %get3A_573 = arith.index_cast %scan3A_358 : i32 to index
        %get3A_574 = arith.constant 64 : index
        %get3A_575 = tpu.vector_load %arg20[%get3A_573, %get3A_574] {strides = array<i32>} : memref<32x128xf32, #tpu.memory_space<vmem>>, vector<1x16xf32>,
        %get3A_576 = vector.shape_cast %get3A_575 : vector<1x16xf32> to vector<16xf32>
        %get3A_577 = arith.index_cast %scan3A_358 : i32 to index
        %get3A_578 = arith.constant 64 : index
        %get3A_579 = tpu.vector_load %arg21[%get3A_577, %get3A_578] {strides = array<i32>} : memref<32x128xf32, #tpu.memory_space<vmem>>, vector<1x16xf32>,
        %get3A_580 = vector.shape_cast %get3A_579 : vector<1x16xf32> to vector<16xf32>
        %add3A_581 = arith.addf %get3A_576, %get3A_580 : vector<16xf32>
        %get3A_582 = arith.index_cast %scan3A_358 : i32 to index
        %get3A_583 = arith.constant 64 : index
        %get3A_584 = tpu.vector_load %arg22[%get3A_582, %get3A_583] {strides = array<i32>} : memref<32x128xf32, #tpu.memory_space<vmem>>, vector<1x16xf32>,
        %get3A_585 = vector.shape_cast %get3A_584 : vector<1x16xf32> to vector<16xf32>
        %add3A_586 = arith.addf %add3A_581, %get3A_585 : vector<16xf32>
        %get3A_587 = arith.index_cast %scan3A_358 : i32 to index
        %get3A_588 = arith.constant 64 : index
        %get3A_589 = tpu.vector_load %arg23[%get3A_587, %get3A_588] {strides = array<i32>} : memref<32x128xf32, #tpu.memory_space<vmem>>, vector<1x16xf32>,
        %get3A_590 = vector.shape_cast %get3A_589 : vector<1x16xf32> to vector<16xf32>
        %add3A_591 = arith.addf %add3A_586, %get3A_590 : vector<16xf32>
        %get3A_592 = arith.index_cast %scan3A_358 : i32 to index
        %get3A_593 = arith.constant 64 : index
        %get3A_594 = tpu.vector_load %arg24[%get3A_592, %get3A_593] {strides = array<i32>} : memref<32x128xf32, #tpu.memory_space<vmem>>, vector<1x16xf32>,
        %get3A_595 = vector.shape_cast %get3A_594 : vector<1x16xf32> to vector<16xf32>
        %add3A_596 = arith.addf %add3A_591, %get3A_595 : vector<16xf32>
        %get3A_597 = arith.index_cast %scan3A_358 : i32 to index
        %get3A_598 = arith.constant 64 : index
        %get3A_599 = tpu.vector_load %arg25[%get3A_597, %get3A_598] {strides = array<i32>} : memref<32x128xf32, #tpu.memory_space<vmem>>, vector<1x16xf32>,
        %get3A_600 = vector.shape_cast %get3A_599 : vector<1x16xf32> to vector<16xf32>
        %add3A_601 = arith.addf %add3A_596, %get3A_600 : vector<16xf32>
        %get3A_602 = arith.index_cast %scan3A_358 : i32 to index
        %get3A_603 = arith.constant 64 : index
        %get3A_604 = tpu.vector_load %arg26[%get3A_602, %get3A_603] {strides = array<i32>} : memref<32x128xf32, #tpu.memory_space<vmem>>, vector<1x16xf32>,
        %get3A_605 = vector.shape_cast %get3A_604 : vector<1x16xf32> to vector<16xf32>
        %add3A_606 = arith.addf %add3A_601, %get3A_605 : vector<16xf32>
        %get3A_607 = arith.index_cast %scan3A_358 : i32 to index
        %get3A_608 = arith.constant 64 : index
        %get3A_609 = tpu.vector_load %arg27[%get3A_607, %get3A_608] {strides = array<i32>} : memref<32x128xf32, #tpu.memory_space<vmem>>, vector<1x16xf32>,
        %get3A_610 = vector.shape_cast %get3A_609 : vector<1x16xf32> to vector<16xf32>
        %add3A_611 = arith.addf %add3A_606, %get3A_610 : vector<16xf32>
        %get3A_612 = arith.index_cast %scan3A_358 : i32 to index
        %get3A_613 = arith.constant 64 : index
        %get3A_614 = tpu.vector_load %arg28[%get3A_612, %get3A_613] {strides = array<i32>} : memref<32x128xf32, #tpu.memory_space<vmem>>, vector<1x16xf32>,
        %get3A_615 = vector.shape_cast %get3A_614 : vector<1x16xf32> to vector<16xf32>
        %add3A_616 = arith.addf %add3A_611, %get3A_615 : vector<16xf32>
        %get3A_617 = arith.index_cast %scan3A_358 : i32 to index
        %get3A_618 = arith.constant 64 : index
        %get3A_619 = tpu.vector_load %arg29[%get3A_617, %get3A_618] {strides = array<i32>} : memref<32x128xf32, #tpu.memory_space<vmem>>, vector<1x16xf32>,
        %get3A_620 = vector.shape_cast %get3A_619 : vector<1x16xf32> to vector<16xf32>
        %add3A_621 = arith.addf %add3A_616, %get3A_620 : vector<16xf32>
        %swap3A_622 = arith.index_cast %scan3A_358 : i32 to index
        %swap3A_623 = arith.constant 64 : index
        %swap3A_624 = tpu.vector_load %arg20[%swap3A_622, %swap3A_623] {strides = array<i32>} : memref<32x128xf32, #tpu.memory_space<vmem>>, vector<1x16xf32>,
        %swap3A_625 = vector.shape_cast %swap3A_624 : vector<1x16xf32> to vector<16xf32>
        %swap3A_626 = vector.shape_cast %add3A_621 : vector<16xf32> to vector<1x16xf32>
        tpu.vector_store %arg20[%swap3A_622, %swap3A_623], %swap3A_626 {strides = array<i32>} : memref<32x128xf32, #tpu.memory_space<vmem>>, vector<1x16xf32>,
        %get3A_627 = arith.index_cast %scan3A_358 : i32 to index
        %get3A_628 = arith.constant 80 : index
        %get3A_629 = tpu.vector_load %arg20[%get3A_627, %get3A_628] {strides = array<i32>} : memref<32x128xf32, #tpu.memory_space<vmem>>, vector<1x16xf32>,
        %get3A_630 = vector.shape_cast %get3A_629 : vector<1x16xf32> to vector<16xf32>
        %get3A_631 = arith.index_cast %scan3A_358 : i32 to index
        %get3A_632 = arith.constant 80 : index
        %get3A_633 = tpu.vector_load %arg21[%get3A_631, %get3A_632] {strides = array<i32>} : memref<32x128xf32, #tpu.memory_space<vmem>>, vector<1x16xf32>,
        %get3A_634 = vector.shape_cast %get3A_633 : vector<1x16xf32> to vector<16xf32>
        %add3A_635 = arith.addf %get3A_630, %get3A_634 : vector<16xf32>
        %get3A_636 = arith.index_cast %scan3A_358 : i32 to index
        %get3A_637 = arith.constant 80 : index
        %get3A_638 = tpu.vector_load %arg22[%get3A_636, %get3A_637] {strides = array<i32>} : memref<32x128xf32, #tpu.memory_space<vmem>>, vector<1x16xf32>,
        %get3A_639 = vector.shape_cast %get3A_638 : vector<1x16xf32> to vector<16xf32>
        %add3A_640 = arith.addf %add3A_635, %get3A_639 : vector<16xf32>
        %get3A_641 = arith.index_cast %scan3A_358 : i32 to index
        %get3A_642 = arith.constant 80 : index
        %get3A_643 = tpu.vector_load %arg23[%get3A_641, %get3A_642] {strides = array<i32>} : memref<32x128xf32, #tpu.memory_space<vmem>>, vector<1x16xf32>,
        %get3A_644 = vector.shape_cast %get3A_643 : vector<1x16xf32> to vector<16xf32>
        %add3A_645 = arith.addf %add3A_640, %get3A_644 : vector<16xf32>
        %get3A_646 = arith.index_cast %scan3A_358 : i32 to index
        %get3A_647 = arith.constant 80 : index
        %get3A_648 = tpu.vector_load %arg24[%get3A_646, %get3A_647] {strides = array<i32>} : memref<32x128xf32, #tpu.memory_space<vmem>>, vector<1x16xf32>,
        %get3A_649 = vector.shape_cast %get3A_648 : vector<1x16xf32> to vector<16xf32>
        %add3A_650 = arith.addf %add3A_645, %get3A_649 : vector<16xf32>
        %get3A_651 = arith.index_cast %scan3A_358 : i32 to index
        %get3A_652 = arith.constant 80 : index
        %get3A_653 = tpu.vector_load %arg25[%get3A_651, %get3A_652] {strides = array<i32>} : memref<32x128xf32, #tpu.memory_space<vmem>>, vector<1x16xf32>,
        %get3A_654 = vector.shape_cast %get3A_653 : vector<1x16xf32> to vector<16xf32>
        %add3A_655 = arith.addf %add3A_650, %get3A_654 : vector<16xf32>
        %get3A_656 = arith.index_cast %scan3A_358 : i32 to index
        %get3A_657 = arith.constant 80 : index
        %get3A_658 = tpu.vector_load %arg26[%get3A_656, %get3A_657] {strides = array<i32>} : memref<32x128xf32, #tpu.memory_space<vmem>>, vector<1x16xf32>,
        %get3A_659 = vector.shape_cast %get3A_658 : vector<1x16xf32> to vector<16xf32>
        %add3A_660 = arith.addf %add3A_655, %get3A_659 : vector<16xf32>
        %get3A_661 = arith.index_cast %scan3A_358 : i32 to index
        %get3A_662 = arith.constant 80 : index
        %get3A_663 = tpu.vector_load %arg27[%get3A_661, %get3A_662] {strides = array<i32>} : memref<32x128xf32, #tpu.memory_space<vmem>>, vector<1x16xf32>,
        %get3A_664 = vector.shape_cast %get3A_663 : vector<1x16xf32> to vector<16xf32>
        %add3A_665 = arith.addf %add3A_660, %get3A_664 : vector<16xf32>
        %get3A_666 = arith.index_cast %scan3A_358 : i32 to index
        %get3A_667 = arith.constant 80 : index
        %get3A_668 = tpu.vector_load %arg28[%get3A_666, %get3A_667] {strides = array<i32>} : memref<32x128xf32, #tpu.memory_space<vmem>>, vector<1x16xf32>,
        %get3A_669 = vector.shape_cast %get3A_668 : vector<1x16xf32> to vector<16xf32>
        %add3A_670 = arith.addf %add3A_665, %get3A_669 : vector<16xf32>
        %get3A_671 = arith.index_cast %scan3A_358 : i32 to index
        %get3A_672 = arith.constant 80 : index
        %get3A_673 = tpu.vector_load %arg29[%get3A_671, %get3A_672] {strides = array<i32>} : memref<32x128xf32, #tpu.memory_space<vmem>>, vector<1x16xf32>,
        %get3A_674 = vector.shape_cast %get3A_673 : vector<1x16xf32> to vector<16xf32>
        %add3A_675 = arith.addf %add3A_670, %get3A_674 : vector<16xf32>
        %swap3A_676 = arith.index_cast %scan3A_358 : i32 to index
        %swap3A_677 = arith.constant 80 : index
        %swap3A_678 = tpu.vector_load %arg20[%swap3A_676, %swap3A_677] {strides = array<i32>} : memref<32x128xf32, #tpu.memory_space<vmem>>, vector<1x16xf32>,
        %swap3A_679 = vector.shape_cast %swap3A_678 : vector<1x16xf32> to vector<16xf32>
        %swap3A_680 = vector.shape_cast %add3A_675 : vector<16xf32> to vector<1x16xf32>
        tpu.vector_store %arg20[%swap3A_676, %swap3A_677], %swap3A_680 {strides = array<i32>} : memref<32x128xf32, #tpu.memory_space<vmem>>, vector<1x16xf32>,
        %get3A_681 = arith.index_cast %scan3A_358 : i32 to index
        %get3A_682 = arith.constant 96 : index
        %get3A_683 = tpu.vector_load %arg20[%get3A_681, %get3A_682] {strides = array<i32>} : memref<32x128xf32, #tpu.memory_space<vmem>>, vector<1x16xf32>,
        %get3A_684 = vector.shape_cast %get3A_683 : vector<1x16xf32> to vector<16xf32>
        %get3A_685 = arith.index_cast %scan3A_358 : i32 to index
        %get3A_686 = arith.constant 96 : index
        %get3A_687 = tpu.vector_load %arg21[%get3A_685, %get3A_686] {strides = array<i32>} : memref<32x128xf32, #tpu.memory_space<vmem>>, vector<1x16xf32>,
        %get3A_688 = vector.shape_cast %get3A_687 : vector<1x16xf32> to vector<16xf32>
        %add3A_689 = arith.addf %get3A_684, %get3A_688 : vector<16xf32>
        %get3A_690 = arith.index_cast %scan3A_358 : i32 to index
        %get3A_691 = arith.constant 96 : index
        %get3A_692 = tpu.vector_load %arg22[%get3A_690, %get3A_691] {strides = array<i32>} : memref<32x128xf32, #tpu.memory_space<vmem>>, vector<1x16xf32>,
        %get3A_693 = vector.shape_cast %get3A_692 : vector<1x16xf32> to vector<16xf32>
        %add3A_694 = arith.addf %add3A_689, %get3A_693 : vector<16xf32>
        %get3A_695 = arith.index_cast %scan3A_358 : i32 to index
        %get3A_696 = arith.constant 96 : index
        %get3A_697 = tpu.vector_load %arg23[%get3A_695, %get3A_696] {strides = array<i32>} : memref<32x128xf32, #tpu.memory_space<vmem>>, vector<1x16xf32>,
        %get3A_698 = vector.shape_cast %get3A_697 : vector<1x16xf32> to vector<16xf32>
        %add3A_699 = arith.addf %add3A_694, %get3A_698 : vector<16xf32>
        %get3A_700 = arith.index_cast %scan3A_358 : i32 to index
        %get3A_701 = arith.constant 96 : index
        %get3A_702 = tpu.vector_load %arg24[%get3A_700, %get3A_701] {strides = array<i32>} : memref<32x128xf32, #tpu.memory_space<vmem>>, vector<1x16xf32>,
        %get3A_703 = vector.shape_cast %get3A_702 : vector<1x16xf32> to vector<16xf32>
        %add3A_704 = arith.addf %add3A_699, %get3A_703 : vector<16xf32>
        %get3A_705 = arith.index_cast %scan3A_358 : i32 to index
        %get3A_706 = arith.constant 96 : index
        %get3A_707 = tpu.vector_load %arg25[%get3A_705, %get3A_706] {strides = array<i32>} : memref<32x128xf32, #tpu.memory_space<vmem>>, vector<1x16xf32>,
        %get3A_708 = vector.shape_cast %get3A_707 : vector<1x16xf32> to vector<16xf32>
        %add3A_709 = arith.addf %add3A_704, %get3A_708 : vector<16xf32>
        %get3A_710 = arith.index_cast %scan3A_358 : i32 to index
        %get3A_711 = arith.constant 96 : index
        %get3A_712 = tpu.vector_load %arg26[%get3A_710, %get3A_711] {strides = array<i32>} : memref<32x128xf32, #tpu.memory_space<vmem>>, vector<1x16xf32>,
        %get3A_713 = vector.shape_cast %get3A_712 : vector<1x16xf32> to vector<16xf32>
        %add3A_714 = arith.addf %add3A_709, %get3A_713 : vector<16xf32>
        %get3A_715 = arith.index_cast %scan3A_358 : i32 to index
        %get3A_716 = arith.constant 96 : index
        %get3A_717 = tpu.vector_load %arg27[%get3A_715, %get3A_716] {strides = array<i32>} : memref<32x128xf32, #tpu.memory_space<vmem>>, vector<1x16xf32>,
        %get3A_718 = vector.shape_cast %get3A_717 : vector<1x16xf32> to vector<16xf32>
        %add3A_719 = arith.addf %add3A_714, %get3A_718 : vector<16xf32>
        %get3A_720 = arith.index_cast %scan3A_358 : i32 to index
        %get3A_721 = arith.constant 96 : index
        %get3A_722 = tpu.vector_load %arg28[%get3A_720, %get3A_721] {strides = array<i32>} : memref<32x128xf32, #tpu.memory_space<vmem>>, vector<1x16xf32>,
        %get3A_723 = vector.shape_cast %get3A_722 : vector<1x16xf32> to vector<16xf32>
        %add3A_724 = arith.addf %add3A_719, %get3A_723 : vector<16xf32>
        %get3A_725 = arith.index_cast %scan3A_358 : i32 to index
        %get3A_726 = arith.constant 96 : index
        %get3A_727 = tpu.vector_load %arg29[%get3A_725, %get3A_726] {strides = array<i32>} : memref<32x128xf32, #tpu.memory_space<vmem>>, vector<1x16xf32>,
        %get3A_728 = vector.shape_cast %get3A_727 : vector<1x16xf32> to vector<16xf32>
        %add3A_729 = arith.addf %add3A_724, %get3A_728 : vector<16xf32>
        %swap3A_730 = arith.index_cast %scan3A_358 : i32 to index
        %swap3A_731 = arith.constant 96 : index
        %swap3A_732 = tpu.vector_load %arg20[%swap3A_730, %swap3A_731] {strides = array<i32>} : memref<32x128xf32, #tpu.memory_space<vmem>>, vector<1x16xf32>,
        %swap3A_733 = vector.shape_cast %swap3A_732 : vector<1x16xf32> to vector<16xf32>
        %swap3A_734 = vector.shape_cast %add3A_729 : vector<16xf32> to vector<1x16xf32>
        tpu.vector_store %arg20[%swap3A_730, %swap3A_731], %swap3A_734 {strides = array<i32>} : memref<32x128xf32, #tpu.memory_space<vmem>>, vector<1x16xf32>,
        %get3A_735 = arith.index_cast %scan3A_358 : i32 to index
        %get3A_736 = arith.constant 112 : index
        %get3A_737 = tpu.vector_load %arg20[%get3A_735, %get3A_736] {strides = array<i32>} : memref<32x128xf32, #tpu.memory_space<vmem>>, vector<1x16xf32>,
        %get3A_738 = vector.shape_cast %get3A_737 : vector<1x16xf32> to vector<16xf32>
        %get3A_739 = arith.index_cast %scan3A_358 : i32 to index
        %get3A_740 = arith.constant 112 : index
        %get3A_741 = tpu.vector_load %arg21[%get3A_739, %get3A_740] {strides = array<i32>} : memref<32x128xf32, #tpu.memory_space<vmem>>, vector<1x16xf32>,
        %get3A_742 = vector.shape_cast %get3A_741 : vector<1x16xf32> to vector<16xf32>
        %add3A_743 = arith.addf %get3A_738, %get3A_742 : vector<16xf32>
        %get3A_744 = arith.index_cast %scan3A_358 : i32 to index
        %get3A_745 = arith.constant 112 : index
        %get3A_746 = tpu.vector_load %arg22[%get3A_744, %get3A_745] {strides = array<i32>} : memref<32x128xf32, #tpu.memory_space<vmem>>, vector<1x16xf32>,
        %get3A_747 = vector.shape_cast %get3A_746 : vector<1x16xf32> to vector<16xf32>
        %add3A_748 = arith.addf %add3A_743, %get3A_747 : vector<16xf32>
        %get3A_749 = arith.index_cast %scan3A_358 : i32 to index
        %get3A_750 = arith.constant 112 : index
        %get3A_751 = tpu.vector_load %arg23[%get3A_749, %get3A_750] {strides = array<i32>} : memref<32x128xf32, #tpu.memory_space<vmem>>, vector<1x16xf32>,
        %get3A_752 = vector.shape_cast %get3A_751 : vector<1x16xf32> to vector<16xf32>
        %add3A_753 = arith.addf %add3A_748, %get3A_752 : vector<16xf32>
        %get3A_754 = arith.index_cast %scan3A_358 : i32 to index
        %get3A_755 = arith.constant 112 : index
        %get3A_756 = tpu.vector_load %arg24[%get3A_754, %get3A_755] {strides = array<i32>} : memref<32x128xf32, #tpu.memory_space<vmem>>, vector<1x16xf32>,
        %get3A_757 = vector.shape_cast %get3A_756 : vector<1x16xf32> to vector<16xf32>
        %add3A_758 = arith.addf %add3A_753, %get3A_757 : vector<16xf32>
        %get3A_759 = arith.index_cast %scan3A_358 : i32 to index
        %get3A_760 = arith.constant 112 : index
        %get3A_761 = tpu.vector_load %arg25[%get3A_759, %get3A_760] {strides = array<i32>} : memref<32x128xf32, #tpu.memory_space<vmem>>, vector<1x16xf32>,
        %get3A_762 = vector.shape_cast %get3A_761 : vector<1x16xf32> to vector<16xf32>
        %add3A_763 = arith.addf %add3A_758, %get3A_762 : vector<16xf32>
        %get3A_764 = arith.index_cast %scan3A_358 : i32 to index
        %get3A_765 = arith.constant 112 : index
        %get3A_766 = tpu.vector_load %arg26[%get3A_764, %get3A_765] {strides = array<i32>} : memref<32x128xf32, #tpu.memory_space<vmem>>, vector<1x16xf32>,
        %get3A_767 = vector.shape_cast %get3A_766 : vector<1x16xf32> to vector<16xf32>
        %add3A_768 = arith.addf %add3A_763, %get3A_767 : vector<16xf32>
        %get3A_769 = arith.index_cast %scan3A_358 : i32 to index
        %get3A_770 = arith.constant 112 : index
        %get3A_771 = tpu.vector_load %arg27[%get3A_769, %get3A_770] {strides = array<i32>} : memref<32x128xf32, #tpu.memory_space<vmem>>, vector<1x16xf32>,
        %get3A_772 = vector.shape_cast %get3A_771 : vector<1x16xf32> to vector<16xf32>
        %add3A_773 = arith.addf %add3A_768, %get3A_772 : vector<16xf32>
        %get3A_774 = arith.index_cast %scan3A_358 : i32 to index
        %get3A_775 = arith.constant 112 : index
        %get3A_776 = tpu.vector_load %arg28[%get3A_774, %get3A_775] {strides = array<i32>} : memref<32x128xf32, #tpu.memory_space<vmem>>, vector<1x16xf32>,
        %get3A_777 = vector.shape_cast %get3A_776 : vector<1x16xf32> to vector<16xf32>
        %add3A_778 = arith.addf %add3A_773, %get3A_777 : vector<16xf32>
        %get3A_779 = arith.index_cast %scan3A_358 : i32 to index
        %get3A_780 = arith.constant 112 : index
        %get3A_781 = tpu.vector_load %arg29[%get3A_779, %get3A_780] {strides = array<i32>} : memref<32x128xf32, #tpu.memory_space<vmem>>, vector<1x16xf32>,
        %get3A_782 = vector.shape_cast %get3A_781 : vector<1x16xf32> to vector<16xf32>
        %add3A_783 = arith.addf %add3A_778, %get3A_782 : vector<16xf32>
        %swap3A_784 = arith.index_cast %scan3A_358 : i32 to index
        %swap3A_785 = arith.constant 112 : index
        %swap3A_786 = tpu.vector_load %arg20[%swap3A_784, %swap3A_785] {strides = array<i32>} : memref<32x128xf32, #tpu.memory_space<vmem>>, vector<1x16xf32>,
        %swap3A_787 = vector.shape_cast %swap3A_786 : vector<1x16xf32> to vector<16xf32>
        %swap3A_788 = vector.shape_cast %add3A_783 : vector<16xf32> to vector<1x16xf32>
        tpu.vector_store %arg20[%swap3A_784, %swap3A_785], %swap3A_788 {strides = array<i32>} : memref<32x128xf32, #tpu.memory_space<vmem>>, vector<1x16xf32>,
      }
      %scan3A_346 = arith.constant 32 : i32
      %mul3A_347 = arith.constant 32 : i32
      %mul3A_348 = arith.muli %add3A_246, %mul3A_347 : i32
      %add3A_349 = arith.addi %mul3A_9, %mul3A_348 : i32
      %dma_start3A_350 = arith.constant 0 : i32
      %dma_start3A_351 = tpu.memref_slice %arg4[%add3A_349, %dma_start3A_350] : memref<51200x128xf32, #tpu.memory_space<hbm>> -> memref<32x128xf32, #tpu.memory_space<hbm>>
      %dma_start3A_352 = arith.constant 0 : i32
      %dma_start3A_353 = tpu.memref_slice %arg4[%add3A_349, %dma_start3A_352] : memref<51200x128xf32, #tpu.memory_space<hbm>> -> memref<32x128xf32, #tpu.memory_space<hbm>>
      tpu.enqueue_dma source(%arg9 : memref<32x128xf32, #tpu.memory_space<vmem>>) target(%dma_start3A_353 : memref<32x128xf32, #tpu.memory_space<hbm>>) target_semaphore(%arg35 : memref<!tpu.dma_semaphore, #tpu.memory_space<semaphore_mem>>)
      %dma_start3A_354 = arith.constant 0 : i32
      %dma_start3A_355 = tpu.memref_slice %arg5[%add3A_349, %dma_start3A_354] : memref<51200x128xf32, #tpu.memory_space<hbm>> -> memref<32x128xf32, #tpu.memory_space<hbm>>
      %dma_start3A_356 = arith.constant 0 : i32
      %dma_start3A_357 = tpu.memref_slice %arg5[%add3A_349, %dma_start3A_356] : memref<51200x128xf32, #tpu.memory_space<hbm>> -> memref<32x128xf32, #tpu.memory_space<hbm>>
      tpu.enqueue_dma source(%arg20 : memref<32x128xf32, #tpu.memory_space<vmem>>) target(%dma_start3A_357 : memref<32x128xf32, #tpu.memory_space<hbm>>) target_semaphore(%arg35 : memref<!tpu.dma_semaphore, #tpu.memory_space<semaphore_mem>>)
    }
    %sub3A_122 = arith.constant 1 : i32
    %sub3A_123 = arith.subi %select_n3A_2, %sub3A_122 : i32
    %mul3A_124 = arith.constant 32 : i32
    %mul3A_125 = arith.muli %sub3A_123, %mul3A_124 : i32
    %add3A_126 = arith.addi %mul3A_9, %mul3A_125 : i32
    %dma_wait3A = arith.constant 0 : i32
    %dma_wait3A_127 = tpu.memref_slice %arg4[%add3A_126, %dma_wait3A] : memref<51200x128xf32, #tpu.memory_space<hbm>> -> memref<32x128xf32, #tpu.memory_space<hbm>>
    %dma_wait3A_128 = arith.constant 0 : i32
    %dma_wait3A_129 = tpu.memref_slice %arg4[%add3A_126, %dma_wait3A_128] : memref<51200x128xf32, #tpu.memory_space<hbm>> -> memref<32x128xf32, #tpu.memory_space<hbm>>
    tpu.wait_dma2 semaphore(%arg35 : memref<!tpu.dma_semaphore, #tpu.memory_space<semaphore_mem>>) src(%arg9 : memref<32x128xf32, #tpu.memory_space<vmem>>) dst(%dma_wait3A_129 : memref<32x128xf32, #tpu.memory_space<hbm>>)
    %dma_wait3A_130 = arith.constant 0 : i32
    %dma_wait3A_131 = tpu.memref_slice %arg5[%add3A_126, %dma_wait3A_130] : memref<51200x128xf32, #tpu.memory_space<hbm>> -> memref<32x128xf32, #tpu.memory_space<hbm>>
    %dma_wait3A_132 = arith.constant 0 : i32
    %dma_wait3A_133 = tpu.memref_slice %arg5[%add3A_126, %dma_wait3A_132] : memref<51200x128xf32, #tpu.memory_space<hbm>> -> memref<32x128xf32, #tpu.memory_space<hbm>>
    tpu.wait_dma2 semaphore(%arg35 : memref<!tpu.dma_semaphore, #tpu.memory_space<semaphore_mem>>) src(%arg20 : memref<32x128xf32, #tpu.memory_space<vmem>>) dst(%dma_wait3A_133 : memref<32x128xf32, #tpu.memory_space<hbm>>)
    return
  }
}

module attributes {stable_mosaic.version = 14 : i64} {
  func.func @body(%arg0: i32, %arg1: memref<128x256xf32, #tpu.memory_space<vmem>>, %arg2: memref<512x128xf32, #tpu.memory_space<vmem>>, %arg3: memref<512x128xf32, #tpu.memory_space<vmem>>, %arg4: memref<128x512xf32, #tpu.memory_space<vmem>>) attributes {dimension_semantics = [#tpu.dimension_semantics<arbitrary>], iteration_bounds = array<i64: 98>, scalar_prefetch = 0 : i64, scratch_operands = 0 : i64, tpu.core_type = #tpu.core_type<tc>, window_params = [{pipeline_mode = #tpu.pipeline_mode<synchronous>, transform_indices = @transform_0, window_bounds = array<i64: 128, 256>}, {transform_indices = @transform_1, window_bounds = array<i64: 512, 128>}, {transform_indices = @transform_2, window_bounds = array<i64: 512, 128>}, {transform_indices = @transform_3, window_bounds = array<i64: 128, 512>}]} {
    %get3A = arith.constant 0 : index
    %get3A_0 = arith.constant 0 : index
    %get3A_1 = vector.load %arg1[%get3A, %get3A_0] : memref<128x256xf32, #tpu.memory_space<vmem>>, vector<128x128xf32>
    %get3A_2 = arith.constant 0 : index
    %get3A_3 = arith.constant 128 : index
    %get3A_4 = vector.load %arg1[%get3A_2, %get3A_3] : memref<128x256xf32, #tpu.memory_space<vmem>>, vector<128x128xf32>
    %get3A_5 = arith.constant 0 : index
    %get3A_6 = arith.constant 0 : index
    %get3A_7 = vector.load %arg2[%get3A_5, %get3A_6] : memref<512x128xf32, #tpu.memory_space<vmem>>, vector<512x128xf32>
    %dot_general3A = arith.constant dense<0.000000e+00> : vector<128x512xf32>
    %dot_general3A_8 = tpu.matmul %get3A_1, %get3A_7, %dot_general3A {dimension_numbers = #tpu.dot_dimension_numbers<[1], [1], [0], [0], [0, 0, 1, 0], [], []>, transpose_lhs_hint = false} : vector<128x128xf32>, vector<512x128xf32>, vector<128x512xf32> -> vector<128x512xf32>
    %get3A_9 = arith.constant 0 : index
    %get3A_10 = arith.constant 0 : index
    %get3A_11 = vector.load %arg3[%get3A_9, %get3A_10] : memref<512x128xf32, #tpu.memory_space<vmem>>, vector<512x128xf32>
    %dot_general3A_12 = arith.constant dense<0.000000e+00> : vector<128x512xf32>
    %dot_general3A_13 = tpu.matmul %get3A_4, %get3A_11, %dot_general3A_12 {dimension_numbers = #tpu.dot_dimension_numbers<[1], [1], [0], [0], [0, 0, 1, 0], [], []>, transpose_lhs_hint = false} : vector<128x128xf32>, vector<512x128xf32>, vector<128x512xf32> -> vector<128x512xf32>
    %mul3A = arith.constant 1.000000e-01 : f32
    %mul3A_14 = vector.broadcast %mul3A : f32 to vector<128x512xf32>
    %mul3A_15 = arith.mulf %dot_general3A_13, %mul3A_14 : vector<128x512xf32>
    %add3A = arith.addf %dot_general3A_8, %mul3A_15 : vector<128x512xf32>
    %max3A = arith.constant 0.000000e+00 : f32
    %max3A_16 = vector.broadcast %max3A : f32 to vector<128x512xf32>
    %max3A_17 = arith.maximumf %add3A, %max3A_16 : vector<128x512xf32>
    %swap3A = arith.constant 0 : index
    %swap3A_18 = arith.constant 0 : index
    %swap3A_19 = vector.load %arg4[%swap3A, %swap3A_18] : memref<128x512xf32, #tpu.memory_space<vmem>>, vector<128x512xf32>
    tpu.vector_store %arg4[%swap3A, %swap3A_18], %max3A_17 {strides = array<i32>} : memref<128x512xf32, #tpu.memory_space<vmem>>, vector<128x512xf32>,
    return
  }
  func.func @transform_0(%arg0: i32) -> (i32, i32) {
    %c0_i32 = arith.constant 0 : i32
    %c0_i32_0 = arith.constant 0 : i32
    %c0_i32_1 = arith.constant 0 : i32
    return %c0_i32, %c0_i32_0 : i32, i32
  }
  func.func @transform_1(%arg0: i32) -> (i32, i32) {
    %c0_i32 = arith.constant 0 : i32
    %c0_i32_0 = arith.constant 0 : i32
    return %arg0, %c0_i32 : i32, i32
  }
  func.func @transform_2(%arg0: i32) -> (i32, i32) {
    %c0_i32 = arith.constant 0 : i32
    %c0_i32_0 = arith.constant 0 : i32
    return %arg0, %c0_i32 : i32, i32
  }
  func.func @transform_3(%arg0: i32) -> (i32, i32) {
    %c0_i32 = arith.constant 0 : i32
    %c0_i32_0 = arith.constant 0 : i32
    return %c0_i32, %arg0 : i32, i32
  }
}

</mosaic_0001>

<sc_bundles>
// kernel: kernel.4.cloned.1.call-start
scs
__scs_entry_jumppad:
0x0: {  	(pc) =	sbr.rel $0x88, $3  }
0x1: {  	(tag) =	ssettag $0x0;
	lr =	simm.s32 $0x1  }
0x2: {  	[smem:$0x3F9D] =	sst lr;
	_ =	strace $0xD0000000  }
0x3: {  	_ = 	snop  }
0x4: {  	_ = 	snop  }
0x5: {  	_ = 	snop  }
0x6: {  	_ = 	snop  }
0x7: {  	_ = 	snop  }
__scs_overlays_trampoline_lowered:
0x8: {  	[smem:$0x3FAC] =	sst s0  }
0x9: {  	[smem:$0x3FAD] =	sst s1  }
0xa: {  	[smem:$0x3FAE] =	sst s2  }
0xb: {  	[smem:$0x3FAF] =	sst s3  }
0xc: {  	[smem:$0x3FB0] =	sst s4  }
0xd: {  	[smem:$0x3FB1] =	sst s5  }
0xe: {  	[smem:$0x3FB2] =	sst s6  }
0xf: {  	[smem:$0x3FB3] =	sst s7  }
0x10: {  	[smem:$0x3FB4] =	sst s8  }
0x11: {  	[smem:$0x3FB5] =	sst s9;
	s0 =	simm.s32 @!p0 $0x0  }
0x12: {  	s1 =	sld [smem:$0x3F9B];
	s0 =	simm.s32 @p0 $0x1  }
0x13: {  	[smem:$0x3FB6] =	sst s0;
	s0 =	simm.s32 @!p1 $0x0  }
0x14: {  	s2 =	sld [smem:$0x3F9A];
	s0 =	simm.s32 @p1 $0x1  }
0x15: {  	[smem:$0x3FB7] =	sst s0;
	s0 =	simm.s32 @!p2 $0x0  }
0x16: {  	s3 =	sld [smem:$0x3FDB];
	s0 =	simm.s32 @p2 $0x1  }
0x17: {  	s4 =	simm.s32 $0x1BF5;
	[smem:$0x3FB9] =	sst s0  }
0x18: {  	s0 =	sld [smem:$0x3F9C];
	_ =	swait.ge [sflag:s4], $0x0  }
0x19: {  	s7 =	sld [smem:$0x3F9D]  }
0x1a: {  	s8 =	sadd.s32 $0xFFFFE003, lr  }
0x1b: {  	s9 =	sadd.s32 $0xFFFFFEF7, lr;
	s5 =	simm.s32 $0xFFFFFFFF;
	p2 =	slt.u32 s8, $0xFFFFF086  }
0x1c: {  	p1 =	slt.u32 s9, $0xF7A;
	s5 =	simm.s32 @!p2 $0x0  }
0x1d: {  	s5 =	simm.s32 @p1 $0x1;
	p0 =	seq.s32 s7, s2  }
0x1e: {  	s7 =	smul.u32 @!p0 $0xF7A, s2;
	p2 =	seq.s32 @!p0 s5, $0x0  }
0x1f: {  	s9 =	smul.u32 $0xF7A, s1;
	s8 =	simm.s32 @!p0 $0x1BF5;
	p2 =	por !p2, p0  }
0x20: {  	[sflag:s8] =	ssyncset.s32 @!p0 $0xFFFFF086;
	s6 =	sadd.s32 @!p0 s3, s7;
	s7 =	simm.s32 @!p0 $0x108  }
0x21: {  	s3 =	sadd.s32 s3, s9;
	s6 =	sadd.s32 @!p0 $0x88, s6;
	s7 =	simm.s32 @p2 $0x1082  }
0x22: {  	[simem:s7], [sflag:s8] =	dma.local @!p0 [hbm:s6], $0xF7A  }
0x23: {  	s9 =	sor.u32 $0xD0000000, s2;
	s6 =	simm.s32 $0x108;
	_ =	swait.ge @!p0 [sflag:s8], $0x0  }
0x24: {  	s3 =	sadd.s32 $0x88, s3;
	s6 =	simm.s32 @!p1 $0x1082;
	[sflag:s4] =	ssyncset.s32 $0xFFFFF086  }
0x25: {  	[simem:s6], [sflag:s4] =	dma.local [hbm:s3], $0xF7A  }
0x26: {  	[smem:$0x3F9D] =	sst s1;
	(tag) =	ssettag s2;
	_ =	strace s9  }
0x27: {  	s1 =	sld [smem:$0x3FAD]  }
0x28: {  	s2 =	sld [smem:$0x3FAE]  }
0x29: {  	s4 =	sld [smem:$0x3FB0]  }
0x2a: {  	p0 =	seq.s32 s5, $0x0;
	s5 =	sld [smem:$0x3FB1]  }
0x2b: {  	s6 =	sld [smem:$0x3FB2]  }
0x2c: {  	s7 =	sld [smem:$0x3FB3]  }
0x2d: {  	s3 =	simm.s32 $0x108;
	s8 =	sld [smem:$0x3FB4]  }
0x2e: {  	s3 =	simm.s32 @!p0 $0x1082;
	s9 =	sld [smem:$0x3FB5]  }
0x2f: {  	lr =	sadd.s32 s0, s3;
	s0 =	sld [smem:$0x3FAC]  }
0x30: {  	s3 =	sld [smem:$0x3FAF]  }
0x31: {  	[smem:$0x3FB8] =	sst s10  }
0x32: {  	s10 =	sld [smem:$0x3FB6];
	_ =	sdelay $0x3  }
0x33: {  	p0 =	seq.s32 s10, $0x1;
	s10 =	sld [smem:$0x3FB8];
	_ =	sdelay $0x3  }
0x34: {  	[smem:$0x3FB8] =	sst s10  }
0x35: {  	s10 =	sld [smem:$0x3FB7];
	_ =	sdelay $0x3  }
0x36: {  	p1 =	seq.s32 s10, $0x1;
	s10 =	sld [smem:$0x3FB8];
	_ =	sdelay $0x3  }
0x37: {  	[smem:$0x3FB8] =	sst s10  }
0x38: {  	s10 =	sld [smem:$0x3FB9]  }
0x39: {  	_ = 	snop;
	(pc) =	sbr.ind lr, $3  }
0x3a: {  	_ = 	snop  }
0x3b: {  	_ = 	snop  }
0x3c: {  	p2 =	seq.s32 s10, $0x1;
	s10 =	sld [smem:$0x3FB8]  }
0x3d: {  	_ =	shalt  }
0x3e: {  	_ =	shalt  }
0x3f: {  	_ =	shalt  }
0x40: {  	_ =	shalt  }
0x41: {  	_ =	shalt  }
0x42: {  	_ =	shalt  }
0x43: {  	_ =	shalt  }
0x44: {  	_ =	shalt  }
0x45: {  	_ =	shalt  }
0x46: {  	_ =	shalt  }
0x47: {  	_ =	shalt  }
0x48: {  	_ =	shalt  }
0x49: {  	_ =	shalt  }
0x4a: {  	_ =	shalt  }
0x4b: {  	_ =	shalt  }
0x4c: {  	_ =	shalt  }
0x4d: {  	_ =	shalt  }
0x4e: {  	_ =	shalt  }
0x4f: {  	_ =	shalt  }
0x50: {  	_ =	shalt  }
0x51: {  	_ =	shalt  }
0x52: {  	_ =	shalt  }
0x53: {  	_ =	shalt  }
0x54: {  	_ =	shalt  }
0x55: {  	_ =	shalt  }
0x56: {  	_ =	shalt  }
0x57: {  	_ =	shalt  }
0x58: {  	_ =	shalt  }
0x59: {  	_ =	shalt  }
0x5a: {  	_ =	shalt  }
0x5b: {  	_ =	shalt  }
0x5c: {  	_ =	shalt  }
0x5d: {  	_ =	shalt  }
0x5e: {  	_ =	shalt  }
0x5f: {  	_ =	shalt  }
0x60: {  	_ =	shalt  }
0x61: {  	_ =	shalt  }
0x62: {  	_ =	shalt  }
0x63: {  	_ =	shalt  }
0x64: {  	_ =	shalt  }
0x65: {  	_ =	shalt  }
0x66: {  	_ =	shalt  }
0x67: {  	_ =	shalt  }
0x68: {  	_ =	shalt  }
0x69: {  	_ =	shalt  }
0x6a: {  	_ =	shalt  }
0x6b: {  	_ =	shalt  }
0x6c: {  	_ =	shalt  }
0x6d: {  	_ =	shalt  }
0x6e: {  	_ =	shalt  }
0x6f: {  	_ =	shalt  }
0x70: {  	_ =	shalt  }
0x71: {  	_ =	shalt  }
0x72: {  	_ =	shalt  }
0x73: {  	_ =	shalt  }
0x74: {  	_ =	shalt  }
0x75: {  	_ =	shalt  }
0x76: {  	_ =	shalt  }
0x77: {  	_ =	shalt  }
0x78: {  	_ =	shalt  }
0x79: {  	_ =	shalt  }
0x7a: {  	_ =	shalt  }
0x7b: {  	_ =	shalt  }
0x7c: {  	_ =	shalt  }
0x7d: {  	_ =	shalt  }
0x7e: {  	_ =	shalt  }
0x7f: {  	_ =	shalt  }
0x80: {  	_ =	shalt  }
0x81: {  	_ =	shalt  }
0x82: {  	_ =	shalt  }
0x83: {  	_ =	shalt  }
0x84: {  	_ =	shalt  }
0x85: {  	_ =	shalt  }
0x86: {  	_ =	shalt  }
0x87: {  	_ =	shalt  }
.Lfunc_end0:
.L_simem_size_0:
called_computation_lowered:
.L_overlay_start_0:
0x88: {  	s2 =	sld [smem:$0x3FD9]  }
0x89: {  	s3 =	sld [smem:$0x3FFE];
	_ =	sdelay $0x1  }
0x8a: {  	s1 =	srdreg.scid  }
0x8b: {  	s0 =	sand.u32 $0x1, s1  }
0x8c: {  	s17 =	sshll.u32 s0, $0xA;
	s2 =	sadd.s32 s3, s2  }
0x8d: {  	s2 =	sadd.s32 s2, s17  }
0x8e: {  	[smem:$0x3FC4] =	sst s2  }
0x8f: {  	_ = 	snop  }
0x90: {  	s2 =	sld [smem:$0x3FC9]  }
0x91: {  	s18 =	sld [smem:$0x3FD0];
	(tm) =	ssettm $0x1  }
0x92: {  	s4 =	sld [smem:$0x3FFB];
	_ =	sdelay $0x3  }
0x93: {  	_ =	strace s4  }
0x94: {  	s4 =	sld [smem:$0x3FFC];
	_ =	sdelay $0x3  }
0x95: {  	_ =	strace s4  }
0x96: {  	s4 =	sld [smem:$0x3FFD];
	_ =	sdelay $0x3  }
0x97: {  	_ =	strace s4  }
0x98: {  	_ =	strace $0x8FFFFFFF  }
0x99: {  	s19 =	sld [smem:$0x3FDB];
	_ =	sdelay $0x1  }
0x9a: {  	s5 =	simm.s32 $_scs_section_size  }
0x9b: {  	s6 =	simm.s32 $_size__tile_overlayer_lowered;
	s7 =	simm.s32 $_tile_overlayer_lowered  }
0x9c: {  	s22 =	simm.s32 $0x1BFF;
	s21 =	sshll.u32 s7, $0x1;
	s4 =	sadd.s32 s5, s19  }
0x9d: {  	s8 =	simm.s32 $0x0;
	s20 =	sshll.u32 s6, $0x1;
	s6 =	sadd.s32 s21, s4  }
0x9e: {  	[timem:s8], [sflag:s22] =	dma.local [hbm:s6], s20  }
0x9f: {  	_ =	swait.ge [sflag:s22], s20  }
0xa0: {  	s5 =	ssub.s32 $0x0, s20;
	[sflag:s22] =	ssyncset.done $0x0  }
0xa1: {  	[sflag:s22] =	ssyncadd.s32 s5;
	_ =	sdelay $0x1  }
0xa2: {  	s23 =	simm.s32 $0x1B8B  }
0xa3: {  	_ =	swait.ge [sflag:s23], $0x1  }
0xa4: {  	[sflag:s23] =	ssyncset.done $0x0  }
0xa5: {  	s25 =	simm.s32 $0x1B8E;
	s24 =	sld [smem:$0x3FFE];
	[sflag:s23] =	ssyncadd.s32 $0xFFFFFFFF  }
0xa6: {  	s26 =	simm.s32 $execute0_lowered;
	[smem:$0x3FD2] =	sst s25  }
0xa7: {  	s6 =	sshll.u32 s26, $0x1;
	_ =	strace $0x80000046;
	[dreg:$0x1] =	wrdreg $0xFFFFFFFF  }
0xa8: {  	s28 =	simm.s32 $_size_execute0_lowered;
	s4 =	sadd.s32 s4, s6;
	[dreg:$0x0] =	wrdreg $0x0  }
0xa9: {  	s6 =	sshll.u32 s28, $0x1;
	[dreg:$0x2] =	wrdreg s4  }
0xaa: {  	[dreg:$0x3] =	wrdreg s6  }
0xab: {  	[dreg:$0x4] =	wrdreg $0xC0  }
0xac: {  	_ =	task [dreg:s8], $0x5FFFF  }
0xad: {  	[dreg:$0x1] =	wrdreg $0xFFFFFFFF  }
0xae: {  	[dreg:$0x0] =	wrdreg $0x60  }
0xaf: {  	[dreg:$0x2] =	wrdreg s2  }
0xb0: {  	[dreg:$0x3] =	wrdreg s18  }
0xb1: {  	[dreg:$0x4] =	wrdreg s24  }
0xb2: {  	[dreg:$0x5] =	wrdreg $0x9  }
0xb3: {  	_ =	task.clear_ibuf [dreg:s8], $0x6FFFF;
	_ =	strace $0x90000046  }
0xb4: {  	s29 =	simm.s32 $0x9;
	_ =	strace $0x80000048  }
0xb5: {  	_ =	swait.ge [sflag:s29], $0x1  }
0xb6: {  	[sflag:s29] =	ssyncadd.s32 $0xFFFFFFFF  }
0xb7: {  	_ =	strace $0x90000048  }
0xb8: {  	_ =	sfence  }
0xb9: {  	s30 =	sld [smem:$0x0];
	_ =	sdelay $0x2  }
0xba: {  	s31 =	sshll.u32 s1, $0xD;
	s1 =	sshrl.u32 s1, $0x2  }
0xbb: {  	s3 =	sand.u32 $0x4000, s31;
	s1 =	sadd.s32 s1, s30  }
0xbc: {  	s0 =	sor.u32 s3, s0;
	s1 =	sshll.u32 s1, $0x11  }
0xbd: {  	s0 =	sor.u32 s1, s0  }
0xbe: {  	s0 =	sadd.s32 $0x8F2B, s0  }
0xbf: {  	[sflag:s0] =	ssyncadd.remote.s32 $0x1  }
0xc0: {  	_ =	sfence.sel $0xFFFF  }
0xc1: {  	[dreg:$0x0] =	wrdreg $0xFFFFFFFF;
	(pc) =	sbr.abs _section_cstart, $3  }
0xc2: {  	[dreg:$0x1] =	wrdreg $0xFFFFFFFF  }
0xc3: {  	_ =	task.clear_ibuf [dreg:s8], $0x2FFFF;
	_ =	strace $0x9FFFFFFF  }
0xc4: {  	(tm) =	ssettm $0x7FFFFFFF  }
0xc5: {  	_ =	shalt  }
tec
execute0_lowered:
.L_overlay_start_1:
0x0: {  	(tag) =	ssettag $0x1  }
0x1: {  	s2 =	rddreg [dreg:$0x0]  }
0x2: {  	s3 =	rddreg [dreg:$0x1]  }
0x3: {  	s0 =	rddreg [dreg:$0x2];
	s6 =	stileid.u32  }
0x4: {  	s4 =	simm.s32 $0x0;
	s1 =	srdreg.scid;
	s14 =	simm.s32 $0x7  }
0x5: {  	s16 =	simm.s32 $0x20;
	s17 =	simm.s32 $0x1000;
	s19 =	simm.s32 $0x3000  }
0x6: {  	s21 =	simm.s32 $0x500;
	s22 =	simm.s32 $0xC000;
	s23 =	simm.s32 $0x3  }
0x7: {  	s24 =	simm.s32 $0x5;
	s25 =	simm.s32 $0x4;
	s28 =	simm.s32 $0xD000  }
0x8: {  	s29 =	simm.s32 $0x6;
	s30 =	simm.s32 $0x0;
	s5 =	smul.u32 $0x58, s6  }
0x9: {  	[smem:$0x7FF] =	sst s4;
	s1 =	sand.u32 $0x1, s1;
	s8 =	smul.u32 $0xC, s6  }
0xa: {  	s6 =	sadd.s32 $0xA00, s0;
	s7 =	sadd.s32 $0xC8A00, s0;
	_ =	strace $0x80000047  }
0xb: {  	p0 =	seq.s32 s1, $0x0;
	s26 =	ssub.s32 $0x2, s1;
	s5 =	sadd.s32 $0xC0, s5  }
0xc: {  	s10 =	sshrl.u32 s26, $0x1;
	s5 =	smov.u32 @p0 s8;
	s8 =	simm.s32 $0xC  }
0xd: {  	s0 =	ssub.s32 s26, s10;
	s26 =	simm.s32 $0x2000;
	s31 =	sshll.u32 s5, $0x8  }
0xe: {  	s8 =	simm.s32 @!p0 $0x58;
	s12 =	sshll.u32 s5, $0xC;
	s9 =	sadd.s32 s3, s31  }
0xf: {  	s13 =	smax.u32 s0, $0x1;
	s11 =	sshrl.u32 s8, $0x1;
	s10 =	sadd.s32 $0x100, s9  }
.LBB2_1:
0x10: {  	[tilespmem:s4], [sflag:$0x7] =	stream.linear.gather [hbm4b:s9+s4], $0x580, $0x38;
	[tilespmem:$0x17000] =	vst v63  }
0x11: {  	_ =	swait.ge [sflag:s14], $0x580  }
0x12: {  	[sflag:s14] =	ssyncset.done $0x0  }
0x13: {  	s0 =	simm.s32 $0x800;
	[sflag:s14] =	ssyncadd.s32 $0xFFFFFA80  }
0x14: {  	[tilespmem:s0], [sflag:$0x2] =	stream.linear.gather [hbm4b:s10+s4], $0x580, $0x38;
	[tilespmem:$0x17000] =	vst v63  }
0x15: {  	_ = 	snop  }
0x16: {  	[tilespmem:s17], [sflag:$0x3] =	stream.indirect.gather [hbm4b:s2+s16], $0x80, s4, s16, $0xb8;
	[tilespmem:$0x17000] =	vst v63  }
0x17: {  	s1 =	simm.s32 $0x80  }
0x18: {  	[tilespmem:s19], [sflag:$0x3] =	stream.indirect.gather [hbm4b:s2+s16], $0x80, s1, s16, $0xb8;
	[tilespmem:$0x17000] =	vst v63  }
0x19: {  	s15 =	simm.s32 $0x100;
	s1 =	simm.s32 $0x4000  }
0x1a: {  	[tilespmem:s1], [sflag:$0x3] =	stream.indirect.gather [hbm4b:s2+s16], $0x80, s15, s16, $0xb8;
	[tilespmem:$0x17000] =	vst v63  }
0x1b: {  	s18 =	simm.s32 $0x180;
	s20 =	simm.s32 $0x5000  }
0x1c: {  	[tilespmem:s20], [sflag:$0x3] =	stream.indirect.gather [hbm4b:s2+s16], $0x80, s18, s16, $0xb8;
	[tilespmem:$0x17000] =	vst v63  }
0x1d: {  	s1 =	simm.s32 $0x200;
	s15 =	simm.s32 $0x6000  }
0x1e: {  	[tilespmem:s15], [sflag:$0x3] =	stream.indirect.gather [hbm4b:s2+s16], $0x80, s1, s16, $0xb8;
	[tilespmem:$0x17000] =	vst v63  }
0x1f: {  	s18 =	simm.s32 $0x280;
	s20 =	simm.s32 $0x7000  }
0x20: {  	[tilespmem:s20], [sflag:$0x3] =	stream.indirect.gather [hbm4b:s2+s16], $0x80, s18, s16, $0xb8;
	[tilespmem:$0x17000] =	vst v63  }
0x21: {  	s1 =	simm.s32 $0x300;
	s15 =	simm.s32 $0x8000  }
0x22: {  	[tilespmem:s15], [sflag:$0x3] =	stream.indirect.gather [hbm4b:s2+s16], $0x80, s1, s16, $0xb8;
	[tilespmem:$0x17000] =	vst v63  }
0x23: {  	s18 =	simm.s32 $0x380;
	s20 =	simm.s32 $0x9000  }
0x24: {  	[tilespmem:s20], [sflag:$0x3] =	stream.indirect.gather [hbm4b:s2+s16], $0x80, s18, s16, $0xb8;
	[tilespmem:$0x17000] =	vst v63  }
0x25: {  	s1 =	simm.s32 $0x400;
	s15 =	simm.s32 $0xA000  }
0x26: {  	[tilespmem:s15], [sflag:$0x3] =	stream.indirect.gather [hbm4b:s2+s16], $0x80, s1, s16, $0xb8;
	[tilespmem:$0x17000] =	vst v63  }
0x27: {  	s18 =	simm.s32 $0x480;
	s20 =	simm.s32 $0xB000  }
0x28: {  	[tilespmem:s20], [sflag:$0x3] =	stream.indirect.gather [hbm4b:s2+s16], $0x80, s18, s16, $0xb8;
	[tilespmem:$0x17000] =	vst v63  }
0x29: {  	s31 =	simm.s32 $0x0  }
0x2a: {  	[tilespmem:s22], [sflag:$0x3] =	stream.indirect.gather [hbm4b:s2+s16], $0x80, s21, s16, $0xb8;
	[tilespmem:$0x17000] =	vst v63  }
.LBB2_2:
0x2b: {  	p1 =	seq.s32 s31, $0x0  }
0x2c: {  	s15 =	simm.s32 @!p1 $0x6  }
0x2d: {  	_ =	swait.ge @!p1 [sflag:s15], $0x1000  }
0x2e: {  	[sflag:s15] =	ssyncset.done @!p1 $0x0  }
0x2f: {  	s1 =	sshll.u32 s31, $0x1;
	[sflag:s15] =	ssyncadd.s32 @!p1 $0xFFFFF000  }
0x30: {  	s0 =	sor.u32 $0x1, s1;
	_ =	swait.ge @!p1 [sflag:s15], $0x1000  }
0x31: {  	p0 =	sge.u32 s0, s8;
	[sflag:s15] =	ssyncset.done @!p1 $0x0  }
0x32: {  	[sflag:s15] =	ssyncadd.s32 @!p1 $0xFFFFF000;
	s15 =	simm.s32 @!p0 $0x2  }
0x33: {  	_ =	swait.ge @!p0 [sflag:s15], $0x580  }
0x34: {  	s18 =	simm.s32 @!p0 $0x800;
	[sflag:s15] =	ssyncset.done @!p0 $0x0  }
0x35: {  	s20 =	simm.s32 @!p0 $0x2000;
	[sflag:s15] =	ssyncadd.s32 @!p0 $0xFFFFFA80;
	s15 =	simm.s32 @!p0 $0x20  }
0x36: {  	[tilespmem:s20], [sflag:$0x4] =	stream.indirect.gather @!p0 [hbm4b:s2+s15], $0x80, s18, s15, $0xb8;
	[tilespmem:$0x17000] =	vst v63  }
0x37: {  	s18 =	simm.s32 @!p0 $0x880;
	s20 =	simm.s32 @!p0 $0xD000  }
0x38: {  	[tilespmem:s20], [sflag:$0x4] =	stream.indirect.gather @!p0 [hbm4b:s2+s15], $0x80, s18, s15, $0xb8;
	[tilespmem:$0x17000] =	vst v63  }
0x39: {  	s18 =	simm.s32 @!p0 $0x900;
	s20 =	simm.s32 @!p0 $0xE000  }
0x3a: {  	[tilespmem:s20], [sflag:$0x4] =	stream.indirect.gather @!p0 [hbm4b:s2+s15], $0x80, s18, s15, $0xb8;
	[tilespmem:$0x17000] =	vst v63  }
0x3b: {  	s18 =	simm.s32 @!p0 $0x980;
	s20 =	simm.s32 @!p0 $0xF000  }
0x3c: {  	[tilespmem:s20], [sflag:$0x4] =	stream.indirect.gather @!p0 [hbm4b:s2+s15], $0x80, s18, s15, $0xb8;
	[tilespmem:$0x17000] =	vst v63  }
0x3d: {  	s18 =	simm.s32 @!p0 $0xA00;
	s20 =	simm.s32 @!p0 $0x10000  }
0x3e: {  	[tilespmem:s20], [sflag:$0x4] =	stream.indirect.gather @!p0 [hbm4b:s2+s15], $0x80, s18, s15, $0xb8;
	[tilespmem:$0x17000] =	vst v63  }
0x3f: {  	s18 =	simm.s32 @!p0 $0xA80;
	s20 =	simm.s32 @!p0 $0x11000  }
0x40: {  	[tilespmem:s20], [sflag:$0x4] =	stream.indirect.gather @!p0 [hbm4b:s2+s15], $0x80, s18, s15, $0xb8;
	[tilespmem:$0x17000] =	vst v63  }
0x41: {  	s18 =	simm.s32 @!p0 $0xB00;
	s20 =	simm.s32 @!p0 $0x12000  }
0x42: {  	[tilespmem:s20], [sflag:$0x4] =	stream.indirect.gather @!p0 [hbm4b:s2+s15], $0x80, s18, s15, $0xb8;
	[tilespmem:$0x17000] =	vst v63  }
0x43: {  	s18 =	simm.s32 @!p0 $0xB80;
	s20 =	simm.s32 @!p0 $0x13000  }
0x44: {  	[tilespmem:s20], [sflag:$0x4] =	stream.indirect.gather @!p0 [hbm4b:s2+s15], $0x80, s18, s15, $0xb8;
	[tilespmem:$0x17000] =	vst v63  }
0x45: {  	s18 =	simm.s32 @!p0 $0xC00;
	s20 =	simm.s32 @!p0 $0x14000  }
0x46: {  	[tilespmem:s20], [sflag:$0x4] =	stream.indirect.gather @!p0 [hbm4b:s2+s15], $0x80, s18, s15, $0xb8;
	[tilespmem:$0x17000] =	vst v63  }
0x47: {  	s18 =	simm.s32 @!p0 $0xC80;
	s20 =	simm.s32 @!p0 $0x15000  }
0x48: {  	[tilespmem:s20], [sflag:$0x4] =	stream.indirect.gather @!p0 [hbm4b:s2+s15], $0x80, s18, s15, $0xb8;
	[tilespmem:$0x17000] =	vst v63  }
0x49: {  	s18 =	simm.s32 @!p0 $0xD00;
	s20 =	simm.s32 @!p0 $0x16000  }
0x4a: {  	[tilespmem:s20], [sflag:$0x4] =	stream.indirect.gather @!p0 [hbm4b:s2+s15], $0x80, s18, s15, $0xb8;
	[tilespmem:$0x17000] =	vst v63  }
0x4b: {  	_ =	swait.ge [sflag:s23], $0x1000  }
0x4c: {  	[sflag:s23] =	ssyncset.done $0x0  }
0x4d: {  	[sflag:s23] =	ssyncadd.s32 $0xFFFFF000  }
0x4e: {  	_ =	swait.ge [sflag:s23], $0x1000  }
0x4f: {  	[sflag:s23] =	ssyncset.done $0x0  }
0x50: {  	[sflag:s23] =	ssyncadd.s32 $0xFFFFF000  }
0x51: {  	_ =	swait.ge [sflag:s23], $0x1000  }
0x52: {  	[sflag:s23] =	ssyncset.done $0x0  }
0x53: {  	[sflag:s23] =	ssyncadd.s32 $0xFFFFF000  }
0x54: {  	_ =	swait.ge [sflag:s23], $0x1000  }
0x55: {  	[sflag:s23] =	ssyncset.done $0x0  }
0x56: {  	[sflag:s23] =	ssyncadd.s32 $0xFFFFF000  }
0x57: {  	_ =	swait.ge [sflag:s23], $0x1000  }
0x58: {  	[sflag:s23] =	ssyncset.done $0x0  }
0x59: {  	[sflag:s23] =	ssyncadd.s32 $0xFFFFF000  }
0x5a: {  	_ =	swait.ge [sflag:s23], $0x1000  }
0x5b: {  	[sflag:s23] =	ssyncset.done $0x0  }
0x5c: {  	[sflag:s23] =	ssyncadd.s32 $0xFFFFF000  }
0x5d: {  	_ =	swait.ge [sflag:s23], $0x1000  }
0x5e: {  	[sflag:s23] =	ssyncset.done $0x0  }
0x5f: {  	[sflag:s23] =	ssyncadd.s32 $0xFFFFF000  }
0x60: {  	_ =	swait.ge [sflag:s23], $0x1000  }
0x61: {  	[sflag:s23] =	ssyncset.done $0x0  }
0x62: {  	[sflag:s23] =	ssyncadd.s32 $0xFFFFF000  }
0x63: {  	_ =	swait.ge [sflag:s23], $0x1000  }
0x64: {  	[sflag:s23] =	ssyncset.done $0x0  }
0x65: {  	[sflag:s23] =	ssyncadd.s32 $0xFFFFF000  }
0x66: {  	_ =	swait.ge [sflag:s23], $0x1000  }
0x67: {  	s15 =	sadd.s32 $0x2, s1;
	[sflag:s23] =	ssyncset.done $0x0  }
0x68: {  	p0 =	sge.u32 s15, s8;
	[sflag:s23] =	ssyncadd.s32 $0xFFFFF000  }
0x69: {  	s15 =	sadd.s32 @!p0 s5, s15;
	_ =	swait.ge [sflag:s23], $0x1000  }
0x6a: {  	s15 =	sshll.u32 @!p0 s15, $0x8;
	[sflag:s23] =	ssyncset.done $0x0  }
0x6b: {  	s18 =	simm.s32 @!p0 $0x0;
	s15 =	sadd.s32 @!p0 s3, s15;
	[sflag:s23] =	ssyncadd.s32 $0xFFFFF000  }
0x6c: {  	[tilespmem:s18], [sflag:$0x1] =	stream.linear.gather @!p0 [hbm4b:s15+s18], $0x580, $0x38;
	[tilespmem:$0x17000] =	vst v63  }
0x6d: {  	s15 =	simm.s32 $0x0  }
0x6e: {  	v11 =	vld [tilespmem:s15+$0xC000]  }
0x6f: {  	v10 =	vld [tilespmem:s15+$0xC010]  }
0x70: {  	v8 =	vld [tilespmem:s15+$0xC020]  }
0x71: {  	v7 =	vld [tilespmem:s15+$0xC030]  }
0x72: {  	v1 =	vld [tilespmem:s15+$0xC040]  }
0x73: {  	v0 =	vld [tilespmem:s15+$0xC050]  }
0x74: {  	v18 =	vld [tilespmem:s15+$0xB000]  }
0x75: {  	v19 =	vld [tilespmem:s15+$0xB010]  }
0x76: {  	v15 =	vld [tilespmem:s15+$0xB020]  }
0x77: {  	v14 =	vld [tilespmem:s15+$0xB030]  }
0x78: {  	v3 =	vld [tilespmem:s15+$0xB040]  }
0x79: {  	v2 =	vld [tilespmem:s15+$0xB050]  }
0x7a: {  	v24 =	vld [tilespmem:s15+$0xA000]  }
0x7b: {  	v28 =	vld [tilespmem:s15+$0xA010]  }
0x7c: {  	v30 =	vld [tilespmem:s15+$0xA020]  }
0x7d: {  	v32 =	vld [tilespmem:s15+$0xA030]  }
0x7e: {  	v5 =	vld [tilespmem:s15+$0xA040]  }
0x7f: {  	v4 =	vld [tilespmem:s15+$0xA050]  }
0x80: {  	v26 =	vld [tilespmem:s15+$0x9000]  }
0x81: {  	v27 =	vld [tilespmem:s15+$0x9010]  }
0x82: {  	v29 =	vld [tilespmem:s15+$0x9020]  }
0x83: {  	v31 =	vld [tilespmem:s15+$0x9030]  }
0x84: {  	v9 =	vld [tilespmem:s15+$0x9040]  }
0x85: {  	v6 =	vld [tilespmem:s15+$0x9050]  }
0x86: {  	v23 =	vld [tilespmem:s15+$0x8000]  }
0x87: {  	v25 =	vld [tilespmem:s15+$0x8010]  }
0x88: {  	v33 =	vld [tilespmem:s15+$0x8020]  }
0x89: {  	v34 =	vld [tilespmem:s15+$0x8030]  }
0x8a: {  	v13 =	vld [tilespmem:s15+$0x8040]  }
0x8b: {  	v12 =	vld [tilespmem:s15+$0x8050]  }
0x8c: {  	v21 =	vld [tilespmem:s15+$0x7000]  }
0x8d: {  	v22 =	vld [tilespmem:s15+$0x7010]  }
0x8e: {  	v35 =	vld [tilespmem:s15+$0x7020]  }
0x8f: {  	v36 =	vld [tilespmem:s15+$0x7030]  }
0x90: {  	v17 =	vld [tilespmem:s15+$0x6000]  }
0x91: {  	v20 =	vld [tilespmem:s15+$0x6010]  }
0x92: {  	v16 =	vld [tilespmem:s15+$0x5000]  }
0x93: {  	v37 =	vld [tilespmem:s15+$0x5010]  }
0x94: {  	v38 =	vld [tilespmem:s15+$0x4000]  }
0x95: {  	v39 =	vld [tilespmem:s15+$0x4010]  }
0x96: {  	v40 =	vld [tilespmem:s15+$0x4020]  }
0x97: {  	v41 =	vld [tilespmem:s15+$0x4030]  }
0x98: {  	v42 =	vld [tilespmem:s15+$0x3000]  }
0x99: {  	v43 =	vld [tilespmem:s15+$0x3010]  }
0x9a: {  	v44 =	vld [tilespmem:s15+$0x3020]  }
0x9b: {  	v45 =	vld [tilespmem:s15+$0x3030]  }
0x9c: {  	v46 =	vld [tilespmem:s15+$0x5020]  }
0x9d: {  	v58 =	vld [tilespmem:s15+$0x5030];
	v38 =	vadd.f32 v38, v42  }
0x9e: {  	v59 =	vld [tilespmem:s15+$0x6020];
	v39 =	vadd.f32 v39, v43  }
0x9f: {  	v60 =	vld [tilespmem:s15+$0x6030];
	v40 =	vadd.f32 v40, v44;
	v38 =	vadd.f32 v16, v38  }
0xa0: {  	v61 =	vadd.f32 v41, v45;
	v37 =	vadd.f32 v37, v39;
	v16 =	vld [tilespmem:s15+$0x7040]  }
0xa1: {  	v40 =	vadd.f32 v46, v40;
	v38 =	vadd.f32 v17, v38;
	v17 =	vld [tilespmem:s15+$0x7050]  }
0xa2: {  	v39 =	vadd.f32 v58, v61;
	v37 =	vadd.f32 v20, v37;
	v20 =	vld [tilespmem:s15+$0x6040]  }
0xa3: {  	v40 =	vadd.f32 v59, v40;
	v38 =	vadd.f32 v21, v38;
	v21 =	vld [tilespmem:s15+$0x6050]  }
0xa4: {  	v39 =	vadd.f32 v60, v39;
	v37 =	vadd.f32 v22, v37;
	v22 =	vld [tilespmem:s15+$0x5040]  }
0xa5: {  	v35 =	vadd.f32 v35, v40;
	v38 =	vadd.f32 v23, v38;
	v23 =	vld [tilespmem:s15+$0x5050]  }
0xa6: {  	v36 =	vadd.f32 v36, v39;
	v37 =	vadd.f32 v25, v37;
	v25 =	vld [tilespmem:s15+$0x4040]  }
0xa7: {  	v33 =	vadd.f32 v33, v35;
	v38 =	vadd.f32 v26, v38;
	v26 =	vld [tilespmem:s15+$0x4050]  }
0xa8: {  	v34 =	vadd.f32 v34, v36;
	v62 =	vadd.f32 v27, v37;
	v27 =	vld [tilespmem:s15+$0x4060]  }
0xa9: {  	v33 =	vadd.f32 v29, v33;
	v63 =	vadd.f32 v24, v38;
	v24 =	vld [tilespmem:s15+$0x4070]  }
0xaa: {  	v34 =	vadd.f32 v31, v34;
	v35 =	vadd.f32 v28, v62;
	v28 =	vld [tilespmem:s15+$0x3040]  }
0xab: {  	v30 =	vadd.f32 v30, v33;
	v29 =	vadd.f32 v18, v63;
	v18 =	vld [tilespmem:s15+$0x3050]  }
0xac: {  	s18 =	simm.s32 $0x200;
	v32 =	vadd.f32 v32, v34;
	v31 =	vadd.f32 v19, v35;
	v19 =	vld [tilespmem:s15+$0x3060]  }
.LBB2_3:
0xad: {  	p1 =	sne.s32 s18, $0x3E00;
	v11 =	vadd.f32 v11, v29;
	v15 =	vadd.f32 v15, v30;
	v29 =	vld [tilespmem:s15+$0x3070]  }
0xae: {  	v10 =	vadd.f32 v10, v31;
	v14 =	vadd.f32 v14, v32;
	v30 =	vld [tilespmem:s15+$0x5060]  }
0xaf: {  	v8 =	vadd.f32 v8, v15;
	v15 =	vadd.f32 v25, v28;
	v25 =	vld [tilespmem:s15+$0x5070]  }
0xb0: {  	v7 =	vadd.f32 v7, v14;
	v14 =	vadd.f32 v26, v18;
	v18 =	vld [tilespmem:s15+$0x6060]  }
0xb1: {  	v15 =	vadd.f32 v22, v15;
	v19 =	vadd.f32 v27, v19;
	v22 =	vld [tilespmem:s15+$0x6070]  }
0xb2: {  	v14 =	vadd.f32 v23, v14;
	v23 =	vld [tilespmem:s15+$0x7060];
	v24 =	vadd.f32 v24, v29  }
0xb3: {  	v15 =	vadd.f32 v20, v15;
	v19 =	vadd.f32 v30, v19;
	v20 =	vld [tilespmem:s15+$0x7070]  }
0xb4: {  	v14 =	vadd.f32 v21, v14;
	v21 =	vld [tilespmem:s15+$0x8060];
	v24 =	vadd.f32 v25, v24  }
0xb5: {  	v15 =	vadd.f32 v16, v15;
	v16 =	vadd.f32 v18, v19;
	v18 =	vld [tilespmem:s15+$0x8070]  }
0xb6: {  	v14 =	vadd.f32 v17, v14;
	v17 =	vld [tilespmem:s15+$0x9060];
	v19 =	vadd.f32 v22, v24  }
0xb7: {  	v13 =	vadd.f32 v13, v15;
	v15 =	vadd.f32 v23, v16;
	v16 =	vld [tilespmem:s15+$0x9070]  }
0xb8: {  	v12 =	vadd.f32 v12, v14;
	v14 =	vld [tilespmem:s15+$0xA060];
	v19 =	vadd.f32 v20, v19  }
0xb9: {  	v9 =	vadd.f32 v9, v13;
	v13 =	vadd.f32 v21, v15;
	v15 =	vld [tilespmem:s15+$0xA070]  }
0xba: {  	v6 =	vadd.f32 v6, v12;
	v12 =	vld [tilespmem:s15+$0xB060];
	v18 =	vadd.f32 v18, v19  }
0xbb: {  	v5 =	vadd.f32 v5, v9;
	v9 =	vadd.f32 v17, v13;
	v13 =	vld [tilespmem:s15+$0xB070]  }
0xbc: {  	v4 =	vadd.f32 v4, v6;
	v6 =	vld [tilespmem:s15+$0xC060];
	v16 =	vadd.f32 v16, v18  }
0xbd: {  	s20 =	sshra.s32 s18, $0x2;
	[tilespmem:s15+$0x3000] =	vst v11;
	v3 =	vadd.f32 v3, v5;
	v5 =	vadd.f32 v14, v9;
	v9 =	vld [tilespmem:s15+$0xC070]  }
0xbe: {  	v11 =	vld [tilespmem:s20+$0xC000];
	[tilespmem:s15+$0x3010] =	vst v10;
	v2 =	vadd.f32 v2, v4;
	v4 =	vadd.f32 v15, v16  }
0xbf: {  	v10 =	vld [tilespmem:s20+$0xC010];
	[tilespmem:s15+$0x3020] =	vst v8;
	v1 =	vadd.f32 v1, v3;
	v3 =	vadd.f32 v12, v5  }
0xc0: {  	v8 =	vld [tilespmem:s20+$0xC020];
	[tilespmem:s15+$0x3030] =	vst v7;
	v0 =	vadd.f32 v0, v2;
	v2 =	vadd.f32 v13, v4  }
0xc1: {  	v7 =	vld [tilespmem:s20+$0xC030];
	[tilespmem:s15+$0x3040] =	vst v1;
	v3 =	vadd.f32 v6, v3  }
0xc2: {  	v1 =	vld [tilespmem:s20+$0xC040];
	[tilespmem:s15+$0x3050] =	vst v0;
	v2 =	vadd.f32 v9, v2  }
0xc3: {  	v0 =	vld [tilespmem:s20+$0xC050];
	[tilespmem:s15+$0x3060] =	vst v3  }
0xc4: {  	v18 =	vld [tilespmem:s20+$0xB000];
	[tilespmem:s15+$0x3070] =	vst v2;
	s15 =	smov.u32 s20  }
0xc5: {  	v19 =	vld [tilespmem:s15+$0xB010]  }
0xc6: {  	v15 =	vld [tilespmem:s15+$0xB020]  }
0xc7: {  	v14 =	vld [tilespmem:s15+$0xB030]  }
0xc8: {  	v3 =	vld [tilespmem:s15+$0xB040]  }
0xc9: {  	v2 =	vld [tilespmem:s15+$0xB050]  }
0xca: {  	v24 =	vld [tilespmem:s15+$0xA000]  }
0xcb: {  	v28 =	vld [tilespmem:s15+$0xA010]  }
0xcc: {  	v30 =	vld [tilespmem:s15+$0xA020]  }
0xcd: {  	v32 =	vld [tilespmem:s15+$0xA030]  }
0xce: {  	v5 =	vld [tilespmem:s15+$0xA040]  }
0xcf: {  	v4 =	vld [tilespmem:s15+$0xA050]  }
0xd0: {  	v26 =	vld [tilespmem:s15+$0x9000]  }
0xd1: {  	v27 =	vld [tilespmem:s15+$0x9010]  }
0xd2: {  	v29 =	vld [tilespmem:s15+$0x9020]  }
0xd3: {  	v31 =	vld [tilespmem:s15+$0x9030]  }
0xd4: {  	v9 =	vld [tilespmem:s15+$0x9040]  }
0xd5: {  	v6 =	vld [tilespmem:s15+$0x9050]  }
0xd6: {  	v23 =	vld [tilespmem:s15+$0x8000]  }
0xd7: {  	v25 =	vld [tilespmem:s15+$0x8010]  }
0xd8: {  	v33 =	vld [tilespmem:s15+$0x8020]  }
0xd9: {  	v34 =	vld [tilespmem:s15+$0x8030]  }
0xda: {  	v13 =	vld [tilespmem:s15+$0x8040]  }
0xdb: {  	v12 =	vld [tilespmem:s15+$0x8050]  }
0xdc: {  	v21 =	vld [tilespmem:s15+$0x7000]  }
0xdd: {  	v22 =	vld [tilespmem:s15+$0x7010]  }
0xde: {  	v35 =	vld [tilespmem:s15+$0x7020]  }
0xdf: {  	v36 =	vld [tilespmem:s15+$0x7030]  }
0xe0: {  	v17 =	vld [tilespmem:s15+$0x6000]  }
0xe1: {  	v20 =	vld [tilespmem:s15+$0x6010]  }
0xe2: {  	v16 =	vld [tilespmem:s15+$0x5000]  }
0xe3: {  	v37 =	vld [tilespmem:s15+$0x5010]  }
0xe4: {  	v38 =	vld [tilespmem:s15+$0x4000]  }
0xe5: {  	v39 =	vld [tilespmem:s15+$0x4010]  }
0xe6: {  	v40 =	vld [tilespmem:s15+$0x4020]  }
0xe7: {  	v41 =	vld [tilespmem:s15+$0x4030]  }
0xe8: {  	v42 =	vld [tilespmem:s15+$0x3000]  }
0xe9: {  	v43 =	vld [tilespmem:s15+$0x3010]  }
0xea: {  	v44 =	vld [tilespmem:s15+$0x3020]  }
0xeb: {  	v45 =	vld [tilespmem:s15+$0x3030]  }
0xec: {  	v46 =	vld [tilespmem:s15+$0x5020]  }
0xed: {  	v38 =	vadd.f32 v38, v42;
	v42 =	vld [tilespmem:s15+$0x5030]  }
0xee: {  	v39 =	vadd.f32 v39, v43;
	v43 =	vld [tilespmem:s15+$0x6020]  }
0xef: {  	v38 =	vadd.f32 v16, v38;
	v40 =	vadd.f32 v40, v44;
	v44 =	vld [tilespmem:s15+$0x6030]  }
0xf0: {  	v37 =	vadd.f32 v37, v39;
	v39 =	vadd.f32 v41, v45;
	v16 =	vld [tilespmem:s15+$0x7040]  }
0xf1: {  	v38 =	vadd.f32 v17, v38;
	v40 =	vadd.f32 v46, v40;
	v17 =	vld [tilespmem:s15+$0x7050]  }
0xf2: {  	v37 =	vadd.f32 v20, v37;
	v39 =	vadd.f32 v42, v39;
	v20 =	vld [tilespmem:s15+$0x6040]  }
0xf3: {  	v38 =	vadd.f32 v21, v38;
	v40 =	vadd.f32 v43, v40;
	v21 =	vld [tilespmem:s15+$0x6050]  }
0xf4: {  	v37 =	vadd.f32 v22, v37;
	v39 =	vadd.f32 v44, v39;
	v22 =	vld [tilespmem:s15+$0x5040]  }
0xf5: {  	v38 =	vadd.f32 v23, v38;
	v35 =	vadd.f32 v35, v40;
	v23 =	vld [tilespmem:s15+$0x5050]  }
0xf6: {  	v37 =	vadd.f32 v25, v37;
	v36 =	vadd.f32 v36, v39;
	v25 =	vld [tilespmem:s15+$0x4040]  }
0xf7: {  	v38 =	vadd.f32 v26, v38;
	v33 =	vadd.f32 v33, v35;
	v26 =	vld [tilespmem:s15+$0x4050]  }
.Ltmp0:
0xf8: {  	v35 =	vadd.f32 v27, v37;
	v34 =	vadd.f32 v34, v36;
	v27 =	vld [tilespmem:s15+$0x4060];
	(pc) =	sbr.rel @p1 .LBB2_3-.Ltmp0, $4  }
0xf9: {  	v36 =	vadd.f32 v24, v38;
	v33 =	vadd.f32 v29, v33;
	v24 =	vld [tilespmem:s15+$0x4070]  }
0xfa: {  	v35 =	vadd.f32 v28, v35;
	v34 =	vadd.f32 v31, v34;
	v28 =	vld [tilespmem:s15+$0x3040]  }
0xfb: {  	v29 =	vadd.f32 v18, v36;
	v30 =	vadd.f32 v30, v33;
	v18 =	vld [tilespmem:s15+$0x3050]  }
0xfc: {  	s18 =	sadd.s32 $0x200, s18;
	v31 =	vadd.f32 v19, v35;
	v32 =	vadd.f32 v32, v34;
	v19 =	vld [tilespmem:s15+$0x3060]  }
0xfd: {  	v33 =	vld [tilespmem:s15+$0x3070];
	v11 =	vadd.f32 v11, v29;
	v15 =	vadd.f32 v15, v30  }
0xfe: {  	v29 =	vld [tilespmem:s15+$0x5060];
	v10 =	vadd.f32 v10, v31;
	v14 =	vadd.f32 v14, v32  }
0xff: {  	v30 =	vld [tilespmem:s15+$0x5070];
	v8 =	vadd.f32 v8, v15;
	v15 =	vadd.f32 v25, v28  }
0x100: {  	v25 =	vld [tilespmem:s15+$0x6060];
	v7 =	vadd.f32 v7, v14;
	v14 =	vadd.f32 v26, v18  }
0x101: {  	v18 =	vld [tilespmem:s15+$0x6070];
	v15 =	vadd.f32 v22, v15;
	v19 =	vadd.f32 v27, v19  }
0x102: {  	v22 =	vld [tilespmem:s15+$0x7060];
	v14 =	vadd.f32 v23, v14;
	v23 =	vadd.f32 v24, v33  }
0x103: {  	v24 =	vld [tilespmem:s15+$0x7070];
	v15 =	vadd.f32 v20, v15;
	v19 =	vadd.f32 v29, v19  }
0x104: {  	v20 =	vld [tilespmem:s15+$0x8060];
	v14 =	vadd.f32 v21, v14;
	v21 =	vadd.f32 v30, v23  }
0x105: {  	v23 =	vld [tilespmem:s15+$0x8070];
	v15 =	vadd.f32 v16, v15;
	v16 =	vadd.f32 v25, v19  }
0x106: {  	v19 =	vld [tilespmem:s15+$0x9060];
	v14 =	vadd.f32 v17, v14;
	v17 =	vadd.f32 v18, v21  }
0x107: {  	v18 =	vld [tilespmem:s15+$0x9070];
	v13 =	vadd.f32 v13, v15;
	v15 =	vadd.f32 v22, v16  }
0x108: {  	v16 =	vld [tilespmem:s15+$0xA060];
	v12 =	vadd.f32 v12, v14;
	v14 =	vadd.f32 v24, v17  }
0x109: {  	v17 =	vld [tilespmem:s15+$0xA070];
	v9 =	vadd.f32 v9, v13;
	v13 =	vadd.f32 v20, v15  }
0x10a: {  	v15 =	vld [tilespmem:s15+$0xB060];
	v6 =	vadd.f32 v6, v12;
	v12 =	vadd.f32 v23, v14  }
0x10b: {  	v14 =	vld [tilespmem:s15+$0xB070];
	v5 =	vadd.f32 v5, v9;
	v9 =	vadd.f32 v19, v13  }
0x10c: {  	v13 =	vld [tilespmem:s15+$0xC060];
	v4 =	vadd.f32 v4, v6;
	v6 =	vadd.f32 v18, v12  }
0x10d: {  	[tilespmem:s15+$0x3000] =	vst v11;
	v3 =	vadd.f32 v3, v5;
	v5 =	vadd.f32 v16, v9;
	v9 =	vld [tilespmem:s15+$0xC070]  }
0x10e: {  	[tilespmem:s15+$0x3010] =	vst v10;
	v2 =	vadd.f32 v2, v4;
	v4 =	vadd.f32 v17, v6  }
0x10f: {  	[tilespmem:s15+$0x3020] =	vst v8;
	v1 =	vadd.f32 v1, v3;
	v3 =	vadd.f32 v15, v5  }
0x110: {  	[tilespmem:s15+$0x3030] =	vst v7;
	v0 =	vadd.f32 v0, v2;
	v2 =	vadd.f32 v14, v4  }
0x111: {  	s18 =	sshll.u32 s31, $0xD;
	[tilespmem:s15+$0x3040] =	vst v1;
	v1 =	vadd.f32 v13, v3  }
0x112: {  	s18 =	sadd.s32 s12, s18;
	[tilespmem:s15+$0x3050] =	vst v0;
	v0 =	vadd.f32 v9, v2  }
0x113: {  	s18 =	sshrl.u32 s18, $0x3;
	[tilespmem:s15+$0x3060] =	vst v1  }
0x114: {  	s20 =	sadd.s32 s6, s18;
	[tilespmem:s15+$0x3070] =	vst v0  }
0x115: {  	[hbm4b:s20+s4] =	stream.linear.scatter [tilespmem:s17], [sflag:$0x5], $0x1000, $0x38;
	[tilespmem:$0x17000] =	vst v63  }
0x116: {  	s20 =	sadd.s32 s7, s18  }
0x117: {  	[hbm4b:s20+s4] =	stream.linear.scatter [tilespmem:s19], [sflag:$0x5], $0x1000, $0x38;
	[tilespmem:$0x17000] =	vst v63  }
0x118: {  	_ =	swait.ge [sflag:s24], $0x1000  }
0x119: {  	[sflag:s24] =	ssyncset.done $0x0  }
0x11a: {  	[sflag:s24] =	ssyncadd.s32 $0xFFFFF000  }
0x11b: {  	_ =	swait.ge [sflag:s24], $0x1000  }
0x11c: {  	[sflag:s24] =	ssyncset.done $0x0  }
0x11d: {  	s15 =	simm.s32 @!p0 $0x1;
	[sflag:s24] =	ssyncadd.s32 $0xFFFFF000  }
0x11e: {  	_ =	swait.ge @!p0 [sflag:s15], $0x580  }
0x11f: {  	s18 =	simm.s32 @!p0 $0x0;
	[sflag:s15] =	ssyncset.done @!p0 $0x0  }
0x120: {  	s20 =	simm.s32 @!p0 $0x1000;
	[sflag:s15] =	ssyncadd.s32 @!p0 $0xFFFFFA80;
	s15 =	simm.s32 @!p0 $0x20  }
0x121: {  	[tilespmem:s20], [sflag:$0x3] =	stream.indirect.gather @!p0 [hbm4b:s2+s15], $0x80, s18, s15, $0xb8;
	[tilespmem:$0x17000] =	vst v63  }
0x122: {  	s18 =	simm.s32 @!p0 $0x80;
	s20 =	simm.s32 @!p0 $0x3000  }
0x123: {  	[tilespmem:s20], [sflag:$0x3] =	stream.indirect.gather @!p0 [hbm4b:s2+s15], $0x80, s18, s15, $0xb8;
	[tilespmem:$0x17000] =	vst v63  }
0x124: {  	s18 =	simm.s32 @!p0 $0x100;
	s20 =	simm.s32 @!p0 $0x4000  }
0x125: {  	[tilespmem:s20], [sflag:$0x3] =	stream.indirect.gather @!p0 [hbm4b:s2+s15], $0x80, s18, s15, $0xb8;
	[tilespmem:$0x17000] =	vst v63  }
0x126: {  	s18 =	simm.s32 @!p0 $0x180;
	s20 =	simm.s32 @!p0 $0x5000  }
0x127: {  	[tilespmem:s20], [sflag:$0x3] =	stream.indirect.gather @!p0 [hbm4b:s2+s15], $0x80, s18, s15, $0xb8;
	[tilespmem:$0x17000] =	vst v63  }
0x128: {  	s18 =	simm.s32 @!p0 $0x200;
	s20 =	simm.s32 @!p0 $0x6000  }
0x129: {  	[tilespmem:s20], [sflag:$0x3] =	stream.indirect.gather @!p0 [hbm4b:s2+s15], $0x80, s18, s15, $0xb8;
	[tilespmem:$0x17000] =	vst v63  }
0x12a: {  	s18 =	simm.s32 @!p0 $0x280;
	s20 =	simm.s32 @!p0 $0x7000  }
0x12b: {  	[tilespmem:s20], [sflag:$0x3] =	stream.indirect.gather @!p0 [hbm4b:s2+s15], $0x80, s18, s15, $0xb8;
	[tilespmem:$0x17000] =	vst v63  }
0x12c: {  	s18 =	simm.s32 @!p0 $0x300;
	s20 =	simm.s32 @!p0 $0x8000  }
0x12d: {  	[tilespmem:s20], [sflag:$0x3] =	stream.indirect.gather @!p0 [hbm4b:s2+s15], $0x80, s18, s15, $0xb8;
	[tilespmem:$0x17000] =	vst v63  }
0x12e: {  	s18 =	simm.s32 @!p0 $0x380;
	s20 =	simm.s32 @!p0 $0x9000  }
0x12f: {  	[tilespmem:s20], [sflag:$0x3] =	stream.indirect.gather @!p0 [hbm4b:s2+s15], $0x80, s18, s15, $0xb8;
	[tilespmem:$0x17000] =	vst v63  }
0x130: {  	s18 =	simm.s32 @!p0 $0x400;
	s20 =	simm.s32 @!p0 $0xA000  }
0x131: {  	[tilespmem:s20], [sflag:$0x3] =	stream.indirect.gather @!p0 [hbm4b:s2+s15], $0x80, s18, s15, $0xb8;
	[tilespmem:$0x17000] =	vst v63  }
0x132: {  	s18 =	simm.s32 @!p0 $0x480;
	s20 =	simm.s32 @!p0 $0xB000  }
0x133: {  	[tilespmem:s20], [sflag:$0x3] =	stream.indirect.gather @!p0 [hbm4b:s2+s15], $0x80, s18, s15, $0xb8;
	[tilespmem:$0x17000] =	vst v63  }
0x134: {  	s18 =	simm.s32 @!p0 $0x500;
	s20 =	simm.s32 @!p0 $0xC000  }
0x135: {  	[tilespmem:s20], [sflag:$0x3] =	stream.indirect.gather @!p0 [hbm4b:s2+s15], $0x80, s18, s15, $0xb8;
	[tilespmem:$0x17000] =	vst v63  }
0x136: {  	_ =	swait.ge [sflag:s25], $0x1000  }
0x137: {  	[sflag:s25] =	ssyncset.done $0x0  }
0x138: {  	[sflag:s25] =	ssyncadd.s32 $0xFFFFF000  }
0x139: {  	_ =	swait.ge [sflag:s25], $0x1000  }
0x13a: {  	[sflag:s25] =	ssyncset.done $0x0  }
0x13b: {  	[sflag:s25] =	ssyncadd.s32 $0xFFFFF000  }
0x13c: {  	_ =	swait.ge [sflag:s25], $0x1000  }
0x13d: {  	[sflag:s25] =	ssyncset.done $0x0  }
0x13e: {  	[sflag:s25] =	ssyncadd.s32 $0xFFFFF000  }
0x13f: {  	_ =	swait.ge [sflag:s25], $0x1000  }
0x140: {  	[sflag:s25] =	ssyncset.done $0x0  }
0x141: {  	[sflag:s25] =	ssyncadd.s32 $0xFFFFF000  }
0x142: {  	_ =	swait.ge [sflag:s25], $0x1000  }
0x143: {  	[sflag:s25] =	ssyncset.done $0x0  }
0x144: {  	[sflag:s25] =	ssyncadd.s32 $0xFFFFF000  }
0x145: {  	_ =	swait.ge [sflag:s25], $0x1000  }
0x146: {  	[sflag:s25] =	ssyncset.done $0x0  }
0x147: {  	[sflag:s25] =	ssyncadd.s32 $0xFFFFF000  }
0x148: {  	_ =	swait.ge [sflag:s25], $0x1000  }
0x149: {  	[sflag:s25] =	ssyncset.done $0x0  }
0x14a: {  	[sflag:s25] =	ssyncadd.s32 $0xFFFFF000  }
0x14b: {  	_ =	swait.ge [sflag:s25], $0x1000  }
0x14c: {  	[sflag:s25] =	ssyncset.done $0x0  }
0x14d: {  	[sflag:s25] =	ssyncadd.s32 $0xFFFFF000  }
0x14e: {  	_ =	swait.ge [sflag:s25], $0x1000  }
0x14f: {  	[sflag:s25] =	ssyncset.done $0x0  }
0x150: {  	[sflag:s25] =	ssyncadd.s32 $0xFFFFF000  }
0x151: {  	_ =	swait.ge [sflag:s25], $0x1000  }
0x152: {  	s1 =	sadd.s32 $0x3, s1;
	[sflag:s25] =	ssyncset.done $0x0  }
0x153: {  	p0 =	sge.u32 s1, s8;
	[sflag:s25] =	ssyncadd.s32 $0xFFFFF000  }
0x154: {  	s1 =	sadd.s32 @!p0 s5, s1;
	_ =	swait.ge [sflag:s25], $0x1000  }
0x155: {  	s15 =	simm.s32 @!p0 $0x0;
	s1 =	sshll.u32 @!p0 s1, $0x8;
	[sflag:s25] =	ssyncset.done $0x0  }
0x156: {  	s18 =	simm.s32 @!p0 $0x800;
	s1 =	sadd.s32 @!p0 s3, s1;
	[sflag:s25] =	ssyncadd.s32 $0xFFFFF000  }
0x157: {  	[tilespmem:s18], [sflag:$0x2] =	stream.linear.gather @!p0 [hbm4b:s1+s15], $0x580, $0x38;
	[tilespmem:$0x17000] =	vst v63  }
0x158: {  	s1 =	simm.s32 $0x0  }
0x159: {  	v11 =	vld [tilespmem:s1+$0x16000]  }
0x15a: {  	v10 =	vld [tilespmem:s1+$0x16010]  }
0x15b: {  	v8 =	vld [tilespmem:s1+$0x16020]  }
0x15c: {  	v7 =	vld [tilespmem:s1+$0x16030]  }
0x15d: {  	v1 =	vld [tilespmem:s1+$0x16040]  }
0x15e: {  	v0 =	vld [tilespmem:s1+$0x16050]  }
0x15f: {  	v18 =	vld [tilespmem:s1+$0x15000]  }
0x160: {  	v19 =	vld [tilespmem:s1+$0x15010]  }
0x161: {  	v15 =	vld [tilespmem:s1+$0x15020]  }
0x162: {  	v14 =	vld [tilespmem:s1+$0x15030]  }
0x163: {  	v3 =	vld [tilespmem:s1+$0x15040]  }
0x164: {  	v2 =	vld [tilespmem:s1+$0x15050]  }
0x165: {  	v24 =	vld [tilespmem:s1+$0x14000]  }
0x166: {  	v28 =	vld [tilespmem:s1+$0x14010]  }
0x167: {  	v30 =	vld [tilespmem:s1+$0x14020]  }
0x168: {  	v56 =	vld [tilespmem:s1+$0x14030]  }
0x169: {  	v5 =	vld [tilespmem:s1+$0x14040]  }
0x16a: {  	v4 =	vld [tilespmem:s1+$0x14050]  }
0x16b: {  	v26 =	vld [tilespmem:s1+$0x13000]  }
0x16c: {  	v27 =	vld [tilespmem:s1+$0x13010]  }
0x16d: {  	v29 =	vld [tilespmem:s1+$0x13020]  }
0x16e: {  	v31 =	vld [tilespmem:s1+$0x13030]  }
0x16f: {  	v9 =	vld [tilespmem:s1+$0x13040]  }
0x170: {  	v6 =	vld [tilespmem:s1+$0x13050]  }
0x171: {  	v23 =	vld [tilespmem:s1+$0x12000]  }
0x172: {  	v25 =	vld [tilespmem:s1+$0x12010]  }
0x173: {  	v57 =	vld [tilespmem:s1+$0x12020]  }
0x174: {  	v34 =	vld [tilespmem:s1+$0x12030]  }
0x175: {  	v13 =	vld [tilespmem:s1+$0x12040]  }
0x176: {  	v12 =	vld [tilespmem:s1+$0x12050]  }
0x177: {  	v21 =	vld [tilespmem:s1+$0x11000]  }
0x178: {  	v22 =	vld [tilespmem:s1+$0x11010]  }
0x179: {  	v35 =	vld [tilespmem:s1+$0x11020]  }
0x17a: {  	v36 =	vld [tilespmem:s1+$0x11030]  }
0x17b: {  	v17 =	vld [tilespmem:s1+$0x10000]  }
0x17c: {  	v20 =	vld [tilespmem:s1+$0x10010]  }
0x17d: {  	v16 =	vld [tilespmem:s1+$0xF000]  }
0x17e: {  	v37 =	vld [tilespmem:s1+$0xF010]  }
0x17f: {  	v38 =	vld [tilespmem:s1+$0xE000]  }
0x180: {  	v39 =	vld [tilespmem:s1+$0xE010]  }
0x181: {  	v40 =	vld [tilespmem:s1+$0xE020]  }
0x182: {  	v41 =	vld [tilespmem:s1+$0xE030]  }
0x183: {  	v42 =	vld [tilespmem:s1+$0xD000]  }
0x184: {  	v43 =	vld [tilespmem:s1+$0xD010]  }
0x185: {  	v44 =	vld [tilespmem:s1+$0xD020]  }
0x186: {  	v45 =	vld [tilespmem:s1+$0xD030]  }
0x187: {  	v46 =	vld [tilespmem:s1+$0xF020]  }
0x188: {  	v58 =	vld [tilespmem:s1+$0xF030];
	v38 =	vadd.f32 v38, v42  }
0x189: {  	v59 =	vld [tilespmem:s1+$0x10020];
	v39 =	vadd.f32 v39, v43  }
0x18a: {  	v60 =	vld [tilespmem:s1+$0x10030];
	v40 =	vadd.f32 v40, v44;
	v38 =	vadd.f32 v16, v38  }
0x18b: {  	v61 =	vadd.f32 v41, v45;
	v37 =	vadd.f32 v37, v39;
	v16 =	vld [tilespmem:s1+$0x11040]  }
0x18c: {  	v40 =	vadd.f32 v46, v40;
	v38 =	vadd.f32 v17, v38;
	v17 =	vld [tilespmem:s1+$0x11050]  }
0x18d: {  	v39 =	vadd.f32 v58, v61;
	v37 =	vadd.f32 v20, v37;
	v20 =	vld [tilespmem:s1+$0x10040]  }
0x18e: {  	v40 =	vadd.f32 v59, v40;
	v38 =	vadd.f32 v21, v38;
	v21 =	vld [tilespmem:s1+$0x10050]  }
0x18f: {  	v39 =	vadd.f32 v60, v39;
	v37 =	vadd.f32 v22, v37;
	v22 =	vld [tilespmem:s1+$0xF040]  }
0x190: {  	v35 =	vadd.f32 v35, v40;
	v38 =	vadd.f32 v23, v38;
	v23 =	vld [tilespmem:s1+$0xF050]  }
0x191: {  	v36 =	vadd.f32 v36, v39;
	v37 =	vadd.f32 v25, v37;
	v25 =	vld [tilespmem:s1+$0xE040]  }
0x192: {  	v33 =	vadd.f32 v57, v35;
	v38 =	vadd.f32 v26, v38;
	v26 =	vld [tilespmem:s1+$0xE050]  }
0x193: {  	v34 =	vadd.f32 v34, v36;
	v62 =	vadd.f32 v27, v37;
	v27 =	vld [tilespmem:s1+$0xE060]  }
0x194: {  	v33 =	vadd.f32 v29, v33;
	v63 =	vadd.f32 v24, v38;
	v24 =	vld [tilespmem:s1+$0xE070]  }
0x195: {  	v34 =	vadd.f32 v31, v34;
	v35 =	vadd.f32 v28, v62;
	v28 =	vld [tilespmem:s1+$0xD040]  }
0x196: {  	v30 =	vadd.f32 v30, v33;
	v29 =	vadd.f32 v18, v63;
	v18 =	vld [tilespmem:s1+$0xD050]  }
0x197: {  	s15 =	simm.s32 $0x200;
	v32 =	vadd.f32 v56, v34;
	v31 =	vadd.f32 v19, v35;
	v19 =	vld [tilespmem:s1+$0xD060]  }
.LBB2_5:
0x198: {  	p0 =	sne.s32 s15, $0x3E00;
	v11 =	vadd.f32 v11, v29;
	v15 =	vadd.f32 v15, v30;
	v29 =	vld [tilespmem:s1+$0xD070]  }
0x199: {  	v10 =	vadd.f32 v10, v31;
	v14 =	vadd.f32 v14, v32;
	v30 =	vld [tilespmem:s1+$0xF060]  }
0x19a: {  	v8 =	vadd.f32 v8, v15;
	v15 =	vadd.f32 v25, v28;
	v25 =	vld [tilespmem:s1+$0xF070]  }
0x19b: {  	v7 =	vadd.f32 v7, v14;
	v14 =	vadd.f32 v26, v18;
	v18 =	vld [tilespmem:s1+$0x10060]  }
0x19c: {  	v15 =	vadd.f32 v22, v15;
	v19 =	vadd.f32 v27, v19;
	v22 =	vld [tilespmem:s1+$0x10070]  }
0x19d: {  	v14 =	vadd.f32 v23, v14;
	v23 =	vld [tilespmem:s1+$0x11060];
	v24 =	vadd.f32 v24, v29  }
0x19e: {  	v15 =	vadd.f32 v20, v15;
	v19 =	vadd.f32 v30, v19;
	v20 =	vld [tilespmem:s1+$0x11070]  }
0x19f: {  	v14 =	vadd.f32 v21, v14;
	v21 =	vld [tilespmem:s1+$0x12060];
	v24 =	vadd.f32 v25, v24  }
0x1a0: {  	v15 =	vadd.f32 v16, v15;
	v16 =	vadd.f32 v18, v19;
	v18 =	vld [tilespmem:s1+$0x12070]  }
0x1a1: {  	v14 =	vadd.f32 v17, v14;
	v17 =	vld [tilespmem:s1+$0x13060];
	v19 =	vadd.f32 v22, v24  }
0x1a2: {  	v13 =	vadd.f32 v13, v15;
	v15 =	vadd.f32 v23, v16;
	v16 =	vld [tilespmem:s1+$0x13070]  }
0x1a3: {  	v12 =	vadd.f32 v12, v14;
	v14 =	vld [tilespmem:s1+$0x14060];
	v19 =	vadd.f32 v20, v19  }
0x1a4: {  	v9 =	vadd.f32 v9, v13;
	v13 =	vadd.f32 v21, v15;
	v15 =	vld [tilespmem:s1+$0x14070]  }
0x1a5: {  	v6 =	vadd.f32 v6, v12;
	v12 =	vld [tilespmem:s1+$0x15060];
	v18 =	vadd.f32 v18, v19  }
0x1a6: {  	v5 =	vadd.f32 v5, v9;
	v9 =	vadd.f32 v17, v13;
	v13 =	vld [tilespmem:s1+$0x15070]  }
0x1a7: {  	v4 =	vadd.f32 v4, v6;
	v6 =	vld [tilespmem:s1+$0x16060];
	v16 =	vadd.f32 v16, v18  }
0x1a8: {  	s18 =	sshra.s32 s15, $0x2;
	[tilespmem:s1+$0xD000] =	vst v11;
	v3 =	vadd.f32 v3, v5;
	v5 =	vadd.f32 v14, v9;
	v9 =	vld [tilespmem:s1+$0x16070]  }
0x1a9: {  	v11 =	vld [tilespmem:s18+$0x16000];
	[tilespmem:s1+$0xD010] =	vst v10;
	v2 =	vadd.f32 v2, v4;
	v4 =	vadd.f32 v15, v16  }
0x1aa: {  	v10 =	vld [tilespmem:s18+$0x16010];
	[tilespmem:s1+$0xD020] =	vst v8;
	v1 =	vadd.f32 v1, v3;
	v3 =	vadd.f32 v12, v5  }
0x1ab: {  	v8 =	vld [tilespmem:s18+$0x16020];
	[tilespmem:s1+$0xD030] =	vst v7;
	v0 =	vadd.f32 v0, v2;
	v2 =	vadd.f32 v13, v4  }
0x1ac: {  	v7 =	vld [tilespmem:s18+$0x16030];
	[tilespmem:s1+$0xD040] =	vst v1;
	v3 =	vadd.f32 v6, v3  }
0x1ad: {  	v1 =	vld [tilespmem:s18+$0x16040];
	[tilespmem:s1+$0xD050] =	vst v0;
	v2 =	vadd.f32 v9, v2  }
0x1ae: {  	v0 =	vld [tilespmem:s18+$0x16050];
	[tilespmem:s1+$0xD060] =	vst v3  }
0x1af: {  	v18 =	vld [tilespmem:s18+$0x15000];
	[tilespmem:s1+$0xD070] =	vst v2;
	s1 =	smov.u32 s18  }
0x1b0: {  	v19 =	vld [tilespmem:s1+$0x15010]  }
0x1b1: {  	v15 =	vld [tilespmem:s1+$0x15020]  }
0x1b2: {  	v14 =	vld [tilespmem:s1+$0x15030]  }
0x1b3: {  	v3 =	vld [tilespmem:s1+$0x15040]  }
0x1b4: {  	v2 =	vld [tilespmem:s1+$0x15050]  }
0x1b5: {  	v24 =	vld [tilespmem:s1+$0x14000]  }
0x1b6: {  	v28 =	vld [tilespmem:s1+$0x14010]  }
0x1b7: {  	v30 =	vld [tilespmem:s1+$0x14020]  }
0x1b8: {  	v32 =	vld [tilespmem:s1+$0x14030]  }
0x1b9: {  	v5 =	vld [tilespmem:s1+$0x14040]  }
0x1ba: {  	v4 =	vld [tilespmem:s1+$0x14050]  }
0x1bb: {  	v26 =	vld [tilespmem:s1+$0x13000]  }
0x1bc: {  	v27 =	vld [tilespmem:s1+$0x13010]  }
0x1bd: {  	v29 =	vld [tilespmem:s1+$0x13020]  }
0x1be: {  	v31 =	vld [tilespmem:s1+$0x13030]  }
0x1bf: {  	v9 =	vld [tilespmem:s1+$0x13040]  }
0x1c0: {  	v6 =	vld [tilespmem:s1+$0x13050]  }
0x1c1: {  	v23 =	vld [tilespmem:s1+$0x12000]  }
0x1c2: {  	v25 =	vld [tilespmem:s1+$0x12010]  }
0x1c3: {  	v33 =	vld [tilespmem:s1+$0x12020]  }
0x1c4: {  	v34 =	vld [tilespmem:s1+$0x12030]  }
0x1c5: {  	v13 =	vld [tilespmem:s1+$0x12040]  }
0x1c6: {  	v12 =	vld [tilespmem:s1+$0x12050]  }
0x1c7: {  	v21 =	vld [tilespmem:s1+$0x11000]  }
0x1c8: {  	v22 =	vld [tilespmem:s1+$0x11010]  }
0x1c9: {  	v35 =	vld [tilespmem:s1+$0x11020]  }
0x1ca: {  	v36 =	vld [tilespmem:s1+$0x11030]  }
0x1cb: {  	v17 =	vld [tilespmem:s1+$0x10000]  }
0x1cc: {  	v20 =	vld [tilespmem:s1+$0x10010]  }
0x1cd: {  	v16 =	vld [tilespmem:s1+$0xF000]  }
0x1ce: {  	v37 =	vld [tilespmem:s1+$0xF010]  }
0x1cf: {  	v38 =	vld [tilespmem:s1+$0xE000]  }
0x1d0: {  	v39 =	vld [tilespmem:s1+$0xE010]  }
0x1d1: {  	v40 =	vld [tilespmem:s1+$0xE020]  }
0x1d2: {  	v41 =	vld [tilespmem:s1+$0xE030]  }
0x1d3: {  	v42 =	vld [tilespmem:s1+$0xD000]  }
0x1d4: {  	v43 =	vld [tilespmem:s1+$0xD010]  }
0x1d5: {  	v44 =	vld [tilespmem:s1+$0xD020]  }
0x1d6: {  	v45 =	vld [tilespmem:s1+$0xD030]  }
0x1d7: {  	v46 =	vld [tilespmem:s1+$0xF020]  }
0x1d8: {  	v38 =	vadd.f32 v38, v42;
	v42 =	vld [tilespmem:s1+$0xF030]  }
0x1d9: {  	v39 =	vadd.f32 v39, v43;
	v43 =	vld [tilespmem:s1+$0x10020]  }
0x1da: {  	v38 =	vadd.f32 v16, v38;
	v40 =	vadd.f32 v40, v44;
	v44 =	vld [tilespmem:s1+$0x10030]  }
0x1db: {  	v37 =	vadd.f32 v37, v39;
	v39 =	vadd.f32 v41, v45;
	v16 =	vld [tilespmem:s1+$0x11040]  }
0x1dc: {  	v38 =	vadd.f32 v17, v38;
	v40 =	vadd.f32 v46, v40;
	v17 =	vld [tilespmem:s1+$0x11050]  }
0x1dd: {  	v37 =	vadd.f32 v20, v37;
	v39 =	vadd.f32 v42, v39;
	v20 =	vld [tilespmem:s1+$0x10040]  }
0x1de: {  	v38 =	vadd.f32 v21, v38;
	v40 =	vadd.f32 v43, v40;
	v21 =	vld [tilespmem:s1+$0x10050]  }
0x1df: {  	v37 =	vadd.f32 v22, v37;
	v39 =	vadd.f32 v44, v39;
	v22 =	vld [tilespmem:s1+$0xF040]  }
0x1e0: {  	v38 =	vadd.f32 v23, v38;
	v35 =	vadd.f32 v35, v40;
	v23 =	vld [tilespmem:s1+$0xF050]  }
0x1e1: {  	v37 =	vadd.f32 v25, v37;
	v36 =	vadd.f32 v36, v39;
	v25 =	vld [tilespmem:s1+$0xE040]  }
0x1e2: {  	v38 =	vadd.f32 v26, v38;
	v33 =	vadd.f32 v33, v35;
	v26 =	vld [tilespmem:s1+$0xE050]  }
.Ltmp1:
0x1e3: {  	v35 =	vadd.f32 v27, v37;
	v34 =	vadd.f32 v34, v36;
	v27 =	vld [tilespmem:s1+$0xE060];
	(pc) =	sbr.rel @p0 .LBB2_5-.Ltmp1, $4  }
0x1e4: {  	v36 =	vadd.f32 v24, v38;
	v33 =	vadd.f32 v29, v33;
	v24 =	vld [tilespmem:s1+$0xE070]  }
0x1e5: {  	v35 =	vadd.f32 v28, v35;
	v34 =	vadd.f32 v31, v34;
	v28 =	vld [tilespmem:s1+$0xD040]  }
0x1e6: {  	v29 =	vadd.f32 v18, v36;
	v30 =	vadd.f32 v30, v33;
	v18 =	vld [tilespmem:s1+$0xD050]  }
0x1e7: {  	s15 =	sadd.s32 $0x200, s15;
	v31 =	vadd.f32 v19, v35;
	v32 =	vadd.f32 v32, v34;
	v19 =	vld [tilespmem:s1+$0xD060]  }
0x1e8: {  	v33 =	vld [tilespmem:s1+$0xD070];
	v11 =	vadd.f32 v11, v29;
	v15 =	vadd.f32 v15, v30  }
0x1e9: {  	v62 =	vld [tilespmem:s1+$0xF060];
	v10 =	vadd.f32 v10, v31;
	v14 =	vadd.f32 v14, v32  }
0x1ea: {  	v63 =	vld [tilespmem:s1+$0xF070];
	v8 =	vadd.f32 v8, v15;
	v31 =	vadd.f32 v25, v28  }
0x1eb: {  	v32 =	vld [tilespmem:s1+$0x10060];
	v7 =	vadd.f32 v7, v14;
	v34 =	vadd.f32 v26, v18  }
0x1ec: {  	v35 =	vld [tilespmem:s1+$0x10070];
	v15 =	vadd.f32 v22, v31;
	v19 =	vadd.f32 v27, v19  }
0x1ed: {  	v36 =	vld [tilespmem:s1+$0x11060];
	v14 =	vadd.f32 v23, v34;
	v37 =	vadd.f32 v24, v33  }
0x1ee: {  	v38 =	vld [tilespmem:s1+$0x11070];
	v15 =	vadd.f32 v20, v15;
	v19 =	vadd.f32 v62, v19  }
0x1ef: {  	v39 =	vld [tilespmem:s1+$0x12060];
	v14 =	vadd.f32 v21, v14;
	v40 =	vadd.f32 v63, v37  }
0x1f0: {  	v41 =	vld [tilespmem:s1+$0x12070];
	v15 =	vadd.f32 v16, v15;
	v42 =	vadd.f32 v32, v19  }
0x1f1: {  	v43 =	vld [tilespmem:s1+$0x13060];
	v14 =	vadd.f32 v17, v14;
	v44 =	vadd.f32 v35, v40  }
0x1f2: {  	v45 =	vld [tilespmem:s1+$0x13070];
	v13 =	vadd.f32 v13, v15;
	v46 =	vadd.f32 v36, v42  }
0x1f3: {  	v47 =	vld [tilespmem:s1+$0x14060];
	v12 =	vadd.f32 v12, v14;
	v48 =	vadd.f32 v38, v44  }
0x1f4: {  	v49 =	vld [tilespmem:s1+$0x14070];
	v9 =	vadd.f32 v9, v13;
	v50 =	vadd.f32 v39, v46  }
0x1f5: {  	v51 =	vld [tilespmem:s1+$0x15060];
	v6 =	vadd.f32 v6, v12;
	v52 =	vadd.f32 v41, v48  }
0x1f6: {  	v53 =	vld [tilespmem:s1+$0x15070];
	v5 =	vadd.f32 v5, v9;
	v54 =	vadd.f32 v43, v50  }
0x1f7: {  	v55 =	vld [tilespmem:s1+$0x16060];
	v4 =	vadd.f32 v4, v6;
	v56 =	vadd.f32 v45, v52  }
0x1f8: {  	v58 =	vld [tilespmem:s1+$0x16070];
	[tilespmem:s1+$0xD000] =	vst v11;
	v3 =	vadd.f32 v3, v5;
	v57 =	vadd.f32 v47, v54  }
0x1f9: {  	[tilespmem:s1+$0xD010] =	vst v10;
	v2 =	vadd.f32 v2, v4;
	v59 =	vadd.f32 v49, v56  }
0x1fa: {  	[tilespmem:s1+$0xD020] =	vst v8;
	v1 =	vadd.f32 v1, v3;
	v60 =	vadd.f32 v51, v57  }
0x1fb: {  	[tilespmem:s1+$0xD030] =	vst v7;
	v0 =	vadd.f32 v0, v2;
	v61 =	vadd.f32 v53, v59  }
0x1fc: {  	s31 =	sadd.s32 $0x1, s31;
	[tilespmem:s1+$0xD040] =	vst v1;
	v62 =	vadd.f32 v55, v60  }
0x1fd: {  	s0 =	sadd.s32 s5, s0;
	p0 =	sne.s32 s31, s11;
	[tilespmem:s1+$0xD050] =	vst v0;
	v63 =	vadd.f32 v58, v61  }
.Ltmp2:
0x1fe: {  	s0 =	sshll.u32 s0, $0x9;
	[tilespmem:s1+$0xD060] =	vst v62;
	(pc) =	sbr.rel @p0 .LBB2_2-.Ltmp2, $4  }
0x1ff: {  	s20 =	sadd.s32 s6, s0;
	[tilespmem:s1+$0xD070] =	vst v63  }
0x200: {  	[hbm4b:s20+s4] =	stream.linear.scatter [tilespmem:s26], [sflag:$0x6], $0x1000, $0x38;
	[tilespmem:$0x17000] =	vst v63  }
0x201: {  	s0 =	sadd.s32 s7, s0  }
0x202: {  	[hbm4b:s0+s4] =	stream.linear.scatter [tilespmem:s28], [sflag:$0x6], $0x1000, $0x38;
	[tilespmem:$0x17000] =	vst v63  }
0x203: {  	s30 =	sadd.s32 $0x1, s30  }
0x204: {  	_ =	swait.ge [sflag:s29], $0x1000;
	p0 =	sne.s32 s30, s13  }
.Ltmp3:
0x205: {  	[sflag:s29] =	ssyncset.done $0x0;
	(pc) =	sbr.rel @p0 .LBB2_1-.Ltmp3, $4  }
0x206: {  	[sflag:s29] =	ssyncadd.s32 $0xFFFFF000  }
0x207: {  	_ =	swait.ge [sflag:s29], $0x1000  }
0x208: {  	[sflag:s29] =	ssyncset.done $0x0  }
0x209: {  	[sflag:s29] =	ssyncadd.s32 $0xFFFFF000  }
0x20a: {  	_ =	sfence.sel $0x180000  }
0x20b: {  	[bflag:$0x0] =	sbarrier.arrive $0xFFFF  }
0x20c: {  	_ =	strace $0x90000047  }
0x20d: {  	s0 =	stileid.u32;
	[bflag:$0x2] =	sbarrier.arrive $0xFFFF  }
0x20e: {  	p0 =	sne.s32 s0, $0x0;
	s0 =	rddreg [dreg:$0x3]  }
0x20f: {  	s0 =	sadd.s32 @!p0 $0x100000, s0  }
0x210: {  	[sflag:s0] =	ssyncadd.tile.s32 @!p0 $0x1;
	_ =	shalt  }
.Lfunc_end2:
_tile_overlayer_lowered:
.L_overlay_start_2:
0x211: {  	(tag) =	ssettag $0x2  }
0x212: {  	s0 =	rddreg [dreg:$0x0];
	s2 =	stileid.u32  }
0x213: {  	s1 =	rddreg [dreg:$0x1];
	p0 =	sne.s32 s2, $0x0  }
0x214: {  	s3 =	rddreg [dreg:$0x2];
	[bflag:$0x3] =	sbarrier.arrive $0xFFFF;
	s2 =	simm.s32 @!p0 $0x1C07  }
0x215: {  	[timem:s3], [sflag:s2] =	dma.local @!p0 [hbm:s0], s1  }
0x216: {  	s0 =	simm.s32 @!p0 $0x7  }
0x217: {  	_ =	swait.ge @!p0 [sflag:s0], s1  }
0x218: {  	s1 =	ssub.s32 @!p0 $0x0, s1;
	[sflag:s0] =	ssyncset.done @!p0 $0x0  }
0x219: {  	[sflag:s0] =	ssyncadd.s32 @!p0 s1  }
0x21a: {  	[bflag:$0x3] =	sbarrier.arrive $0xFFFF  }
0x21b: {  	_ =	shalt  }

</sc_bundles>
